<compile_context>
chip_gen: v7x
topology: tpu7x:2x2x1
jax: 0.10.2.dev20260603
libtpu: 0.0.44.dev20260713+nightly
codegen_flags: <defaults>
</compile_context>

<pallas_src>
import functools

import jax
import jax.numpy as jnp
from jax import lax
from jax.experimental import pallas as pl
from jax.experimental.pallas import tpu as pltpu
from jax.experimental.pallas import tpu_sc as plsc

_F32 = jnp.float32
_BLK = 2000



def _full_spec(shape):
    nd = len(shape)
    return pl.BlockSpec(shape, lambda i, _nd=nd: (0,) * _nd)


def _row_spec(f, blk=_BLK):
    return pl.BlockSpec((blk, f), lambda i: (i, 0))


def _agg_spec(f, blk=_BLK):
    return pl.BlockSpec((2, blk, f), lambda i: (0, i, 0))


def _mm(v, w_ref, b_ref):
    return jnp.dot(v, w_ref[...], preferred_element_type=_F32) + b_ref[...]


def _pa_body(x, w11, b11, w12, b12, w13, b13, p):
    xb = x[...]
    a = jnp.maximum(_mm(xb, w11, b11), 0.0)
    m = _mm(xb, w12, b12) * _mm(xb, w13, b13)
    p[...] = a + jnp.maximum(m, 0.0)


def _pbc_body(p_in, agg, wc, bc, wg1, bg1, wg2, bg2, w1, b1, w2, b2, w3, b3,
              m_out):
    fi = p_in.shape[1]
    h = p_in[...] + jnp.maximum(_mm(agg[...], wc, bc), 0.0)
    u = jax.nn.sigmoid(_mm(h, wg1, bg1)) * _mm(h, wg2, bg2)
    p = (jnp.maximum(_mm(u, w1, b1), 0.0)
         + jnp.maximum(_mm(u, w2, b2) * _mm(u, w3, b3), 0.0))
    m_out[...] = jnp.concatenate([p, u], axis=-1)


def _pbc_merged_body(m_in, agg, wc, bc, wg1, bg1, wg2, bg2, w1, b1, w2, b2,
                     w3, b3, m_out):
    m = m_in[...]
    fi = m.shape[1] // 2
    h = m[:, :fi] + jnp.maximum(_mm(agg[...], wc, bc), 0.0)
    u = jax.nn.sigmoid(_mm(h, wg1, bg1)) * _mm(h, wg2, bg2)
    p = (jnp.maximum(_mm(u, w1, b1), 0.0)
         + jnp.maximum(_mm(u, w2, b2) * _mm(u, w3, b3), 0.0))
    m_out[...] = jnp.concatenate([p, u], axis=-1)


def _pd_body(m_in, agg, wc, bc, wf, bf, out):
    m = m_in[...]
    fo = m.shape[1] // 2
    a = agg[...]
    aggf = a[:, :fo] + a[:, fo:]
    h = m[:, :fo] + jnp.maximum(_mm(aggf, wc, bc), 0.0)
    out[...] = _mm(h, wf, bf)


def _pass_a(x, prm, n):
    names = ["fc11_W", "fc11_b", "fc12_W", "fc12_b", "fc13_W", "fc13_b"]
    args = [prm[k] for k in names]
    return pl.pallas_call(
        _pa_body,
        grid=(n // _BLK,),
        in_specs=[_row_spec(64)] + [_full_spec(a.shape) for a in args],
        out_specs=_row_spec(64),
        out_shape=jax.ShapeDtypeStruct((n, 64), _F32),
    )(x, *args)


def _pass_bc(p_in, agg, prm, n, stage):
    if stage == 2:
        fi, fo = 64, 32
        names = ["conv11_W", "conv11_b", "gate1_fc1_W", "gate1_fc1_b",
                 "gate1_fc2_W", "gate1_fc2_b", "fc21_W", "fc21_b",
                 "fc22_W", "fc22_b", "fc23_W", "fc23_b"]
    else:
        fi, fo = 32, 16
        names = ["conv21_W", "conv21_b", "gate2_fc1_W", "gate2_fc1_b",
                 "gate2_fc2_W", "gate2_fc2_b", "fc31_W", "fc31_b",
                 "fc32_W", "fc32_b", "fc33_W", "fc33_b"]
    args = [prm[k] for k in names]
    body = _pbc_body if p_in.shape[1] == fi else _pbc_merged_body
    return pl.pallas_call(
        body,
        grid=(n // _BLK,),
        in_specs=([_row_spec(p_in.shape[1]), _row_spec(fi)]
                  + [_full_spec(a.shape) for a in args]),
        out_specs=_row_spec(2 * fo),
        out_shape=jax.ShapeDtypeStruct((n, 2 * fo), _F32),
    )(p_in, agg, *args)


def _pass_d(p_in, agg, prm, n):
    names = ["conv31_W", "conv31_b", "fc2_W", "fc2_b"]
    args = [prm[k] for k in names]
    return pl.pallas_call(
        _pd_body,
        grid=(n // _BLK,),
        in_specs=([_row_spec(p_in.shape[1]), _row_spec(32)]
                  + [_full_spec(a.shape) for a in args]),
        out_specs=_row_spec(16),
        out_shape=jax.ShapeDtypeStruct((n, 16), _F32),
    )(p_in, agg, *args)



_CH = 128
_NSUP = 16
_ZR = 112


def _sc_segsum(gflat, src2, dst2, n_pad, dh, column_split, mul, off):
    e_chunks, ch = src2.shape
    assert ch == _CH
    nc, ns = 2, 16
    n_ch_w = e_chunks // ns if column_split else e_chunks // (ns * nc)
    nsup = _NSUP if n_ch_w % _NSUP == 0 else 8
    n_sup = n_ch_w // nsup
    nbuf = min(nsup, 4 if dh > 16 else 8)
    rows_w = n_pad // ns
    nz = rows_w // _ZR
    assert n_ch_w % 8 == 0 and n_sup * nsup == n_ch_w
    assert rows_w % 8 == 0 and nz * _ZR == rows_w
    mesh = plsc.VectorSubcoreMesh(core_axis_name="c", subcore_axis_name="s")

    scratch = [
        pltpu.VMEM((nsup, _CH), jnp.int32),
        pltpu.VMEM((nsup, _CH), jnp.int32),
        pltpu.VMEM((nsup, _CH), jnp.int32),
        pltpu.VMEM((nbuf, _CH, dh), _F32),
        pltpu.VMEM((_ZR, dh), _F32),
        pltpu.VMEM_SHARED((n_pad, dh), _F32),
        [pltpu.SemaphoreType.DMA] * nbuf,
        [pltpu.SemaphoreType.DMA] * nbuf,
    ]

    @functools.partial(pl.kernel,
                       out_type=jax.ShapeDtypeStruct((n_pad, nc * dh), _F32),
                       mesh=mesh, scratch_types=scratch,
                       compiler_params=pltpu.CompilerParams(
                           use_tc_tiling_on_sc=False))
    def k(g_hbm, src_hbm, dst_hbm, out_hbm, sraw, sadj, dstv, rowb, zb, acc,
          gsems, ssems):
        c = lax.axis_index("c")
        s = lax.axis_index("s")

        def _zb(i, carry):
            for t in range(dh // 16):
                zb[i, pl.ds(t * 16, 16)] = jnp.zeros((16,), _F32)
            return carry
        lax.fori_loop(0, _ZR, _zb, 0)

        r0 = s * rows_w

        def _za(i, carry):
            pltpu.sync_copy(zb, acc.at[pl.ds(r0 + i * _ZR, _ZR)])
            return carry
        lax.fori_loop(0, nz, _za, 0)
        plsc.subcore_barrier()

        base_ch = s * n_ch_w if column_split else (s * nc + c) * n_ch_w

        def _sup(k0, carry):
            row = base_ch + k0 * nsup
            pltpu.sync_copy(src_hbm.at[pl.ds(row, nsup)], sraw)
            pltpu.sync_copy(dst_hbm.at[pl.ds(row, nsup)], dstv)
            adj = off + (c if column_split else 0)
            def _adj(i, cc):
                for t in range(_CH // 16):
                    v = sraw[i, pl.ds(t * 16, 16)]
                    sadj[i, pl.ds(t * 16, 16)] = v * mul + adj
                return cc
            lax.fori_loop(0, nsup, _adj, 0)
            idxs = sadj

            gds = {b: pltpu.async_copy(g_hbm.at[idxs.at[b]], rowb.at[b],
                                       gsems[b]) for b in range(nbuf)}
            sds = {}
            for b in range(nsup):
                pb = b - 1
                if pb >= 0 and pb + nbuf < nsup:
                    sds[pb].wait()
                    pbb = pb % nbuf
                    gds[pb + nbuf] = pltpu.async_copy(
                        g_hbm.at[idxs.at[pb + nbuf]], rowb.at[pbb],
                        gsems[pbb])
                gds[b].wait()
                sds[b] = pltpu.async_copy(rowb.at[b % nbuf],
                                          acc.at[dstv.at[b]],
                                          ssems[b % nbuf], add=True)
            for b in range(max(0, nsup - nbuf), nsup):
                sds[b].wait()
            return carry
        lax.fori_loop(0, n_sup, _sup, 0)
        plsc.subcore_barrier()

        def _wb(i, carry):
            pltpu.sync_copy(acc.at[pl.ds(r0 + i * _ZR, _ZR)],
                            out_hbm.at[pl.ds(r0 + i * _ZR, _ZR),
                                       pl.ds(c * dh, dh)])
            return carry
        lax.fori_loop(0, nz, _wb, 0)

    return k(gflat, src2, dst2)



def _ceil_to(v, m):
    return ((v + m - 1) // m) * m


def kernel(x, edge_index, params):
    n = x.shape[0]
    e = edge_index.shape[1]
    src = edge_index[0]
    dst = edge_index[1]

    prm = dict(params)
    for k in list(prm):
        if k.endswith("_b"):
            prm[k] = prm[k].reshape(1, -1)

    ep = _ceil_to(e, 32 * _CH * 8)
    n_pad = _ceil_to(n + 1, 16 * _ZR)
    p = ep - e
    pad_ar = jnp.arange(p, dtype=jnp.int32)
    srcp = jnp.concatenate([src, pad_ar & 16383]).reshape(ep // _CH, _CH)
    dstp = jnp.concatenate([dst, n + (pad_ar & 127)]).reshape(ep // _CH, _CH)

    p1 = _pass_a(x, prm, n)
    agg1 = _sc_segsum(x.reshape(2 * n, 32), srcp, dstp, n_pad, 32, True,
                      2, 0)
    m2 = _pass_bc(p1, agg1, prm, n, 2)
    agg2 = _sc_segsum(m2.reshape(4 * n, 16), srcp, dstp, n_pad, 16, True,
                      4, 2)
    m3 = _pass_bc(m2, agg2, prm, n, 3)
    agg3 = _sc_segsum(m3.reshape(2 * n, 16), srcp, dstp, n_pad, 16, False,
                      2, 1)
    return _pass_d(m3, agg3, prm, n)

# --- scband reference (transcript-rebuilt; emitter-appended) ---
"""Pipeline reference for scband-gated-gnnml-55147380080745 (READ-ONLY COPY).

The authoritative reference and input builder live on the scoring server;
editing this copy changes nothing except your own understanding.
"""

import jax, jax.numpy as jnp
import numpy as np

N = 50000
E = 800000

_LAYERS = [
    ("fc11", 64, 64), ("fc12", 64, 64), ("fc13", 64, 64), ("conv11", 64, 64),
    ("gate1_fc1", 64, 32), ("gate1_fc2", 64, 32),
    ("fc21", 32, 32), ("fc22", 32, 32), ("fc23", 32, 32), ("conv21", 32, 32),
    ("gate2_fc1", 32, 16), ("gate2_fc2", 32, 16),
    ("fc31", 16, 16), ("fc32", 16, 16), ("fc33", 16, 16), ("conv31", 16, 16),
    ("fc2", 16, 16),
]

def setup_inputs(seed: int = 0) -> dict:
    key = jax.random.key(seed)
    ks = jax.random.split(key, 2 + len(_LAYERS))
    x = jax.random.normal(ks[0], (N, 64), dtype=jnp.float32)
    edge_index = jax.random.randint(ks[1], (2, E), 0, N, dtype=jnp.int32)
    params = {}
    for i, (nm, fi, fo) in enumerate(_LAYERS):
        kw, kb = jax.random.split(ks[2 + i])
        params[nm + "_W"] = (jax.random.normal(kw, (fi, fo), dtype=jnp.float32) * (1.0 / np.sqrt(fi))).astype(jnp.float32)
        params[nm + "_b"] = (jax.random.normal(kb, (fo,), dtype=jnp.float32) * 0.01).astype(jnp.float32)
    return {"x": x, "edge_index": edge_index, "params": params}

def _forward(x, params, edge_index):
    src = edge_index[0]
    dst = edge_index[1]
    n = x.shape[0]
    def lin(h, nm):
        return h @ params[nm + "_W"] + params[nm + "_b"]
    def spect(h, nm):
        # SpectConv with K=1, selfconn=False, edge_attr = ones:
        # scatter-add of source features to destination nodes, then linear
        agg = jax.ops.segment_sum(h[src], dst, num_segments=n)
        return agg @ params[nm + "_W"] + params[nm + "_b"]
    def glu(h, nm):
        return jax.nn.sigmoid(lin(h, nm + "_fc1")) * lin(h, nm + "_fc2")
    r = jax.nn.relu
    h = r(lin(x, "fc11")) + r(spect(x, "conv11")) + r(lin(x, "fc12") * lin(x, "fc13"))
    h = glu(h, "gate1")
    h = r(lin(h, "fc21")) + r(spect(h, "conv21")) + r(lin(h, "fc22") * lin(h, "fc23"))
    h = glu(h, "gate2")
    h = r(lin(h, "fc31")) + r(spect(h, "conv31")) + r(lin(h, "fc32") * lin(h, "fc33"))
    return lin(h, "fc2")

def reference(x, edge_index, params):
    return _forward(x, params, edge_index)

if __name__ == "__main__":
    import jax
    _d = setup_inputs()
    print(jax.jit(kernel)(*tuple(_d.values())))

</pallas_src>

<mosaic_0001>
#map = affine_map<(d0, d1) -> (0, 0)>
module attributes {stable_mosaic.version = 14 : i64} {
  func.func @k(%arg0: i32, %arg1: i32, %arg2: memref<100000x16xf32, #tpu.memory_space<hbm>>, %arg3: memref<6400x128xi32, #tpu.memory_space<hbm>>, %arg4: memref<6400x128xi32, #tpu.memory_space<hbm>>, %arg5: memref<50176x32xf32, #tpu.memory_space<hbm>>, %arg6: memref<8x128xi32, #tpu.memory_space<vmem>>, %arg7: memref<8x128xi32, #tpu.memory_space<vmem>>, %arg8: memref<8x128xi32, #tpu.memory_space<vmem>>, %arg9: memref<8x128x16xf32, #tpu.memory_space<vmem>>, %arg10: memref<112x16xf32, #tpu.memory_space<vmem>>, %arg11: memref<50176x16xf32, #tpu.memory_space<vmem_shared>>, %arg12: memref<!tpu.dma_semaphore, #tpu.memory_space<semaphore_mem>>, %arg13: memref<!tpu.dma_semaphore, #tpu.memory_space<semaphore_mem>>, %arg14: memref<!tpu.dma_semaphore, #tpu.memory_space<semaphore_mem>>, %arg15: memref<!tpu.dma_semaphore, #tpu.memory_space<semaphore_mem>>, %arg16: memref<!tpu.dma_semaphore, #tpu.memory_space<semaphore_mem>>, %arg17: memref<!tpu.dma_semaphore, #tpu.memory_space<semaphore_mem>>, %arg18: memref<!tpu.dma_semaphore, #tpu.memory_space<semaphore_mem>>, %arg19: memref<!tpu.dma_semaphore, #tpu.memory_space<semaphore_mem>>, %arg20: memref<!tpu.dma_semaphore, #tpu.memory_space<semaphore_mem>>, %arg21: memref<!tpu.dma_semaphore, #tpu.memory_space<semaphore_mem>>, %arg22: memref<!tpu.dma_semaphore, #tpu.memory_space<semaphore_mem>>, %arg23: memref<!tpu.dma_semaphore, #tpu.memory_space<semaphore_mem>>, %arg24: memref<!tpu.dma_semaphore, #tpu.memory_space<semaphore_mem>>, %arg25: memref<!tpu.dma_semaphore, #tpu.memory_space<semaphore_mem>>, %arg26: memref<!tpu.dma_semaphore, #tpu.memory_space<semaphore_mem>>, %arg27: memref<!tpu.dma_semaphore, #tpu.memory_space<semaphore_mem>>) attributes {dimension_semantics = [#tpu.dimension_semantics<core_parallel>, #tpu.dimension_semantics<subcore_parallel>], iteration_bounds = array<i64: 2, 16>, scalar_prefetch = 0 : i64, scratch_operands = 22 : i64, tpu.core_type = #tpu.core_type<sc_vector_subcore>, window_params = [{transform_indices = #map}, {transform_indices = #map}, {transform_indices = #map}, {transform_indices = #map}]} {
    %scan3A = arith.constant 0 : i32
    %scan3A_0 = arith.constant 0 : i32
    %scan3A_1 = arith.constant 112 : i32
    %scan3A_2 = arith.addi %scan3A_0, %scan3A_1 : i32
    %scan3A_3 = arith.constant 1 : i32
    scf.for %scan3A_29 = %scan3A_0 to %scan3A_2 step %scan3A_3  : i32 {
      %broadcast_in_dim3A = arith.constant 0.000000e+00 : f32
      %broadcast_in_dim3A_30 = vector.broadcast %broadcast_in_dim3A : f32 to vector<16xf32>
      %swap3A = arith.index_cast %scan3A_29 : i32 to index
      %swap3A_31 = arith.constant 0 : index
      %swap3A_32 = tpu.vector_load %arg10[%swap3A, %swap3A_31] {strides = array<i32>} : memref<112x16xf32, #tpu.memory_space<vmem>>, vector<1x16xf32>,
      %swap3A_33 = vector.shape_cast %swap3A_32 : vector<1x16xf32> to vector<16xf32>
      %swap3A_34 = vector.shape_cast %broadcast_in_dim3A_30 : vector<16xf32> to vector<1x16xf32>
      tpu.vector_store %arg10[%swap3A, %swap3A_31], %swap3A_34 {strides = array<i32>} : memref<112x16xf32, #tpu.memory_space<vmem>>, vector<1x16xf32>,
    }
    %scan3A_4 = arith.constant 112 : i32
    %mul3A = arith.constant 3136 : i32
    %mul3A_5 = arith.muli %arg1, %mul3A : i32
    %scan3A_6 = arith.constant 0 : i32
    %scan3A_7 = arith.constant 0 : i32
    %scan3A_8 = arith.constant 28 : i32
    %scan3A_9 = arith.addi %scan3A_7, %scan3A_8 : i32
    %scan3A_10 = arith.constant 1 : i32
    scf.for %scan3A_29 = %scan3A_7 to %scan3A_9 step %scan3A_10  : i32 {
      %mul3A_30 = arith.constant 112 : i32
      %mul3A_31 = arith.muli %scan3A_29, %mul3A_30 : i32
      %add3A_32 = arith.addi %mul3A_5, %mul3A_31 : i32
      "tpu.region"() ({
        %run_scoped3A = tpu.sem_alloc : memref<!tpu.dma_semaphore, #tpu.memory_space<semaphore_mem>>
        %dma_start3A = arith.constant 0 : i32
        %dma_start3A_33 = tpu.memref_slice %arg11[%add3A_32, %dma_start3A] : memref<50176x16xf32, #tpu.memory_space<vmem_shared>> -> memref<112x16xf32, #tpu.memory_space<vmem_shared>>
        %dma_start3A_34 = arith.constant 0 : i32
        %dma_start3A_35 = tpu.memref_slice %arg11[%add3A_32, %dma_start3A_34] : memref<50176x16xf32, #tpu.memory_space<vmem_shared>> -> memref<112x16xf32, #tpu.memory_space<vmem_shared>>
        tpu.enqueue_dma source(%arg10 : memref<112x16xf32, #tpu.memory_space<vmem>>) target(%dma_start3A_35 : memref<112x16xf32, #tpu.memory_space<vmem_shared>>) target_semaphore(%run_scoped3A : memref<!tpu.dma_semaphore, #tpu.memory_space<semaphore_mem>>)
        %dma_wait3A = arith.constant 0 : i32
        %dma_wait3A_36 = tpu.memref_slice %arg11[%add3A_32, %dma_wait3A] : memref<50176x16xf32, #tpu.memory_space<vmem_shared>> -> memref<112x16xf32, #tpu.memory_space<vmem_shared>>
        %dma_wait3A_37 = arith.constant 0 : i32
        %dma_wait3A_38 = tpu.memref_slice %arg11[%add3A_32, %dma_wait3A_37] : memref<50176x16xf32, #tpu.memory_space<vmem_shared>> -> memref<112x16xf32, #tpu.memory_space<vmem_shared>>
        tpu.wait_dma2 semaphore(%run_scoped3A : memref<!tpu.dma_semaphore, #tpu.memory_space<semaphore_mem>>) src(%arg10 : memref<112x16xf32, #tpu.memory_space<vmem>>) dst(%dma_wait3A_38 : memref<112x16xf32, #tpu.memory_space<vmem_shared>>)
        tpu.yield
      }) : () -> ()
    }
    %scan3A_11 = arith.constant 28 : i32
    %barrier3A = arith.constant 0 : index
    tpu.barrier barrier_id(%barrier3A)
    %mul3A_12 = arith.constant 2 : i32
    %mul3A_13 = arith.muli %arg1, %mul3A_12 : i32
    %add3A = arith.addi %mul3A_13, %arg0 : i32
    %mul3A_14 = arith.constant 200 : i32
    %mul3A_15 = arith.muli %add3A, %mul3A_14 : i32
    %scan3A_16 = arith.constant 0 : i32
    %scan3A_17 = arith.constant 0 : i32
    %scan3A_18 = arith.constant 25 : i32
    %scan3A_19 = arith.addi %scan3A_17, %scan3A_18 : i32
    %scan3A_20 = arith.constant 1 : i32
    scf.for %scan3A_29 = %scan3A_17 to %scan3A_19 step %scan3A_20  : i32 {
      %mul3A_30 = arith.constant 8 : i32
      %mul3A_31 = arith.muli %scan3A_29, %mul3A_30 : i32
      %add3A_32 = arith.addi %mul3A_15, %mul3A_31 : i32
      "tpu.region"() ({
        %run_scoped3A = tpu.sem_alloc : memref<!tpu.dma_semaphore, #tpu.memory_space<semaphore_mem>>
        %dma_start3A_421 = arith.constant 0 : i32
        %dma_start3A_422 = tpu.memref_slice %arg3[%add3A_32, %dma_start3A_421] : memref<6400x128xi32, #tpu.memory_space<hbm>> -> memref<8x128xi32, #tpu.memory_space<hbm>>
        %dma_start3A_423 = arith.constant 0 : i32
        %dma_start3A_424 = tpu.memref_slice %arg3[%add3A_32, %dma_start3A_423] : memref<6400x128xi32, #tpu.memory_space<hbm>> -> memref<8x128xi32, #tpu.memory_space<hbm>>
        tpu.enqueue_dma source(%dma_start3A_424 : memref<8x128xi32, #tpu.memory_space<hbm>>) target(%arg6 : memref<8x128xi32, #tpu.memory_space<vmem>>) target_semaphore(%run_scoped3A : memref<!tpu.dma_semaphore, #tpu.memory_space<semaphore_mem>>)
        %dma_wait3A_425 = arith.constant 0 : i32
        %dma_wait3A_426 = tpu.memref_slice %arg3[%add3A_32, %dma_wait3A_425] : memref<6400x128xi32, #tpu.memory_space<hbm>> -> memref<8x128xi32, #tpu.memory_space<hbm>>
        %dma_wait3A_427 = arith.constant 0 : i32
        %dma_wait3A_428 = tpu.memref_slice %arg3[%add3A_32, %dma_wait3A_427] : memref<6400x128xi32, #tpu.memory_space<hbm>> -> memref<8x128xi32, #tpu.memory_space<hbm>>
        tpu.wait_dma2 semaphore(%run_scoped3A : memref<!tpu.dma_semaphore, #tpu.memory_space<semaphore_mem>>) src(%dma_wait3A_428 : memref<8x128xi32, #tpu.memory_space<hbm>>) dst(%arg6 : memref<8x128xi32, #tpu.memory_space<vmem>>)
        tpu.yield
      }) : () -> ()
      "tpu.region"() ({
        %run_scoped3A = tpu.sem_alloc : memref<!tpu.dma_semaphore, #tpu.memory_space<semaphore_mem>>
        %dma_start3A_421 = arith.constant 0 : i32
        %dma_start3A_422 = tpu.memref_slice %arg4[%add3A_32, %dma_start3A_421] : memref<6400x128xi32, #tpu.memory_space<hbm>> -> memref<8x128xi32, #tpu.memory_space<hbm>>
        %dma_start3A_423 = arith.constant 0 : i32
        %dma_start3A_424 = tpu.memref_slice %arg4[%add3A_32, %dma_start3A_423] : memref<6400x128xi32, #tpu.memory_space<hbm>> -> memref<8x128xi32, #tpu.memory_space<hbm>>
        tpu.enqueue_dma source(%dma_start3A_424 : memref<8x128xi32, #tpu.memory_space<hbm>>) target(%arg8 : memref<8x128xi32, #tpu.memory_space<vmem>>) target_semaphore(%run_scoped3A : memref<!tpu.dma_semaphore, #tpu.memory_space<semaphore_mem>>)
        %dma_wait3A_425 = arith.constant 0 : i32
        %dma_wait3A_426 = tpu.memref_slice %arg4[%add3A_32, %dma_wait3A_425] : memref<6400x128xi32, #tpu.memory_space<hbm>> -> memref<8x128xi32, #tpu.memory_space<hbm>>
        %dma_wait3A_427 = arith.constant 0 : i32
        %dma_wait3A_428 = tpu.memref_slice %arg4[%add3A_32, %dma_wait3A_427] : memref<6400x128xi32, #tpu.memory_space<hbm>> -> memref<8x128xi32, #tpu.memory_space<hbm>>
        tpu.wait_dma2 semaphore(%run_scoped3A : memref<!tpu.dma_semaphore, #tpu.memory_space<semaphore_mem>>) src(%dma_wait3A_428 : memref<8x128xi32, #tpu.memory_space<hbm>>) dst(%arg8 : memref<8x128xi32, #tpu.memory_space<vmem>>)
        tpu.yield
      }) : () -> ()
      %scan3A_33 = arith.constant 0 : i32
      %scan3A_34 = arith.constant 0 : i32
      %scan3A_35 = arith.constant 8 : i32
      %scan3A_36 = arith.addi %scan3A_34, %scan3A_35 : i32
      %scan3A_37 = arith.constant 1 : i32
      scf.for %scan3A_421 = %scan3A_34 to %scan3A_36 step %scan3A_37  : i32 {
        %get3A = arith.index_cast %scan3A_421 : i32 to index
        %get3A_422 = arith.constant 0 : index
        %get3A_423 = tpu.vector_load %arg6[%get3A, %get3A_422] {strides = array<i32>} : memref<8x128xi32, #tpu.memory_space<vmem>>, vector<1x16xi32>,
        %get3A_424 = vector.shape_cast %get3A_423 : vector<1x16xi32> to vector<16xi32>
        %mul3A_425 = arith.constant 2 : i32
        %mul3A_426 = vector.broadcast %mul3A_425 : i32 to vector<16xi32>
        %mul3A_427 = arith.muli %get3A_424, %mul3A_426 : vector<16xi32>
        %add3A_428 = arith.constant 1 : i32
        %add3A_429 = vector.broadcast %add3A_428 : i32 to vector<16xi32>
        %add3A_430 = arith.addi %mul3A_427, %add3A_429 : vector<16xi32>
        %swap3A = arith.index_cast %scan3A_421 : i32 to index
        %swap3A_431 = arith.constant 0 : index
        %swap3A_432 = tpu.vector_load %arg7[%swap3A, %swap3A_431] {strides = array<i32>} : memref<8x128xi32, #tpu.memory_space<vmem>>, vector<1x16xi32>,
        %swap3A_433 = vector.shape_cast %swap3A_432 : vector<1x16xi32> to vector<16xi32>
        %swap3A_434 = vector.shape_cast %add3A_430 : vector<16xi32> to vector<1x16xi32>
        tpu.vector_store %arg7[%swap3A, %swap3A_431], %swap3A_434 {strides = array<i32>} : memref<8x128xi32, #tpu.memory_space<vmem>>, vector<1x16xi32>,
        %get3A_435 = arith.index_cast %scan3A_421 : i32 to index
        %get3A_436 = arith.constant 16 : index
        %get3A_437 = tpu.vector_load %arg6[%get3A_435, %get3A_436] {strides = array<i32>} : memref<8x128xi32, #tpu.memory_space<vmem>>, vector<1x16xi32>,
        %get3A_438 = vector.shape_cast %get3A_437 : vector<1x16xi32> to vector<16xi32>
        %mul3A_439 = arith.constant 2 : i32
        %mul3A_440 = vector.broadcast %mul3A_439 : i32 to vector<16xi32>
        %mul3A_441 = arith.muli %get3A_438, %mul3A_440 : vector<16xi32>
        %add3A_442 = arith.constant 1 : i32
        %add3A_443 = vector.broadcast %add3A_442 : i32 to vector<16xi32>
        %add3A_444 = arith.addi %mul3A_441, %add3A_443 : vector<16xi32>
        %swap3A_445 = arith.index_cast %scan3A_421 : i32 to index
        %swap3A_446 = arith.constant 16 : index
        %swap3A_447 = tpu.vector_load %arg7[%swap3A_445, %swap3A_446] {strides = array<i32>} : memref<8x128xi32, #tpu.memory_space<vmem>>, vector<1x16xi32>,
        %swap3A_448 = vector.shape_cast %swap3A_447 : vector<1x16xi32> to vector<16xi32>
        %swap3A_449 = vector.shape_cast %add3A_444 : vector<16xi32> to vector<1x16xi32>
        tpu.vector_store %arg7[%swap3A_445, %swap3A_446], %swap3A_449 {strides = array<i32>} : memref<8x128xi32, #tpu.memory_space<vmem>>, vector<1x16xi32>,
        %get3A_450 = arith.index_cast %scan3A_421 : i32 to index
        %get3A_451 = arith.constant 32 : index
        %get3A_452 = tpu.vector_load %arg6[%get3A_450, %get3A_451] {strides = array<i32>} : memref<8x128xi32, #tpu.memory_space<vmem>>, vector<1x16xi32>,
        %get3A_453 = vector.shape_cast %get3A_452 : vector<1x16xi32> to vector<16xi32>
        %mul3A_454 = arith.constant 2 : i32
        %mul3A_455 = vector.broadcast %mul3A_454 : i32 to vector<16xi32>
        %mul3A_456 = arith.muli %get3A_453, %mul3A_455 : vector<16xi32>
        %add3A_457 = arith.constant 1 : i32
        %add3A_458 = vector.broadcast %add3A_457 : i32 to vector<16xi32>
        %add3A_459 = arith.addi %mul3A_456, %add3A_458 : vector<16xi32>
        %swap3A_460 = arith.index_cast %scan3A_421 : i32 to index
        %swap3A_461 = arith.constant 32 : index
        %swap3A_462 = tpu.vector_load %arg7[%swap3A_460, %swap3A_461] {strides = array<i32>} : memref<8x128xi32, #tpu.memory_space<vmem>>, vector<1x16xi32>,
        %swap3A_463 = vector.shape_cast %swap3A_462 : vector<1x16xi32> to vector<16xi32>
        %swap3A_464 = vector.shape_cast %add3A_459 : vector<16xi32> to vector<1x16xi32>
        tpu.vector_store %arg7[%swap3A_460, %swap3A_461], %swap3A_464 {strides = array<i32>} : memref<8x128xi32, #tpu.memory_space<vmem>>, vector<1x16xi32>,
        %get3A_465 = arith.index_cast %scan3A_421 : i32 to index
        %get3A_466 = arith.constant 48 : index
        %get3A_467 = tpu.vector_load %arg6[%get3A_465, %get3A_466] {strides = array<i32>} : memref<8x128xi32, #tpu.memory_space<vmem>>, vector<1x16xi32>,
        %get3A_468 = vector.shape_cast %get3A_467 : vector<1x16xi32> to vector<16xi32>
        %mul3A_469 = arith.constant 2 : i32
        %mul3A_470 = vector.broadcast %mul3A_469 : i32 to vector<16xi32>
        %mul3A_471 = arith.muli %get3A_468, %mul3A_470 : vector<16xi32>
        %add3A_472 = arith.constant 1 : i32
        %add3A_473 = vector.broadcast %add3A_472 : i32 to vector<16xi32>
        %add3A_474 = arith.addi %mul3A_471, %add3A_473 : vector<16xi32>
        %swap3A_475 = arith.index_cast %scan3A_421 : i32 to index
        %swap3A_476 = arith.constant 48 : index
        %swap3A_477 = tpu.vector_load %arg7[%swap3A_475, %swap3A_476] {strides = array<i32>} : memref<8x128xi32, #tpu.memory_space<vmem>>, vector<1x16xi32>,
        %swap3A_478 = vector.shape_cast %swap3A_477 : vector<1x16xi32> to vector<16xi32>
        %swap3A_479 = vector.shape_cast %add3A_474 : vector<16xi32> to vector<1x16xi32>
        tpu.vector_store %arg7[%swap3A_475, %swap3A_476], %swap3A_479 {strides = array<i32>} : memref<8x128xi32, #tpu.memory_space<vmem>>, vector<1x16xi32>,
        %get3A_480 = arith.index_cast %scan3A_421 : i32 to index
        %get3A_481 = arith.constant 64 : index
        %get3A_482 = tpu.vector_load %arg6[%get3A_480, %get3A_481] {strides = array<i32>} : memref<8x128xi32, #tpu.memory_space<vmem>>, vector<1x16xi32>,
        %get3A_483 = vector.shape_cast %get3A_482 : vector<1x16xi32> to vector<16xi32>
        %mul3A_484 = arith.constant 2 : i32
        %mul3A_485 = vector.broadcast %mul3A_484 : i32 to vector<16xi32>
        %mul3A_486 = arith.muli %get3A_483, %mul3A_485 : vector<16xi32>
        %add3A_487 = arith.constant 1 : i32
        %add3A_488 = vector.broadcast %add3A_487 : i32 to vector<16xi32>
        %add3A_489 = arith.addi %mul3A_486, %add3A_488 : vector<16xi32>
        %swap3A_490 = arith.index_cast %scan3A_421 : i32 to index
        %swap3A_491 = arith.constant 64 : index
        %swap3A_492 = tpu.vector_load %arg7[%swap3A_490, %swap3A_491] {strides = array<i32>} : memref<8x128xi32, #tpu.memory_space<vmem>>, vector<1x16xi32>,
        %swap3A_493 = vector.shape_cast %swap3A_492 : vector<1x16xi32> to vector<16xi32>
        %swap3A_494 = vector.shape_cast %add3A_489 : vector<16xi32> to vector<1x16xi32>
        tpu.vector_store %arg7[%swap3A_490, %swap3A_491], %swap3A_494 {strides = array<i32>} : memref<8x128xi32, #tpu.memory_space<vmem>>, vector<1x16xi32>,
        %get3A_495 = arith.index_cast %scan3A_421 : i32 to index
        %get3A_496 = arith.constant 80 : index
        %get3A_497 = tpu.vector_load %arg6[%get3A_495, %get3A_496] {strides = array<i32>} : memref<8x128xi32, #tpu.memory_space<vmem>>, vector<1x16xi32>,
        %get3A_498 = vector.shape_cast %get3A_497 : vector<1x16xi32> to vector<16xi32>
        %mul3A_499 = arith.constant 2 : i32
        %mul3A_500 = vector.broadcast %mul3A_499 : i32 to vector<16xi32>
        %mul3A_501 = arith.muli %get3A_498, %mul3A_500 : vector<16xi32>
        %add3A_502 = arith.constant 1 : i32
        %add3A_503 = vector.broadcast %add3A_502 : i32 to vector<16xi32>
        %add3A_504 = arith.addi %mul3A_501, %add3A_503 : vector<16xi32>
        %swap3A_505 = arith.index_cast %scan3A_421 : i32 to index
        %swap3A_506 = arith.constant 80 : index
        %swap3A_507 = tpu.vector_load %arg7[%swap3A_505, %swap3A_506] {strides = array<i32>} : memref<8x128xi32, #tpu.memory_space<vmem>>, vector<1x16xi32>,
        %swap3A_508 = vector.shape_cast %swap3A_507 : vector<1x16xi32> to vector<16xi32>
        %swap3A_509 = vector.shape_cast %add3A_504 : vector<16xi32> to vector<1x16xi32>
        tpu.vector_store %arg7[%swap3A_505, %swap3A_506], %swap3A_509 {strides = array<i32>} : memref<8x128xi32, #tpu.memory_space<vmem>>, vector<1x16xi32>,
        %get3A_510 = arith.index_cast %scan3A_421 : i32 to index
        %get3A_511 = arith.constant 96 : index
        %get3A_512 = tpu.vector_load %arg6[%get3A_510, %get3A_511] {strides = array<i32>} : memref<8x128xi32, #tpu.memory_space<vmem>>, vector<1x16xi32>,
        %get3A_513 = vector.shape_cast %get3A_512 : vector<1x16xi32> to vector<16xi32>
        %mul3A_514 = arith.constant 2 : i32
        %mul3A_515 = vector.broadcast %mul3A_514 : i32 to vector<16xi32>
        %mul3A_516 = arith.muli %get3A_513, %mul3A_515 : vector<16xi32>
        %add3A_517 = arith.constant 1 : i32
        %add3A_518 = vector.broadcast %add3A_517 : i32 to vector<16xi32>
        %add3A_519 = arith.addi %mul3A_516, %add3A_518 : vector<16xi32>
        %swap3A_520 = arith.index_cast %scan3A_421 : i32 to index
        %swap3A_521 = arith.constant 96 : index
        %swap3A_522 = tpu.vector_load %arg7[%swap3A_520, %swap3A_521] {strides = array<i32>} : memref<8x128xi32, #tpu.memory_space<vmem>>, vector<1x16xi32>,
        %swap3A_523 = vector.shape_cast %swap3A_522 : vector<1x16xi32> to vector<16xi32>
        %swap3A_524 = vector.shape_cast %add3A_519 : vector<16xi32> to vector<1x16xi32>
        tpu.vector_store %arg7[%swap3A_520, %swap3A_521], %swap3A_524 {strides = array<i32>} : memref<8x128xi32, #tpu.memory_space<vmem>>, vector<1x16xi32>,
        %get3A_525 = arith.index_cast %scan3A_421 : i32 to index
        %get3A_526 = arith.constant 112 : index
        %get3A_527 = tpu.vector_load %arg6[%get3A_525, %get3A_526] {strides = array<i32>} : memref<8x128xi32, #tpu.memory_space<vmem>>, vector<1x16xi32>,
        %get3A_528 = vector.shape_cast %get3A_527 : vector<1x16xi32> to vector<16xi32>
        %mul3A_529 = arith.constant 2 : i32
        %mul3A_530 = vector.broadcast %mul3A_529 : i32 to vector<16xi32>
        %mul3A_531 = arith.muli %get3A_528, %mul3A_530 : vector<16xi32>
        %add3A_532 = arith.constant 1 : i32
        %add3A_533 = vector.broadcast %add3A_532 : i32 to vector<16xi32>
        %add3A_534 = arith.addi %mul3A_531, %add3A_533 : vector<16xi32>
        %swap3A_535 = arith.index_cast %scan3A_421 : i32 to index
        %swap3A_536 = arith.constant 112 : index
        %swap3A_537 = tpu.vector_load %arg7[%swap3A_535, %swap3A_536] {strides = array<i32>} : memref<8x128xi32, #tpu.memory_space<vmem>>, vector<1x16xi32>,
        %swap3A_538 = vector.shape_cast %swap3A_537 : vector<1x16xi32> to vector<16xi32>
        %swap3A_539 = vector.shape_cast %add3A_534 : vector<16xi32> to vector<1x16xi32>
        tpu.vector_store %arg7[%swap3A_535, %swap3A_536], %swap3A_539 {strides = array<i32>} : memref<8x128xi32, #tpu.memory_space<vmem>>, vector<1x16xi32>,
      }
      %scan3A_38 = arith.constant 8 : i32
      %dma_start3A = arith.constant 0 : i32
      %dma_start3A_39 = arith.constant 0 : i32
      %dma_start3A_40 = arith.constant 0 : i32
      %dma_start3A_41 = arith.constant 0 : i32
      %dma_start3A_42 = tpu.memref_slice %arg9[%dma_start3A_39, %dma_start3A_40, %dma_start3A_41] : memref<8x128x16xf32, #tpu.memory_space<vmem>> -> memref<1x128x16xf32, #tpu.memory_space<vmem>>
      %dma_start3A_43 = tpu.memref_squeeze %dma_start3A_42 : memref<1x128x16xf32, #tpu.memory_space<vmem>> -> memref<128x16xf32, #tpu.memory_space<vmem>>
      %dma_start3A_44 = arith.constant 0 : i32
      %dma_start3A_45 = tpu.memref_slice %arg7[%dma_start3A, %dma_start3A_44] : memref<8x128xi32, #tpu.memory_space<vmem>> -> memref<1x128xi32, #tpu.memory_space<vmem>>
      %dma_start3A_46 = tpu.memref_squeeze %dma_start3A_45 : memref<1x128xi32, #tpu.memory_space<vmem>> -> memref<128xi32, #tpu.memory_space<vmem>>
      %dma_start3A_47 = arith.constant 0 : i32
      %dma_start3A_48 = arith.constant 0 : i32
      %dma_start3A_49 = tpu.memref_slice %arg2[%dma_start3A_47, %dma_start3A_48] : memref<100000x16xf32, #tpu.memory_space<hbm>> -> memref<100000x16xf32, #tpu.memory_space<hbm>>
      tpu.enqueue_indirect_dma source(%dma_start3A_49 : memref<100000x16xf32, #tpu.memory_space<hbm>>) target(%dma_start3A_43 : memref<128x16xf32, #tpu.memory_space<vmem>>) offsets(%dma_start3A_46 : memref<128xi32, #tpu.memory_space<vmem>>) semaphore(%arg12 : memref<!tpu.dma_semaphore, #tpu.memory_space<semaphore_mem>>)
      %dma_start3A_50 = arith.constant 1 : i32
      %dma_start3A_51 = arith.constant 1 : i32
      %dma_start3A_52 = arith.constant 0 : i32
      %dma_start3A_53 = arith.constant 0 : i32
      %dma_start3A_54 = tpu.memref_slice %arg9[%dma_start3A_51, %dma_start3A_52, %dma_start3A_53] : memref<8x128x16xf32, #tpu.memory_space<vmem>> -> memref<1x128x16xf32, #tpu.memory_space<vmem>>
      %dma_start3A_55 = tpu.memref_squeeze %dma_start3A_54 : memref<1x128x16xf32, #tpu.memory_space<vmem>> -> memref<128x16xf32, #tpu.memory_space<vmem>>
      %dma_start3A_56 = arith.constant 0 : i32
      %dma_start3A_57 = tpu.memref_slice %arg7[%dma_start3A_50, %dma_start3A_56] : memref<8x128xi32, #tpu.memory_space<vmem>> -> memref<1x128xi32, #tpu.memory_space<vmem>>
      %dma_start3A_58 = tpu.memref_squeeze %dma_start3A_57 : memref<1x128xi32, #tpu.memory_space<vmem>> -> memref<128xi32, #tpu.memory_space<vmem>>
      %dma_start3A_59 = arith.constant 0 : i32
      %dma_start3A_60 = arith.constant 0 : i32
      %dma_start3A_61 = tpu.memref_slice %arg2[%dma_start3A_59, %dma_start3A_60] : memref<100000x16xf32, #tpu.memory_space<hbm>> -> memref<100000x16xf32, #tpu.memory_space<hbm>>
      tpu.enqueue_indirect_dma source(%dma_start3A_61 : memref<100000x16xf32, #tpu.memory_space<hbm>>) target(%dma_start3A_55 : memref<128x16xf32, #tpu.memory_space<vmem>>) offsets(%dma_start3A_58 : memref<128xi32, #tpu.memory_space<vmem>>) semaphore(%arg13 : memref<!tpu.dma_semaphore, #tpu.memory_space<semaphore_mem>>)
      %dma_start3A_62 = arith.constant 2 : i32
      %dma_start3A_63 = arith.constant 2 : i32
      %dma_start3A_64 = arith.constant 0 : i32
      %dma_start3A_65 = arith.constant 0 : i32
      %dma_start3A_66 = tpu.memref_slice %arg9[%dma_start3A_63, %dma_start3A_64, %dma_start3A_65] : memref<8x128x16xf32, #tpu.memory_space<vmem>> -> memref<1x128x16xf32, #tpu.memory_space<vmem>>
      %dma_start3A_67 = tpu.memref_squeeze %dma_start3A_66 : memref<1x128x16xf32, #tpu.memory_space<vmem>> -> memref<128x16xf32, #tpu.memory_space<vmem>>
      %dma_start3A_68 = arith.constant 0 : i32
      %dma_start3A_69 = tpu.memref_slice %arg7[%dma_start3A_62, %dma_start3A_68] : memref<8x128xi32, #tpu.memory_space<vmem>> -> memref<1x128xi32, #tpu.memory_space<vmem>>
      %dma_start3A_70 = tpu.memref_squeeze %dma_start3A_69 : memref<1x128xi32, #tpu.memory_space<vmem>> -> memref<128xi32, #tpu.memory_space<vmem>>
      %dma_start3A_71 = arith.constant 0 : i32
      %dma_start3A_72 = arith.constant 0 : i32
      %dma_start3A_73 = tpu.memref_slice %arg2[%dma_start3A_71, %dma_start3A_72] : memref<100000x16xf32, #tpu.memory_space<hbm>> -> memref<100000x16xf32, #tpu.memory_space<hbm>>
      tpu.enqueue_indirect_dma source(%dma_start3A_73 : memref<100000x16xf32, #tpu.memory_space<hbm>>) target(%dma_start3A_67 : memref<128x16xf32, #tpu.memory_space<vmem>>) offsets(%dma_start3A_70 : memref<128xi32, #tpu.memory_space<vmem>>) semaphore(%arg14 : memref<!tpu.dma_semaphore, #tpu.memory_space<semaphore_mem>>)
      %dma_start3A_74 = arith.constant 3 : i32
      %dma_start3A_75 = arith.constant 3 : i32
      %dma_start3A_76 = arith.constant 0 : i32
      %dma_start3A_77 = arith.constant 0 : i32
      %dma_start3A_78 = tpu.memref_slice %arg9[%dma_start3A_75, %dma_start3A_76, %dma_start3A_77] : memref<8x128x16xf32, #tpu.memory_space<vmem>> -> memref<1x128x16xf32, #tpu.memory_space<vmem>>
      %dma_start3A_79 = tpu.memref_squeeze %dma_start3A_78 : memref<1x128x16xf32, #tpu.memory_space<vmem>> -> memref<128x16xf32, #tpu.memory_space<vmem>>
      %dma_start3A_80 = arith.constant 0 : i32
      %dma_start3A_81 = tpu.memref_slice %arg7[%dma_start3A_74, %dma_start3A_80] : memref<8x128xi32, #tpu.memory_space<vmem>> -> memref<1x128xi32, #tpu.memory_space<vmem>>
      %dma_start3A_82 = tpu.memref_squeeze %dma_start3A_81 : memref<1x128xi32, #tpu.memory_space<vmem>> -> memref<128xi32, #tpu.memory_space<vmem>>
      %dma_start3A_83 = arith.constant 0 : i32
      %dma_start3A_84 = arith.constant 0 : i32
      %dma_start3A_85 = tpu.memref_slice %arg2[%dma_start3A_83, %dma_start3A_84] : memref<100000x16xf32, #tpu.memory_space<hbm>> -> memref<100000x16xf32, #tpu.memory_space<hbm>>
      tpu.enqueue_indirect_dma source(%dma_start3A_85 : memref<100000x16xf32, #tpu.memory_space<hbm>>) target(%dma_start3A_79 : memref<128x16xf32, #tpu.memory_space<vmem>>) offsets(%dma_start3A_82 : memref<128xi32, #tpu.memory_space<vmem>>) semaphore(%arg15 : memref<!tpu.dma_semaphore, #tpu.memory_space<semaphore_mem>>)
      %dma_start3A_86 = arith.constant 4 : i32
      %dma_start3A_87 = arith.constant 4 : i32
      %dma_start3A_88 = arith.constant 0 : i32
      %dma_start3A_89 = arith.constant 0 : i32
      %dma_start3A_90 = tpu.memref_slice %arg9[%dma_start3A_87, %dma_start3A_88, %dma_start3A_89] : memref<8x128x16xf32, #tpu.memory_space<vmem>> -> memref<1x128x16xf32, #tpu.memory_space<vmem>>
      %dma_start3A_91 = tpu.memref_squeeze %dma_start3A_90 : memref<1x128x16xf32, #tpu.memory_space<vmem>> -> memref<128x16xf32, #tpu.memory_space<vmem>>
      %dma_start3A_92 = arith.constant 0 : i32
      %dma_start3A_93 = tpu.memref_slice %arg7[%dma_start3A_86, %dma_start3A_92] : memref<8x128xi32, #tpu.memory_space<vmem>> -> memref<1x128xi32, #tpu.memory_space<vmem>>
      %dma_start3A_94 = tpu.memref_squeeze %dma_start3A_93 : memref<1x128xi32, #tpu.memory_space<vmem>> -> memref<128xi32, #tpu.memory_space<vmem>>
      %dma_start3A_95 = arith.constant 0 : i32
      %dma_start3A_96 = arith.constant 0 : i32
      %dma_start3A_97 = tpu.memref_slice %arg2[%dma_start3A_95, %dma_start3A_96] : memref<100000x16xf32, #tpu.memory_space<hbm>> -> memref<100000x16xf32, #tpu.memory_space<hbm>>
      tpu.enqueue_indirect_dma source(%dma_start3A_97 : memref<100000x16xf32, #tpu.memory_space<hbm>>) target(%dma_start3A_91 : memref<128x16xf32, #tpu.memory_space<vmem>>) offsets(%dma_start3A_94 : memref<128xi32, #tpu.memory_space<vmem>>) semaphore(%arg16 : memref<!tpu.dma_semaphore, #tpu.memory_space<semaphore_mem>>)
      %dma_start3A_98 = arith.constant 5 : i32
      %dma_start3A_99 = arith.constant 5 : i32
      %dma_start3A_100 = arith.constant 0 : i32
      %dma_start3A_101 = arith.constant 0 : i32
      %dma_start3A_102 = tpu.memref_slice %arg9[%dma_start3A_99, %dma_start3A_100, %dma_start3A_101] : memref<8x128x16xf32, #tpu.memory_space<vmem>> -> memref<1x128x16xf32, #tpu.memory_space<vmem>>
      %dma_start3A_103 = tpu.memref_squeeze %dma_start3A_102 : memref<1x128x16xf32, #tpu.memory_space<vmem>> -> memref<128x16xf32, #tpu.memory_space<vmem>>
      %dma_start3A_104 = arith.constant 0 : i32
      %dma_start3A_105 = tpu.memref_slice %arg7[%dma_start3A_98, %dma_start3A_104] : memref<8x128xi32, #tpu.memory_space<vmem>> -> memref<1x128xi32, #tpu.memory_space<vmem>>
      %dma_start3A_106 = tpu.memref_squeeze %dma_start3A_105 : memref<1x128xi32, #tpu.memory_space<vmem>> -> memref<128xi32, #tpu.memory_space<vmem>>
      %dma_start3A_107 = arith.constant 0 : i32
      %dma_start3A_108 = arith.constant 0 : i32
      %dma_start3A_109 = tpu.memref_slice %arg2[%dma_start3A_107, %dma_start3A_108] : memref<100000x16xf32, #tpu.memory_space<hbm>> -> memref<100000x16xf32, #tpu.memory_space<hbm>>
      tpu.enqueue_indirect_dma source(%dma_start3A_109 : memref<100000x16xf32, #tpu.memory_space<hbm>>) target(%dma_start3A_103 : memref<128x16xf32, #tpu.memory_space<vmem>>) offsets(%dma_start3A_106 : memref<128xi32, #tpu.memory_space<vmem>>) semaphore(%arg17 : memref<!tpu.dma_semaphore, #tpu.memory_space<semaphore_mem>>)
      %dma_start3A_110 = arith.constant 6 : i32
      %dma_start3A_111 = arith.constant 6 : i32
      %dma_start3A_112 = arith.constant 0 : i32
      %dma_start3A_113 = arith.constant 0 : i32
      %dma_start3A_114 = tpu.memref_slice %arg9[%dma_start3A_111, %dma_start3A_112, %dma_start3A_113] : memref<8x128x16xf32, #tpu.memory_space<vmem>> -> memref<1x128x16xf32, #tpu.memory_space<vmem>>
      %dma_start3A_115 = tpu.memref_squeeze %dma_start3A_114 : memref<1x128x16xf32, #tpu.memory_space<vmem>> -> memref<128x16xf32, #tpu.memory_space<vmem>>
      %dma_start3A_116 = arith.constant 0 : i32
      %dma_start3A_117 = tpu.memref_slice %arg7[%dma_start3A_110, %dma_start3A_116] : memref<8x128xi32, #tpu.memory_space<vmem>> -> memref<1x128xi32, #tpu.memory_space<vmem>>
      %dma_start3A_118 = tpu.memref_squeeze %dma_start3A_117 : memref<1x128xi32, #tpu.memory_space<vmem>> -> memref<128xi32, #tpu.memory_space<vmem>>
      %dma_start3A_119 = arith.constant 0 : i32
      %dma_start3A_120 = arith.constant 0 : i32
      %dma_start3A_121 = tpu.memref_slice %arg2[%dma_start3A_119, %dma_start3A_120] : memref<100000x16xf32, #tpu.memory_space<hbm>> -> memref<100000x16xf32, #tpu.memory_space<hbm>>
      tpu.enqueue_indirect_dma source(%dma_start3A_121 : memref<100000x16xf32, #tpu.memory_space<hbm>>) target(%dma_start3A_115 : memref<128x16xf32, #tpu.memory_space<vmem>>) offsets(%dma_start3A_118 : memref<128xi32, #tpu.memory_space<vmem>>) semaphore(%arg18 : memref<!tpu.dma_semaphore, #tpu.memory_space<semaphore_mem>>)
      %dma_start3A_122 = arith.constant 7 : i32
      %dma_start3A_123 = arith.constant 7 : i32
      %dma_start3A_124 = arith.constant 0 : i32
      %dma_start3A_125 = arith.constant 0 : i32
      %dma_start3A_126 = tpu.memref_slice %arg9[%dma_start3A_123, %dma_start3A_124, %dma_start3A_125] : memref<8x128x16xf32, #tpu.memory_space<vmem>> -> memref<1x128x16xf32, #tpu.memory_space<vmem>>
      %dma_start3A_127 = tpu.memref_squeeze %dma_start3A_126 : memref<1x128x16xf32, #tpu.memory_space<vmem>> -> memref<128x16xf32, #tpu.memory_space<vmem>>
      %dma_start3A_128 = arith.constant 0 : i32
      %dma_start3A_129 = tpu.memref_slice %arg7[%dma_start3A_122, %dma_start3A_128] : memref<8x128xi32, #tpu.memory_space<vmem>> -> memref<1x128xi32, #tpu.memory_space<vmem>>
      %dma_start3A_130 = tpu.memref_squeeze %dma_start3A_129 : memref<1x128xi32, #tpu.memory_space<vmem>> -> memref<128xi32, #tpu.memory_space<vmem>>
      %dma_start3A_131 = arith.constant 0 : i32
      %dma_start3A_132 = arith.constant 0 : i32
      %dma_start3A_133 = tpu.memref_slice %arg2[%dma_start3A_131, %dma_start3A_132] : memref<100000x16xf32, #tpu.memory_space<hbm>> -> memref<100000x16xf32, #tpu.memory_space<hbm>>
      tpu.enqueue_indirect_dma source(%dma_start3A_133 : memref<100000x16xf32, #tpu.memory_space<hbm>>) target(%dma_start3A_127 : memref<128x16xf32, #tpu.memory_space<vmem>>) offsets(%dma_start3A_130 : memref<128xi32, #tpu.memory_space<vmem>>) semaphore(%arg19 : memref<!tpu.dma_semaphore, #tpu.memory_space<semaphore_mem>>)
      %dma_wait3A = arith.constant 0 : i32
      %dma_wait3A_134 = arith.constant 0 : i32
      %dma_wait3A_135 = arith.constant 0 : i32
      %dma_wait3A_136 = arith.constant 0 : i32
      %dma_wait3A_137 = tpu.memref_slice %arg9[%dma_wait3A_134, %dma_wait3A_135, %dma_wait3A_136] : memref<8x128x16xf32, #tpu.memory_space<vmem>> -> memref<1x128x16xf32, #tpu.memory_space<vmem>>
      %dma_wait3A_138 = tpu.memref_squeeze %dma_wait3A_137 : memref<1x128x16xf32, #tpu.memory_space<vmem>> -> memref<128x16xf32, #tpu.memory_space<vmem>>
      %dma_wait3A_139 = arith.constant 0 : i32
      %dma_wait3A_140 = tpu.memref_slice %arg7[%dma_wait3A, %dma_wait3A_139] : memref<8x128xi32, #tpu.memory_space<vmem>> -> memref<1x128xi32, #tpu.memory_space<vmem>>
      %dma_wait3A_141 = tpu.memref_squeeze %dma_wait3A_140 : memref<1x128xi32, #tpu.memory_space<vmem>> -> memref<128xi32, #tpu.memory_space<vmem>>
      %dma_wait3A_142 = arith.constant 0 : i32
      %dma_wait3A_143 = arith.constant 0 : i32
      %dma_wait3A_144 = tpu.memref_slice %arg2[%dma_wait3A_142, %dma_wait3A_143] : memref<100000x16xf32, #tpu.memory_space<hbm>> -> memref<100000x16xf32, #tpu.memory_space<hbm>>
      tpu.wait_indirect_dma semaphore(%arg12 : memref<!tpu.dma_semaphore, #tpu.memory_space<semaphore_mem>>) src(%dma_wait3A_144 : memref<100000x16xf32, #tpu.memory_space<hbm>>) dst(%dma_wait3A_138 : memref<128x16xf32, #tpu.memory_space<vmem>>)
      %dma_start3A_145 = arith.constant 0 : i32
      %dma_start3A_146 = arith.constant 0 : i32
      %dma_start3A_147 = arith.constant 0 : i32
      %dma_start3A_148 = arith.constant 0 : i32
      %dma_start3A_149 = tpu.memref_slice %arg9[%dma_start3A_145, %dma_start3A_147, %dma_start3A_148] : memref<8x128x16xf32, #tpu.memory_space<vmem>> -> memref<1x128x16xf32, #tpu.memory_space<vmem>>
      %dma_start3A_150 = tpu.memref_squeeze %dma_start3A_149 : memref<1x128x16xf32, #tpu.memory_space<vmem>> -> memref<128x16xf32, #tpu.memory_space<vmem>>
      %dma_start3A_151 = arith.constant 0 : i32
      %dma_start3A_152 = tpu.memref_slice %arg8[%dma_start3A_146, %dma_start3A_151] : memref<8x128xi32, #tpu.memory_space<vmem>> -> memref<1x128xi32, #tpu.memory_space<vmem>>
      %dma_start3A_153 = tpu.memref_squeeze %dma_start3A_152 : memref<1x128xi32, #tpu.memory_space<vmem>> -> memref<128xi32, #tpu.memory_space<vmem>>
      %dma_start3A_154 = arith.constant 0 : i32
      %dma_start3A_155 = arith.constant 0 : i32
      %dma_start3A_156 = tpu.memref_slice %arg11[%dma_start3A_154, %dma_start3A_155] : memref<50176x16xf32, #tpu.memory_space<vmem_shared>> -> memref<50176x16xf32, #tpu.memory_space<vmem_shared>>
      tpu.enqueue_indirect_dma source(%dma_start3A_150 : memref<128x16xf32, #tpu.memory_space<vmem>>) target(%dma_start3A_156 : memref<50176x16xf32, #tpu.memory_space<vmem_shared>>) offsets(%dma_start3A_153 : memref<128xi32, #tpu.memory_space<vmem>>) semaphore(%arg20 : memref<!tpu.dma_semaphore, #tpu.memory_space<semaphore_mem>>) {add = true}
      %dma_wait3A_157 = arith.constant 1 : i32
      %dma_wait3A_158 = arith.constant 1 : i32
      %dma_wait3A_159 = arith.constant 0 : i32
      %dma_wait3A_160 = arith.constant 0 : i32
      %dma_wait3A_161 = tpu.memref_slice %arg9[%dma_wait3A_158, %dma_wait3A_159, %dma_wait3A_160] : memref<8x128x16xf32, #tpu.memory_space<vmem>> -> memref<1x128x16xf32, #tpu.memory_space<vmem>>
      %dma_wait3A_162 = tpu.memref_squeeze %dma_wait3A_161 : memref<1x128x16xf32, #tpu.memory_space<vmem>> -> memref<128x16xf32, #tpu.memory_space<vmem>>
      %dma_wait3A_163 = arith.constant 0 : i32
      %dma_wait3A_164 = tpu.memref_slice %arg7[%dma_wait3A_157, %dma_wait3A_163] : memref<8x128xi32, #tpu.memory_space<vmem>> -> memref<1x128xi32, #tpu.memory_space<vmem>>
      %dma_wait3A_165 = tpu.memref_squeeze %dma_wait3A_164 : memref<1x128xi32, #tpu.memory_space<vmem>> -> memref<128xi32, #tpu.memory_space<vmem>>
      %dma_wait3A_166 = arith.constant 0 : i32
      %dma_wait3A_167 = arith.constant 0 : i32
      %dma_wait3A_168 = tpu.memref_slice %arg2[%dma_wait3A_166, %dma_wait3A_167] : memref<100000x16xf32, #tpu.memory_space<hbm>> -> memref<100000x16xf32, #tpu.memory_space<hbm>>
      tpu.wait_indirect_dma semaphore(%arg13 : memref<!tpu.dma_semaphore, #tpu.memory_space<semaphore_mem>>) src(%dma_wait3A_168 : memref<100000x16xf32, #tpu.memory_space<hbm>>) dst(%dma_wait3A_162 : memref<128x16xf32, #tpu.memory_space<vmem>>)
      %dma_start3A_169 = arith.constant 1 : i32
      %dma_start3A_170 = arith.constant 1 : i32
      %dma_start3A_171 = arith.constant 0 : i32
      %dma_start3A_172 = arith.constant 0 : i32
      %dma_start3A_173 = tpu.memref_slice %arg9[%dma_start3A_169, %dma_start3A_171, %dma_start3A_172] : memref<8x128x16xf32, #tpu.memory_space<vmem>> -> memref<1x128x16xf32, #tpu.memory_space<vmem>>
      %dma_start3A_174 = tpu.memref_squeeze %dma_start3A_173 : memref<1x128x16xf32, #tpu.memory_space<vmem>> -> memref<128x16xf32, #tpu.memory_space<vmem>>
      %dma_start3A_175 = arith.constant 0 : i32
      %dma_start3A_176 = tpu.memref_slice %arg8[%dma_start3A_170, %dma_start3A_175] : memref<8x128xi32, #tpu.memory_space<vmem>> -> memref<1x128xi32, #tpu.memory_space<vmem>>
      %dma_start3A_177 = tpu.memref_squeeze %dma_start3A_176 : memref<1x128xi32, #tpu.memory_space<vmem>> -> memref<128xi32, #tpu.memory_space<vmem>>
      %dma_start3A_178 = arith.constant 0 : i32
      %dma_start3A_179 = arith.constant 0 : i32
      %dma_start3A_180 = tpu.memref_slice %arg11[%dma_start3A_178, %dma_start3A_179] : memref<50176x16xf32, #tpu.memory_space<vmem_shared>> -> memref<50176x16xf32, #tpu.memory_space<vmem_shared>>
      tpu.enqueue_indirect_dma source(%dma_start3A_174 : memref<128x16xf32, #tpu.memory_space<vmem>>) target(%dma_start3A_180 : memref<50176x16xf32, #tpu.memory_space<vmem_shared>>) offsets(%dma_start3A_177 : memref<128xi32, #tpu.memory_space<vmem>>) semaphore(%arg21 : memref<!tpu.dma_semaphore, #tpu.memory_space<semaphore_mem>>) {add = true}
      %dma_wait3A_181 = arith.constant 2 : i32
      %dma_wait3A_182 = arith.constant 2 : i32
      %dma_wait3A_183 = arith.constant 0 : i32
      %dma_wait3A_184 = arith.constant 0 : i32
      %dma_wait3A_185 = tpu.memref_slice %arg9[%dma_wait3A_182, %dma_wait3A_183, %dma_wait3A_184] : memref<8x128x16xf32, #tpu.memory_space<vmem>> -> memref<1x128x16xf32, #tpu.memory_space<vmem>>
      %dma_wait3A_186 = tpu.memref_squeeze %dma_wait3A_185 : memref<1x128x16xf32, #tpu.memory_space<vmem>> -> memref<128x16xf32, #tpu.memory_space<vmem>>
      %dma_wait3A_187 = arith.constant 0 : i32
      %dma_wait3A_188 = tpu.memref_slice %arg7[%dma_wait3A_181, %dma_wait3A_187] : memref<8x128xi32, #tpu.memory_space<vmem>> -> memref<1x128xi32, #tpu.memory_space<vmem>>
      %dma_wait3A_189 = tpu.memref_squeeze %dma_wait3A_188 : memref<1x128xi32, #tpu.memory_space<vmem>> -> memref<128xi32, #tpu.memory_space<vmem>>
      %dma_wait3A_190 = arith.constant 0 : i32
      %dma_wait3A_191 = arith.constant 0 : i32
      %dma_wait3A_192 = tpu.memref_slice %arg2[%dma_wait3A_190, %dma_wait3A_191] : memref<100000x16xf32, #tpu.memory_space<hbm>> -> memref<100000x16xf32, #tpu.memory_space<hbm>>
      tpu.wait_indirect_dma semaphore(%arg14 : memref<!tpu.dma_semaphore, #tpu.memory_space<semaphore_mem>>) src(%dma_wait3A_192 : memref<100000x16xf32, #tpu.memory_space<hbm>>) dst(%dma_wait3A_186 : memref<128x16xf32, #tpu.memory_space<vmem>>)
      %dma_start3A_193 = arith.constant 2 : i32
      %dma_start3A_194 = arith.constant 2 : i32
      %dma_start3A_195 = arith.constant 0 : i32
      %dma_start3A_196 = arith.constant 0 : i32
      %dma_start3A_197 = tpu.memref_slice %arg9[%dma_start3A_193, %dma_start3A_195, %dma_start3A_196] : memref<8x128x16xf32, #tpu.memory_space<vmem>> -> memref<1x128x16xf32, #tpu.memory_space<vmem>>
      %dma_start3A_198 = tpu.memref_squeeze %dma_start3A_197 : memref<1x128x16xf32, #tpu.memory_space<vmem>> -> memref<128x16xf32, #tpu.memory_space<vmem>>
      %dma_start3A_199 = arith.constant 0 : i32
      %dma_start3A_200 = tpu.memref_slice %arg8[%dma_start3A_194, %dma_start3A_199] : memref<8x128xi32, #tpu.memory_space<vmem>> -> memref<1x128xi32, #tpu.memory_space<vmem>>
      %dma_start3A_201 = tpu.memref_squeeze %dma_start3A_200 : memref<1x128xi32, #tpu.memory_space<vmem>> -> memref<128xi32, #tpu.memory_space<vmem>>
      %dma_start3A_202 = arith.constant 0 : i32
      %dma_start3A_203 = arith.constant 0 : i32
      %dma_start3A_204 = tpu.memref_slice %arg11[%dma_start3A_202, %dma_start3A_203] : memref<50176x16xf32, #tpu.memory_space<vmem_shared>> -> memref<50176x16xf32, #tpu.memory_space<vmem_shared>>
      tpu.enqueue_indirect_dma source(%dma_start3A_198 : memref<128x16xf32, #tpu.memory_space<vmem>>) target(%dma_start3A_204 : memref<50176x16xf32, #tpu.memory_space<vmem_shared>>) offsets(%dma_start3A_201 : memref<128xi32, #tpu.memory_space<vmem>>) semaphore(%arg22 : memref<!tpu.dma_semaphore, #tpu.memory_space<semaphore_mem>>) {add = true}
      %dma_wait3A_205 = arith.constant 3 : i32
      %dma_wait3A_206 = arith.constant 3 : i32
      %dma_wait3A_207 = arith.constant 0 : i32
      %dma_wait3A_208 = arith.constant 0 : i32
      %dma_wait3A_209 = tpu.memref_slice %arg9[%dma_wait3A_206, %dma_wait3A_207, %dma_wait3A_208] : memref<8x128x16xf32, #tpu.memory_space<vmem>> -> memref<1x128x16xf32, #tpu.memory_space<vmem>>
      %dma_wait3A_210 = tpu.memref_squeeze %dma_wait3A_209 : memref<1x128x16xf32, #tpu.memory_space<vmem>> -> memref<128x16xf32, #tpu.memory_space<vmem>>
      %dma_wait3A_211 = arith.constant 0 : i32
      %dma_wait3A_212 = tpu.memref_slice %arg7[%dma_wait3A_205, %dma_wait3A_211] : memref<8x128xi32, #tpu.memory_space<vmem>> -> memref<1x128xi32, #tpu.memory_space<vmem>>
      %dma_wait3A_213 = tpu.memref_squeeze %dma_wait3A_212 : memref<1x128xi32, #tpu.memory_space<vmem>> -> memref<128xi32, #tpu.memory_space<vmem>>
      %dma_wait3A_214 = arith.constant 0 : i32
      %dma_wait3A_215 = arith.constant 0 : i32
      %dma_wait3A_216 = tpu.memref_slice %arg2[%dma_wait3A_214, %dma_wait3A_215] : memref<100000x16xf32, #tpu.memory_space<hbm>> -> memref<100000x16xf32, #tpu.memory_space<hbm>>
      tpu.wait_indirect_dma semaphore(%arg15 : memref<!tpu.dma_semaphore, #tpu.memory_space<semaphore_mem>>) src(%dma_wait3A_216 : memref<100000x16xf32, #tpu.memory_space<hbm>>) dst(%dma_wait3A_210 : memref<128x16xf32, #tpu.memory_space<vmem>>)
      %dma_start3A_217 = arith.constant 3 : i32
      %dma_start3A_218 = arith.constant 3 : i32
      %dma_start3A_219 = arith.constant 0 : i32
      %dma_start3A_220 = arith.constant 0 : i32
      %dma_start3A_221 = tpu.memref_slice %arg9[%dma_start3A_217, %dma_start3A_219, %dma_start3A_220] : memref<8x128x16xf32, #tpu.memory_space<vmem>> -> memref<1x128x16xf32, #tpu.memory_space<vmem>>
      %dma_start3A_222 = tpu.memref_squeeze %dma_start3A_221 : memref<1x128x16xf32, #tpu.memory_space<vmem>> -> memref<128x16xf32, #tpu.memory_space<vmem>>
      %dma_start3A_223 = arith.constant 0 : i32
      %dma_start3A_224 = tpu.memref_slice %arg8[%dma_start3A_218, %dma_start3A_223] : memref<8x128xi32, #tpu.memory_space<vmem>> -> memref<1x128xi32, #tpu.memory_space<vmem>>
      %dma_start3A_225 = tpu.memref_squeeze %dma_start3A_224 : memref<1x128xi32, #tpu.memory_space<vmem>> -> memref<128xi32, #tpu.memory_space<vmem>>
      %dma_start3A_226 = arith.constant 0 : i32
      %dma_start3A_227 = arith.constant 0 : i32
      %dma_start3A_228 = tpu.memref_slice %arg11[%dma_start3A_226, %dma_start3A_227] : memref<50176x16xf32, #tpu.memory_space<vmem_shared>> -> memref<50176x16xf32, #tpu.memory_space<vmem_shared>>
      tpu.enqueue_indirect_dma source(%dma_start3A_222 : memref<128x16xf32, #tpu.memory_space<vmem>>) target(%dma_start3A_228 : memref<50176x16xf32, #tpu.memory_space<vmem_shared>>) offsets(%dma_start3A_225 : memref<128xi32, #tpu.memory_space<vmem>>) semaphore(%arg23 : memref<!tpu.dma_semaphore, #tpu.memory_space<semaphore_mem>>) {add = true}
      %dma_wait3A_229 = arith.constant 4 : i32
      %dma_wait3A_230 = arith.constant 4 : i32
      %dma_wait3A_231 = arith.constant 0 : i32
      %dma_wait3A_232 = arith.constant 0 : i32
      %dma_wait3A_233 = tpu.memref_slice %arg9[%dma_wait3A_230, %dma_wait3A_231, %dma_wait3A_232] : memref<8x128x16xf32, #tpu.memory_space<vmem>> -> memref<1x128x16xf32, #tpu.memory_space<vmem>>
      %dma_wait3A_234 = tpu.memref_squeeze %dma_wait3A_233 : memref<1x128x16xf32, #tpu.memory_space<vmem>> -> memref<128x16xf32, #tpu.memory_space<vmem>>
      %dma_wait3A_235 = arith.constant 0 : i32
      %dma_wait3A_236 = tpu.memref_slice %arg7[%dma_wait3A_229, %dma_wait3A_235] : memref<8x128xi32, #tpu.memory_space<vmem>> -> memref<1x128xi32, #tpu.memory_space<vmem>>
      %dma_wait3A_237 = tpu.memref_squeeze %dma_wait3A_236 : memref<1x128xi32, #tpu.memory_space<vmem>> -> memref<128xi32, #tpu.memory_space<vmem>>
      %dma_wait3A_238 = arith.constant 0 : i32
      %dma_wait3A_239 = arith.constant 0 : i32
      %dma_wait3A_240 = tpu.memref_slice %arg2[%dma_wait3A_238, %dma_wait3A_239] : memref<100000x16xf32, #tpu.memory_space<hbm>> -> memref<100000x16xf32, #tpu.memory_space<hbm>>
      tpu.wait_indirect_dma semaphore(%arg16 : memref<!tpu.dma_semaphore, #tpu.memory_space<semaphore_mem>>) src(%dma_wait3A_240 : memref<100000x16xf32, #tpu.memory_space<hbm>>) dst(%dma_wait3A_234 : memref<128x16xf32, #tpu.memory_space<vmem>>)
      %dma_start3A_241 = arith.constant 4 : i32
      %dma_start3A_242 = arith.constant 4 : i32
      %dma_start3A_243 = arith.constant 0 : i32
      %dma_start3A_244 = arith.constant 0 : i32
      %dma_start3A_245 = tpu.memref_slice %arg9[%dma_start3A_241, %dma_start3A_243, %dma_start3A_244] : memref<8x128x16xf32, #tpu.memory_space<vmem>> -> memref<1x128x16xf32, #tpu.memory_space<vmem>>
      %dma_start3A_246 = tpu.memref_squeeze %dma_start3A_245 : memref<1x128x16xf32, #tpu.memory_space<vmem>> -> memref<128x16xf32, #tpu.memory_space<vmem>>
      %dma_start3A_247 = arith.constant 0 : i32
      %dma_start3A_248 = tpu.memref_slice %arg8[%dma_start3A_242, %dma_start3A_247] : memref<8x128xi32, #tpu.memory_space<vmem>> -> memref<1x128xi32, #tpu.memory_space<vmem>>
      %dma_start3A_249 = tpu.memref_squeeze %dma_start3A_248 : memref<1x128xi32, #tpu.memory_space<vmem>> -> memref<128xi32, #tpu.memory_space<vmem>>
      %dma_start3A_250 = arith.constant 0 : i32
      %dma_start3A_251 = arith.constant 0 : i32
      %dma_start3A_252 = tpu.memref_slice %arg11[%dma_start3A_250, %dma_start3A_251] : memref<50176x16xf32, #tpu.memory_space<vmem_shared>> -> memref<50176x16xf32, #tpu.memory_space<vmem_shared>>
      tpu.enqueue_indirect_dma source(%dma_start3A_246 : memref<128x16xf32, #tpu.memory_space<vmem>>) target(%dma_start3A_252 : memref<50176x16xf32, #tpu.memory_space<vmem_shared>>) offsets(%dma_start3A_249 : memref<128xi32, #tpu.memory_space<vmem>>) semaphore(%arg24 : memref<!tpu.dma_semaphore, #tpu.memory_space<semaphore_mem>>) {add = true}
      %dma_wait3A_253 = arith.constant 5 : i32
      %dma_wait3A_254 = arith.constant 5 : i32
      %dma_wait3A_255 = arith.constant 0 : i32
      %dma_wait3A_256 = arith.constant 0 : i32
      %dma_wait3A_257 = tpu.memref_slice %arg9[%dma_wait3A_254, %dma_wait3A_255, %dma_wait3A_256] : memref<8x128x16xf32, #tpu.memory_space<vmem>> -> memref<1x128x16xf32, #tpu.memory_space<vmem>>
      %dma_wait3A_258 = tpu.memref_squeeze %dma_wait3A_257 : memref<1x128x16xf32, #tpu.memory_space<vmem>> -> memref<128x16xf32, #tpu.memory_space<vmem>>
      %dma_wait3A_259 = arith.constant 0 : i32
      %dma_wait3A_260 = tpu.memref_slice %arg7[%dma_wait3A_253, %dma_wait3A_259] : memref<8x128xi32, #tpu.memory_space<vmem>> -> memref<1x128xi32, #tpu.memory_space<vmem>>
      %dma_wait3A_261 = tpu.memref_squeeze %dma_wait3A_260 : memref<1x128xi32, #tpu.memory_space<vmem>> -> memref<128xi32, #tpu.memory_space<vmem>>
      %dma_wait3A_262 = arith.constant 0 : i32
      %dma_wait3A_263 = arith.constant 0 : i32
      %dma_wait3A_264 = tpu.memref_slice %arg2[%dma_wait3A_262, %dma_wait3A_263] : memref<100000x16xf32, #tpu.memory_space<hbm>> -> memref<100000x16xf32, #tpu.memory_space<hbm>>
      tpu.wait_indirect_dma semaphore(%arg17 : memref<!tpu.dma_semaphore, #tpu.memory_space<semaphore_mem>>) src(%dma_wait3A_264 : memref<100000x16xf32, #tpu.memory_space<hbm>>) dst(%dma_wait3A_258 : memref<128x16xf32, #tpu.memory_space<vmem>>)
      %dma_start3A_265 = arith.constant 5 : i32
      %dma_start3A_266 = arith.constant 5 : i32
      %dma_start3A_267 = arith.constant 0 : i32
      %dma_start3A_268 = arith.constant 0 : i32
      %dma_start3A_269 = tpu.memref_slice %arg9[%dma_start3A_265, %dma_start3A_267, %dma_start3A_268] : memref<8x128x16xf32, #tpu.memory_space<vmem>> -> memref<1x128x16xf32, #tpu.memory_space<vmem>>
      %dma_start3A_270 = tpu.memref_squeeze %dma_start3A_269 : memref<1x128x16xf32, #tpu.memory_space<vmem>> -> memref<128x16xf32, #tpu.memory_space<vmem>>
      %dma_start3A_271 = arith.constant 0 : i32
      %dma_start3A_272 = tpu.memref_slice %arg8[%dma_start3A_266, %dma_start3A_271] : memref<8x128xi32, #tpu.memory_space<vmem>> -> memref<1x128xi32, #tpu.memory_space<vmem>>
      %dma_start3A_273 = tpu.memref_squeeze %dma_start3A_272 : memref<1x128xi32, #tpu.memory_space<vmem>> -> memref<128xi32, #tpu.memory_space<vmem>>
      %dma_start3A_274 = arith.constant 0 : i32
      %dma_start3A_275 = arith.constant 0 : i32
      %dma_start3A_276 = tpu.memref_slice %arg11[%dma_start3A_274, %dma_start3A_275] : memref<50176x16xf32, #tpu.memory_space<vmem_shared>> -> memref<50176x16xf32, #tpu.memory_space<vmem_shared>>
      tpu.enqueue_indirect_dma source(%dma_start3A_270 : memref<128x16xf32, #tpu.memory_space<vmem>>) target(%dma_start3A_276 : memref<50176x16xf32, #tpu.memory_space<vmem_shared>>) offsets(%dma_start3A_273 : memref<128xi32, #tpu.memory_space<vmem>>) semaphore(%arg25 : memref<!tpu.dma_semaphore, #tpu.memory_space<semaphore_mem>>) {add = true}
      %dma_wait3A_277 = arith.constant 6 : i32
      %dma_wait3A_278 = arith.constant 6 : i32
      %dma_wait3A_279 = arith.constant 0 : i32
      %dma_wait3A_280 = arith.constant 0 : i32
      %dma_wait3A_281 = tpu.memref_slice %arg9[%dma_wait3A_278, %dma_wait3A_279, %dma_wait3A_280] : memref<8x128x16xf32, #tpu.memory_space<vmem>> -> memref<1x128x16xf32, #tpu.memory_space<vmem>>
      %dma_wait3A_282 = tpu.memref_squeeze %dma_wait3A_281 : memref<1x128x16xf32, #tpu.memory_space<vmem>> -> memref<128x16xf32, #tpu.memory_space<vmem>>
      %dma_wait3A_283 = arith.constant 0 : i32
      %dma_wait3A_284 = tpu.memref_slice %arg7[%dma_wait3A_277, %dma_wait3A_283] : memref<8x128xi32, #tpu.memory_space<vmem>> -> memref<1x128xi32, #tpu.memory_space<vmem>>
      %dma_wait3A_285 = tpu.memref_squeeze %dma_wait3A_284 : memref<1x128xi32, #tpu.memory_space<vmem>> -> memref<128xi32, #tpu.memory_space<vmem>>
      %dma_wait3A_286 = arith.constant 0 : i32
      %dma_wait3A_287 = arith.constant 0 : i32
      %dma_wait3A_288 = tpu.memref_slice %arg2[%dma_wait3A_286, %dma_wait3A_287] : memref<100000x16xf32, #tpu.memory_space<hbm>> -> memref<100000x16xf32, #tpu.memory_space<hbm>>
      tpu.wait_indirect_dma semaphore(%arg18 : memref<!tpu.dma_semaphore, #tpu.memory_space<semaphore_mem>>) src(%dma_wait3A_288 : memref<100000x16xf32, #tpu.memory_space<hbm>>) dst(%dma_wait3A_282 : memref<128x16xf32, #tpu.memory_space<vmem>>)
      %dma_start3A_289 = arith.constant 6 : i32
      %dma_start3A_290 = arith.constant 6 : i32
      %dma_start3A_291 = arith.constant 0 : i32
      %dma_start3A_292 = arith.constant 0 : i32
      %dma_start3A_293 = tpu.memref_slice %arg9[%dma_start3A_289, %dma_start3A_291, %dma_start3A_292] : memref<8x128x16xf32, #tpu.memory_space<vmem>> -> memref<1x128x16xf32, #tpu.memory_space<vmem>>
      %dma_start3A_294 = tpu.memref_squeeze %dma_start3A_293 : memref<1x128x16xf32, #tpu.memory_space<vmem>> -> memref<128x16xf32, #tpu.memory_space<vmem>>
      %dma_start3A_295 = arith.constant 0 : i32
      %dma_start3A_296 = tpu.memref_slice %arg8[%dma_start3A_290, %dma_start3A_295] : memref<8x128xi32, #tpu.memory_space<vmem>> -> memref<1x128xi32, #tpu.memory_space<vmem>>
      %dma_start3A_297 = tpu.memref_squeeze %dma_start3A_296 : memref<1x128xi32, #tpu.memory_space<vmem>> -> memref<128xi32, #tpu.memory_space<vmem>>
      %dma_start3A_298 = arith.constant 0 : i32
      %dma_start3A_299 = arith.constant 0 : i32
      %dma_start3A_300 = tpu.memref_slice %arg11[%dma_start3A_298, %dma_start3A_299] : memref<50176x16xf32, #tpu.memory_space<vmem_shared>> -> memref<50176x16xf32, #tpu.memory_space<vmem_shared>>
      tpu.enqueue_indirect_dma source(%dma_start3A_294 : memref<128x16xf32, #tpu.memory_space<vmem>>) target(%dma_start3A_300 : memref<50176x16xf32, #tpu.memory_space<vmem_shared>>) offsets(%dma_start3A_297 : memref<128xi32, #tpu.memory_space<vmem>>) semaphore(%arg26 : memref<!tpu.dma_semaphore, #tpu.memory_space<semaphore_mem>>) {add = true}
      %dma_wait3A_301 = arith.constant 7 : i32
      %dma_wait3A_302 = arith.constant 7 : i32
      %dma_wait3A_303 = arith.constant 0 : i32
      %dma_wait3A_304 = arith.constant 0 : i32
      %dma_wait3A_305 = tpu.memref_slice %arg9[%dma_wait3A_302, %dma_wait3A_303, %dma_wait3A_304] : memref<8x128x16xf32, #tpu.memory_space<vmem>> -> memref<1x128x16xf32, #tpu.memory_space<vmem>>
      %dma_wait3A_306 = tpu.memref_squeeze %dma_wait3A_305 : memref<1x128x16xf32, #tpu.memory_space<vmem>> -> memref<128x16xf32, #tpu.memory_space<vmem>>
      %dma_wait3A_307 = arith.constant 0 : i32
      %dma_wait3A_308 = tpu.memref_slice %arg7[%dma_wait3A_301, %dma_wait3A_307] : memref<8x128xi32, #tpu.memory_space<vmem>> -> memref<1x128xi32, #tpu.memory_space<vmem>>
      %dma_wait3A_309 = tpu.memref_squeeze %dma_wait3A_308 : memref<1x128xi32, #tpu.memory_space<vmem>> -> memref<128xi32, #tpu.memory_space<vmem>>
      %dma_wait3A_310 = arith.constant 0 : i32
      %dma_wait3A_311 = arith.constant 0 : i32
      %dma_wait3A_312 = tpu.memref_slice %arg2[%dma_wait3A_310, %dma_wait3A_311] : memref<100000x16xf32, #tpu.memory_space<hbm>> -> memref<100000x16xf32, #tpu.memory_space<hbm>>
      tpu.wait_indirect_dma semaphore(%arg19 : memref<!tpu.dma_semaphore, #tpu.memory_space<semaphore_mem>>) src(%dma_wait3A_312 : memref<100000x16xf32, #tpu.memory_space<hbm>>) dst(%dma_wait3A_306 : memref<128x16xf32, #tpu.memory_space<vmem>>)
      %dma_start3A_313 = arith.constant 7 : i32
      %dma_start3A_314 = arith.constant 7 : i32
      %dma_start3A_315 = arith.constant 0 : i32
      %dma_start3A_316 = arith.constant 0 : i32
      %dma_start3A_317 = tpu.memref_slice %arg9[%dma_start3A_313, %dma_start3A_315, %dma_start3A_316] : memref<8x128x16xf32, #tpu.memory_space<vmem>> -> memref<1x128x16xf32, #tpu.memory_space<vmem>>
      %dma_start3A_318 = tpu.memref_squeeze %dma_start3A_317 : memref<1x128x16xf32, #tpu.memory_space<vmem>> -> memref<128x16xf32, #tpu.memory_space<vmem>>
      %dma_start3A_319 = arith.constant 0 : i32
      %dma_start3A_320 = tpu.memref_slice %arg8[%dma_start3A_314, %dma_start3A_319] : memref<8x128xi32, #tpu.memory_space<vmem>> -> memref<1x128xi32, #tpu.memory_space<vmem>>
      %dma_start3A_321 = tpu.memref_squeeze %dma_start3A_320 : memref<1x128xi32, #tpu.memory_space<vmem>> -> memref<128xi32, #tpu.memory_space<vmem>>
      %dma_start3A_322 = arith.constant 0 : i32
      %dma_start3A_323 = arith.constant 0 : i32
      %dma_start3A_324 = tpu.memref_slice %arg11[%dma_start3A_322, %dma_start3A_323] : memref<50176x16xf32, #tpu.memory_space<vmem_shared>> -> memref<50176x16xf32, #tpu.memory_space<vmem_shared>>
      tpu.enqueue_indirect_dma source(%dma_start3A_318 : memref<128x16xf32, #tpu.memory_space<vmem>>) target(%dma_start3A_324 : memref<50176x16xf32, #tpu.memory_space<vmem_shared>>) offsets(%dma_start3A_321 : memref<128xi32, #tpu.memory_space<vmem>>) semaphore(%arg27 : memref<!tpu.dma_semaphore, #tpu.memory_space<semaphore_mem>>) {add = true}
      %dma_wait3A_325 = arith.constant 0 : i32
      %dma_wait3A_326 = arith.constant 0 : i32
      %dma_wait3A_327 = arith.constant 0 : i32
      %dma_wait3A_328 = arith.constant 0 : i32
      %dma_wait3A_329 = tpu.memref_slice %arg9[%dma_wait3A_325, %dma_wait3A_327, %dma_wait3A_328] : memref<8x128x16xf32, #tpu.memory_space<vmem>> -> memref<1x128x16xf32, #tpu.memory_space<vmem>>
      %dma_wait3A_330 = tpu.memref_squeeze %dma_wait3A_329 : memref<1x128x16xf32, #tpu.memory_space<vmem>> -> memref<128x16xf32, #tpu.memory_space<vmem>>
      %dma_wait3A_331 = arith.constant 0 : i32
      %dma_wait3A_332 = tpu.memref_slice %arg8[%dma_wait3A_326, %dma_wait3A_331] : memref<8x128xi32, #tpu.memory_space<vmem>> -> memref<1x128xi32, #tpu.memory_space<vmem>>
      %dma_wait3A_333 = tpu.memref_squeeze %dma_wait3A_332 : memref<1x128xi32, #tpu.memory_space<vmem>> -> memref<128xi32, #tpu.memory_space<vmem>>
      %dma_wait3A_334 = arith.constant 0 : i32
      %dma_wait3A_335 = arith.constant 0 : i32
      %dma_wait3A_336 = tpu.memref_slice %arg11[%dma_wait3A_334, %dma_wait3A_335] : memref<50176x16xf32, #tpu.memory_space<vmem_shared>> -> memref<50176x16xf32, #tpu.memory_space<vmem_shared>>
      tpu.wait_indirect_dma semaphore(%arg20 : memref<!tpu.dma_semaphore, #tpu.memory_space<semaphore_mem>>) src(%dma_wait3A_330 : memref<128x16xf32, #tpu.memory_space<vmem>>) dst(%dma_wait3A_336 : memref<50176x16xf32, #tpu.memory_space<vmem_shared>>)
      %dma_wait3A_337 = arith.constant 1 : i32
      %dma_wait3A_338 = arith.constant 1 : i32
      %dma_wait3A_339 = arith.constant 0 : i32
      %dma_wait3A_340 = arith.constant 0 : i32
      %dma_wait3A_341 = tpu.memref_slice %arg9[%dma_wait3A_337, %dma_wait3A_339, %dma_wait3A_340] : memref<8x128x16xf32, #tpu.memory_space<vmem>> -> memref<1x128x16xf32, #tpu.memory_space<vmem>>
      %dma_wait3A_342 = tpu.memref_squeeze %dma_wait3A_341 : memref<1x128x16xf32, #tpu.memory_space<vmem>> -> memref<128x16xf32, #tpu.memory_space<vmem>>
      %dma_wait3A_343 = arith.constant 0 : i32
      %dma_wait3A_344 = tpu.memref_slice %arg8[%dma_wait3A_338, %dma_wait3A_343] : memref<8x128xi32, #tpu.memory_space<vmem>> -> memref<1x128xi32, #tpu.memory_space<vmem>>
      %dma_wait3A_345 = tpu.memref_squeeze %dma_wait3A_344 : memref<1x128xi32, #tpu.memory_space<vmem>> -> memref<128xi32, #tpu.memory_space<vmem>>
      %dma_wait3A_346 = arith.constant 0 : i32
      %dma_wait3A_347 = arith.constant 0 : i32
      %dma_wait3A_348 = tpu.memref_slice %arg11[%dma_wait3A_346, %dma_wait3A_347] : memref<50176x16xf32, #tpu.memory_space<vmem_shared>> -> memref<50176x16xf32, #tpu.memory_space<vmem_shared>>
      tpu.wait_indirect_dma semaphore(%arg21 : memref<!tpu.dma_semaphore, #tpu.memory_space<semaphore_mem>>) src(%dma_wait3A_342 : memref<128x16xf32, #tpu.memory_space<vmem>>) dst(%dma_wait3A_348 : memref<50176x16xf32, #tpu.memory_space<vmem_shared>>)
      %dma_wait3A_349 = arith.constant 2 : i32
      %dma_wait3A_350 = arith.constant 2 : i32
      %dma_wait3A_351 = arith.constant 0 : i32
      %dma_wait3A_352 = arith.constant 0 : i32
      %dma_wait3A_353 = tpu.memref_slice %arg9[%dma_wait3A_349, %dma_wait3A_351, %dma_wait3A_352] : memref<8x128x16xf32, #tpu.memory_space<vmem>> -> memref<1x128x16xf32, #tpu.memory_space<vmem>>
      %dma_wait3A_354 = tpu.memref_squeeze %dma_wait3A_353 : memref<1x128x16xf32, #tpu.memory_space<vmem>> -> memref<128x16xf32, #tpu.memory_space<vmem>>
      %dma_wait3A_355 = arith.constant 0 : i32
      %dma_wait3A_356 = tpu.memref_slice %arg8[%dma_wait3A_350, %dma_wait3A_355] : memref<8x128xi32, #tpu.memory_space<vmem>> -> memref<1x128xi32, #tpu.memory_space<vmem>>
      %dma_wait3A_357 = tpu.memref_squeeze %dma_wait3A_356 : memref<1x128xi32, #tpu.memory_space<vmem>> -> memref<128xi32, #tpu.memory_space<vmem>>
      %dma_wait3A_358 = arith.constant 0 : i32
      %dma_wait3A_359 = arith.constant 0 : i32
      %dma_wait3A_360 = tpu.memref_slice %arg11[%dma_wait3A_358, %dma_wait3A_359] : memref<50176x16xf32, #tpu.memory_space<vmem_shared>> -> memref<50176x16xf32, #tpu.memory_space<vmem_shared>>
      tpu.wait_indirect_dma semaphore(%arg22 : memref<!tpu.dma_semaphore, #tpu.memory_space<semaphore_mem>>) src(%dma_wait3A_354 : memref<128x16xf32, #tpu.memory_space<vmem>>) dst(%dma_wait3A_360 : memref<50176x16xf32, #tpu.memory_space<vmem_shared>>)
      %dma_wait3A_361 = arith.constant 3 : i32
      %dma_wait3A_362 = arith.constant 3 : i32
      %dma_wait3A_363 = arith.constant 0 : i32
      %dma_wait3A_364 = arith.constant 0 : i32
      %dma_wait3A_365 = tpu.memref_slice %arg9[%dma_wait3A_361, %dma_wait3A_363, %dma_wait3A_364] : memref<8x128x16xf32, #tpu.memory_space<vmem>> -> memref<1x128x16xf32, #tpu.memory_space<vmem>>
      %dma_wait3A_366 = tpu.memref_squeeze %dma_wait3A_365 : memref<1x128x16xf32, #tpu.memory_space<vmem>> -> memref<128x16xf32, #tpu.memory_space<vmem>>
      %dma_wait3A_367 = arith.constant 0 : i32
      %dma_wait3A_368 = tpu.memref_slice %arg8[%dma_wait3A_362, %dma_wait3A_367] : memref<8x128xi32, #tpu.memory_space<vmem>> -> memref<1x128xi32, #tpu.memory_space<vmem>>
      %dma_wait3A_369 = tpu.memref_squeeze %dma_wait3A_368 : memref<1x128xi32, #tpu.memory_space<vmem>> -> memref<128xi32, #tpu.memory_space<vmem>>
      %dma_wait3A_370 = arith.constant 0 : i32
      %dma_wait3A_371 = arith.constant 0 : i32
      %dma_wait3A_372 = tpu.memref_slice %arg11[%dma_wait3A_370, %dma_wait3A_371] : memref<50176x16xf32, #tpu.memory_space<vmem_shared>> -> memref<50176x16xf32, #tpu.memory_space<vmem_shared>>
      tpu.wait_indirect_dma semaphore(%arg23 : memref<!tpu.dma_semaphore, #tpu.memory_space<semaphore_mem>>) src(%dma_wait3A_366 : memref<128x16xf32, #tpu.memory_space<vmem>>) dst(%dma_wait3A_372 : memref<50176x16xf32, #tpu.memory_space<vmem_shared>>)
      %dma_wait3A_373 = arith.constant 4 : i32
      %dma_wait3A_374 = arith.constant 4 : i32
      %dma_wait3A_375 = arith.constant 0 : i32
      %dma_wait3A_376 = arith.constant 0 : i32
      %dma_wait3A_377 = tpu.memref_slice %arg9[%dma_wait3A_373, %dma_wait3A_375, %dma_wait3A_376] : memref<8x128x16xf32, #tpu.memory_space<vmem>> -> memref<1x128x16xf32, #tpu.memory_space<vmem>>
      %dma_wait3A_378 = tpu.memref_squeeze %dma_wait3A_377 : memref<1x128x16xf32, #tpu.memory_space<vmem>> -> memref<128x16xf32, #tpu.memory_space<vmem>>
      %dma_wait3A_379 = arith.constant 0 : i32
      %dma_wait3A_380 = tpu.memref_slice %arg8[%dma_wait3A_374, %dma_wait3A_379] : memref<8x128xi32, #tpu.memory_space<vmem>> -> memref<1x128xi32, #tpu.memory_space<vmem>>
      %dma_wait3A_381 = tpu.memref_squeeze %dma_wait3A_380 : memref<1x128xi32, #tpu.memory_space<vmem>> -> memref<128xi32, #tpu.memory_space<vmem>>
      %dma_wait3A_382 = arith.constant 0 : i32
      %dma_wait3A_383 = arith.constant 0 : i32
      %dma_wait3A_384 = tpu.memref_slice %arg11[%dma_wait3A_382, %dma_wait3A_383] : memref<50176x16xf32, #tpu.memory_space<vmem_shared>> -> memref<50176x16xf32, #tpu.memory_space<vmem_shared>>
      tpu.wait_indirect_dma semaphore(%arg24 : memref<!tpu.dma_semaphore, #tpu.memory_space<semaphore_mem>>) src(%dma_wait3A_378 : memref<128x16xf32, #tpu.memory_space<vmem>>) dst(%dma_wait3A_384 : memref<50176x16xf32, #tpu.memory_space<vmem_shared>>)
      %dma_wait3A_385 = arith.constant 5 : i32
      %dma_wait3A_386 = arith.constant 5 : i32
      %dma_wait3A_387 = arith.constant 0 : i32
      %dma_wait3A_388 = arith.constant 0 : i32
      %dma_wait3A_389 = tpu.memref_slice %arg9[%dma_wait3A_385, %dma_wait3A_387, %dma_wait3A_388] : memref<8x128x16xf32, #tpu.memory_space<vmem>> -> memref<1x128x16xf32, #tpu.memory_space<vmem>>
      %dma_wait3A_390 = tpu.memref_squeeze %dma_wait3A_389 : memref<1x128x16xf32, #tpu.memory_space<vmem>> -> memref<128x16xf32, #tpu.memory_space<vmem>>
      %dma_wait3A_391 = arith.constant 0 : i32
      %dma_wait3A_392 = tpu.memref_slice %arg8[%dma_wait3A_386, %dma_wait3A_391] : memref<8x128xi32, #tpu.memory_space<vmem>> -> memref<1x128xi32, #tpu.memory_space<vmem>>
      %dma_wait3A_393 = tpu.memref_squeeze %dma_wait3A_392 : memref<1x128xi32, #tpu.memory_space<vmem>> -> memref<128xi32, #tpu.memory_space<vmem>>
      %dma_wait3A_394 = arith.constant 0 : i32
      %dma_wait3A_395 = arith.constant 0 : i32
      %dma_wait3A_396 = tpu.memref_slice %arg11[%dma_wait3A_394, %dma_wait3A_395] : memref<50176x16xf32, #tpu.memory_space<vmem_shared>> -> memref<50176x16xf32, #tpu.memory_space<vmem_shared>>
      tpu.wait_indirect_dma semaphore(%arg25 : memref<!tpu.dma_semaphore, #tpu.memory_space<semaphore_mem>>) src(%dma_wait3A_390 : memref<128x16xf32, #tpu.memory_space<vmem>>) dst(%dma_wait3A_396 : memref<50176x16xf32, #tpu.memory_space<vmem_shared>>)
      %dma_wait3A_397 = arith.constant 6 : i32
      %dma_wait3A_398 = arith.constant 6 : i32
      %dma_wait3A_399 = arith.constant 0 : i32
      %dma_wait3A_400 = arith.constant 0 : i32
      %dma_wait3A_401 = tpu.memref_slice %arg9[%dma_wait3A_397, %dma_wait3A_399, %dma_wait3A_400] : memref<8x128x16xf32, #tpu.memory_space<vmem>> -> memref<1x128x16xf32, #tpu.memory_space<vmem>>
      %dma_wait3A_402 = tpu.memref_squeeze %dma_wait3A_401 : memref<1x128x16xf32, #tpu.memory_space<vmem>> -> memref<128x16xf32, #tpu.memory_space<vmem>>
      %dma_wait3A_403 = arith.constant 0 : i32
      %dma_wait3A_404 = tpu.memref_slice %arg8[%dma_wait3A_398, %dma_wait3A_403] : memref<8x128xi32, #tpu.memory_space<vmem>> -> memref<1x128xi32, #tpu.memory_space<vmem>>
      %dma_wait3A_405 = tpu.memref_squeeze %dma_wait3A_404 : memref<1x128xi32, #tpu.memory_space<vmem>> -> memref<128xi32, #tpu.memory_space<vmem>>
      %dma_wait3A_406 = arith.constant 0 : i32
      %dma_wait3A_407 = arith.constant 0 : i32
      %dma_wait3A_408 = tpu.memref_slice %arg11[%dma_wait3A_406, %dma_wait3A_407] : memref<50176x16xf32, #tpu.memory_space<vmem_shared>> -> memref<50176x16xf32, #tpu.memory_space<vmem_shared>>
      tpu.wait_indirect_dma semaphore(%arg26 : memref<!tpu.dma_semaphore, #tpu.memory_space<semaphore_mem>>) src(%dma_wait3A_402 : memref<128x16xf32, #tpu.memory_space<vmem>>) dst(%dma_wait3A_408 : memref<50176x16xf32, #tpu.memory_space<vmem_shared>>)
      %dma_wait3A_409 = arith.constant 7 : i32
      %dma_wait3A_410 = arith.constant 7 : i32
      %dma_wait3A_411 = arith.constant 0 : i32
      %dma_wait3A_412 = arith.constant 0 : i32
      %dma_wait3A_413 = tpu.memref_slice %arg9[%dma_wait3A_409, %dma_wait3A_411, %dma_wait3A_412] : memref<8x128x16xf32, #tpu.memory_space<vmem>> -> memref<1x128x16xf32, #tpu.memory_space<vmem>>
      %dma_wait3A_414 = tpu.memref_squeeze %dma_wait3A_413 : memref<1x128x16xf32, #tpu.memory_space<vmem>> -> memref<128x16xf32, #tpu.memory_space<vmem>>
      %dma_wait3A_415 = arith.constant 0 : i32
      %dma_wait3A_416 = tpu.memref_slice %arg8[%dma_wait3A_410, %dma_wait3A_415] : memref<8x128xi32, #tpu.memory_space<vmem>> -> memref<1x128xi32, #tpu.memory_space<vmem>>
      %dma_wait3A_417 = tpu.memref_squeeze %dma_wait3A_416 : memref<1x128xi32, #tpu.memory_space<vmem>> -> memref<128xi32, #tpu.memory_space<vmem>>
      %dma_wait3A_418 = arith.constant 0 : i32
      %dma_wait3A_419 = arith.constant 0 : i32
      %dma_wait3A_420 = tpu.memref_slice %arg11[%dma_wait3A_418, %dma_wait3A_419] : memref<50176x16xf32, #tpu.memory_space<vmem_shared>> -> memref<50176x16xf32, #tpu.memory_space<vmem_shared>>
      tpu.wait_indirect_dma semaphore(%arg27 : memref<!tpu.dma_semaphore, #tpu.memory_space<semaphore_mem>>) src(%dma_wait3A_414 : memref<128x16xf32, #tpu.memory_space<vmem>>) dst(%dma_wait3A_420 : memref<50176x16xf32, #tpu.memory_space<vmem_shared>>)
    }
    %scan3A_21 = arith.constant 25 : i32
    %barrier3A_22 = arith.constant 0 : index
    tpu.barrier barrier_id(%barrier3A_22)
    %scan3A_23 = arith.constant 0 : i32
    %scan3A_24 = arith.constant 0 : i32
    %scan3A_25 = arith.constant 28 : i32
    %scan3A_26 = arith.addi %scan3A_24, %scan3A_25 : i32
    %scan3A_27 = arith.constant 1 : i32
    scf.for %scan3A_29 = %scan3A_24 to %scan3A_26 step %scan3A_27  : i32 {
      %mul3A_30 = arith.constant 112 : i32
      %mul3A_31 = arith.muli %scan3A_29, %mul3A_30 : i32
      %add3A_32 = arith.addi %mul3A_5, %mul3A_31 : i32
      %mul3A_33 = arith.constant 112 : i32
      %mul3A_34 = arith.muli %scan3A_29, %mul3A_33 : i32
      %add3A_35 = arith.addi %mul3A_5, %mul3A_34 : i32
      %mul3A_36 = arith.constant 16 : i32
      %mul3A_37 = arith.muli %arg0, %mul3A_36 : i32
      "tpu.region"() ({
        %run_scoped3A = tpu.sem_alloc : memref<!tpu.dma_semaphore, #tpu.memory_space<semaphore_mem>>
        %dma_start3A = tpu.memref_slice %arg5[%add3A_35, %mul3A_37] : memref<50176x32xf32, #tpu.memory_space<hbm>> -> memref<112x16xf32, #tpu.memory_space<hbm>>
        %dma_start3A_38 = arith.constant 0 : i32
        %dma_start3A_39 = tpu.memref_slice %arg11[%add3A_32, %dma_start3A_38] : memref<50176x16xf32, #tpu.memory_space<vmem_shared>> -> memref<112x16xf32, #tpu.memory_space<vmem_shared>>
        tpu.enqueue_dma source(%dma_start3A_39 : memref<112x16xf32, #tpu.memory_space<vmem_shared>>) target(%dma_start3A : memref<112x16xf32, #tpu.memory_space<hbm>>) target_semaphore(%run_scoped3A : memref<!tpu.dma_semaphore, #tpu.memory_space<semaphore_mem>>)
        %dma_wait3A = tpu.memref_slice %arg5[%add3A_35, %mul3A_37] : memref<50176x32xf32, #tpu.memory_space<hbm>> -> memref<112x16xf32, #tpu.memory_space<hbm>>
        %dma_wait3A_40 = arith.constant 0 : i32
        %dma_wait3A_41 = tpu.memref_slice %arg11[%add3A_32, %dma_wait3A_40] : memref<50176x16xf32, #tpu.memory_space<vmem_shared>> -> memref<112x16xf32, #tpu.memory_space<vmem_shared>>
        tpu.wait_dma2 semaphore(%run_scoped3A : memref<!tpu.dma_semaphore, #tpu.memory_space<semaphore_mem>>) src(%dma_wait3A_41 : memref<112x16xf32, #tpu.memory_space<vmem_shared>>) dst(%dma_wait3A : memref<112x16xf32, #tpu.memory_space<hbm>>)
        tpu.yield
      }) : () -> ()
    }
    %scan3A_28 = arith.constant 28 : i32
    return
  }
}

#map = affine_map<(d0, d1) -> (0, 0)>
module attributes {stable_mosaic.version = 14 : i64} {
  func.func @k(%arg0: i32, %arg1: i32, %arg2: memref<100000x32xf32, #tpu.memory_space<hbm>>, %arg3: memref<6400x128xi32, #tpu.memory_space<hbm>>, %arg4: memref<6400x128xi32, #tpu.memory_space<hbm>>, %arg5: memref<50176x64xf32, #tpu.memory_space<hbm>>, %arg6: memref<16x128xi32, #tpu.memory_space<vmem>>, %arg7: memref<16x128xi32, #tpu.memory_space<vmem>>, %arg8: memref<16x128xi32, #tpu.memory_space<vmem>>, %arg9: memref<4x128x32xf32, #tpu.memory_space<vmem>>, %arg10: memref<112x32xf32, #tpu.memory_space<vmem>>, %arg11: memref<50176x32xf32, #tpu.memory_space<vmem_shared>>, %arg12: memref<!tpu.dma_semaphore, #tpu.memory_space<semaphore_mem>>, %arg13: memref<!tpu.dma_semaphore, #tpu.memory_space<semaphore_mem>>, %arg14: memref<!tpu.dma_semaphore, #tpu.memory_space<semaphore_mem>>, %arg15: memref<!tpu.dma_semaphore, #tpu.memory_space<semaphore_mem>>, %arg16: memref<!tpu.dma_semaphore, #tpu.memory_space<semaphore_mem>>, %arg17: memref<!tpu.dma_semaphore, #tpu.memory_space<semaphore_mem>>, %arg18: memref<!tpu.dma_semaphore, #tpu.memory_space<semaphore_mem>>, %arg19: memref<!tpu.dma_semaphore, #tpu.memory_space<semaphore_mem>>) attributes {dimension_semantics = [#tpu.dimension_semantics<core_parallel>, #tpu.dimension_semantics<subcore_parallel>], iteration_bounds = array<i64: 2, 16>, scalar_prefetch = 0 : i64, scratch_operands = 14 : i64, tpu.core_type = #tpu.core_type<sc_vector_subcore>, window_params = [{transform_indices = #map}, {transform_indices = #map}, {transform_indices = #map}, {transform_indices = #map}]} {
    %scan3A = arith.constant 0 : i32
    %scan3A_0 = arith.constant 0 : i32
    %scan3A_1 = arith.constant 112 : i32
    %scan3A_2 = arith.addi %scan3A_0, %scan3A_1 : i32
    %scan3A_3 = arith.constant 1 : i32
    scf.for %scan3A_27 = %scan3A_0 to %scan3A_2 step %scan3A_3  : i32 {
      %broadcast_in_dim3A = arith.constant 0.000000e+00 : f32
      %broadcast_in_dim3A_28 = vector.broadcast %broadcast_in_dim3A : f32 to vector<16xf32>
      %swap3A = arith.index_cast %scan3A_27 : i32 to index
      %swap3A_29 = arith.constant 0 : index
      %swap3A_30 = tpu.vector_load %arg10[%swap3A, %swap3A_29] {strides = array<i32>} : memref<112x32xf32, #tpu.memory_space<vmem>>, vector<1x16xf32>,
      %swap3A_31 = vector.shape_cast %swap3A_30 : vector<1x16xf32> to vector<16xf32>
      %swap3A_32 = vector.shape_cast %broadcast_in_dim3A_28 : vector<16xf32> to vector<1x16xf32>
      tpu.vector_store %arg10[%swap3A, %swap3A_29], %swap3A_32 {strides = array<i32>} : memref<112x32xf32, #tpu.memory_space<vmem>>, vector<1x16xf32>,
      %broadcast_in_dim3A_33 = arith.constant 0.000000e+00 : f32
      %broadcast_in_dim3A_34 = vector.broadcast %broadcast_in_dim3A_33 : f32 to vector<16xf32>
      %swap3A_35 = arith.index_cast %scan3A_27 : i32 to index
      %swap3A_36 = arith.constant 16 : index
      %swap3A_37 = tpu.vector_load %arg10[%swap3A_35, %swap3A_36] {strides = array<i32>} : memref<112x32xf32, #tpu.memory_space<vmem>>, vector<1x16xf32>,
      %swap3A_38 = vector.shape_cast %swap3A_37 : vector<1x16xf32> to vector<16xf32>
      %swap3A_39 = vector.shape_cast %broadcast_in_dim3A_34 : vector<16xf32> to vector<1x16xf32>
      tpu.vector_store %arg10[%swap3A_35, %swap3A_36], %swap3A_39 {strides = array<i32>} : memref<112x32xf32, #tpu.memory_space<vmem>>, vector<1x16xf32>,
    }
    %scan3A_4 = arith.constant 112 : i32
    %mul3A = arith.constant 3136 : i32
    %mul3A_5 = arith.muli %arg1, %mul3A : i32
    %scan3A_6 = arith.constant 0 : i32
    %scan3A_7 = arith.constant 0 : i32
    %scan3A_8 = arith.constant 28 : i32
    %scan3A_9 = arith.addi %scan3A_7, %scan3A_8 : i32
    %scan3A_10 = arith.constant 1 : i32
    scf.for %scan3A_27 = %scan3A_7 to %scan3A_9 step %scan3A_10  : i32 {
      %mul3A_28 = arith.constant 112 : i32
      %mul3A_29 = arith.muli %scan3A_27, %mul3A_28 : i32
      %add3A = arith.addi %mul3A_5, %mul3A_29 : i32
      "tpu.region"() ({
        %run_scoped3A = tpu.sem_alloc : memref<!tpu.dma_semaphore, #tpu.memory_space<semaphore_mem>>
        %dma_start3A = arith.constant 0 : i32
        %dma_start3A_30 = tpu.memref_slice %arg11[%add3A, %dma_start3A] : memref<50176x32xf32, #tpu.memory_space<vmem_shared>> -> memref<112x32xf32, #tpu.memory_space<vmem_shared>>
        %dma_start3A_31 = arith.constant 0 : i32
        %dma_start3A_32 = tpu.memref_slice %arg11[%add3A, %dma_start3A_31] : memref<50176x32xf32, #tpu.memory_space<vmem_shared>> -> memref<112x32xf32, #tpu.memory_space<vmem_shared>>
        tpu.enqueue_dma source(%arg10 : memref<112x32xf32, #tpu.memory_space<vmem>>) target(%dma_start3A_32 : memref<112x32xf32, #tpu.memory_space<vmem_shared>>) target_semaphore(%run_scoped3A : memref<!tpu.dma_semaphore, #tpu.memory_space<semaphore_mem>>)
        %dma_wait3A = arith.constant 0 : i32
        %dma_wait3A_33 = tpu.memref_slice %arg11[%add3A, %dma_wait3A] : memref<50176x32xf32, #tpu.memory_space<vmem_shared>> -> memref<112x32xf32, #tpu.memory_space<vmem_shared>>
        %dma_wait3A_34 = arith.constant 0 : i32
        %dma_wait3A_35 = tpu.memref_slice %arg11[%add3A, %dma_wait3A_34] : memref<50176x32xf32, #tpu.memory_space<vmem_shared>> -> memref<112x32xf32, #tpu.memory_space<vmem_shared>>
        tpu.wait_dma2 semaphore(%run_scoped3A : memref<!tpu.dma_semaphore, #tpu.memory_space<semaphore_mem>>) src(%arg10 : memref<112x32xf32, #tpu.memory_space<vmem>>) dst(%dma_wait3A_35 : memref<112x32xf32, #tpu.memory_space<vmem_shared>>)
        tpu.yield
      }) : () -> ()
    }
    %scan3A_11 = arith.constant 28 : i32
    %barrier3A = arith.constant 0 : index
    tpu.barrier barrier_id(%barrier3A)
    %mul3A_12 = arith.constant 400 : i32
    %mul3A_13 = arith.muli %arg1, %mul3A_12 : i32
    %scan3A_14 = arith.constant 0 : i32
    %scan3A_15 = arith.constant 0 : i32
    %scan3A_16 = arith.constant 25 : i32
    %scan3A_17 = arith.addi %scan3A_15, %scan3A_16 : i32
    %scan3A_18 = arith.constant 1 : i32
    scf.for %scan3A_27 = %scan3A_15 to %scan3A_17 step %scan3A_18  : i32 {
      %mul3A_28 = arith.constant 16 : i32
      %mul3A_29 = arith.muli %scan3A_27, %mul3A_28 : i32
      %add3A = arith.addi %mul3A_13, %mul3A_29 : i32
      "tpu.region"() ({
        %run_scoped3A = tpu.sem_alloc : memref<!tpu.dma_semaphore, #tpu.memory_space<semaphore_mem>>
        %dma_start3A_804 = arith.constant 0 : i32
        %dma_start3A_805 = tpu.memref_slice %arg3[%add3A, %dma_start3A_804] : memref<6400x128xi32, #tpu.memory_space<hbm>> -> memref<16x128xi32, #tpu.memory_space<hbm>>
        %dma_start3A_806 = arith.constant 0 : i32
        %dma_start3A_807 = tpu.memref_slice %arg3[%add3A, %dma_start3A_806] : memref<6400x128xi32, #tpu.memory_space<hbm>> -> memref<16x128xi32, #tpu.memory_space<hbm>>
        tpu.enqueue_dma source(%dma_start3A_807 : memref<16x128xi32, #tpu.memory_space<hbm>>) target(%arg6 : memref<16x128xi32, #tpu.memory_space<vmem>>) target_semaphore(%run_scoped3A : memref<!tpu.dma_semaphore, #tpu.memory_space<semaphore_mem>>)
        %dma_wait3A_808 = arith.constant 0 : i32
        %dma_wait3A_809 = tpu.memref_slice %arg3[%add3A, %dma_wait3A_808] : memref<6400x128xi32, #tpu.memory_space<hbm>> -> memref<16x128xi32, #tpu.memory_space<hbm>>
        %dma_wait3A_810 = arith.constant 0 : i32
        %dma_wait3A_811 = tpu.memref_slice %arg3[%add3A, %dma_wait3A_810] : memref<6400x128xi32, #tpu.memory_space<hbm>> -> memref<16x128xi32, #tpu.memory_space<hbm>>
        tpu.wait_dma2 semaphore(%run_scoped3A : memref<!tpu.dma_semaphore, #tpu.memory_space<semaphore_mem>>) src(%dma_wait3A_811 : memref<16x128xi32, #tpu.memory_space<hbm>>) dst(%arg6 : memref<16x128xi32, #tpu.memory_space<vmem>>)
        tpu.yield
      }) : () -> ()
      "tpu.region"() ({
        %run_scoped3A = tpu.sem_alloc : memref<!tpu.dma_semaphore, #tpu.memory_space<semaphore_mem>>
        %dma_start3A_804 = arith.constant 0 : i32
        %dma_start3A_805 = tpu.memref_slice %arg4[%add3A, %dma_start3A_804] : memref<6400x128xi32, #tpu.memory_space<hbm>> -> memref<16x128xi32, #tpu.memory_space<hbm>>
        %dma_start3A_806 = arith.constant 0 : i32
        %dma_start3A_807 = tpu.memref_slice %arg4[%add3A, %dma_start3A_806] : memref<6400x128xi32, #tpu.memory_space<hbm>> -> memref<16x128xi32, #tpu.memory_space<hbm>>
        tpu.enqueue_dma source(%dma_start3A_807 : memref<16x128xi32, #tpu.memory_space<hbm>>) target(%arg8 : memref<16x128xi32, #tpu.memory_space<vmem>>) target_semaphore(%run_scoped3A : memref<!tpu.dma_semaphore, #tpu.memory_space<semaphore_mem>>)
        %dma_wait3A_808 = arith.constant 0 : i32
        %dma_wait3A_809 = tpu.memref_slice %arg4[%add3A, %dma_wait3A_808] : memref<6400x128xi32, #tpu.memory_space<hbm>> -> memref<16x128xi32, #tpu.memory_space<hbm>>
        %dma_wait3A_810 = arith.constant 0 : i32
        %dma_wait3A_811 = tpu.memref_slice %arg4[%add3A, %dma_wait3A_810] : memref<6400x128xi32, #tpu.memory_space<hbm>> -> memref<16x128xi32, #tpu.memory_space<hbm>>
        tpu.wait_dma2 semaphore(%run_scoped3A : memref<!tpu.dma_semaphore, #tpu.memory_space<semaphore_mem>>) src(%dma_wait3A_811 : memref<16x128xi32, #tpu.memory_space<hbm>>) dst(%arg8 : memref<16x128xi32, #tpu.memory_space<vmem>>)
        tpu.yield
      }) : () -> ()
      %add3A_30 = arith.constant 0 : i32
      %add3A_31 = arith.addi %add3A_30, %arg0 : i32
      %scan3A_32 = arith.constant 0 : i32
      %scan3A_33 = arith.constant 0 : i32
      %scan3A_34 = arith.constant 16 : i32
      %scan3A_35 = arith.addi %scan3A_33, %scan3A_34 : i32
      %scan3A_36 = arith.constant 1 : i32
      scf.for %scan3A_804 = %scan3A_33 to %scan3A_35 step %scan3A_36  : i32 {
        %get3A = arith.index_cast %scan3A_804 : i32 to index
        %get3A_805 = arith.constant 0 : index
        %get3A_806 = tpu.vector_load %arg6[%get3A, %get3A_805] {strides = array<i32>} : memref<16x128xi32, #tpu.memory_space<vmem>>, vector<1x16xi32>,
        %get3A_807 = vector.shape_cast %get3A_806 : vector<1x16xi32> to vector<16xi32>
        %mul3A_808 = arith.constant 2 : i32
        %mul3A_809 = vector.broadcast %mul3A_808 : i32 to vector<16xi32>
        %mul3A_810 = arith.muli %get3A_807, %mul3A_809 : vector<16xi32>
        %add3A_811 = vector.broadcast %add3A_31 : i32 to vector<16xi32>
        %add3A_812 = arith.addi %mul3A_810, %add3A_811 : vector<16xi32>
        %swap3A = arith.index_cast %scan3A_804 : i32 to index
        %swap3A_813 = arith.constant 0 : index
        %swap3A_814 = tpu.vector_load %arg7[%swap3A, %swap3A_813] {strides = array<i32>} : memref<16x128xi32, #tpu.memory_space<vmem>>, vector<1x16xi32>,
        %swap3A_815 = vector.shape_cast %swap3A_814 : vector<1x16xi32> to vector<16xi32>
        %swap3A_816 = vector.shape_cast %add3A_812 : vector<16xi32> to vector<1x16xi32>
        tpu.vector_store %arg7[%swap3A, %swap3A_813], %swap3A_816 {strides = array<i32>} : memref<16x128xi32, #tpu.memory_space<vmem>>, vector<1x16xi32>,
        %get3A_817 = arith.index_cast %scan3A_804 : i32 to index
        %get3A_818 = arith.constant 16 : index
        %get3A_819 = tpu.vector_load %arg6[%get3A_817, %get3A_818] {strides = array<i32>} : memref<16x128xi32, #tpu.memory_space<vmem>>, vector<1x16xi32>,
        %get3A_820 = vector.shape_cast %get3A_819 : vector<1x16xi32> to vector<16xi32>
        %mul3A_821 = arith.constant 2 : i32
        %mul3A_822 = vector.broadcast %mul3A_821 : i32 to vector<16xi32>
        %mul3A_823 = arith.muli %get3A_820, %mul3A_822 : vector<16xi32>
        %add3A_824 = vector.broadcast %add3A_31 : i32 to vector<16xi32>
        %add3A_825 = arith.addi %mul3A_823, %add3A_824 : vector<16xi32>
        %swap3A_826 = arith.index_cast %scan3A_804 : i32 to index
        %swap3A_827 = arith.constant 16 : index
        %swap3A_828 = tpu.vector_load %arg7[%swap3A_826, %swap3A_827] {strides = array<i32>} : memref<16x128xi32, #tpu.memory_space<vmem>>, vector<1x16xi32>,
        %swap3A_829 = vector.shape_cast %swap3A_828 : vector<1x16xi32> to vector<16xi32>
        %swap3A_830 = vector.shape_cast %add3A_825 : vector<16xi32> to vector<1x16xi32>
        tpu.vector_store %arg7[%swap3A_826, %swap3A_827], %swap3A_830 {strides = array<i32>} : memref<16x128xi32, #tpu.memory_space<vmem>>, vector<1x16xi32>,
        %get3A_831 = arith.index_cast %scan3A_804 : i32 to index
        %get3A_832 = arith.constant 32 : index
        %get3A_833 = tpu.vector_load %arg6[%get3A_831, %get3A_832] {strides = array<i32>} : memref<16x128xi32, #tpu.memory_space<vmem>>, vector<1x16xi32>,
        %get3A_834 = vector.shape_cast %get3A_833 : vector<1x16xi32> to vector<16xi32>
        %mul3A_835 = arith.constant 2 : i32
        %mul3A_836 = vector.broadcast %mul3A_835 : i32 to vector<16xi32>
        %mul3A_837 = arith.muli %get3A_834, %mul3A_836 : vector<16xi32>
        %add3A_838 = vector.broadcast %add3A_31 : i32 to vector<16xi32>
        %add3A_839 = arith.addi %mul3A_837, %add3A_838 : vector<16xi32>
        %swap3A_840 = arith.index_cast %scan3A_804 : i32 to index
        %swap3A_841 = arith.constant 32 : index
        %swap3A_842 = tpu.vector_load %arg7[%swap3A_840, %swap3A_841] {strides = array<i32>} : memref<16x128xi32, #tpu.memory_space<vmem>>, vector<1x16xi32>,
        %swap3A_843 = vector.shape_cast %swap3A_842 : vector<1x16xi32> to vector<16xi32>
        %swap3A_844 = vector.shape_cast %add3A_839 : vector<16xi32> to vector<1x16xi32>
        tpu.vector_store %arg7[%swap3A_840, %swap3A_841], %swap3A_844 {strides = array<i32>} : memref<16x128xi32, #tpu.memory_space<vmem>>, vector<1x16xi32>,
        %get3A_845 = arith.index_cast %scan3A_804 : i32 to index
        %get3A_846 = arith.constant 48 : index
        %get3A_847 = tpu.vector_load %arg6[%get3A_845, %get3A_846] {strides = array<i32>} : memref<16x128xi32, #tpu.memory_space<vmem>>, vector<1x16xi32>,
        %get3A_848 = vector.shape_cast %get3A_847 : vector<1x16xi32> to vector<16xi32>
        %mul3A_849 = arith.constant 2 : i32
        %mul3A_850 = vector.broadcast %mul3A_849 : i32 to vector<16xi32>
        %mul3A_851 = arith.muli %get3A_848, %mul3A_850 : vector<16xi32>
        %add3A_852 = vector.broadcast %add3A_31 : i32 to vector<16xi32>
        %add3A_853 = arith.addi %mul3A_851, %add3A_852 : vector<16xi32>
        %swap3A_854 = arith.index_cast %scan3A_804 : i32 to index
        %swap3A_855 = arith.constant 48 : index
        %swap3A_856 = tpu.vector_load %arg7[%swap3A_854, %swap3A_855] {strides = array<i32>} : memref<16x128xi32, #tpu.memory_space<vmem>>, vector<1x16xi32>,
        %swap3A_857 = vector.shape_cast %swap3A_856 : vector<1x16xi32> to vector<16xi32>
        %swap3A_858 = vector.shape_cast %add3A_853 : vector<16xi32> to vector<1x16xi32>
        tpu.vector_store %arg7[%swap3A_854, %swap3A_855], %swap3A_858 {strides = array<i32>} : memref<16x128xi32, #tpu.memory_space<vmem>>, vector<1x16xi32>,
        %get3A_859 = arith.index_cast %scan3A_804 : i32 to index
        %get3A_860 = arith.constant 64 : index
        %get3A_861 = tpu.vector_load %arg6[%get3A_859, %get3A_860] {strides = array<i32>} : memref<16x128xi32, #tpu.memory_space<vmem>>, vector<1x16xi32>,
        %get3A_862 = vector.shape_cast %get3A_861 : vector<1x16xi32> to vector<16xi32>
        %mul3A_863 = arith.constant 2 : i32
        %mul3A_864 = vector.broadcast %mul3A_863 : i32 to vector<16xi32>
        %mul3A_865 = arith.muli %get3A_862, %mul3A_864 : vector<16xi32>
        %add3A_866 = vector.broadcast %add3A_31 : i32 to vector<16xi32>
        %add3A_867 = arith.addi %mul3A_865, %add3A_866 : vector<16xi32>
        %swap3A_868 = arith.index_cast %scan3A_804 : i32 to index
        %swap3A_869 = arith.constant 64 : index
        %swap3A_870 = tpu.vector_load %arg7[%swap3A_868, %swap3A_869] {strides = array<i32>} : memref<16x128xi32, #tpu.memory_space<vmem>>, vector<1x16xi32>,
        %swap3A_871 = vector.shape_cast %swap3A_870 : vector<1x16xi32> to vector<16xi32>
        %swap3A_872 = vector.shape_cast %add3A_867 : vector<16xi32> to vector<1x16xi32>
        tpu.vector_store %arg7[%swap3A_868, %swap3A_869], %swap3A_872 {strides = array<i32>} : memref<16x128xi32, #tpu.memory_space<vmem>>, vector<1x16xi32>,
        %get3A_873 = arith.index_cast %scan3A_804 : i32 to index
        %get3A_874 = arith.constant 80 : index
        %get3A_875 = tpu.vector_load %arg6[%get3A_873, %get3A_874] {strides = array<i32>} : memref<16x128xi32, #tpu.memory_space<vmem>>, vector<1x16xi32>,
        %get3A_876 = vector.shape_cast %get3A_875 : vector<1x16xi32> to vector<16xi32>
        %mul3A_877 = arith.constant 2 : i32
        %mul3A_878 = vector.broadcast %mul3A_877 : i32 to vector<16xi32>
        %mul3A_879 = arith.muli %get3A_876, %mul3A_878 : vector<16xi32>
        %add3A_880 = vector.broadcast %add3A_31 : i32 to vector<16xi32>
        %add3A_881 = arith.addi %mul3A_879, %add3A_880 : vector<16xi32>
        %swap3A_882 = arith.index_cast %scan3A_804 : i32 to index
        %swap3A_883 = arith.constant 80 : index
        %swap3A_884 = tpu.vector_load %arg7[%swap3A_882, %swap3A_883] {strides = array<i32>} : memref<16x128xi32, #tpu.memory_space<vmem>>, vector<1x16xi32>,
        %swap3A_885 = vector.shape_cast %swap3A_884 : vector<1x16xi32> to vector<16xi32>
        %swap3A_886 = vector.shape_cast %add3A_881 : vector<16xi32> to vector<1x16xi32>
        tpu.vector_store %arg7[%swap3A_882, %swap3A_883], %swap3A_886 {strides = array<i32>} : memref<16x128xi32, #tpu.memory_space<vmem>>, vector<1x16xi32>,
        %get3A_887 = arith.index_cast %scan3A_804 : i32 to index
        %get3A_888 = arith.constant 96 : index
        %get3A_889 = tpu.vector_load %arg6[%get3A_887, %get3A_888] {strides = array<i32>} : memref<16x128xi32, #tpu.memory_space<vmem>>, vector<1x16xi32>,
        %get3A_890 = vector.shape_cast %get3A_889 : vector<1x16xi32> to vector<16xi32>
        %mul3A_891 = arith.constant 2 : i32
        %mul3A_892 = vector.broadcast %mul3A_891 : i32 to vector<16xi32>
        %mul3A_893 = arith.muli %get3A_890, %mul3A_892 : vector<16xi32>
        %add3A_894 = vector.broadcast %add3A_31 : i32 to vector<16xi32>
        %add3A_895 = arith.addi %mul3A_893, %add3A_894 : vector<16xi32>
        %swap3A_896 = arith.index_cast %scan3A_804 : i32 to index
        %swap3A_897 = arith.constant 96 : index
        %swap3A_898 = tpu.vector_load %arg7[%swap3A_896, %swap3A_897] {strides = array<i32>} : memref<16x128xi32, #tpu.memory_space<vmem>>, vector<1x16xi32>,
        %swap3A_899 = vector.shape_cast %swap3A_898 : vector<1x16xi32> to vector<16xi32>
        %swap3A_900 = vector.shape_cast %add3A_895 : vector<16xi32> to vector<1x16xi32>
        tpu.vector_store %arg7[%swap3A_896, %swap3A_897], %swap3A_900 {strides = array<i32>} : memref<16x128xi32, #tpu.memory_space<vmem>>, vector<1x16xi32>,
        %get3A_901 = arith.index_cast %scan3A_804 : i32 to index
        %get3A_902 = arith.constant 112 : index
        %get3A_903 = tpu.vector_load %arg6[%get3A_901, %get3A_902] {strides = array<i32>} : memref<16x128xi32, #tpu.memory_space<vmem>>, vector<1x16xi32>,
        %get3A_904 = vector.shape_cast %get3A_903 : vector<1x16xi32> to vector<16xi32>
        %mul3A_905 = arith.constant 2 : i32
        %mul3A_906 = vector.broadcast %mul3A_905 : i32 to vector<16xi32>
        %mul3A_907 = arith.muli %get3A_904, %mul3A_906 : vector<16xi32>
        %add3A_908 = vector.broadcast %add3A_31 : i32 to vector<16xi32>
        %add3A_909 = arith.addi %mul3A_907, %add3A_908 : vector<16xi32>
        %swap3A_910 = arith.index_cast %scan3A_804 : i32 to index
        %swap3A_911 = arith.constant 112 : index
        %swap3A_912 = tpu.vector_load %arg7[%swap3A_910, %swap3A_911] {strides = array<i32>} : memref<16x128xi32, #tpu.memory_space<vmem>>, vector<1x16xi32>,
        %swap3A_913 = vector.shape_cast %swap3A_912 : vector<1x16xi32> to vector<16xi32>
        %swap3A_914 = vector.shape_cast %add3A_909 : vector<16xi32> to vector<1x16xi32>
        tpu.vector_store %arg7[%swap3A_910, %swap3A_911], %swap3A_914 {strides = array<i32>} : memref<16x128xi32, #tpu.memory_space<vmem>>, vector<1x16xi32>,
      }
      %scan3A_37 = arith.constant 16 : i32
      %dma_start3A = arith.constant 0 : i32
      %dma_start3A_38 = arith.constant 0 : i32
      %dma_start3A_39 = arith.constant 0 : i32
      %dma_start3A_40 = arith.constant 0 : i32
      %dma_start3A_41 = tpu.memref_slice %arg9[%dma_start3A_38, %dma_start3A_39, %dma_start3A_40] : memref<4x128x32xf32, #tpu.memory_space<vmem>> -> memref<1x128x32xf32, #tpu.memory_space<vmem>>
      %dma_start3A_42 = tpu.memref_squeeze %dma_start3A_41 : memref<1x128x32xf32, #tpu.memory_space<vmem>> -> memref<128x32xf32, #tpu.memory_space<vmem>>
      %dma_start3A_43 = arith.constant 0 : i32
      %dma_start3A_44 = tpu.memref_slice %arg7[%dma_start3A, %dma_start3A_43] : memref<16x128xi32, #tpu.memory_space<vmem>> -> memref<1x128xi32, #tpu.memory_space<vmem>>
      %dma_start3A_45 = tpu.memref_squeeze %dma_start3A_44 : memref<1x128xi32, #tpu.memory_space<vmem>> -> memref<128xi32, #tpu.memory_space<vmem>>
      %dma_start3A_46 = arith.constant 0 : i32
      %dma_start3A_47 = arith.constant 0 : i32
      %dma_start3A_48 = tpu.memref_slice %arg2[%dma_start3A_46, %dma_start3A_47] : memref<100000x32xf32, #tpu.memory_space<hbm>> -> memref<100000x32xf32, #tpu.memory_space<hbm>>
      tpu.enqueue_indirect_dma source(%dma_start3A_48 : memref<100000x32xf32, #tpu.memory_space<hbm>>) target(%dma_start3A_42 : memref<128x32xf32, #tpu.memory_space<vmem>>) offsets(%dma_start3A_45 : memref<128xi32, #tpu.memory_space<vmem>>) semaphore(%arg12 : memref<!tpu.dma_semaphore, #tpu.memory_space<semaphore_mem>>)
      %dma_start3A_49 = arith.constant 1 : i32
      %dma_start3A_50 = arith.constant 1 : i32
      %dma_start3A_51 = arith.constant 0 : i32
      %dma_start3A_52 = arith.constant 0 : i32
      %dma_start3A_53 = tpu.memref_slice %arg9[%dma_start3A_50, %dma_start3A_51, %dma_start3A_52] : memref<4x128x32xf32, #tpu.memory_space<vmem>> -> memref<1x128x32xf32, #tpu.memory_space<vmem>>
      %dma_start3A_54 = tpu.memref_squeeze %dma_start3A_53 : memref<1x128x32xf32, #tpu.memory_space<vmem>> -> memref<128x32xf32, #tpu.memory_space<vmem>>
      %dma_start3A_55 = arith.constant 0 : i32
      %dma_start3A_56 = tpu.memref_slice %arg7[%dma_start3A_49, %dma_start3A_55] : memref<16x128xi32, #tpu.memory_space<vmem>> -> memref<1x128xi32, #tpu.memory_space<vmem>>
      %dma_start3A_57 = tpu.memref_squeeze %dma_start3A_56 : memref<1x128xi32, #tpu.memory_space<vmem>> -> memref<128xi32, #tpu.memory_space<vmem>>
      %dma_start3A_58 = arith.constant 0 : i32
      %dma_start3A_59 = arith.constant 0 : i32
      %dma_start3A_60 = tpu.memref_slice %arg2[%dma_start3A_58, %dma_start3A_59] : memref<100000x32xf32, #tpu.memory_space<hbm>> -> memref<100000x32xf32, #tpu.memory_space<hbm>>
      tpu.enqueue_indirect_dma source(%dma_start3A_60 : memref<100000x32xf32, #tpu.memory_space<hbm>>) target(%dma_start3A_54 : memref<128x32xf32, #tpu.memory_space<vmem>>) offsets(%dma_start3A_57 : memref<128xi32, #tpu.memory_space<vmem>>) semaphore(%arg13 : memref<!tpu.dma_semaphore, #tpu.memory_space<semaphore_mem>>)
      %dma_start3A_61 = arith.constant 2 : i32
      %dma_start3A_62 = arith.constant 2 : i32
      %dma_start3A_63 = arith.constant 0 : i32
      %dma_start3A_64 = arith.constant 0 : i32
      %dma_start3A_65 = tpu.memref_slice %arg9[%dma_start3A_62, %dma_start3A_63, %dma_start3A_64] : memref<4x128x32xf32, #tpu.memory_space<vmem>> -> memref<1x128x32xf32, #tpu.memory_space<vmem>>
      %dma_start3A_66 = tpu.memref_squeeze %dma_start3A_65 : memref<1x128x32xf32, #tpu.memory_space<vmem>> -> memref<128x32xf32, #tpu.memory_space<vmem>>
      %dma_start3A_67 = arith.constant 0 : i32
      %dma_start3A_68 = tpu.memref_slice %arg7[%dma_start3A_61, %dma_start3A_67] : memref<16x128xi32, #tpu.memory_space<vmem>> -> memref<1x128xi32, #tpu.memory_space<vmem>>
      %dma_start3A_69 = tpu.memref_squeeze %dma_start3A_68 : memref<1x128xi32, #tpu.memory_space<vmem>> -> memref<128xi32, #tpu.memory_space<vmem>>
      %dma_start3A_70 = arith.constant 0 : i32
      %dma_start3A_71 = arith.constant 0 : i32
      %dma_start3A_72 = tpu.memref_slice %arg2[%dma_start3A_70, %dma_start3A_71] : memref<100000x32xf32, #tpu.memory_space<hbm>> -> memref<100000x32xf32, #tpu.memory_space<hbm>>
      tpu.enqueue_indirect_dma source(%dma_start3A_72 : memref<100000x32xf32, #tpu.memory_space<hbm>>) target(%dma_start3A_66 : memref<128x32xf32, #tpu.memory_space<vmem>>) offsets(%dma_start3A_69 : memref<128xi32, #tpu.memory_space<vmem>>) semaphore(%arg14 : memref<!tpu.dma_semaphore, #tpu.memory_space<semaphore_mem>>)
      %dma_start3A_73 = arith.constant 3 : i32
      %dma_start3A_74 = arith.constant 3 : i32
      %dma_start3A_75 = arith.constant 0 : i32
      %dma_start3A_76 = arith.constant 0 : i32
      %dma_start3A_77 = tpu.memref_slice %arg9[%dma_start3A_74, %dma_start3A_75, %dma_start3A_76] : memref<4x128x32xf32, #tpu.memory_space<vmem>> -> memref<1x128x32xf32, #tpu.memory_space<vmem>>
      %dma_start3A_78 = tpu.memref_squeeze %dma_start3A_77 : memref<1x128x32xf32, #tpu.memory_space<vmem>> -> memref<128x32xf32, #tpu.memory_space<vmem>>
      %dma_start3A_79 = arith.constant 0 : i32
      %dma_start3A_80 = tpu.memref_slice %arg7[%dma_start3A_73, %dma_start3A_79] : memref<16x128xi32, #tpu.memory_space<vmem>> -> memref<1x128xi32, #tpu.memory_space<vmem>>
      %dma_start3A_81 = tpu.memref_squeeze %dma_start3A_80 : memref<1x128xi32, #tpu.memory_space<vmem>> -> memref<128xi32, #tpu.memory_space<vmem>>
      %dma_start3A_82 = arith.constant 0 : i32
      %dma_start3A_83 = arith.constant 0 : i32
      %dma_start3A_84 = tpu.memref_slice %arg2[%dma_start3A_82, %dma_start3A_83] : memref<100000x32xf32, #tpu.memory_space<hbm>> -> memref<100000x32xf32, #tpu.memory_space<hbm>>
      tpu.enqueue_indirect_dma source(%dma_start3A_84 : memref<100000x32xf32, #tpu.memory_space<hbm>>) target(%dma_start3A_78 : memref<128x32xf32, #tpu.memory_space<vmem>>) offsets(%dma_start3A_81 : memref<128xi32, #tpu.memory_space<vmem>>) semaphore(%arg15 : memref<!tpu.dma_semaphore, #tpu.memory_space<semaphore_mem>>)
      %dma_wait3A = arith.constant 0 : i32
      %dma_wait3A_85 = arith.constant 0 : i32
      %dma_wait3A_86 = arith.constant 0 : i32
      %dma_wait3A_87 = arith.constant 0 : i32
      %dma_wait3A_88 = tpu.memref_slice %arg9[%dma_wait3A_85, %dma_wait3A_86, %dma_wait3A_87] : memref<4x128x32xf32, #tpu.memory_space<vmem>> -> memref<1x128x32xf32, #tpu.memory_space<vmem>>
      %dma_wait3A_89 = tpu.memref_squeeze %dma_wait3A_88 : memref<1x128x32xf32, #tpu.memory_space<vmem>> -> memref<128x32xf32, #tpu.memory_space<vmem>>
      %dma_wait3A_90 = arith.constant 0 : i32
      %dma_wait3A_91 = tpu.memref_slice %arg7[%dma_wait3A, %dma_wait3A_90] : memref<16x128xi32, #tpu.memory_space<vmem>> -> memref<1x128xi32, #tpu.memory_space<vmem>>
      %dma_wait3A_92 = tpu.memref_squeeze %dma_wait3A_91 : memref<1x128xi32, #tpu.memory_space<vmem>> -> memref<128xi32, #tpu.memory_space<vmem>>
      %dma_wait3A_93 = arith.constant 0 : i32
      %dma_wait3A_94 = arith.constant 0 : i32
      %dma_wait3A_95 = tpu.memref_slice %arg2[%dma_wait3A_93, %dma_wait3A_94] : memref<100000x32xf32, #tpu.memory_space<hbm>> -> memref<100000x32xf32, #tpu.memory_space<hbm>>
      tpu.wait_indirect_dma semaphore(%arg12 : memref<!tpu.dma_semaphore, #tpu.memory_space<semaphore_mem>>) src(%dma_wait3A_95 : memref<100000x32xf32, #tpu.memory_space<hbm>>) dst(%dma_wait3A_89 : memref<128x32xf32, #tpu.memory_space<vmem>>)
      %dma_start3A_96 = arith.constant 0 : i32
      %dma_start3A_97 = arith.constant 0 : i32
      %dma_start3A_98 = arith.constant 0 : i32
      %dma_start3A_99 = arith.constant 0 : i32
      %dma_start3A_100 = tpu.memref_slice %arg9[%dma_start3A_96, %dma_start3A_98, %dma_start3A_99] : memref<4x128x32xf32, #tpu.memory_space<vmem>> -> memref<1x128x32xf32, #tpu.memory_space<vmem>>
      %dma_start3A_101 = tpu.memref_squeeze %dma_start3A_100 : memref<1x128x32xf32, #tpu.memory_space<vmem>> -> memref<128x32xf32, #tpu.memory_space<vmem>>
      %dma_start3A_102 = arith.constant 0 : i32
      %dma_start3A_103 = tpu.memref_slice %arg8[%dma_start3A_97, %dma_start3A_102] : memref<16x128xi32, #tpu.memory_space<vmem>> -> memref<1x128xi32, #tpu.memory_space<vmem>>
      %dma_start3A_104 = tpu.memref_squeeze %dma_start3A_103 : memref<1x128xi32, #tpu.memory_space<vmem>> -> memref<128xi32, #tpu.memory_space<vmem>>
      %dma_start3A_105 = arith.constant 0 : i32
      %dma_start3A_106 = arith.constant 0 : i32
      %dma_start3A_107 = tpu.memref_slice %arg11[%dma_start3A_105, %dma_start3A_106] : memref<50176x32xf32, #tpu.memory_space<vmem_shared>> -> memref<50176x32xf32, #tpu.memory_space<vmem_shared>>
      tpu.enqueue_indirect_dma source(%dma_start3A_101 : memref<128x32xf32, #tpu.memory_space<vmem>>) target(%dma_start3A_107 : memref<50176x32xf32, #tpu.memory_space<vmem_shared>>) offsets(%dma_start3A_104 : memref<128xi32, #tpu.memory_space<vmem>>) semaphore(%arg16 : memref<!tpu.dma_semaphore, #tpu.memory_space<semaphore_mem>>) {add = true}
      %dma_wait3A_108 = arith.constant 0 : i32
      %dma_wait3A_109 = arith.constant 0 : i32
      %dma_wait3A_110 = arith.constant 0 : i32
      %dma_wait3A_111 = arith.constant 0 : i32
      %dma_wait3A_112 = tpu.memref_slice %arg9[%dma_wait3A_108, %dma_wait3A_110, %dma_wait3A_111] : memref<4x128x32xf32, #tpu.memory_space<vmem>> -> memref<1x128x32xf32, #tpu.memory_space<vmem>>
      %dma_wait3A_113 = tpu.memref_squeeze %dma_wait3A_112 : memref<1x128x32xf32, #tpu.memory_space<vmem>> -> memref<128x32xf32, #tpu.memory_space<vmem>>
      %dma_wait3A_114 = arith.constant 0 : i32
      %dma_wait3A_115 = tpu.memref_slice %arg8[%dma_wait3A_109, %dma_wait3A_114] : memref<16x128xi32, #tpu.memory_space<vmem>> -> memref<1x128xi32, #tpu.memory_space<vmem>>
      %dma_wait3A_116 = tpu.memref_squeeze %dma_wait3A_115 : memref<1x128xi32, #tpu.memory_space<vmem>> -> memref<128xi32, #tpu.memory_space<vmem>>
      %dma_wait3A_117 = arith.constant 0 : i32
      %dma_wait3A_118 = arith.constant 0 : i32
      %dma_wait3A_119 = tpu.memref_slice %arg11[%dma_wait3A_117, %dma_wait3A_118] : memref<50176x32xf32, #tpu.memory_space<vmem_shared>> -> memref<50176x32xf32, #tpu.memory_space<vmem_shared>>
      tpu.wait_indirect_dma semaphore(%arg16 : memref<!tpu.dma_semaphore, #tpu.memory_space<semaphore_mem>>) src(%dma_wait3A_113 : memref<128x32xf32, #tpu.memory_space<vmem>>) dst(%dma_wait3A_119 : memref<50176x32xf32, #tpu.memory_space<vmem_shared>>)
      %dma_start3A_120 = arith.constant 4 : i32
      %dma_start3A_121 = arith.constant 0 : i32
      %dma_start3A_122 = arith.constant 0 : i32
      %dma_start3A_123 = arith.constant 0 : i32
      %dma_start3A_124 = tpu.memref_slice %arg9[%dma_start3A_121, %dma_start3A_122, %dma_start3A_123] : memref<4x128x32xf32, #tpu.memory_space<vmem>> -> memref<1x128x32xf32, #tpu.memory_space<vmem>>
      %dma_start3A_125 = tpu.memref_squeeze %dma_start3A_124 : memref<1x128x32xf32, #tpu.memory_space<vmem>> -> memref<128x32xf32, #tpu.memory_space<vmem>>
      %dma_start3A_126 = arith.constant 0 : i32
      %dma_start3A_127 = tpu.memref_slice %arg7[%dma_start3A_120, %dma_start3A_126] : memref<16x128xi32, #tpu.memory_space<vmem>> -> memref<1x128xi32, #tpu.memory_space<vmem>>
      %dma_start3A_128 = tpu.memref_squeeze %dma_start3A_127 : memref<1x128xi32, #tpu.memory_space<vmem>> -> memref<128xi32, #tpu.memory_space<vmem>>
      %dma_start3A_129 = arith.constant 0 : i32
      %dma_start3A_130 = arith.constant 0 : i32
      %dma_start3A_131 = tpu.memref_slice %arg2[%dma_start3A_129, %dma_start3A_130] : memref<100000x32xf32, #tpu.memory_space<hbm>> -> memref<100000x32xf32, #tpu.memory_space<hbm>>
      tpu.enqueue_indirect_dma source(%dma_start3A_131 : memref<100000x32xf32, #tpu.memory_space<hbm>>) target(%dma_start3A_125 : memref<128x32xf32, #tpu.memory_space<vmem>>) offsets(%dma_start3A_128 : memref<128xi32, #tpu.memory_space<vmem>>) semaphore(%arg12 : memref<!tpu.dma_semaphore, #tpu.memory_space<semaphore_mem>>)
      %dma_wait3A_132 = arith.constant 1 : i32
      %dma_wait3A_133 = arith.constant 1 : i32
      %dma_wait3A_134 = arith.constant 0 : i32
      %dma_wait3A_135 = arith.constant 0 : i32
      %dma_wait3A_136 = tpu.memref_slice %arg9[%dma_wait3A_133, %dma_wait3A_134, %dma_wait3A_135] : memref<4x128x32xf32, #tpu.memory_space<vmem>> -> memref<1x128x32xf32, #tpu.memory_space<vmem>>
      %dma_wait3A_137 = tpu.memref_squeeze %dma_wait3A_136 : memref<1x128x32xf32, #tpu.memory_space<vmem>> -> memref<128x32xf32, #tpu.memory_space<vmem>>
      %dma_wait3A_138 = arith.constant 0 : i32
      %dma_wait3A_139 = tpu.memref_slice %arg7[%dma_wait3A_132, %dma_wait3A_138] : memref<16x128xi32, #tpu.memory_space<vmem>> -> memref<1x128xi32, #tpu.memory_space<vmem>>
      %dma_wait3A_140 = tpu.memref_squeeze %dma_wait3A_139 : memref<1x128xi32, #tpu.memory_space<vmem>> -> memref<128xi32, #tpu.memory_space<vmem>>
      %dma_wait3A_141 = arith.constant 0 : i32
      %dma_wait3A_142 = arith.constant 0 : i32
      %dma_wait3A_143 = tpu.memref_slice %arg2[%dma_wait3A_141, %dma_wait3A_142] : memref<100000x32xf32, #tpu.memory_space<hbm>> -> memref<100000x32xf32, #tpu.memory_space<hbm>>
      tpu.wait_indirect_dma semaphore(%arg13 : memref<!tpu.dma_semaphore, #tpu.memory_space<semaphore_mem>>) src(%dma_wait3A_143 : memref<100000x32xf32, #tpu.memory_space<hbm>>) dst(%dma_wait3A_137 : memref<128x32xf32, #tpu.memory_space<vmem>>)
      %dma_start3A_144 = arith.constant 1 : i32
      %dma_start3A_145 = arith.constant 1 : i32
      %dma_start3A_146 = arith.constant 0 : i32
      %dma_start3A_147 = arith.constant 0 : i32
      %dma_start3A_148 = tpu.memref_slice %arg9[%dma_start3A_144, %dma_start3A_146, %dma_start3A_147] : memref<4x128x32xf32, #tpu.memory_space<vmem>> -> memref<1x128x32xf32, #tpu.memory_space<vmem>>
      %dma_start3A_149 = tpu.memref_squeeze %dma_start3A_148 : memref<1x128x32xf32, #tpu.memory_space<vmem>> -> memref<128x32xf32, #tpu.memory_space<vmem>>
      %dma_start3A_150 = arith.constant 0 : i32
      %dma_start3A_151 = tpu.memref_slice %arg8[%dma_start3A_145, %dma_start3A_150] : memref<16x128xi32, #tpu.memory_space<vmem>> -> memref<1x128xi32, #tpu.memory_space<vmem>>
      %dma_start3A_152 = tpu.memref_squeeze %dma_start3A_151 : memref<1x128xi32, #tpu.memory_space<vmem>> -> memref<128xi32, #tpu.memory_space<vmem>>
      %dma_start3A_153 = arith.constant 0 : i32
      %dma_start3A_154 = arith.constant 0 : i32
      %dma_start3A_155 = tpu.memref_slice %arg11[%dma_start3A_153, %dma_start3A_154] : memref<50176x32xf32, #tpu.memory_space<vmem_shared>> -> memref<50176x32xf32, #tpu.memory_space<vmem_shared>>
      tpu.enqueue_indirect_dma source(%dma_start3A_149 : memref<128x32xf32, #tpu.memory_space<vmem>>) target(%dma_start3A_155 : memref<50176x32xf32, #tpu.memory_space<vmem_shared>>) offsets(%dma_start3A_152 : memref<128xi32, #tpu.memory_space<vmem>>) semaphore(%arg17 : memref<!tpu.dma_semaphore, #tpu.memory_space<semaphore_mem>>) {add = true}
      %dma_wait3A_156 = arith.constant 1 : i32
      %dma_wait3A_157 = arith.constant 1 : i32
      %dma_wait3A_158 = arith.constant 0 : i32
      %dma_wait3A_159 = arith.constant 0 : i32
      %dma_wait3A_160 = tpu.memref_slice %arg9[%dma_wait3A_156, %dma_wait3A_158, %dma_wait3A_159] : memref<4x128x32xf32, #tpu.memory_space<vmem>> -> memref<1x128x32xf32, #tpu.memory_space<vmem>>
      %dma_wait3A_161 = tpu.memref_squeeze %dma_wait3A_160 : memref<1x128x32xf32, #tpu.memory_space<vmem>> -> memref<128x32xf32, #tpu.memory_space<vmem>>
      %dma_wait3A_162 = arith.constant 0 : i32
      %dma_wait3A_163 = tpu.memref_slice %arg8[%dma_wait3A_157, %dma_wait3A_162] : memref<16x128xi32, #tpu.memory_space<vmem>> -> memref<1x128xi32, #tpu.memory_space<vmem>>
      %dma_wait3A_164 = tpu.memref_squeeze %dma_wait3A_163 : memref<1x128xi32, #tpu.memory_space<vmem>> -> memref<128xi32, #tpu.memory_space<vmem>>
      %dma_wait3A_165 = arith.constant 0 : i32
      %dma_wait3A_166 = arith.constant 0 : i32
      %dma_wait3A_167 = tpu.memref_slice %arg11[%dma_wait3A_165, %dma_wait3A_166] : memref<50176x32xf32, #tpu.memory_space<vmem_shared>> -> memref<50176x32xf32, #tpu.memory_space<vmem_shared>>
      tpu.wait_indirect_dma semaphore(%arg17 : memref<!tpu.dma_semaphore, #tpu.memory_space<semaphore_mem>>) src(%dma_wait3A_161 : memref<128x32xf32, #tpu.memory_space<vmem>>) dst(%dma_wait3A_167 : memref<50176x32xf32, #tpu.memory_space<vmem_shared>>)
      %dma_start3A_168 = arith.constant 5 : i32
      %dma_start3A_169 = arith.constant 1 : i32
      %dma_start3A_170 = arith.constant 0 : i32
      %dma_start3A_171 = arith.constant 0 : i32
      %dma_start3A_172 = tpu.memref_slice %arg9[%dma_start3A_169, %dma_start3A_170, %dma_start3A_171] : memref<4x128x32xf32, #tpu.memory_space<vmem>> -> memref<1x128x32xf32, #tpu.memory_space<vmem>>
      %dma_start3A_173 = tpu.memref_squeeze %dma_start3A_172 : memref<1x128x32xf32, #tpu.memory_space<vmem>> -> memref<128x32xf32, #tpu.memory_space<vmem>>
      %dma_start3A_174 = arith.constant 0 : i32
      %dma_start3A_175 = tpu.memref_slice %arg7[%dma_start3A_168, %dma_start3A_174] : memref<16x128xi32, #tpu.memory_space<vmem>> -> memref<1x128xi32, #tpu.memory_space<vmem>>
      %dma_start3A_176 = tpu.memref_squeeze %dma_start3A_175 : memref<1x128xi32, #tpu.memory_space<vmem>> -> memref<128xi32, #tpu.memory_space<vmem>>
      %dma_start3A_177 = arith.constant 0 : i32
      %dma_start3A_178 = arith.constant 0 : i32
      %dma_start3A_179 = tpu.memref_slice %arg2[%dma_start3A_177, %dma_start3A_178] : memref<100000x32xf32, #tpu.memory_space<hbm>> -> memref<100000x32xf32, #tpu.memory_space<hbm>>
      tpu.enqueue_indirect_dma source(%dma_start3A_179 : memref<100000x32xf32, #tpu.memory_space<hbm>>) target(%dma_start3A_173 : memref<128x32xf32, #tpu.memory_space<vmem>>) offsets(%dma_start3A_176 : memref<128xi32, #tpu.memory_space<vmem>>) semaphore(%arg13 : memref<!tpu.dma_semaphore, #tpu.memory_space<semaphore_mem>>)
      %dma_wait3A_180 = arith.constant 2 : i32
      %dma_wait3A_181 = arith.constant 2 : i32
      %dma_wait3A_182 = arith.constant 0 : i32
      %dma_wait3A_183 = arith.constant 0 : i32
      %dma_wait3A_184 = tpu.memref_slice %arg9[%dma_wait3A_181, %dma_wait3A_182, %dma_wait3A_183] : memref<4x128x32xf32, #tpu.memory_space<vmem>> -> memref<1x128x32xf32, #tpu.memory_space<vmem>>
      %dma_wait3A_185 = tpu.memref_squeeze %dma_wait3A_184 : memref<1x128x32xf32, #tpu.memory_space<vmem>> -> memref<128x32xf32, #tpu.memory_space<vmem>>
      %dma_wait3A_186 = arith.constant 0 : i32
      %dma_wait3A_187 = tpu.memref_slice %arg7[%dma_wait3A_180, %dma_wait3A_186] : memref<16x128xi32, #tpu.memory_space<vmem>> -> memref<1x128xi32, #tpu.memory_space<vmem>>
      %dma_wait3A_188 = tpu.memref_squeeze %dma_wait3A_187 : memref<1x128xi32, #tpu.memory_space<vmem>> -> memref<128xi32, #tpu.memory_space<vmem>>
      %dma_wait3A_189 = arith.constant 0 : i32
      %dma_wait3A_190 = arith.constant 0 : i32
      %dma_wait3A_191 = tpu.memref_slice %arg2[%dma_wait3A_189, %dma_wait3A_190] : memref<100000x32xf32, #tpu.memory_space<hbm>> -> memref<100000x32xf32, #tpu.memory_space<hbm>>
      tpu.wait_indirect_dma semaphore(%arg14 : memref<!tpu.dma_semaphore, #tpu.memory_space<semaphore_mem>>) src(%dma_wait3A_191 : memref<100000x32xf32, #tpu.memory_space<hbm>>) dst(%dma_wait3A_185 : memref<128x32xf32, #tpu.memory_space<vmem>>)
      %dma_start3A_192 = arith.constant 2 : i32
      %dma_start3A_193 = arith.constant 2 : i32
      %dma_start3A_194 = arith.constant 0 : i32
      %dma_start3A_195 = arith.constant 0 : i32
      %dma_start3A_196 = tpu.memref_slice %arg9[%dma_start3A_192, %dma_start3A_194, %dma_start3A_195] : memref<4x128x32xf32, #tpu.memory_space<vmem>> -> memref<1x128x32xf32, #tpu.memory_space<vmem>>
      %dma_start3A_197 = tpu.memref_squeeze %dma_start3A_196 : memref<1x128x32xf32, #tpu.memory_space<vmem>> -> memref<128x32xf32, #tpu.memory_space<vmem>>
      %dma_start3A_198 = arith.constant 0 : i32
      %dma_start3A_199 = tpu.memref_slice %arg8[%dma_start3A_193, %dma_start3A_198] : memref<16x128xi32, #tpu.memory_space<vmem>> -> memref<1x128xi32, #tpu.memory_space<vmem>>
      %dma_start3A_200 = tpu.memref_squeeze %dma_start3A_199 : memref<1x128xi32, #tpu.memory_space<vmem>> -> memref<128xi32, #tpu.memory_space<vmem>>
      %dma_start3A_201 = arith.constant 0 : i32
      %dma_start3A_202 = arith.constant 0 : i32
      %dma_start3A_203 = tpu.memref_slice %arg11[%dma_start3A_201, %dma_start3A_202] : memref<50176x32xf32, #tpu.memory_space<vmem_shared>> -> memref<50176x32xf32, #tpu.memory_space<vmem_shared>>
      tpu.enqueue_indirect_dma source(%dma_start3A_197 : memref<128x32xf32, #tpu.memory_space<vmem>>) target(%dma_start3A_203 : memref<50176x32xf32, #tpu.memory_space<vmem_shared>>) offsets(%dma_start3A_200 : memref<128xi32, #tpu.memory_space<vmem>>) semaphore(%arg18 : memref<!tpu.dma_semaphore, #tpu.memory_space<semaphore_mem>>) {add = true}
      %dma_wait3A_204 = arith.constant 2 : i32
      %dma_wait3A_205 = arith.constant 2 : i32
      %dma_wait3A_206 = arith.constant 0 : i32
      %dma_wait3A_207 = arith.constant 0 : i32
      %dma_wait3A_208 = tpu.memref_slice %arg9[%dma_wait3A_204, %dma_wait3A_206, %dma_wait3A_207] : memref<4x128x32xf32, #tpu.memory_space<vmem>> -> memref<1x128x32xf32, #tpu.memory_space<vmem>>
      %dma_wait3A_209 = tpu.memref_squeeze %dma_wait3A_208 : memref<1x128x32xf32, #tpu.memory_space<vmem>> -> memref<128x32xf32, #tpu.memory_space<vmem>>
      %dma_wait3A_210 = arith.constant 0 : i32
      %dma_wait3A_211 = tpu.memref_slice %arg8[%dma_wait3A_205, %dma_wait3A_210] : memref<16x128xi32, #tpu.memory_space<vmem>> -> memref<1x128xi32, #tpu.memory_space<vmem>>
      %dma_wait3A_212 = tpu.memref_squeeze %dma_wait3A_211 : memref<1x128xi32, #tpu.memory_space<vmem>> -> memref<128xi32, #tpu.memory_space<vmem>>
      %dma_wait3A_213 = arith.constant 0 : i32
      %dma_wait3A_214 = arith.constant 0 : i32
      %dma_wait3A_215 = tpu.memref_slice %arg11[%dma_wait3A_213, %dma_wait3A_214] : memref<50176x32xf32, #tpu.memory_space<vmem_shared>> -> memref<50176x32xf32, #tpu.memory_space<vmem_shared>>
      tpu.wait_indirect_dma semaphore(%arg18 : memref<!tpu.dma_semaphore, #tpu.memory_space<semaphore_mem>>) src(%dma_wait3A_209 : memref<128x32xf32, #tpu.memory_space<vmem>>) dst(%dma_wait3A_215 : memref<50176x32xf32, #tpu.memory_space<vmem_shared>>)
      %dma_start3A_216 = arith.constant 6 : i32
      %dma_start3A_217 = arith.constant 2 : i32
      %dma_start3A_218 = arith.constant 0 : i32
      %dma_start3A_219 = arith.constant 0 : i32
      %dma_start3A_220 = tpu.memref_slice %arg9[%dma_start3A_217, %dma_start3A_218, %dma_start3A_219] : memref<4x128x32xf32, #tpu.memory_space<vmem>> -> memref<1x128x32xf32, #tpu.memory_space<vmem>>
      %dma_start3A_221 = tpu.memref_squeeze %dma_start3A_220 : memref<1x128x32xf32, #tpu.memory_space<vmem>> -> memref<128x32xf32, #tpu.memory_space<vmem>>
      %dma_start3A_222 = arith.constant 0 : i32
      %dma_start3A_223 = tpu.memref_slice %arg7[%dma_start3A_216, %dma_start3A_222] : memref<16x128xi32, #tpu.memory_space<vmem>> -> memref<1x128xi32, #tpu.memory_space<vmem>>
      %dma_start3A_224 = tpu.memref_squeeze %dma_start3A_223 : memref<1x128xi32, #tpu.memory_space<vmem>> -> memref<128xi32, #tpu.memory_space<vmem>>
      %dma_start3A_225 = arith.constant 0 : i32
      %dma_start3A_226 = arith.constant 0 : i32
      %dma_start3A_227 = tpu.memref_slice %arg2[%dma_start3A_225, %dma_start3A_226] : memref<100000x32xf32, #tpu.memory_space<hbm>> -> memref<100000x32xf32, #tpu.memory_space<hbm>>
      tpu.enqueue_indirect_dma source(%dma_start3A_227 : memref<100000x32xf32, #tpu.memory_space<hbm>>) target(%dma_start3A_221 : memref<128x32xf32, #tpu.memory_space<vmem>>) offsets(%dma_start3A_224 : memref<128xi32, #tpu.memory_space<vmem>>) semaphore(%arg14 : memref<!tpu.dma_semaphore, #tpu.memory_space<semaphore_mem>>)
      %dma_wait3A_228 = arith.constant 3 : i32
      %dma_wait3A_229 = arith.constant 3 : i32
      %dma_wait3A_230 = arith.constant 0 : i32
      %dma_wait3A_231 = arith.constant 0 : i32
      %dma_wait3A_232 = tpu.memref_slice %arg9[%dma_wait3A_229, %dma_wait3A_230, %dma_wait3A_231] : memref<4x128x32xf32, #tpu.memory_space<vmem>> -> memref<1x128x32xf32, #tpu.memory_space<vmem>>
      %dma_wait3A_233 = tpu.memref_squeeze %dma_wait3A_232 : memref<1x128x32xf32, #tpu.memory_space<vmem>> -> memref<128x32xf32, #tpu.memory_space<vmem>>
      %dma_wait3A_234 = arith.constant 0 : i32
      %dma_wait3A_235 = tpu.memref_slice %arg7[%dma_wait3A_228, %dma_wait3A_234] : memref<16x128xi32, #tpu.memory_space<vmem>> -> memref<1x128xi32, #tpu.memory_space<vmem>>
      %dma_wait3A_236 = tpu.memref_squeeze %dma_wait3A_235 : memref<1x128xi32, #tpu.memory_space<vmem>> -> memref<128xi32, #tpu.memory_space<vmem>>
      %dma_wait3A_237 = arith.constant 0 : i32
      %dma_wait3A_238 = arith.constant 0 : i32
      %dma_wait3A_239 = tpu.memref_slice %arg2[%dma_wait3A_237, %dma_wait3A_238] : memref<100000x32xf32, #tpu.memory_space<hbm>> -> memref<100000x32xf32, #tpu.memory_space<hbm>>
      tpu.wait_indirect_dma semaphore(%arg15 : memref<!tpu.dma_semaphore, #tpu.memory_space<semaphore_mem>>) src(%dma_wait3A_239 : memref<100000x32xf32, #tpu.memory_space<hbm>>) dst(%dma_wait3A_233 : memref<128x32xf32, #tpu.memory_space<vmem>>)
      %dma_start3A_240 = arith.constant 3 : i32
      %dma_start3A_241 = arith.constant 3 : i32
      %dma_start3A_242 = arith.constant 0 : i32
      %dma_start3A_243 = arith.constant 0 : i32
      %dma_start3A_244 = tpu.memref_slice %arg9[%dma_start3A_240, %dma_start3A_242, %dma_start3A_243] : memref<4x128x32xf32, #tpu.memory_space<vmem>> -> memref<1x128x32xf32, #tpu.memory_space<vmem>>
      %dma_start3A_245 = tpu.memref_squeeze %dma_start3A_244 : memref<1x128x32xf32, #tpu.memory_space<vmem>> -> memref<128x32xf32, #tpu.memory_space<vmem>>
      %dma_start3A_246 = arith.constant 0 : i32
      %dma_start3A_247 = tpu.memref_slice %arg8[%dma_start3A_241, %dma_start3A_246] : memref<16x128xi32, #tpu.memory_space<vmem>> -> memref<1x128xi32, #tpu.memory_space<vmem>>
      %dma_start3A_248 = tpu.memref_squeeze %dma_start3A_247 : memref<1x128xi32, #tpu.memory_space<vmem>> -> memref<128xi32, #tpu.memory_space<vmem>>
      %dma_start3A_249 = arith.constant 0 : i32
      %dma_start3A_250 = arith.constant 0 : i32
      %dma_start3A_251 = tpu.memref_slice %arg11[%dma_start3A_249, %dma_start3A_250] : memref<50176x32xf32, #tpu.memory_space<vmem_shared>> -> memref<50176x32xf32, #tpu.memory_space<vmem_shared>>
      tpu.enqueue_indirect_dma source(%dma_start3A_245 : memref<128x32xf32, #tpu.memory_space<vmem>>) target(%dma_start3A_251 : memref<50176x32xf32, #tpu.memory_space<vmem_shared>>) offsets(%dma_start3A_248 : memref<128xi32, #tpu.memory_space<vmem>>) semaphore(%arg19 : memref<!tpu.dma_semaphore, #tpu.memory_space<semaphore_mem>>) {add = true}
      %dma_wait3A_252 = arith.constant 3 : i32
      %dma_wait3A_253 = arith.constant 3 : i32
      %dma_wait3A_254 = arith.constant 0 : i32
      %dma_wait3A_255 = arith.constant 0 : i32
      %dma_wait3A_256 = tpu.memref_slice %arg9[%dma_wait3A_252, %dma_wait3A_254, %dma_wait3A_255] : memref<4x128x32xf32, #tpu.memory_space<vmem>> -> memref<1x128x32xf32, #tpu.memory_space<vmem>>
      %dma_wait3A_257 = tpu.memref_squeeze %dma_wait3A_256 : memref<1x128x32xf32, #tpu.memory_space<vmem>> -> memref<128x32xf32, #tpu.memory_space<vmem>>
      %dma_wait3A_258 = arith.constant 0 : i32
      %dma_wait3A_259 = tpu.memref_slice %arg8[%dma_wait3A_253, %dma_wait3A_258] : memref<16x128xi32, #tpu.memory_space<vmem>> -> memref<1x128xi32, #tpu.memory_space<vmem>>
      %dma_wait3A_260 = tpu.memref_squeeze %dma_wait3A_259 : memref<1x128xi32, #tpu.memory_space<vmem>> -> memref<128xi32, #tpu.memory_space<vmem>>
      %dma_wait3A_261 = arith.constant 0 : i32
      %dma_wait3A_262 = arith.constant 0 : i32
      %dma_wait3A_263 = tpu.memref_slice %arg11[%dma_wait3A_261, %dma_wait3A_262] : memref<50176x32xf32, #tpu.memory_space<vmem_shared>> -> memref<50176x32xf32, #tpu.memory_space<vmem_shared>>
      tpu.wait_indirect_dma semaphore(%arg19 : memref<!tpu.dma_semaphore, #tpu.memory_space<semaphore_mem>>) src(%dma_wait3A_257 : memref<128x32xf32, #tpu.memory_space<vmem>>) dst(%dma_wait3A_263 : memref<50176x32xf32, #tpu.memory_space<vmem_shared>>)
      %dma_start3A_264 = arith.constant 7 : i32
      %dma_start3A_265 = arith.constant 3 : i32
      %dma_start3A_266 = arith.constant 0 : i32
      %dma_start3A_267 = arith.constant 0 : i32
      %dma_start3A_268 = tpu.memref_slice %arg9[%dma_start3A_265, %dma_start3A_266, %dma_start3A_267] : memref<4x128x32xf32, #tpu.memory_space<vmem>> -> memref<1x128x32xf32, #tpu.memory_space<vmem>>
      %dma_start3A_269 = tpu.memref_squeeze %dma_start3A_268 : memref<1x128x32xf32, #tpu.memory_space<vmem>> -> memref<128x32xf32, #tpu.memory_space<vmem>>
      %dma_start3A_270 = arith.constant 0 : i32
      %dma_start3A_271 = tpu.memref_slice %arg7[%dma_start3A_264, %dma_start3A_270] : memref<16x128xi32, #tpu.memory_space<vmem>> -> memref<1x128xi32, #tpu.memory_space<vmem>>
      %dma_start3A_272 = tpu.memref_squeeze %dma_start3A_271 : memref<1x128xi32, #tpu.memory_space<vmem>> -> memref<128xi32, #tpu.memory_space<vmem>>
      %dma_start3A_273 = arith.constant 0 : i32
      %dma_start3A_274 = arith.constant 0 : i32
      %dma_start3A_275 = tpu.memref_slice %arg2[%dma_start3A_273, %dma_start3A_274] : memref<100000x32xf32, #tpu.memory_space<hbm>> -> memref<100000x32xf32, #tpu.memory_space<hbm>>
      tpu.enqueue_indirect_dma source(%dma_start3A_275 : memref<100000x32xf32, #tpu.memory_space<hbm>>) target(%dma_start3A_269 : memref<128x32xf32, #tpu.memory_space<vmem>>) offsets(%dma_start3A_272 : memref<128xi32, #tpu.memory_space<vmem>>) semaphore(%arg15 : memref<!tpu.dma_semaphore, #tpu.memory_space<semaphore_mem>>)
      %dma_wait3A_276 = arith.constant 4 : i32
      %dma_wait3A_277 = arith.constant 0 : i32
      %dma_wait3A_278 = arith.constant 0 : i32
      %dma_wait3A_279 = arith.constant 0 : i32
      %dma_wait3A_280 = tpu.memref_slice %arg9[%dma_wait3A_277, %dma_wait3A_278, %dma_wait3A_279] : memref<4x128x32xf32, #tpu.memory_space<vmem>> -> memref<1x128x32xf32, #tpu.memory_space<vmem>>
      %dma_wait3A_281 = tpu.memref_squeeze %dma_wait3A_280 : memref<1x128x32xf32, #tpu.memory_space<vmem>> -> memref<128x32xf32, #tpu.memory_space<vmem>>
      %dma_wait3A_282 = arith.constant 0 : i32
      %dma_wait3A_283 = tpu.memref_slice %arg7[%dma_wait3A_276, %dma_wait3A_282] : memref<16x128xi32, #tpu.memory_space<vmem>> -> memref<1x128xi32, #tpu.memory_space<vmem>>
      %dma_wait3A_284 = tpu.memref_squeeze %dma_wait3A_283 : memref<1x128xi32, #tpu.memory_space<vmem>> -> memref<128xi32, #tpu.memory_space<vmem>>
      %dma_wait3A_285 = arith.constant 0 : i32
      %dma_wait3A_286 = arith.constant 0 : i32
      %dma_wait3A_287 = tpu.memref_slice %arg2[%dma_wait3A_285, %dma_wait3A_286] : memref<100000x32xf32, #tpu.memory_space<hbm>> -> memref<100000x32xf32, #tpu.memory_space<hbm>>
      tpu.wait_indirect_dma semaphore(%arg12 : memref<!tpu.dma_semaphore, #tpu.memory_space<semaphore_mem>>) src(%dma_wait3A_287 : memref<100000x32xf32, #tpu.memory_space<hbm>>) dst(%dma_wait3A_281 : memref<128x32xf32, #tpu.memory_space<vmem>>)
      %dma_start3A_288 = arith.constant 0 : i32
      %dma_start3A_289 = arith.constant 4 : i32
      %dma_start3A_290 = arith.constant 0 : i32
      %dma_start3A_291 = arith.constant 0 : i32
      %dma_start3A_292 = tpu.memref_slice %arg9[%dma_start3A_288, %dma_start3A_290, %dma_start3A_291] : memref<4x128x32xf32, #tpu.memory_space<vmem>> -> memref<1x128x32xf32, #tpu.memory_space<vmem>>
      %dma_start3A_293 = tpu.memref_squeeze %dma_start3A_292 : memref<1x128x32xf32, #tpu.memory_space<vmem>> -> memref<128x32xf32, #tpu.memory_space<vmem>>
      %dma_start3A_294 = arith.constant 0 : i32
      %dma_start3A_295 = tpu.memref_slice %arg8[%dma_start3A_289, %dma_start3A_294] : memref<16x128xi32, #tpu.memory_space<vmem>> -> memref<1x128xi32, #tpu.memory_space<vmem>>
      %dma_start3A_296 = tpu.memref_squeeze %dma_start3A_295 : memref<1x128xi32, #tpu.memory_space<vmem>> -> memref<128xi32, #tpu.memory_space<vmem>>
      %dma_start3A_297 = arith.constant 0 : i32
      %dma_start3A_298 = arith.constant 0 : i32
      %dma_start3A_299 = tpu.memref_slice %arg11[%dma_start3A_297, %dma_start3A_298] : memref<50176x32xf32, #tpu.memory_space<vmem_shared>> -> memref<50176x32xf32, #tpu.memory_space<vmem_shared>>
      tpu.enqueue_indirect_dma source(%dma_start3A_293 : memref<128x32xf32, #tpu.memory_space<vmem>>) target(%dma_start3A_299 : memref<50176x32xf32, #tpu.memory_space<vmem_shared>>) offsets(%dma_start3A_296 : memref<128xi32, #tpu.memory_space<vmem>>) semaphore(%arg16 : memref<!tpu.dma_semaphore, #tpu.memory_space<semaphore_mem>>) {add = true}
      %dma_wait3A_300 = arith.constant 0 : i32
      %dma_wait3A_301 = arith.constant 4 : i32
      %dma_wait3A_302 = arith.constant 0 : i32
      %dma_wait3A_303 = arith.constant 0 : i32
      %dma_wait3A_304 = tpu.memref_slice %arg9[%dma_wait3A_300, %dma_wait3A_302, %dma_wait3A_303] : memref<4x128x32xf32, #tpu.memory_space<vmem>> -> memref<1x128x32xf32, #tpu.memory_space<vmem>>
      %dma_wait3A_305 = tpu.memref_squeeze %dma_wait3A_304 : memref<1x128x32xf32, #tpu.memory_space<vmem>> -> memref<128x32xf32, #tpu.memory_space<vmem>>
      %dma_wait3A_306 = arith.constant 0 : i32
      %dma_wait3A_307 = tpu.memref_slice %arg8[%dma_wait3A_301, %dma_wait3A_306] : memref<16x128xi32, #tpu.memory_space<vmem>> -> memref<1x128xi32, #tpu.memory_space<vmem>>
      %dma_wait3A_308 = tpu.memref_squeeze %dma_wait3A_307 : memref<1x128xi32, #tpu.memory_space<vmem>> -> memref<128xi32, #tpu.memory_space<vmem>>
      %dma_wait3A_309 = arith.constant 0 : i32
      %dma_wait3A_310 = arith.constant 0 : i32
      %dma_wait3A_311 = tpu.memref_slice %arg11[%dma_wait3A_309, %dma_wait3A_310] : memref<50176x32xf32, #tpu.memory_space<vmem_shared>> -> memref<50176x32xf32, #tpu.memory_space<vmem_shared>>
      tpu.wait_indirect_dma semaphore(%arg16 : memref<!tpu.dma_semaphore, #tpu.memory_space<semaphore_mem>>) src(%dma_wait3A_305 : memref<128x32xf32, #tpu.memory_space<vmem>>) dst(%dma_wait3A_311 : memref<50176x32xf32, #tpu.memory_space<vmem_shared>>)
      %dma_start3A_312 = arith.constant 8 : i32
      %dma_start3A_313 = arith.constant 0 : i32
      %dma_start3A_314 = arith.constant 0 : i32
      %dma_start3A_315 = arith.constant 0 : i32
      %dma_start3A_316 = tpu.memref_slice %arg9[%dma_start3A_313, %dma_start3A_314, %dma_start3A_315] : memref<4x128x32xf32, #tpu.memory_space<vmem>> -> memref<1x128x32xf32, #tpu.memory_space<vmem>>
      %dma_start3A_317 = tpu.memref_squeeze %dma_start3A_316 : memref<1x128x32xf32, #tpu.memory_space<vmem>> -> memref<128x32xf32, #tpu.memory_space<vmem>>
      %dma_start3A_318 = arith.constant 0 : i32
      %dma_start3A_319 = tpu.memref_slice %arg7[%dma_start3A_312, %dma_start3A_318] : memref<16x128xi32, #tpu.memory_space<vmem>> -> memref<1x128xi32, #tpu.memory_space<vmem>>
      %dma_start3A_320 = tpu.memref_squeeze %dma_start3A_319 : memref<1x128xi32, #tpu.memory_space<vmem>> -> memref<128xi32, #tpu.memory_space<vmem>>
      %dma_start3A_321 = arith.constant 0 : i32
      %dma_start3A_322 = arith.constant 0 : i32
      %dma_start3A_323 = tpu.memref_slice %arg2[%dma_start3A_321, %dma_start3A_322] : memref<100000x32xf32, #tpu.memory_space<hbm>> -> memref<100000x32xf32, #tpu.memory_space<hbm>>
      tpu.enqueue_indirect_dma source(%dma_start3A_323 : memref<100000x32xf32, #tpu.memory_space<hbm>>) target(%dma_start3A_317 : memref<128x32xf32, #tpu.memory_space<vmem>>) offsets(%dma_start3A_320 : memref<128xi32, #tpu.memory_space<vmem>>) semaphore(%arg12 : memref<!tpu.dma_semaphore, #tpu.memory_space<semaphore_mem>>)
      %dma_wait3A_324 = arith.constant 5 : i32
      %dma_wait3A_325 = arith.constant 1 : i32
      %dma_wait3A_326 = arith.constant 0 : i32
      %dma_wait3A_327 = arith.constant 0 : i32
      %dma_wait3A_328 = tpu.memref_slice %arg9[%dma_wait3A_325, %dma_wait3A_326, %dma_wait3A_327] : memref<4x128x32xf32, #tpu.memory_space<vmem>> -> memref<1x128x32xf32, #tpu.memory_space<vmem>>
      %dma_wait3A_329 = tpu.memref_squeeze %dma_wait3A_328 : memref<1x128x32xf32, #tpu.memory_space<vmem>> -> memref<128x32xf32, #tpu.memory_space<vmem>>
      %dma_wait3A_330 = arith.constant 0 : i32
      %dma_wait3A_331 = tpu.memref_slice %arg7[%dma_wait3A_324, %dma_wait3A_330] : memref<16x128xi32, #tpu.memory_space<vmem>> -> memref<1x128xi32, #tpu.memory_space<vmem>>
      %dma_wait3A_332 = tpu.memref_squeeze %dma_wait3A_331 : memref<1x128xi32, #tpu.memory_space<vmem>> -> memref<128xi32, #tpu.memory_space<vmem>>
      %dma_wait3A_333 = arith.constant 0 : i32
      %dma_wait3A_334 = arith.constant 0 : i32
      %dma_wait3A_335 = tpu.memref_slice %arg2[%dma_wait3A_333, %dma_wait3A_334] : memref<100000x32xf32, #tpu.memory_space<hbm>> -> memref<100000x32xf32, #tpu.memory_space<hbm>>
      tpu.wait_indirect_dma semaphore(%arg13 : memref<!tpu.dma_semaphore, #tpu.memory_space<semaphore_mem>>) src(%dma_wait3A_335 : memref<100000x32xf32, #tpu.memory_space<hbm>>) dst(%dma_wait3A_329 : memref<128x32xf32, #tpu.memory_space<vmem>>)
      %dma_start3A_336 = arith.constant 1 : i32
      %dma_start3A_337 = arith.constant 5 : i32
      %dma_start3A_338 = arith.constant 0 : i32
      %dma_start3A_339 = arith.constant 0 : i32
      %dma_start3A_340 = tpu.memref_slice %arg9[%dma_start3A_336, %dma_start3A_338, %dma_start3A_339] : memref<4x128x32xf32, #tpu.memory_space<vmem>> -> memref<1x128x32xf32, #tpu.memory_space<vmem>>
      %dma_start3A_341 = tpu.memref_squeeze %dma_start3A_340 : memref<1x128x32xf32, #tpu.memory_space<vmem>> -> memref<128x32xf32, #tpu.memory_space<vmem>>
      %dma_start3A_342 = arith.constant 0 : i32
      %dma_start3A_343 = tpu.memref_slice %arg8[%dma_start3A_337, %dma_start3A_342] : memref<16x128xi32, #tpu.memory_space<vmem>> -> memref<1x128xi32, #tpu.memory_space<vmem>>
      %dma_start3A_344 = tpu.memref_squeeze %dma_start3A_343 : memref<1x128xi32, #tpu.memory_space<vmem>> -> memref<128xi32, #tpu.memory_space<vmem>>
      %dma_start3A_345 = arith.constant 0 : i32
      %dma_start3A_346 = arith.constant 0 : i32
      %dma_start3A_347 = tpu.memref_slice %arg11[%dma_start3A_345, %dma_start3A_346] : memref<50176x32xf32, #tpu.memory_space<vmem_shared>> -> memref<50176x32xf32, #tpu.memory_space<vmem_shared>>
      tpu.enqueue_indirect_dma source(%dma_start3A_341 : memref<128x32xf32, #tpu.memory_space<vmem>>) target(%dma_start3A_347 : memref<50176x32xf32, #tpu.memory_space<vmem_shared>>) offsets(%dma_start3A_344 : memref<128xi32, #tpu.memory_space<vmem>>) semaphore(%arg17 : memref<!tpu.dma_semaphore, #tpu.memory_space<semaphore_mem>>) {add = true}
      %dma_wait3A_348 = arith.constant 1 : i32
      %dma_wait3A_349 = arith.constant 5 : i32
      %dma_wait3A_350 = arith.constant 0 : i32
      %dma_wait3A_351 = arith.constant 0 : i32
      %dma_wait3A_352 = tpu.memref_slice %arg9[%dma_wait3A_348, %dma_wait3A_350, %dma_wait3A_351] : memref<4x128x32xf32, #tpu.memory_space<vmem>> -> memref<1x128x32xf32, #tpu.memory_space<vmem>>
      %dma_wait3A_353 = tpu.memref_squeeze %dma_wait3A_352 : memref<1x128x32xf32, #tpu.memory_space<vmem>> -> memref<128x32xf32, #tpu.memory_space<vmem>>
      %dma_wait3A_354 = arith.constant 0 : i32
      %dma_wait3A_355 = tpu.memref_slice %arg8[%dma_wait3A_349, %dma_wait3A_354] : memref<16x128xi32, #tpu.memory_space<vmem>> -> memref<1x128xi32, #tpu.memory_space<vmem>>
      %dma_wait3A_356 = tpu.memref_squeeze %dma_wait3A_355 : memref<1x128xi32, #tpu.memory_space<vmem>> -> memref<128xi32, #tpu.memory_space<vmem>>
      %dma_wait3A_357 = arith.constant 0 : i32
      %dma_wait3A_358 = arith.constant 0 : i32
      %dma_wait3A_359 = tpu.memref_slice %arg11[%dma_wait3A_357, %dma_wait3A_358] : memref<50176x32xf32, #tpu.memory_space<vmem_shared>> -> memref<50176x32xf32, #tpu.memory_space<vmem_shared>>
      tpu.wait_indirect_dma semaphore(%arg17 : memref<!tpu.dma_semaphore, #tpu.memory_space<semaphore_mem>>) src(%dma_wait3A_353 : memref<128x32xf32, #tpu.memory_space<vmem>>) dst(%dma_wait3A_359 : memref<50176x32xf32, #tpu.memory_space<vmem_shared>>)
      %dma_start3A_360 = arith.constant 9 : i32
      %dma_start3A_361 = arith.constant 1 : i32
      %dma_start3A_362 = arith.constant 0 : i32
      %dma_start3A_363 = arith.constant 0 : i32
      %dma_start3A_364 = tpu.memref_slice %arg9[%dma_start3A_361, %dma_start3A_362, %dma_start3A_363] : memref<4x128x32xf32, #tpu.memory_space<vmem>> -> memref<1x128x32xf32, #tpu.memory_space<vmem>>
      %dma_start3A_365 = tpu.memref_squeeze %dma_start3A_364 : memref<1x128x32xf32, #tpu.memory_space<vmem>> -> memref<128x32xf32, #tpu.memory_space<vmem>>
      %dma_start3A_366 = arith.constant 0 : i32
      %dma_start3A_367 = tpu.memref_slice %arg7[%dma_start3A_360, %dma_start3A_366] : memref<16x128xi32, #tpu.memory_space<vmem>> -> memref<1x128xi32, #tpu.memory_space<vmem>>
      %dma_start3A_368 = tpu.memref_squeeze %dma_start3A_367 : memref<1x128xi32, #tpu.memory_space<vmem>> -> memref<128xi32, #tpu.memory_space<vmem>>
      %dma_start3A_369 = arith.constant 0 : i32
      %dma_start3A_370 = arith.constant 0 : i32
      %dma_start3A_371 = tpu.memref_slice %arg2[%dma_start3A_369, %dma_start3A_370] : memref<100000x32xf32, #tpu.memory_space<hbm>> -> memref<100000x32xf32, #tpu.memory_space<hbm>>
      tpu.enqueue_indirect_dma source(%dma_start3A_371 : memref<100000x32xf32, #tpu.memory_space<hbm>>) target(%dma_start3A_365 : memref<128x32xf32, #tpu.memory_space<vmem>>) offsets(%dma_start3A_368 : memref<128xi32, #tpu.memory_space<vmem>>) semaphore(%arg13 : memref<!tpu.dma_semaphore, #tpu.memory_space<semaphore_mem>>)
      %dma_wait3A_372 = arith.constant 6 : i32
      %dma_wait3A_373 = arith.constant 2 : i32
      %dma_wait3A_374 = arith.constant 0 : i32
      %dma_wait3A_375 = arith.constant 0 : i32
      %dma_wait3A_376 = tpu.memref_slice %arg9[%dma_wait3A_373, %dma_wait3A_374, %dma_wait3A_375] : memref<4x128x32xf32, #tpu.memory_space<vmem>> -> memref<1x128x32xf32, #tpu.memory_space<vmem>>
      %dma_wait3A_377 = tpu.memref_squeeze %dma_wait3A_376 : memref<1x128x32xf32, #tpu.memory_space<vmem>> -> memref<128x32xf32, #tpu.memory_space<vmem>>
      %dma_wait3A_378 = arith.constant 0 : i32
      %dma_wait3A_379 = tpu.memref_slice %arg7[%dma_wait3A_372, %dma_wait3A_378] : memref<16x128xi32, #tpu.memory_space<vmem>> -> memref<1x128xi32, #tpu.memory_space<vmem>>
      %dma_wait3A_380 = tpu.memref_squeeze %dma_wait3A_379 : memref<1x128xi32, #tpu.memory_space<vmem>> -> memref<128xi32, #tpu.memory_space<vmem>>
      %dma_wait3A_381 = arith.constant 0 : i32
      %dma_wait3A_382 = arith.constant 0 : i32
      %dma_wait3A_383 = tpu.memref_slice %arg2[%dma_wait3A_381, %dma_wait3A_382] : memref<100000x32xf32, #tpu.memory_space<hbm>> -> memref<100000x32xf32, #tpu.memory_space<hbm>>
      tpu.wait_indirect_dma semaphore(%arg14 : memref<!tpu.dma_semaphore, #tpu.memory_space<semaphore_mem>>) src(%dma_wait3A_383 : memref<100000x32xf32, #tpu.memory_space<hbm>>) dst(%dma_wait3A_377 : memref<128x32xf32, #tpu.memory_space<vmem>>)
      %dma_start3A_384 = arith.constant 2 : i32
      %dma_start3A_385 = arith.constant 6 : i32
      %dma_start3A_386 = arith.constant 0 : i32
      %dma_start3A_387 = arith.constant 0 : i32
      %dma_start3A_388 = tpu.memref_slice %arg9[%dma_start3A_384, %dma_start3A_386, %dma_start3A_387] : memref<4x128x32xf32, #tpu.memory_space<vmem>> -> memref<1x128x32xf32, #tpu.memory_space<vmem>>
      %dma_start3A_389 = tpu.memref_squeeze %dma_start3A_388 : memref<1x128x32xf32, #tpu.memory_space<vmem>> -> memref<128x32xf32, #tpu.memory_space<vmem>>
      %dma_start3A_390 = arith.constant 0 : i32
      %dma_start3A_391 = tpu.memref_slice %arg8[%dma_start3A_385, %dma_start3A_390] : memref<16x128xi32, #tpu.memory_space<vmem>> -> memref<1x128xi32, #tpu.memory_space<vmem>>
      %dma_start3A_392 = tpu.memref_squeeze %dma_start3A_391 : memref<1x128xi32, #tpu.memory_space<vmem>> -> memref<128xi32, #tpu.memory_space<vmem>>
      %dma_start3A_393 = arith.constant 0 : i32
      %dma_start3A_394 = arith.constant 0 : i32
      %dma_start3A_395 = tpu.memref_slice %arg11[%dma_start3A_393, %dma_start3A_394] : memref<50176x32xf32, #tpu.memory_space<vmem_shared>> -> memref<50176x32xf32, #tpu.memory_space<vmem_shared>>
      tpu.enqueue_indirect_dma source(%dma_start3A_389 : memref<128x32xf32, #tpu.memory_space<vmem>>) target(%dma_start3A_395 : memref<50176x32xf32, #tpu.memory_space<vmem_shared>>) offsets(%dma_start3A_392 : memref<128xi32, #tpu.memory_space<vmem>>) semaphore(%arg18 : memref<!tpu.dma_semaphore, #tpu.memory_space<semaphore_mem>>) {add = true}
      %dma_wait3A_396 = arith.constant 2 : i32
      %dma_wait3A_397 = arith.constant 6 : i32
      %dma_wait3A_398 = arith.constant 0 : i32
      %dma_wait3A_399 = arith.constant 0 : i32
      %dma_wait3A_400 = tpu.memref_slice %arg9[%dma_wait3A_396, %dma_wait3A_398, %dma_wait3A_399] : memref<4x128x32xf32, #tpu.memory_space<vmem>> -> memref<1x128x32xf32, #tpu.memory_space<vmem>>
      %dma_wait3A_401 = tpu.memref_squeeze %dma_wait3A_400 : memref<1x128x32xf32, #tpu.memory_space<vmem>> -> memref<128x32xf32, #tpu.memory_space<vmem>>
      %dma_wait3A_402 = arith.constant 0 : i32
      %dma_wait3A_403 = tpu.memref_slice %arg8[%dma_wait3A_397, %dma_wait3A_402] : memref<16x128xi32, #tpu.memory_space<vmem>> -> memref<1x128xi32, #tpu.memory_space<vmem>>
      %dma_wait3A_404 = tpu.memref_squeeze %dma_wait3A_403 : memref<1x128xi32, #tpu.memory_space<vmem>> -> memref<128xi32, #tpu.memory_space<vmem>>
      %dma_wait3A_405 = arith.constant 0 : i32
      %dma_wait3A_406 = arith.constant 0 : i32
      %dma_wait3A_407 = tpu.memref_slice %arg11[%dma_wait3A_405, %dma_wait3A_406] : memref<50176x32xf32, #tpu.memory_space<vmem_shared>> -> memref<50176x32xf32, #tpu.memory_space<vmem_shared>>
      tpu.wait_indirect_dma semaphore(%arg18 : memref<!tpu.dma_semaphore, #tpu.memory_space<semaphore_mem>>) src(%dma_wait3A_401 : memref<128x32xf32, #tpu.memory_space<vmem>>) dst(%dma_wait3A_407 : memref<50176x32xf32, #tpu.memory_space<vmem_shared>>)
      %dma_start3A_408 = arith.constant 10 : i32
      %dma_start3A_409 = arith.constant 2 : i32
      %dma_start3A_410 = arith.constant 0 : i32
      %dma_start3A_411 = arith.constant 0 : i32
      %dma_start3A_412 = tpu.memref_slice %arg9[%dma_start3A_409, %dma_start3A_410, %dma_start3A_411] : memref<4x128x32xf32, #tpu.memory_space<vmem>> -> memref<1x128x32xf32, #tpu.memory_space<vmem>>
      %dma_start3A_413 = tpu.memref_squeeze %dma_start3A_412 : memref<1x128x32xf32, #tpu.memory_space<vmem>> -> memref<128x32xf32, #tpu.memory_space<vmem>>
      %dma_start3A_414 = arith.constant 0 : i32
      %dma_start3A_415 = tpu.memref_slice %arg7[%dma_start3A_408, %dma_start3A_414] : memref<16x128xi32, #tpu.memory_space<vmem>> -> memref<1x128xi32, #tpu.memory_space<vmem>>
      %dma_start3A_416 = tpu.memref_squeeze %dma_start3A_415 : memref<1x128xi32, #tpu.memory_space<vmem>> -> memref<128xi32, #tpu.memory_space<vmem>>
      %dma_start3A_417 = arith.constant 0 : i32
      %dma_start3A_418 = arith.constant 0 : i32
      %dma_start3A_419 = tpu.memref_slice %arg2[%dma_start3A_417, %dma_start3A_418] : memref<100000x32xf32, #tpu.memory_space<hbm>> -> memref<100000x32xf32, #tpu.memory_space<hbm>>
      tpu.enqueue_indirect_dma source(%dma_start3A_419 : memref<100000x32xf32, #tpu.memory_space<hbm>>) target(%dma_start3A_413 : memref<128x32xf32, #tpu.memory_space<vmem>>) offsets(%dma_start3A_416 : memref<128xi32, #tpu.memory_space<vmem>>) semaphore(%arg14 : memref<!tpu.dma_semaphore, #tpu.memory_space<semaphore_mem>>)
      %dma_wait3A_420 = arith.constant 7 : i32
      %dma_wait3A_421 = arith.constant 3 : i32
      %dma_wait3A_422 = arith.constant 0 : i32
      %dma_wait3A_423 = arith.constant 0 : i32
      %dma_wait3A_424 = tpu.memref_slice %arg9[%dma_wait3A_421, %dma_wait3A_422, %dma_wait3A_423] : memref<4x128x32xf32, #tpu.memory_space<vmem>> -> memref<1x128x32xf32, #tpu.memory_space<vmem>>
      %dma_wait3A_425 = tpu.memref_squeeze %dma_wait3A_424 : memref<1x128x32xf32, #tpu.memory_space<vmem>> -> memref<128x32xf32, #tpu.memory_space<vmem>>
      %dma_wait3A_426 = arith.constant 0 : i32
      %dma_wait3A_427 = tpu.memref_slice %arg7[%dma_wait3A_420, %dma_wait3A_426] : memref<16x128xi32, #tpu.memory_space<vmem>> -> memref<1x128xi32, #tpu.memory_space<vmem>>
      %dma_wait3A_428 = tpu.memref_squeeze %dma_wait3A_427 : memref<1x128xi32, #tpu.memory_space<vmem>> -> memref<128xi32, #tpu.memory_space<vmem>>
      %dma_wait3A_429 = arith.constant 0 : i32
      %dma_wait3A_430 = arith.constant 0 : i32
      %dma_wait3A_431 = tpu.memref_slice %arg2[%dma_wait3A_429, %dma_wait3A_430] : memref<100000x32xf32, #tpu.memory_space<hbm>> -> memref<100000x32xf32, #tpu.memory_space<hbm>>
      tpu.wait_indirect_dma semaphore(%arg15 : memref<!tpu.dma_semaphore, #tpu.memory_space<semaphore_mem>>) src(%dma_wait3A_431 : memref<100000x32xf32, #tpu.memory_space<hbm>>) dst(%dma_wait3A_425 : memref<128x32xf32, #tpu.memory_space<vmem>>)
      %dma_start3A_432 = arith.constant 3 : i32
      %dma_start3A_433 = arith.constant 7 : i32
      %dma_start3A_434 = arith.constant 0 : i32
      %dma_start3A_435 = arith.constant 0 : i32
      %dma_start3A_436 = tpu.memref_slice %arg9[%dma_start3A_432, %dma_start3A_434, %dma_start3A_435] : memref<4x128x32xf32, #tpu.memory_space<vmem>> -> memref<1x128x32xf32, #tpu.memory_space<vmem>>
      %dma_start3A_437 = tpu.memref_squeeze %dma_start3A_436 : memref<1x128x32xf32, #tpu.memory_space<vmem>> -> memref<128x32xf32, #tpu.memory_space<vmem>>
      %dma_start3A_438 = arith.constant 0 : i32
      %dma_start3A_439 = tpu.memref_slice %arg8[%dma_start3A_433, %dma_start3A_438] : memref<16x128xi32, #tpu.memory_space<vmem>> -> memref<1x128xi32, #tpu.memory_space<vmem>>
      %dma_start3A_440 = tpu.memref_squeeze %dma_start3A_439 : memref<1x128xi32, #tpu.memory_space<vmem>> -> memref<128xi32, #tpu.memory_space<vmem>>
      %dma_start3A_441 = arith.constant 0 : i32
      %dma_start3A_442 = arith.constant 0 : i32
      %dma_start3A_443 = tpu.memref_slice %arg11[%dma_start3A_441, %dma_start3A_442] : memref<50176x32xf32, #tpu.memory_space<vmem_shared>> -> memref<50176x32xf32, #tpu.memory_space<vmem_shared>>
      tpu.enqueue_indirect_dma source(%dma_start3A_437 : memref<128x32xf32, #tpu.memory_space<vmem>>) target(%dma_start3A_443 : memref<50176x32xf32, #tpu.memory_space<vmem_shared>>) offsets(%dma_start3A_440 : memref<128xi32, #tpu.memory_space<vmem>>) semaphore(%arg19 : memref<!tpu.dma_semaphore, #tpu.memory_space<semaphore_mem>>) {add = true}
      %dma_wait3A_444 = arith.constant 3 : i32
      %dma_wait3A_445 = arith.constant 7 : i32
      %dma_wait3A_446 = arith.constant 0 : i32
      %dma_wait3A_447 = arith.constant 0 : i32
      %dma_wait3A_448 = tpu.memref_slice %arg9[%dma_wait3A_444, %dma_wait3A_446, %dma_wait3A_447] : memref<4x128x32xf32, #tpu.memory_space<vmem>> -> memref<1x128x32xf32, #tpu.memory_space<vmem>>
      %dma_wait3A_449 = tpu.memref_squeeze %dma_wait3A_448 : memref<1x128x32xf32, #tpu.memory_space<vmem>> -> memref<128x32xf32, #tpu.memory_space<vmem>>
      %dma_wait3A_450 = arith.constant 0 : i32
      %dma_wait3A_451 = tpu.memref_slice %arg8[%dma_wait3A_445, %dma_wait3A_450] : memref<16x128xi32, #tpu.memory_space<vmem>> -> memref<1x128xi32, #tpu.memory_space<vmem>>
      %dma_wait3A_452 = tpu.memref_squeeze %dma_wait3A_451 : memref<1x128xi32, #tpu.memory_space<vmem>> -> memref<128xi32, #tpu.memory_space<vmem>>
      %dma_wait3A_453 = arith.constant 0 : i32
      %dma_wait3A_454 = arith.constant 0 : i32
      %dma_wait3A_455 = tpu.memref_slice %arg11[%dma_wait3A_453, %dma_wait3A_454] : memref<50176x32xf32, #tpu.memory_space<vmem_shared>> -> memref<50176x32xf32, #tpu.memory_space<vmem_shared>>
      tpu.wait_indirect_dma semaphore(%arg19 : memref<!tpu.dma_semaphore, #tpu.memory_space<semaphore_mem>>) src(%dma_wait3A_449 : memref<128x32xf32, #tpu.memory_space<vmem>>) dst(%dma_wait3A_455 : memref<50176x32xf32, #tpu.memory_space<vmem_shared>>)
      %dma_start3A_456 = arith.constant 11 : i32
      %dma_start3A_457 = arith.constant 3 : i32
      %dma_start3A_458 = arith.constant 0 : i32
      %dma_start3A_459 = arith.constant 0 : i32
      %dma_start3A_460 = tpu.memref_slice %arg9[%dma_start3A_457, %dma_start3A_458, %dma_start3A_459] : memref<4x128x32xf32, #tpu.memory_space<vmem>> -> memref<1x128x32xf32, #tpu.memory_space<vmem>>
      %dma_start3A_461 = tpu.memref_squeeze %dma_start3A_460 : memref<1x128x32xf32, #tpu.memory_space<vmem>> -> memref<128x32xf32, #tpu.memory_space<vmem>>
      %dma_start3A_462 = arith.constant 0 : i32
      %dma_start3A_463 = tpu.memref_slice %arg7[%dma_start3A_456, %dma_start3A_462] : memref<16x128xi32, #tpu.memory_space<vmem>> -> memref<1x128xi32, #tpu.memory_space<vmem>>
      %dma_start3A_464 = tpu.memref_squeeze %dma_start3A_463 : memref<1x128xi32, #tpu.memory_space<vmem>> -> memref<128xi32, #tpu.memory_space<vmem>>
      %dma_start3A_465 = arith.constant 0 : i32
      %dma_start3A_466 = arith.constant 0 : i32
      %dma_start3A_467 = tpu.memref_slice %arg2[%dma_start3A_465, %dma_start3A_466] : memref<100000x32xf32, #tpu.memory_space<hbm>> -> memref<100000x32xf32, #tpu.memory_space<hbm>>
      tpu.enqueue_indirect_dma source(%dma_start3A_467 : memref<100000x32xf32, #tpu.memory_space<hbm>>) target(%dma_start3A_461 : memref<128x32xf32, #tpu.memory_space<vmem>>) offsets(%dma_start3A_464 : memref<128xi32, #tpu.memory_space<vmem>>) semaphore(%arg15 : memref<!tpu.dma_semaphore, #tpu.memory_space<semaphore_mem>>)
      %dma_wait3A_468 = arith.constant 8 : i32
      %dma_wait3A_469 = arith.constant 0 : i32
      %dma_wait3A_470 = arith.constant 0 : i32
      %dma_wait3A_471 = arith.constant 0 : i32
      %dma_wait3A_472 = tpu.memref_slice %arg9[%dma_wait3A_469, %dma_wait3A_470, %dma_wait3A_471] : memref<4x128x32xf32, #tpu.memory_space<vmem>> -> memref<1x128x32xf32, #tpu.memory_space<vmem>>
      %dma_wait3A_473 = tpu.memref_squeeze %dma_wait3A_472 : memref<1x128x32xf32, #tpu.memory_space<vmem>> -> memref<128x32xf32, #tpu.memory_space<vmem>>
      %dma_wait3A_474 = arith.constant 0 : i32
      %dma_wait3A_475 = tpu.memref_slice %arg7[%dma_wait3A_468, %dma_wait3A_474] : memref<16x128xi32, #tpu.memory_space<vmem>> -> memref<1x128xi32, #tpu.memory_space<vmem>>
      %dma_wait3A_476 = tpu.memref_squeeze %dma_wait3A_475 : memref<1x128xi32, #tpu.memory_space<vmem>> -> memref<128xi32, #tpu.memory_space<vmem>>
      %dma_wait3A_477 = arith.constant 0 : i32
      %dma_wait3A_478 = arith.constant 0 : i32
      %dma_wait3A_479 = tpu.memref_slice %arg2[%dma_wait3A_477, %dma_wait3A_478] : memref<100000x32xf32, #tpu.memory_space<hbm>> -> memref<100000x32xf32, #tpu.memory_space<hbm>>
      tpu.wait_indirect_dma semaphore(%arg12 : memref<!tpu.dma_semaphore, #tpu.memory_space<semaphore_mem>>) src(%dma_wait3A_479 : memref<100000x32xf32, #tpu.memory_space<hbm>>) dst(%dma_wait3A_473 : memref<128x32xf32, #tpu.memory_space<vmem>>)
      %dma_start3A_480 = arith.constant 0 : i32
      %dma_start3A_481 = arith.constant 8 : i32
      %dma_start3A_482 = arith.constant 0 : i32
      %dma_start3A_483 = arith.constant 0 : i32
      %dma_start3A_484 = tpu.memref_slice %arg9[%dma_start3A_480, %dma_start3A_482, %dma_start3A_483] : memref<4x128x32xf32, #tpu.memory_space<vmem>> -> memref<1x128x32xf32, #tpu.memory_space<vmem>>
      %dma_start3A_485 = tpu.memref_squeeze %dma_start3A_484 : memref<1x128x32xf32, #tpu.memory_space<vmem>> -> memref<128x32xf32, #tpu.memory_space<vmem>>
      %dma_start3A_486 = arith.constant 0 : i32
      %dma_start3A_487 = tpu.memref_slice %arg8[%dma_start3A_481, %dma_start3A_486] : memref<16x128xi32, #tpu.memory_space<vmem>> -> memref<1x128xi32, #tpu.memory_space<vmem>>
      %dma_start3A_488 = tpu.memref_squeeze %dma_start3A_487 : memref<1x128xi32, #tpu.memory_space<vmem>> -> memref<128xi32, #tpu.memory_space<vmem>>
      %dma_start3A_489 = arith.constant 0 : i32
      %dma_start3A_490 = arith.constant 0 : i32
      %dma_start3A_491 = tpu.memref_slice %arg11[%dma_start3A_489, %dma_start3A_490] : memref<50176x32xf32, #tpu.memory_space<vmem_shared>> -> memref<50176x32xf32, #tpu.memory_space<vmem_shared>>
      tpu.enqueue_indirect_dma source(%dma_start3A_485 : memref<128x32xf32, #tpu.memory_space<vmem>>) target(%dma_start3A_491 : memref<50176x32xf32, #tpu.memory_space<vmem_shared>>) offsets(%dma_start3A_488 : memref<128xi32, #tpu.memory_space<vmem>>) semaphore(%arg16 : memref<!tpu.dma_semaphore, #tpu.memory_space<semaphore_mem>>) {add = true}
      %dma_wait3A_492 = arith.constant 0 : i32
      %dma_wait3A_493 = arith.constant 8 : i32
      %dma_wait3A_494 = arith.constant 0 : i32
      %dma_wait3A_495 = arith.constant 0 : i32
      %dma_wait3A_496 = tpu.memref_slice %arg9[%dma_wait3A_492, %dma_wait3A_494, %dma_wait3A_495] : memref<4x128x32xf32, #tpu.memory_space<vmem>> -> memref<1x128x32xf32, #tpu.memory_space<vmem>>
      %dma_wait3A_497 = tpu.memref_squeeze %dma_wait3A_496 : memref<1x128x32xf32, #tpu.memory_space<vmem>> -> memref<128x32xf32, #tpu.memory_space<vmem>>
      %dma_wait3A_498 = arith.constant 0 : i32
      %dma_wait3A_499 = tpu.memref_slice %arg8[%dma_wait3A_493, %dma_wait3A_498] : memref<16x128xi32, #tpu.memory_space<vmem>> -> memref<1x128xi32, #tpu.memory_space<vmem>>
      %dma_wait3A_500 = tpu.memref_squeeze %dma_wait3A_499 : memref<1x128xi32, #tpu.memory_space<vmem>> -> memref<128xi32, #tpu.memory_space<vmem>>
      %dma_wait3A_501 = arith.constant 0 : i32
      %dma_wait3A_502 = arith.constant 0 : i32
      %dma_wait3A_503 = tpu.memref_slice %arg11[%dma_wait3A_501, %dma_wait3A_502] : memref<50176x32xf32, #tpu.memory_space<vmem_shared>> -> memref<50176x32xf32, #tpu.memory_space<vmem_shared>>
      tpu.wait_indirect_dma semaphore(%arg16 : memref<!tpu.dma_semaphore, #tpu.memory_space<semaphore_mem>>) src(%dma_wait3A_497 : memref<128x32xf32, #tpu.memory_space<vmem>>) dst(%dma_wait3A_503 : memref<50176x32xf32, #tpu.memory_space<vmem_shared>>)
      %dma_start3A_504 = arith.constant 12 : i32
      %dma_start3A_505 = arith.constant 0 : i32
      %dma_start3A_506 = arith.constant 0 : i32
      %dma_start3A_507 = arith.constant 0 : i32
      %dma_start3A_508 = tpu.memref_slice %arg9[%dma_start3A_505, %dma_start3A_506, %dma_start3A_507] : memref<4x128x32xf32, #tpu.memory_space<vmem>> -> memref<1x128x32xf32, #tpu.memory_space<vmem>>
      %dma_start3A_509 = tpu.memref_squeeze %dma_start3A_508 : memref<1x128x32xf32, #tpu.memory_space<vmem>> -> memref<128x32xf32, #tpu.memory_space<vmem>>
      %dma_start3A_510 = arith.constant 0 : i32
      %dma_start3A_511 = tpu.memref_slice %arg7[%dma_start3A_504, %dma_start3A_510] : memref<16x128xi32, #tpu.memory_space<vmem>> -> memref<1x128xi32, #tpu.memory_space<vmem>>
      %dma_start3A_512 = tpu.memref_squeeze %dma_start3A_511 : memref<1x128xi32, #tpu.memory_space<vmem>> -> memref<128xi32, #tpu.memory_space<vmem>>
      %dma_start3A_513 = arith.constant 0 : i32
      %dma_start3A_514 = arith.constant 0 : i32
      %dma_start3A_515 = tpu.memref_slice %arg2[%dma_start3A_513, %dma_start3A_514] : memref<100000x32xf32, #tpu.memory_space<hbm>> -> memref<100000x32xf32, #tpu.memory_space<hbm>>
      tpu.enqueue_indirect_dma source(%dma_start3A_515 : memref<100000x32xf32, #tpu.memory_space<hbm>>) target(%dma_start3A_509 : memref<128x32xf32, #tpu.memory_space<vmem>>) offsets(%dma_start3A_512 : memref<128xi32, #tpu.memory_space<vmem>>) semaphore(%arg12 : memref<!tpu.dma_semaphore, #tpu.memory_space<semaphore_mem>>)
      %dma_wait3A_516 = arith.constant 9 : i32
      %dma_wait3A_517 = arith.constant 1 : i32
      %dma_wait3A_518 = arith.constant 0 : i32
      %dma_wait3A_519 = arith.constant 0 : i32
      %dma_wait3A_520 = tpu.memref_slice %arg9[%dma_wait3A_517, %dma_wait3A_518, %dma_wait3A_519] : memref<4x128x32xf32, #tpu.memory_space<vmem>> -> memref<1x128x32xf32, #tpu.memory_space<vmem>>
      %dma_wait3A_521 = tpu.memref_squeeze %dma_wait3A_520 : memref<1x128x32xf32, #tpu.memory_space<vmem>> -> memref<128x32xf32, #tpu.memory_space<vmem>>
      %dma_wait3A_522 = arith.constant 0 : i32
      %dma_wait3A_523 = tpu.memref_slice %arg7[%dma_wait3A_516, %dma_wait3A_522] : memref<16x128xi32, #tpu.memory_space<vmem>> -> memref<1x128xi32, #tpu.memory_space<vmem>>
      %dma_wait3A_524 = tpu.memref_squeeze %dma_wait3A_523 : memref<1x128xi32, #tpu.memory_space<vmem>> -> memref<128xi32, #tpu.memory_space<vmem>>
      %dma_wait3A_525 = arith.constant 0 : i32
      %dma_wait3A_526 = arith.constant 0 : i32
      %dma_wait3A_527 = tpu.memref_slice %arg2[%dma_wait3A_525, %dma_wait3A_526] : memref<100000x32xf32, #tpu.memory_space<hbm>> -> memref<100000x32xf32, #tpu.memory_space<hbm>>
      tpu.wait_indirect_dma semaphore(%arg13 : memref<!tpu.dma_semaphore, #tpu.memory_space<semaphore_mem>>) src(%dma_wait3A_527 : memref<100000x32xf32, #tpu.memory_space<hbm>>) dst(%dma_wait3A_521 : memref<128x32xf32, #tpu.memory_space<vmem>>)
      %dma_start3A_528 = arith.constant 1 : i32
      %dma_start3A_529 = arith.constant 9 : i32
      %dma_start3A_530 = arith.constant 0 : i32
      %dma_start3A_531 = arith.constant 0 : i32
      %dma_start3A_532 = tpu.memref_slice %arg9[%dma_start3A_528, %dma_start3A_530, %dma_start3A_531] : memref<4x128x32xf32, #tpu.memory_space<vmem>> -> memref<1x128x32xf32, #tpu.memory_space<vmem>>
      %dma_start3A_533 = tpu.memref_squeeze %dma_start3A_532 : memref<1x128x32xf32, #tpu.memory_space<vmem>> -> memref<128x32xf32, #tpu.memory_space<vmem>>
      %dma_start3A_534 = arith.constant 0 : i32
      %dma_start3A_535 = tpu.memref_slice %arg8[%dma_start3A_529, %dma_start3A_534] : memref<16x128xi32, #tpu.memory_space<vmem>> -> memref<1x128xi32, #tpu.memory_space<vmem>>
      %dma_start3A_536 = tpu.memref_squeeze %dma_start3A_535 : memref<1x128xi32, #tpu.memory_space<vmem>> -> memref<128xi32, #tpu.memory_space<vmem>>
      %dma_start3A_537 = arith.constant 0 : i32
      %dma_start3A_538 = arith.constant 0 : i32
      %dma_start3A_539 = tpu.memref_slice %arg11[%dma_start3A_537, %dma_start3A_538] : memref<50176x32xf32, #tpu.memory_space<vmem_shared>> -> memref<50176x32xf32, #tpu.memory_space<vmem_shared>>
      tpu.enqueue_indirect_dma source(%dma_start3A_533 : memref<128x32xf32, #tpu.memory_space<vmem>>) target(%dma_start3A_539 : memref<50176x32xf32, #tpu.memory_space<vmem_shared>>) offsets(%dma_start3A_536 : memref<128xi32, #tpu.memory_space<vmem>>) semaphore(%arg17 : memref<!tpu.dma_semaphore, #tpu.memory_space<semaphore_mem>>) {add = true}
      %dma_wait3A_540 = arith.constant 1 : i32
      %dma_wait3A_541 = arith.constant 9 : i32
      %dma_wait3A_542 = arith.constant 0 : i32
      %dma_wait3A_543 = arith.constant 0 : i32
      %dma_wait3A_544 = tpu.memref_slice %arg9[%dma_wait3A_540, %dma_wait3A_542, %dma_wait3A_543] : memref<4x128x32xf32, #tpu.memory_space<vmem>> -> memref<1x128x32xf32, #tpu.memory_space<vmem>>
      %dma_wait3A_545 = tpu.memref_squeeze %dma_wait3A_544 : memref<1x128x32xf32, #tpu.memory_space<vmem>> -> memref<128x32xf32, #tpu.memory_space<vmem>>
      %dma_wait3A_546 = arith.constant 0 : i32
      %dma_wait3A_547 = tpu.memref_slice %arg8[%dma_wait3A_541, %dma_wait3A_546] : memref<16x128xi32, #tpu.memory_space<vmem>> -> memref<1x128xi32, #tpu.memory_space<vmem>>
      %dma_wait3A_548 = tpu.memref_squeeze %dma_wait3A_547 : memref<1x128xi32, #tpu.memory_space<vmem>> -> memref<128xi32, #tpu.memory_space<vmem>>
      %dma_wait3A_549 = arith.constant 0 : i32
      %dma_wait3A_550 = arith.constant 0 : i32
      %dma_wait3A_551 = tpu.memref_slice %arg11[%dma_wait3A_549, %dma_wait3A_550] : memref<50176x32xf32, #tpu.memory_space<vmem_shared>> -> memref<50176x32xf32, #tpu.memory_space<vmem_shared>>
      tpu.wait_indirect_dma semaphore(%arg17 : memref<!tpu.dma_semaphore, #tpu.memory_space<semaphore_mem>>) src(%dma_wait3A_545 : memref<128x32xf32, #tpu.memory_space<vmem>>) dst(%dma_wait3A_551 : memref<50176x32xf32, #tpu.memory_space<vmem_shared>>)
      %dma_start3A_552 = arith.constant 13 : i32
      %dma_start3A_553 = arith.constant 1 : i32
      %dma_start3A_554 = arith.constant 0 : i32
      %dma_start3A_555 = arith.constant 0 : i32
      %dma_start3A_556 = tpu.memref_slice %arg9[%dma_start3A_553, %dma_start3A_554, %dma_start3A_555] : memref<4x128x32xf32, #tpu.memory_space<vmem>> -> memref<1x128x32xf32, #tpu.memory_space<vmem>>
      %dma_start3A_557 = tpu.memref_squeeze %dma_start3A_556 : memref<1x128x32xf32, #tpu.memory_space<vmem>> -> memref<128x32xf32, #tpu.memory_space<vmem>>
      %dma_start3A_558 = arith.constant 0 : i32
      %dma_start3A_559 = tpu.memref_slice %arg7[%dma_start3A_552, %dma_start3A_558] : memref<16x128xi32, #tpu.memory_space<vmem>> -> memref<1x128xi32, #tpu.memory_space<vmem>>
      %dma_start3A_560 = tpu.memref_squeeze %dma_start3A_559 : memref<1x128xi32, #tpu.memory_space<vmem>> -> memref<128xi32, #tpu.memory_space<vmem>>
      %dma_start3A_561 = arith.constant 0 : i32
      %dma_start3A_562 = arith.constant 0 : i32
      %dma_start3A_563 = tpu.memref_slice %arg2[%dma_start3A_561, %dma_start3A_562] : memref<100000x32xf32, #tpu.memory_space<hbm>> -> memref<100000x32xf32, #tpu.memory_space<hbm>>
      tpu.enqueue_indirect_dma source(%dma_start3A_563 : memref<100000x32xf32, #tpu.memory_space<hbm>>) target(%dma_start3A_557 : memref<128x32xf32, #tpu.memory_space<vmem>>) offsets(%dma_start3A_560 : memref<128xi32, #tpu.memory_space<vmem>>) semaphore(%arg13 : memref<!tpu.dma_semaphore, #tpu.memory_space<semaphore_mem>>)
      %dma_wait3A_564 = arith.constant 10 : i32
      %dma_wait3A_565 = arith.constant 2 : i32
      %dma_wait3A_566 = arith.constant 0 : i32
      %dma_wait3A_567 = arith.constant 0 : i32
      %dma_wait3A_568 = tpu.memref_slice %arg9[%dma_wait3A_565, %dma_wait3A_566, %dma_wait3A_567] : memref<4x128x32xf32, #tpu.memory_space<vmem>> -> memref<1x128x32xf32, #tpu.memory_space<vmem>>
      %dma_wait3A_569 = tpu.memref_squeeze %dma_wait3A_568 : memref<1x128x32xf32, #tpu.memory_space<vmem>> -> memref<128x32xf32, #tpu.memory_space<vmem>>
      %dma_wait3A_570 = arith.constant 0 : i32
      %dma_wait3A_571 = tpu.memref_slice %arg7[%dma_wait3A_564, %dma_wait3A_570] : memref<16x128xi32, #tpu.memory_space<vmem>> -> memref<1x128xi32, #tpu.memory_space<vmem>>
      %dma_wait3A_572 = tpu.memref_squeeze %dma_wait3A_571 : memref<1x128xi32, #tpu.memory_space<vmem>> -> memref<128xi32, #tpu.memory_space<vmem>>
      %dma_wait3A_573 = arith.constant 0 : i32
      %dma_wait3A_574 = arith.constant 0 : i32
      %dma_wait3A_575 = tpu.memref_slice %arg2[%dma_wait3A_573, %dma_wait3A_574] : memref<100000x32xf32, #tpu.memory_space<hbm>> -> memref<100000x32xf32, #tpu.memory_space<hbm>>
      tpu.wait_indirect_dma semaphore(%arg14 : memref<!tpu.dma_semaphore, #tpu.memory_space<semaphore_mem>>) src(%dma_wait3A_575 : memref<100000x32xf32, #tpu.memory_space<hbm>>) dst(%dma_wait3A_569 : memref<128x32xf32, #tpu.memory_space<vmem>>)
      %dma_start3A_576 = arith.constant 2 : i32
      %dma_start3A_577 = arith.constant 10 : i32
      %dma_start3A_578 = arith.constant 0 : i32
      %dma_start3A_579 = arith.constant 0 : i32
      %dma_start3A_580 = tpu.memref_slice %arg9[%dma_start3A_576, %dma_start3A_578, %dma_start3A_579] : memref<4x128x32xf32, #tpu.memory_space<vmem>> -> memref<1x128x32xf32, #tpu.memory_space<vmem>>
      %dma_start3A_581 = tpu.memref_squeeze %dma_start3A_580 : memref<1x128x32xf32, #tpu.memory_space<vmem>> -> memref<128x32xf32, #tpu.memory_space<vmem>>
      %dma_start3A_582 = arith.constant 0 : i32
      %dma_start3A_583 = tpu.memref_slice %arg8[%dma_start3A_577, %dma_start3A_582] : memref<16x128xi32, #tpu.memory_space<vmem>> -> memref<1x128xi32, #tpu.memory_space<vmem>>
      %dma_start3A_584 = tpu.memref_squeeze %dma_start3A_583 : memref<1x128xi32, #tpu.memory_space<vmem>> -> memref<128xi32, #tpu.memory_space<vmem>>
      %dma_start3A_585 = arith.constant 0 : i32
      %dma_start3A_586 = arith.constant 0 : i32
      %dma_start3A_587 = tpu.memref_slice %arg11[%dma_start3A_585, %dma_start3A_586] : memref<50176x32xf32, #tpu.memory_space<vmem_shared>> -> memref<50176x32xf32, #tpu.memory_space<vmem_shared>>
      tpu.enqueue_indirect_dma source(%dma_start3A_581 : memref<128x32xf32, #tpu.memory_space<vmem>>) target(%dma_start3A_587 : memref<50176x32xf32, #tpu.memory_space<vmem_shared>>) offsets(%dma_start3A_584 : memref<128xi32, #tpu.memory_space<vmem>>) semaphore(%arg18 : memref<!tpu.dma_semaphore, #tpu.memory_space<semaphore_mem>>) {add = true}
      %dma_wait3A_588 = arith.constant 2 : i32
      %dma_wait3A_589 = arith.constant 10 : i32
      %dma_wait3A_590 = arith.constant 0 : i32
      %dma_wait3A_591 = arith.constant 0 : i32
      %dma_wait3A_592 = tpu.memref_slice %arg9[%dma_wait3A_588, %dma_wait3A_590, %dma_wait3A_591] : memref<4x128x32xf32, #tpu.memory_space<vmem>> -> memref<1x128x32xf32, #tpu.memory_space<vmem>>
      %dma_wait3A_593 = tpu.memref_squeeze %dma_wait3A_592 : memref<1x128x32xf32, #tpu.memory_space<vmem>> -> memref<128x32xf32, #tpu.memory_space<vmem>>
      %dma_wait3A_594 = arith.constant 0 : i32
      %dma_wait3A_595 = tpu.memref_slice %arg8[%dma_wait3A_589, %dma_wait3A_594] : memref<16x128xi32, #tpu.memory_space<vmem>> -> memref<1x128xi32, #tpu.memory_space<vmem>>
      %dma_wait3A_596 = tpu.memref_squeeze %dma_wait3A_595 : memref<1x128xi32, #tpu.memory_space<vmem>> -> memref<128xi32, #tpu.memory_space<vmem>>
      %dma_wait3A_597 = arith.constant 0 : i32
      %dma_wait3A_598 = arith.constant 0 : i32
      %dma_wait3A_599 = tpu.memref_slice %arg11[%dma_wait3A_597, %dma_wait3A_598] : memref<50176x32xf32, #tpu.memory_space<vmem_shared>> -> memref<50176x32xf32, #tpu.memory_space<vmem_shared>>
      tpu.wait_indirect_dma semaphore(%arg18 : memref<!tpu.dma_semaphore, #tpu.memory_space<semaphore_mem>>) src(%dma_wait3A_593 : memref<128x32xf32, #tpu.memory_space<vmem>>) dst(%dma_wait3A_599 : memref<50176x32xf32, #tpu.memory_space<vmem_shared>>)
      %dma_start3A_600 = arith.constant 14 : i32
      %dma_start3A_601 = arith.constant 2 : i32
      %dma_start3A_602 = arith.constant 0 : i32
      %dma_start3A_603 = arith.constant 0 : i32
      %dma_start3A_604 = tpu.memref_slice %arg9[%dma_start3A_601, %dma_start3A_602, %dma_start3A_603] : memref<4x128x32xf32, #tpu.memory_space<vmem>> -> memref<1x128x32xf32, #tpu.memory_space<vmem>>
      %dma_start3A_605 = tpu.memref_squeeze %dma_start3A_604 : memref<1x128x32xf32, #tpu.memory_space<vmem>> -> memref<128x32xf32, #tpu.memory_space<vmem>>
      %dma_start3A_606 = arith.constant 0 : i32
      %dma_start3A_607 = tpu.memref_slice %arg7[%dma_start3A_600, %dma_start3A_606] : memref<16x128xi32, #tpu.memory_space<vmem>> -> memref<1x128xi32, #tpu.memory_space<vmem>>
      %dma_start3A_608 = tpu.memref_squeeze %dma_start3A_607 : memref<1x128xi32, #tpu.memory_space<vmem>> -> memref<128xi32, #tpu.memory_space<vmem>>
      %dma_start3A_609 = arith.constant 0 : i32
      %dma_start3A_610 = arith.constant 0 : i32
      %dma_start3A_611 = tpu.memref_slice %arg2[%dma_start3A_609, %dma_start3A_610] : memref<100000x32xf32, #tpu.memory_space<hbm>> -> memref<100000x32xf32, #tpu.memory_space<hbm>>
      tpu.enqueue_indirect_dma source(%dma_start3A_611 : memref<100000x32xf32, #tpu.memory_space<hbm>>) target(%dma_start3A_605 : memref<128x32xf32, #tpu.memory_space<vmem>>) offsets(%dma_start3A_608 : memref<128xi32, #tpu.memory_space<vmem>>) semaphore(%arg14 : memref<!tpu.dma_semaphore, #tpu.memory_space<semaphore_mem>>)
      %dma_wait3A_612 = arith.constant 11 : i32
      %dma_wait3A_613 = arith.constant 3 : i32
      %dma_wait3A_614 = arith.constant 0 : i32
      %dma_wait3A_615 = arith.constant 0 : i32
      %dma_wait3A_616 = tpu.memref_slice %arg9[%dma_wait3A_613, %dma_wait3A_614, %dma_wait3A_615] : memref<4x128x32xf32, #tpu.memory_space<vmem>> -> memref<1x128x32xf32, #tpu.memory_space<vmem>>
      %dma_wait3A_617 = tpu.memref_squeeze %dma_wait3A_616 : memref<1x128x32xf32, #tpu.memory_space<vmem>> -> memref<128x32xf32, #tpu.memory_space<vmem>>
      %dma_wait3A_618 = arith.constant 0 : i32
      %dma_wait3A_619 = tpu.memref_slice %arg7[%dma_wait3A_612, %dma_wait3A_618] : memref<16x128xi32, #tpu.memory_space<vmem>> -> memref<1x128xi32, #tpu.memory_space<vmem>>
      %dma_wait3A_620 = tpu.memref_squeeze %dma_wait3A_619 : memref<1x128xi32, #tpu.memory_space<vmem>> -> memref<128xi32, #tpu.memory_space<vmem>>
      %dma_wait3A_621 = arith.constant 0 : i32
      %dma_wait3A_622 = arith.constant 0 : i32
      %dma_wait3A_623 = tpu.memref_slice %arg2[%dma_wait3A_621, %dma_wait3A_622] : memref<100000x32xf32, #tpu.memory_space<hbm>> -> memref<100000x32xf32, #tpu.memory_space<hbm>>
      tpu.wait_indirect_dma semaphore(%arg15 : memref<!tpu.dma_semaphore, #tpu.memory_space<semaphore_mem>>) src(%dma_wait3A_623 : memref<100000x32xf32, #tpu.memory_space<hbm>>) dst(%dma_wait3A_617 : memref<128x32xf32, #tpu.memory_space<vmem>>)
      %dma_start3A_624 = arith.constant 3 : i32
      %dma_start3A_625 = arith.constant 11 : i32
      %dma_start3A_626 = arith.constant 0 : i32
      %dma_start3A_627 = arith.constant 0 : i32
      %dma_start3A_628 = tpu.memref_slice %arg9[%dma_start3A_624, %dma_start3A_626, %dma_start3A_627] : memref<4x128x32xf32, #tpu.memory_space<vmem>> -> memref<1x128x32xf32, #tpu.memory_space<vmem>>
      %dma_start3A_629 = tpu.memref_squeeze %dma_start3A_628 : memref<1x128x32xf32, #tpu.memory_space<vmem>> -> memref<128x32xf32, #tpu.memory_space<vmem>>
      %dma_start3A_630 = arith.constant 0 : i32
      %dma_start3A_631 = tpu.memref_slice %arg8[%dma_start3A_625, %dma_start3A_630] : memref<16x128xi32, #tpu.memory_space<vmem>> -> memref<1x128xi32, #tpu.memory_space<vmem>>
      %dma_start3A_632 = tpu.memref_squeeze %dma_start3A_631 : memref<1x128xi32, #tpu.memory_space<vmem>> -> memref<128xi32, #tpu.memory_space<vmem>>
      %dma_start3A_633 = arith.constant 0 : i32
      %dma_start3A_634 = arith.constant 0 : i32
      %dma_start3A_635 = tpu.memref_slice %arg11[%dma_start3A_633, %dma_start3A_634] : memref<50176x32xf32, #tpu.memory_space<vmem_shared>> -> memref<50176x32xf32, #tpu.memory_space<vmem_shared>>
      tpu.enqueue_indirect_dma source(%dma_start3A_629 : memref<128x32xf32, #tpu.memory_space<vmem>>) target(%dma_start3A_635 : memref<50176x32xf32, #tpu.memory_space<vmem_shared>>) offsets(%dma_start3A_632 : memref<128xi32, #tpu.memory_space<vmem>>) semaphore(%arg19 : memref<!tpu.dma_semaphore, #tpu.memory_space<semaphore_mem>>) {add = true}
      %dma_wait3A_636 = arith.constant 3 : i32
      %dma_wait3A_637 = arith.constant 11 : i32
      %dma_wait3A_638 = arith.constant 0 : i32
      %dma_wait3A_639 = arith.constant 0 : i32
      %dma_wait3A_640 = tpu.memref_slice %arg9[%dma_wait3A_636, %dma_wait3A_638, %dma_wait3A_639] : memref<4x128x32xf32, #tpu.memory_space<vmem>> -> memref<1x128x32xf32, #tpu.memory_space<vmem>>
      %dma_wait3A_641 = tpu.memref_squeeze %dma_wait3A_640 : memref<1x128x32xf32, #tpu.memory_space<vmem>> -> memref<128x32xf32, #tpu.memory_space<vmem>>
      %dma_wait3A_642 = arith.constant 0 : i32
      %dma_wait3A_643 = tpu.memref_slice %arg8[%dma_wait3A_637, %dma_wait3A_642] : memref<16x128xi32, #tpu.memory_space<vmem>> -> memref<1x128xi32, #tpu.memory_space<vmem>>
      %dma_wait3A_644 = tpu.memref_squeeze %dma_wait3A_643 : memref<1x128xi32, #tpu.memory_space<vmem>> -> memref<128xi32, #tpu.memory_space<vmem>>
      %dma_wait3A_645 = arith.constant 0 : i32
      %dma_wait3A_646 = arith.constant 0 : i32
      %dma_wait3A_647 = tpu.memref_slice %arg11[%dma_wait3A_645, %dma_wait3A_646] : memref<50176x32xf32, #tpu.memory_space<vmem_shared>> -> memref<50176x32xf32, #tpu.memory_space<vmem_shared>>
      tpu.wait_indirect_dma semaphore(%arg19 : memref<!tpu.dma_semaphore, #tpu.memory_space<semaphore_mem>>) src(%dma_wait3A_641 : memref<128x32xf32, #tpu.memory_space<vmem>>) dst(%dma_wait3A_647 : memref<50176x32xf32, #tpu.memory_space<vmem_shared>>)
      %dma_start3A_648 = arith.constant 15 : i32
      %dma_start3A_649 = arith.constant 3 : i32
      %dma_start3A_650 = arith.constant 0 : i32
      %dma_start3A_651 = arith.constant 0 : i32
      %dma_start3A_652 = tpu.memref_slice %arg9[%dma_start3A_649, %dma_start3A_650, %dma_start3A_651] : memref<4x128x32xf32, #tpu.memory_space<vmem>> -> memref<1x128x32xf32, #tpu.memory_space<vmem>>
      %dma_start3A_653 = tpu.memref_squeeze %dma_start3A_652 : memref<1x128x32xf32, #tpu.memory_space<vmem>> -> memref<128x32xf32, #tpu.memory_space<vmem>>
      %dma_start3A_654 = arith.constant 0 : i32
      %dma_start3A_655 = tpu.memref_slice %arg7[%dma_start3A_648, %dma_start3A_654] : memref<16x128xi32, #tpu.memory_space<vmem>> -> memref<1x128xi32, #tpu.memory_space<vmem>>
      %dma_start3A_656 = tpu.memref_squeeze %dma_start3A_655 : memref<1x128xi32, #tpu.memory_space<vmem>> -> memref<128xi32, #tpu.memory_space<vmem>>
      %dma_start3A_657 = arith.constant 0 : i32
      %dma_start3A_658 = arith.constant 0 : i32
      %dma_start3A_659 = tpu.memref_slice %arg2[%dma_start3A_657, %dma_start3A_658] : memref<100000x32xf32, #tpu.memory_space<hbm>> -> memref<100000x32xf32, #tpu.memory_space<hbm>>
      tpu.enqueue_indirect_dma source(%dma_start3A_659 : memref<100000x32xf32, #tpu.memory_space<hbm>>) target(%dma_start3A_653 : memref<128x32xf32, #tpu.memory_space<vmem>>) offsets(%dma_start3A_656 : memref<128xi32, #tpu.memory_space<vmem>>) semaphore(%arg15 : memref<!tpu.dma_semaphore, #tpu.memory_space<semaphore_mem>>)
      %dma_wait3A_660 = arith.constant 12 : i32
      %dma_wait3A_661 = arith.constant 0 : i32
      %dma_wait3A_662 = arith.constant 0 : i32
      %dma_wait3A_663 = arith.constant 0 : i32
      %dma_wait3A_664 = tpu.memref_slice %arg9[%dma_wait3A_661, %dma_wait3A_662, %dma_wait3A_663] : memref<4x128x32xf32, #tpu.memory_space<vmem>> -> memref<1x128x32xf32, #tpu.memory_space<vmem>>
      %dma_wait3A_665 = tpu.memref_squeeze %dma_wait3A_664 : memref<1x128x32xf32, #tpu.memory_space<vmem>> -> memref<128x32xf32, #tpu.memory_space<vmem>>
      %dma_wait3A_666 = arith.constant 0 : i32
      %dma_wait3A_667 = tpu.memref_slice %arg7[%dma_wait3A_660, %dma_wait3A_666] : memref<16x128xi32, #tpu.memory_space<vmem>> -> memref<1x128xi32, #tpu.memory_space<vmem>>
      %dma_wait3A_668 = tpu.memref_squeeze %dma_wait3A_667 : memref<1x128xi32, #tpu.memory_space<vmem>> -> memref<128xi32, #tpu.memory_space<vmem>>
      %dma_wait3A_669 = arith.constant 0 : i32
      %dma_wait3A_670 = arith.constant 0 : i32
      %dma_wait3A_671 = tpu.memref_slice %arg2[%dma_wait3A_669, %dma_wait3A_670] : memref<100000x32xf32, #tpu.memory_space<hbm>> -> memref<100000x32xf32, #tpu.memory_space<hbm>>
      tpu.wait_indirect_dma semaphore(%arg12 : memref<!tpu.dma_semaphore, #tpu.memory_space<semaphore_mem>>) src(%dma_wait3A_671 : memref<100000x32xf32, #tpu.memory_space<hbm>>) dst(%dma_wait3A_665 : memref<128x32xf32, #tpu.memory_space<vmem>>)
      %dma_start3A_672 = arith.constant 0 : i32
      %dma_start3A_673 = arith.constant 12 : i32
      %dma_start3A_674 = arith.constant 0 : i32
      %dma_start3A_675 = arith.constant 0 : i32
      %dma_start3A_676 = tpu.memref_slice %arg9[%dma_start3A_672, %dma_start3A_674, %dma_start3A_675] : memref<4x128x32xf32, #tpu.memory_space<vmem>> -> memref<1x128x32xf32, #tpu.memory_space<vmem>>
      %dma_start3A_677 = tpu.memref_squeeze %dma_start3A_676 : memref<1x128x32xf32, #tpu.memory_space<vmem>> -> memref<128x32xf32, #tpu.memory_space<vmem>>
      %dma_start3A_678 = arith.constant 0 : i32
      %dma_start3A_679 = tpu.memref_slice %arg8[%dma_start3A_673, %dma_start3A_678] : memref<16x128xi32, #tpu.memory_space<vmem>> -> memref<1x128xi32, #tpu.memory_space<vmem>>
      %dma_start3A_680 = tpu.memref_squeeze %dma_start3A_679 : memref<1x128xi32, #tpu.memory_space<vmem>> -> memref<128xi32, #tpu.memory_space<vmem>>
      %dma_start3A_681 = arith.constant 0 : i32
      %dma_start3A_682 = arith.constant 0 : i32
      %dma_start3A_683 = tpu.memref_slice %arg11[%dma_start3A_681, %dma_start3A_682] : memref<50176x32xf32, #tpu.memory_space<vmem_shared>> -> memref<50176x32xf32, #tpu.memory_space<vmem_shared>>
      tpu.enqueue_indirect_dma source(%dma_start3A_677 : memref<128x32xf32, #tpu.memory_space<vmem>>) target(%dma_start3A_683 : memref<50176x32xf32, #tpu.memory_space<vmem_shared>>) offsets(%dma_start3A_680 : memref<128xi32, #tpu.memory_space<vmem>>) semaphore(%arg16 : memref<!tpu.dma_semaphore, #tpu.memory_space<semaphore_mem>>) {add = true}
      %dma_wait3A_684 = arith.constant 13 : i32
      %dma_wait3A_685 = arith.constant 1 : i32
      %dma_wait3A_686 = arith.constant 0 : i32
      %dma_wait3A_687 = arith.constant 0 : i32
      %dma_wait3A_688 = tpu.memref_slice %arg9[%dma_wait3A_685, %dma_wait3A_686, %dma_wait3A_687] : memref<4x128x32xf32, #tpu.memory_space<vmem>> -> memref<1x128x32xf32, #tpu.memory_space<vmem>>
      %dma_wait3A_689 = tpu.memref_squeeze %dma_wait3A_688 : memref<1x128x32xf32, #tpu.memory_space<vmem>> -> memref<128x32xf32, #tpu.memory_space<vmem>>
      %dma_wait3A_690 = arith.constant 0 : i32
      %dma_wait3A_691 = tpu.memref_slice %arg7[%dma_wait3A_684, %dma_wait3A_690] : memref<16x128xi32, #tpu.memory_space<vmem>> -> memref<1x128xi32, #tpu.memory_space<vmem>>
      %dma_wait3A_692 = tpu.memref_squeeze %dma_wait3A_691 : memref<1x128xi32, #tpu.memory_space<vmem>> -> memref<128xi32, #tpu.memory_space<vmem>>
      %dma_wait3A_693 = arith.constant 0 : i32
      %dma_wait3A_694 = arith.constant 0 : i32
      %dma_wait3A_695 = tpu.memref_slice %arg2[%dma_wait3A_693, %dma_wait3A_694] : memref<100000x32xf32, #tpu.memory_space<hbm>> -> memref<100000x32xf32, #tpu.memory_space<hbm>>
      tpu.wait_indirect_dma semaphore(%arg13 : memref<!tpu.dma_semaphore, #tpu.memory_space<semaphore_mem>>) src(%dma_wait3A_695 : memref<100000x32xf32, #tpu.memory_space<hbm>>) dst(%dma_wait3A_689 : memref<128x32xf32, #tpu.memory_space<vmem>>)
      %dma_start3A_696 = arith.constant 1 : i32
      %dma_start3A_697 = arith.constant 13 : i32
      %dma_start3A_698 = arith.constant 0 : i32
      %dma_start3A_699 = arith.constant 0 : i32
      %dma_start3A_700 = tpu.memref_slice %arg9[%dma_start3A_696, %dma_start3A_698, %dma_start3A_699] : memref<4x128x32xf32, #tpu.memory_space<vmem>> -> memref<1x128x32xf32, #tpu.memory_space<vmem>>
      %dma_start3A_701 = tpu.memref_squeeze %dma_start3A_700 : memref<1x128x32xf32, #tpu.memory_space<vmem>> -> memref<128x32xf32, #tpu.memory_space<vmem>>
      %dma_start3A_702 = arith.constant 0 : i32
      %dma_start3A_703 = tpu.memref_slice %arg8[%dma_start3A_697, %dma_start3A_702] : memref<16x128xi32, #tpu.memory_space<vmem>> -> memref<1x128xi32, #tpu.memory_space<vmem>>
      %dma_start3A_704 = tpu.memref_squeeze %dma_start3A_703 : memref<1x128xi32, #tpu.memory_space<vmem>> -> memref<128xi32, #tpu.memory_space<vmem>>
      %dma_start3A_705 = arith.constant 0 : i32
      %dma_start3A_706 = arith.constant 0 : i32
      %dma_start3A_707 = tpu.memref_slice %arg11[%dma_start3A_705, %dma_start3A_706] : memref<50176x32xf32, #tpu.memory_space<vmem_shared>> -> memref<50176x32xf32, #tpu.memory_space<vmem_shared>>
      tpu.enqueue_indirect_dma source(%dma_start3A_701 : memref<128x32xf32, #tpu.memory_space<vmem>>) target(%dma_start3A_707 : memref<50176x32xf32, #tpu.memory_space<vmem_shared>>) offsets(%dma_start3A_704 : memref<128xi32, #tpu.memory_space<vmem>>) semaphore(%arg17 : memref<!tpu.dma_semaphore, #tpu.memory_space<semaphore_mem>>) {add = true}
      %dma_wait3A_708 = arith.constant 14 : i32
      %dma_wait3A_709 = arith.constant 2 : i32
      %dma_wait3A_710 = arith.constant 0 : i32
      %dma_wait3A_711 = arith.constant 0 : i32
      %dma_wait3A_712 = tpu.memref_slice %arg9[%dma_wait3A_709, %dma_wait3A_710, %dma_wait3A_711] : memref<4x128x32xf32, #tpu.memory_space<vmem>> -> memref<1x128x32xf32, #tpu.memory_space<vmem>>
      %dma_wait3A_713 = tpu.memref_squeeze %dma_wait3A_712 : memref<1x128x32xf32, #tpu.memory_space<vmem>> -> memref<128x32xf32, #tpu.memory_space<vmem>>
      %dma_wait3A_714 = arith.constant 0 : i32
      %dma_wait3A_715 = tpu.memref_slice %arg7[%dma_wait3A_708, %dma_wait3A_714] : memref<16x128xi32, #tpu.memory_space<vmem>> -> memref<1x128xi32, #tpu.memory_space<vmem>>
      %dma_wait3A_716 = tpu.memref_squeeze %dma_wait3A_715 : memref<1x128xi32, #tpu.memory_space<vmem>> -> memref<128xi32, #tpu.memory_space<vmem>>
      %dma_wait3A_717 = arith.constant 0 : i32
      %dma_wait3A_718 = arith.constant 0 : i32
      %dma_wait3A_719 = tpu.memref_slice %arg2[%dma_wait3A_717, %dma_wait3A_718] : memref<100000x32xf32, #tpu.memory_space<hbm>> -> memref<100000x32xf32, #tpu.memory_space<hbm>>
      tpu.wait_indirect_dma semaphore(%arg14 : memref<!tpu.dma_semaphore, #tpu.memory_space<semaphore_mem>>) src(%dma_wait3A_719 : memref<100000x32xf32, #tpu.memory_space<hbm>>) dst(%dma_wait3A_713 : memref<128x32xf32, #tpu.memory_space<vmem>>)
      %dma_start3A_720 = arith.constant 2 : i32
      %dma_start3A_721 = arith.constant 14 : i32
      %dma_start3A_722 = arith.constant 0 : i32
      %dma_start3A_723 = arith.constant 0 : i32
      %dma_start3A_724 = tpu.memref_slice %arg9[%dma_start3A_720, %dma_start3A_722, %dma_start3A_723] : memref<4x128x32xf32, #tpu.memory_space<vmem>> -> memref<1x128x32xf32, #tpu.memory_space<vmem>>
      %dma_start3A_725 = tpu.memref_squeeze %dma_start3A_724 : memref<1x128x32xf32, #tpu.memory_space<vmem>> -> memref<128x32xf32, #tpu.memory_space<vmem>>
      %dma_start3A_726 = arith.constant 0 : i32
      %dma_start3A_727 = tpu.memref_slice %arg8[%dma_start3A_721, %dma_start3A_726] : memref<16x128xi32, #tpu.memory_space<vmem>> -> memref<1x128xi32, #tpu.memory_space<vmem>>
      %dma_start3A_728 = tpu.memref_squeeze %dma_start3A_727 : memref<1x128xi32, #tpu.memory_space<vmem>> -> memref<128xi32, #tpu.memory_space<vmem>>
      %dma_start3A_729 = arith.constant 0 : i32
      %dma_start3A_730 = arith.constant 0 : i32
      %dma_start3A_731 = tpu.memref_slice %arg11[%dma_start3A_729, %dma_start3A_730] : memref<50176x32xf32, #tpu.memory_space<vmem_shared>> -> memref<50176x32xf32, #tpu.memory_space<vmem_shared>>
      tpu.enqueue_indirect_dma source(%dma_start3A_725 : memref<128x32xf32, #tpu.memory_space<vmem>>) target(%dma_start3A_731 : memref<50176x32xf32, #tpu.memory_space<vmem_shared>>) offsets(%dma_start3A_728 : memref<128xi32, #tpu.memory_space<vmem>>) semaphore(%arg18 : memref<!tpu.dma_semaphore, #tpu.memory_space<semaphore_mem>>) {add = true}
      %dma_wait3A_732 = arith.constant 15 : i32
      %dma_wait3A_733 = arith.constant 3 : i32
      %dma_wait3A_734 = arith.constant 0 : i32
      %dma_wait3A_735 = arith.constant 0 : i32
      %dma_wait3A_736 = tpu.memref_slice %arg9[%dma_wait3A_733, %dma_wait3A_734, %dma_wait3A_735] : memref<4x128x32xf32, #tpu.memory_space<vmem>> -> memref<1x128x32xf32, #tpu.memory_space<vmem>>
      %dma_wait3A_737 = tpu.memref_squeeze %dma_wait3A_736 : memref<1x128x32xf32, #tpu.memory_space<vmem>> -> memref<128x32xf32, #tpu.memory_space<vmem>>
      %dma_wait3A_738 = arith.constant 0 : i32
      %dma_wait3A_739 = tpu.memref_slice %arg7[%dma_wait3A_732, %dma_wait3A_738] : memref<16x128xi32, #tpu.memory_space<vmem>> -> memref<1x128xi32, #tpu.memory_space<vmem>>
      %dma_wait3A_740 = tpu.memref_squeeze %dma_wait3A_739 : memref<1x128xi32, #tpu.memory_space<vmem>> -> memref<128xi32, #tpu.memory_space<vmem>>
      %dma_wait3A_741 = arith.constant 0 : i32
      %dma_wait3A_742 = arith.constant 0 : i32
      %dma_wait3A_743 = tpu.memref_slice %arg2[%dma_wait3A_741, %dma_wait3A_742] : memref<100000x32xf32, #tpu.memory_space<hbm>> -> memref<100000x32xf32, #tpu.memory_space<hbm>>
      tpu.wait_indirect_dma semaphore(%arg15 : memref<!tpu.dma_semaphore, #tpu.memory_space<semaphore_mem>>) src(%dma_wait3A_743 : memref<100000x32xf32, #tpu.memory_space<hbm>>) dst(%dma_wait3A_737 : memref<128x32xf32, #tpu.memory_space<vmem>>)
      %dma_start3A_744 = arith.constant 3 : i32
      %dma_start3A_745 = arith.constant 15 : i32
      %dma_start3A_746 = arith.constant 0 : i32
      %dma_start3A_747 = arith.constant 0 : i32
      %dma_start3A_748 = tpu.memref_slice %arg9[%dma_start3A_744, %dma_start3A_746, %dma_start3A_747] : memref<4x128x32xf32, #tpu.memory_space<vmem>> -> memref<1x128x32xf32, #tpu.memory_space<vmem>>
      %dma_start3A_749 = tpu.memref_squeeze %dma_start3A_748 : memref<1x128x32xf32, #tpu.memory_space<vmem>> -> memref<128x32xf32, #tpu.memory_space<vmem>>
      %dma_start3A_750 = arith.constant 0 : i32
      %dma_start3A_751 = tpu.memref_slice %arg8[%dma_start3A_745, %dma_start3A_750] : memref<16x128xi32, #tpu.memory_space<vmem>> -> memref<1x128xi32, #tpu.memory_space<vmem>>
      %dma_start3A_752 = tpu.memref_squeeze %dma_start3A_751 : memref<1x128xi32, #tpu.memory_space<vmem>> -> memref<128xi32, #tpu.memory_space<vmem>>
      %dma_start3A_753 = arith.constant 0 : i32
      %dma_start3A_754 = arith.constant 0 : i32
      %dma_start3A_755 = tpu.memref_slice %arg11[%dma_start3A_753, %dma_start3A_754] : memref<50176x32xf32, #tpu.memory_space<vmem_shared>> -> memref<50176x32xf32, #tpu.memory_space<vmem_shared>>
      tpu.enqueue_indirect_dma source(%dma_start3A_749 : memref<128x32xf32, #tpu.memory_space<vmem>>) target(%dma_start3A_755 : memref<50176x32xf32, #tpu.memory_space<vmem_shared>>) offsets(%dma_start3A_752 : memref<128xi32, #tpu.memory_space<vmem>>) semaphore(%arg19 : memref<!tpu.dma_semaphore, #tpu.memory_space<semaphore_mem>>) {add = true}
      %dma_wait3A_756 = arith.constant 0 : i32
      %dma_wait3A_757 = arith.constant 12 : i32
      %dma_wait3A_758 = arith.constant 0 : i32
      %dma_wait3A_759 = arith.constant 0 : i32
      %dma_wait3A_760 = tpu.memref_slice %arg9[%dma_wait3A_756, %dma_wait3A_758, %dma_wait3A_759] : memref<4x128x32xf32, #tpu.memory_space<vmem>> -> memref<1x128x32xf32, #tpu.memory_space<vmem>>
      %dma_wait3A_761 = tpu.memref_squeeze %dma_wait3A_760 : memref<1x128x32xf32, #tpu.memory_space<vmem>> -> memref<128x32xf32, #tpu.memory_space<vmem>>
      %dma_wait3A_762 = arith.constant 0 : i32
      %dma_wait3A_763 = tpu.memref_slice %arg8[%dma_wait3A_757, %dma_wait3A_762] : memref<16x128xi32, #tpu.memory_space<vmem>> -> memref<1x128xi32, #tpu.memory_space<vmem>>
      %dma_wait3A_764 = tpu.memref_squeeze %dma_wait3A_763 : memref<1x128xi32, #tpu.memory_space<vmem>> -> memref<128xi32, #tpu.memory_space<vmem>>
      %dma_wait3A_765 = arith.constant 0 : i32
      %dma_wait3A_766 = arith.constant 0 : i32
      %dma_wait3A_767 = tpu.memref_slice %arg11[%dma_wait3A_765, %dma_wait3A_766] : memref<50176x32xf32, #tpu.memory_space<vmem_shared>> -> memref<50176x32xf32, #tpu.memory_space<vmem_shared>>
      tpu.wait_indirect_dma semaphore(%arg16 : memref<!tpu.dma_semaphore, #tpu.memory_space<semaphore_mem>>) src(%dma_wait3A_761 : memref<128x32xf32, #tpu.memory_space<vmem>>) dst(%dma_wait3A_767 : memref<50176x32xf32, #tpu.memory_space<vmem_shared>>)
      %dma_wait3A_768 = arith.constant 1 : i32
      %dma_wait3A_769 = arith.constant 13 : i32
      %dma_wait3A_770 = arith.constant 0 : i32
      %dma_wait3A_771 = arith.constant 0 : i32
      %dma_wait3A_772 = tpu.memref_slice %arg9[%dma_wait3A_768, %dma_wait3A_770, %dma_wait3A_771] : memref<4x128x32xf32, #tpu.memory_space<vmem>> -> memref<1x128x32xf32, #tpu.memory_space<vmem>>
      %dma_wait3A_773 = tpu.memref_squeeze %dma_wait3A_772 : memref<1x128x32xf32, #tpu.memory_space<vmem>> -> memref<128x32xf32, #tpu.memory_space<vmem>>
      %dma_wait3A_774 = arith.constant 0 : i32
      %dma_wait3A_775 = tpu.memref_slice %arg8[%dma_wait3A_769, %dma_wait3A_774] : memref<16x128xi32, #tpu.memory_space<vmem>> -> memref<1x128xi32, #tpu.memory_space<vmem>>
      %dma_wait3A_776 = tpu.memref_squeeze %dma_wait3A_775 : memref<1x128xi32, #tpu.memory_space<vmem>> -> memref<128xi32, #tpu.memory_space<vmem>>
      %dma_wait3A_777 = arith.constant 0 : i32
      %dma_wait3A_778 = arith.constant 0 : i32
      %dma_wait3A_779 = tpu.memref_slice %arg11[%dma_wait3A_777, %dma_wait3A_778] : memref<50176x32xf32, #tpu.memory_space<vmem_shared>> -> memref<50176x32xf32, #tpu.memory_space<vmem_shared>>
      tpu.wait_indirect_dma semaphore(%arg17 : memref<!tpu.dma_semaphore, #tpu.memory_space<semaphore_mem>>) src(%dma_wait3A_773 : memref<128x32xf32, #tpu.memory_space<vmem>>) dst(%dma_wait3A_779 : memref<50176x32xf32, #tpu.memory_space<vmem_shared>>)
      %dma_wait3A_780 = arith.constant 2 : i32
      %dma_wait3A_781 = arith.constant 14 : i32
      %dma_wait3A_782 = arith.constant 0 : i32
      %dma_wait3A_783 = arith.constant 0 : i32
      %dma_wait3A_784 = tpu.memref_slice %arg9[%dma_wait3A_780, %dma_wait3A_782, %dma_wait3A_783] : memref<4x128x32xf32, #tpu.memory_space<vmem>> -> memref<1x128x32xf32, #tpu.memory_space<vmem>>
      %dma_wait3A_785 = tpu.memref_squeeze %dma_wait3A_784 : memref<1x128x32xf32, #tpu.memory_space<vmem>> -> memref<128x32xf32, #tpu.memory_space<vmem>>
      %dma_wait3A_786 = arith.constant 0 : i32
      %dma_wait3A_787 = tpu.memref_slice %arg8[%dma_wait3A_781, %dma_wait3A_786] : memref<16x128xi32, #tpu.memory_space<vmem>> -> memref<1x128xi32, #tpu.memory_space<vmem>>
      %dma_wait3A_788 = tpu.memref_squeeze %dma_wait3A_787 : memref<1x128xi32, #tpu.memory_space<vmem>> -> memref<128xi32, #tpu.memory_space<vmem>>
      %dma_wait3A_789 = arith.constant 0 : i32
      %dma_wait3A_790 = arith.constant 0 : i32
      %dma_wait3A_791 = tpu.memref_slice %arg11[%dma_wait3A_789, %dma_wait3A_790] : memref<50176x32xf32, #tpu.memory_space<vmem_shared>> -> memref<50176x32xf32, #tpu.memory_space<vmem_shared>>
      tpu.wait_indirect_dma semaphore(%arg18 : memref<!tpu.dma_semaphore, #tpu.memory_space<semaphore_mem>>) src(%dma_wait3A_785 : memref<128x32xf32, #tpu.memory_space<vmem>>) dst(%dma_wait3A_791 : memref<50176x32xf32, #tpu.memory_space<vmem_shared>>)
      %dma_wait3A_792 = arith.constant 3 : i32
      %dma_wait3A_793 = arith.constant 15 : i32
      %dma_wait3A_794 = arith.constant 0 : i32
      %dma_wait3A_795 = arith.constant 0 : i32
      %dma_wait3A_796 = tpu.memref_slice %arg9[%dma_wait3A_792, %dma_wait3A_794, %dma_wait3A_795] : memref<4x128x32xf32, #tpu.memory_space<vmem>> -> memref<1x128x32xf32, #tpu.memory_space<vmem>>
      %dma_wait3A_797 = tpu.memref_squeeze %dma_wait3A_796 : memref<1x128x32xf32, #tpu.memory_space<vmem>> -> memref<128x32xf32, #tpu.memory_space<vmem>>
      %dma_wait3A_798 = arith.constant 0 : i32
      %dma_wait3A_799 = tpu.memref_slice %arg8[%dma_wait3A_793, %dma_wait3A_798] : memref<16x128xi32, #tpu.memory_space<vmem>> -> memref<1x128xi32, #tpu.memory_space<vmem>>
      %dma_wait3A_800 = tpu.memref_squeeze %dma_wait3A_799 : memref<1x128xi32, #tpu.memory_space<vmem>> -> memref<128xi32, #tpu.memory_space<vmem>>
      %dma_wait3A_801 = arith.constant 0 : i32
      %dma_wait3A_802 = arith.constant 0 : i32
      %dma_wait3A_803 = tpu.memref_slice %arg11[%dma_wait3A_801, %dma_wait3A_802] : memref<50176x32xf32, #tpu.memory_space<vmem_shared>> -> memref<50176x32xf32, #tpu.memory_space<vmem_shared>>
      tpu.wait_indirect_dma semaphore(%arg19 : memref<!tpu.dma_semaphore, #tpu.memory_space<semaphore_mem>>) src(%dma_wait3A_797 : memref<128x32xf32, #tpu.memory_space<vmem>>) dst(%dma_wait3A_803 : memref<50176x32xf32, #tpu.memory_space<vmem_shared>>)
    }
    %scan3A_19 = arith.constant 25 : i32
    %barrier3A_20 = arith.constant 0 : index
    tpu.barrier barrier_id(%barrier3A_20)
    %scan3A_21 = arith.constant 0 : i32
    %scan3A_22 = arith.constant 0 : i32
    %scan3A_23 = arith.constant 28 : i32
    %scan3A_24 = arith.addi %scan3A_22, %scan3A_23 : i32
    %scan3A_25 = arith.constant 1 : i32
    scf.for %scan3A_27 = %scan3A_22 to %scan3A_24 step %scan3A_25  : i32 {
      %mul3A_28 = arith.constant 112 : i32
      %mul3A_29 = arith.muli %scan3A_27, %mul3A_28 : i32
      %add3A = arith.addi %mul3A_5, %mul3A_29 : i32
      %mul3A_30 = arith.constant 112 : i32
      %mul3A_31 = arith.muli %scan3A_27, %mul3A_30 : i32
      %add3A_32 = arith.addi %mul3A_5, %mul3A_31 : i32
      %mul3A_33 = arith.constant 32 : i32
      %mul3A_34 = arith.muli %arg0, %mul3A_33 : i32
      "tpu.region"() ({
        %run_scoped3A = tpu.sem_alloc : memref<!tpu.dma_semaphore, #tpu.memory_space<semaphore_mem>>
        %dma_start3A = tpu.memref_slice %arg5[%add3A_32, %mul3A_34] : memref<50176x64xf32, #tpu.memory_space<hbm>> -> memref<112x32xf32, #tpu.memory_space<hbm>>
        %dma_start3A_35 = arith.constant 0 : i32
        %dma_start3A_36 = tpu.memref_slice %arg11[%add3A, %dma_start3A_35] : memref<50176x32xf32, #tpu.memory_space<vmem_shared>> -> memref<112x32xf32, #tpu.memory_space<vmem_shared>>
        tpu.enqueue_dma source(%dma_start3A_36 : memref<112x32xf32, #tpu.memory_space<vmem_shared>>) target(%dma_start3A : memref<112x32xf32, #tpu.memory_space<hbm>>) target_semaphore(%run_scoped3A : memref<!tpu.dma_semaphore, #tpu.memory_space<semaphore_mem>>)
        %dma_wait3A = tpu.memref_slice %arg5[%add3A_32, %mul3A_34] : memref<50176x64xf32, #tpu.memory_space<hbm>> -> memref<112x32xf32, #tpu.memory_space<hbm>>
        %dma_wait3A_37 = arith.constant 0 : i32
        %dma_wait3A_38 = tpu.memref_slice %arg11[%add3A, %dma_wait3A_37] : memref<50176x32xf32, #tpu.memory_space<vmem_shared>> -> memref<112x32xf32, #tpu.memory_space<vmem_shared>>
        tpu.wait_dma2 semaphore(%run_scoped3A : memref<!tpu.dma_semaphore, #tpu.memory_space<semaphore_mem>>) src(%dma_wait3A_38 : memref<112x32xf32, #tpu.memory_space<vmem_shared>>) dst(%dma_wait3A : memref<112x32xf32, #tpu.memory_space<hbm>>)
        tpu.yield
      }) : () -> ()
    }
    %scan3A_26 = arith.constant 28 : i32
    return
  }
}

#map = affine_map<(d0, d1) -> (0, 0)>
module attributes {stable_mosaic.version = 14 : i64} {
  func.func @k(%arg0: i32, %arg1: i32, %arg2: memref<200000x16xf32, #tpu.memory_space<hbm>>, %arg3: memref<6400x128xi32, #tpu.memory_space<hbm>>, %arg4: memref<6400x128xi32, #tpu.memory_space<hbm>>, %arg5: memref<50176x32xf32, #tpu.memory_space<hbm>>, %arg6: memref<16x128xi32, #tpu.memory_space<vmem>>, %arg7: memref<16x128xi32, #tpu.memory_space<vmem>>, %arg8: memref<16x128xi32, #tpu.memory_space<vmem>>, %arg9: memref<8x128x16xf32, #tpu.memory_space<vmem>>, %arg10: memref<112x16xf32, #tpu.memory_space<vmem>>, %arg11: memref<50176x16xf32, #tpu.memory_space<vmem_shared>>, %arg12: memref<!tpu.dma_semaphore, #tpu.memory_space<semaphore_mem>>, %arg13: memref<!tpu.dma_semaphore, #tpu.memory_space<semaphore_mem>>, %arg14: memref<!tpu.dma_semaphore, #tpu.memory_space<semaphore_mem>>, %arg15: memref<!tpu.dma_semaphore, #tpu.memory_space<semaphore_mem>>, %arg16: memref<!tpu.dma_semaphore, #tpu.memory_space<semaphore_mem>>, %arg17: memref<!tpu.dma_semaphore, #tpu.memory_space<semaphore_mem>>, %arg18: memref<!tpu.dma_semaphore, #tpu.memory_space<semaphore_mem>>, %arg19: memref<!tpu.dma_semaphore, #tpu.memory_space<semaphore_mem>>, %arg20: memref<!tpu.dma_semaphore, #tpu.memory_space<semaphore_mem>>, %arg21: memref<!tpu.dma_semaphore, #tpu.memory_space<semaphore_mem>>, %arg22: memref<!tpu.dma_semaphore, #tpu.memory_space<semaphore_mem>>, %arg23: memref<!tpu.dma_semaphore, #tpu.memory_space<semaphore_mem>>, %arg24: memref<!tpu.dma_semaphore, #tpu.memory_space<semaphore_mem>>, %arg25: memref<!tpu.dma_semaphore, #tpu.memory_space<semaphore_mem>>, %arg26: memref<!tpu.dma_semaphore, #tpu.memory_space<semaphore_mem>>, %arg27: memref<!tpu.dma_semaphore, #tpu.memory_space<semaphore_mem>>) attributes {dimension_semantics = [#tpu.dimension_semantics<core_parallel>, #tpu.dimension_semantics<subcore_parallel>], iteration_bounds = array<i64: 2, 16>, scalar_prefetch = 0 : i64, scratch_operands = 22 : i64, tpu.core_type = #tpu.core_type<sc_vector_subcore>, window_params = [{transform_indices = #map}, {transform_indices = #map}, {transform_indices = #map}, {transform_indices = #map}]} {
    %scan3A = arith.constant 0 : i32
    %scan3A_0 = arith.constant 0 : i32
    %scan3A_1 = arith.constant 112 : i32
    %scan3A_2 = arith.addi %scan3A_0, %scan3A_1 : i32
    %scan3A_3 = arith.constant 1 : i32
    scf.for %scan3A_27 = %scan3A_0 to %scan3A_2 step %scan3A_3  : i32 {
      %broadcast_in_dim3A = arith.constant 0.000000e+00 : f32
      %broadcast_in_dim3A_28 = vector.broadcast %broadcast_in_dim3A : f32 to vector<16xf32>
      %swap3A = arith.index_cast %scan3A_27 : i32 to index
      %swap3A_29 = arith.constant 0 : index
      %swap3A_30 = tpu.vector_load %arg10[%swap3A, %swap3A_29] {strides = array<i32>} : memref<112x16xf32, #tpu.memory_space<vmem>>, vector<1x16xf32>,
      %swap3A_31 = vector.shape_cast %swap3A_30 : vector<1x16xf32> to vector<16xf32>
      %swap3A_32 = vector.shape_cast %broadcast_in_dim3A_28 : vector<16xf32> to vector<1x16xf32>
      tpu.vector_store %arg10[%swap3A, %swap3A_29], %swap3A_32 {strides = array<i32>} : memref<112x16xf32, #tpu.memory_space<vmem>>, vector<1x16xf32>,
    }
    %scan3A_4 = arith.constant 112 : i32
    %mul3A = arith.constant 3136 : i32
    %mul3A_5 = arith.muli %arg1, %mul3A : i32
    %scan3A_6 = arith.constant 0 : i32
    %scan3A_7 = arith.constant 0 : i32
    %scan3A_8 = arith.constant 28 : i32
    %scan3A_9 = arith.addi %scan3A_7, %scan3A_8 : i32
    %scan3A_10 = arith.constant 1 : i32
    scf.for %scan3A_27 = %scan3A_7 to %scan3A_9 step %scan3A_10  : i32 {
      %mul3A_28 = arith.constant 112 : i32
      %mul3A_29 = arith.muli %scan3A_27, %mul3A_28 : i32
      %add3A = arith.addi %mul3A_5, %mul3A_29 : i32
      "tpu.region"() ({
        %run_scoped3A = tpu.sem_alloc : memref<!tpu.dma_semaphore, #tpu.memory_space<semaphore_mem>>
        %dma_start3A = arith.constant 0 : i32
        %dma_start3A_30 = tpu.memref_slice %arg11[%add3A, %dma_start3A] : memref<50176x16xf32, #tpu.memory_space<vmem_shared>> -> memref<112x16xf32, #tpu.memory_space<vmem_shared>>
        %dma_start3A_31 = arith.constant 0 : i32
        %dma_start3A_32 = tpu.memref_slice %arg11[%add3A, %dma_start3A_31] : memref<50176x16xf32, #tpu.memory_space<vmem_shared>> -> memref<112x16xf32, #tpu.memory_space<vmem_shared>>
        tpu.enqueue_dma source(%arg10 : memref<112x16xf32, #tpu.memory_space<vmem>>) target(%dma_start3A_32 : memref<112x16xf32, #tpu.memory_space<vmem_shared>>) target_semaphore(%run_scoped3A : memref<!tpu.dma_semaphore, #tpu.memory_space<semaphore_mem>>)
        %dma_wait3A = arith.constant 0 : i32
        %dma_wait3A_33 = tpu.memref_slice %arg11[%add3A, %dma_wait3A] : memref<50176x16xf32, #tpu.memory_space<vmem_shared>> -> memref<112x16xf32, #tpu.memory_space<vmem_shared>>
        %dma_wait3A_34 = arith.constant 0 : i32
        %dma_wait3A_35 = tpu.memref_slice %arg11[%add3A, %dma_wait3A_34] : memref<50176x16xf32, #tpu.memory_space<vmem_shared>> -> memref<112x16xf32, #tpu.memory_space<vmem_shared>>
        tpu.wait_dma2 semaphore(%run_scoped3A : memref<!tpu.dma_semaphore, #tpu.memory_space<semaphore_mem>>) src(%arg10 : memref<112x16xf32, #tpu.memory_space<vmem>>) dst(%dma_wait3A_35 : memref<112x16xf32, #tpu.memory_space<vmem_shared>>)
        tpu.yield
      }) : () -> ()
    }
    %scan3A_11 = arith.constant 28 : i32
    %barrier3A = arith.constant 0 : index
    tpu.barrier barrier_id(%barrier3A)
    %mul3A_12 = arith.constant 400 : i32
    %mul3A_13 = arith.muli %arg1, %mul3A_12 : i32
    %scan3A_14 = arith.constant 0 : i32
    %scan3A_15 = arith.constant 0 : i32
    %scan3A_16 = arith.constant 25 : i32
    %scan3A_17 = arith.addi %scan3A_15, %scan3A_16 : i32
    %scan3A_18 = arith.constant 1 : i32
    scf.for %scan3A_27 = %scan3A_15 to %scan3A_17 step %scan3A_18  : i32 {
      %mul3A_28 = arith.constant 16 : i32
      %mul3A_29 = arith.muli %scan3A_27, %mul3A_28 : i32
      %add3A = arith.addi %mul3A_13, %mul3A_29 : i32
      "tpu.region"() ({
        %run_scoped3A = tpu.sem_alloc : memref<!tpu.dma_semaphore, #tpu.memory_space<semaphore_mem>>
        %dma_start3A_804 = arith.constant 0 : i32
        %dma_start3A_805 = tpu.memref_slice %arg3[%add3A, %dma_start3A_804] : memref<6400x128xi32, #tpu.memory_space<hbm>> -> memref<16x128xi32, #tpu.memory_space<hbm>>
        %dma_start3A_806 = arith.constant 0 : i32
        %dma_start3A_807 = tpu.memref_slice %arg3[%add3A, %dma_start3A_806] : memref<6400x128xi32, #tpu.memory_space<hbm>> -> memref<16x128xi32, #tpu.memory_space<hbm>>
        tpu.enqueue_dma source(%dma_start3A_807 : memref<16x128xi32, #tpu.memory_space<hbm>>) target(%arg6 : memref<16x128xi32, #tpu.memory_space<vmem>>) target_semaphore(%run_scoped3A : memref<!tpu.dma_semaphore, #tpu.memory_space<semaphore_mem>>)
        %dma_wait3A_808 = arith.constant 0 : i32
        %dma_wait3A_809 = tpu.memref_slice %arg3[%add3A, %dma_wait3A_808] : memref<6400x128xi32, #tpu.memory_space<hbm>> -> memref<16x128xi32, #tpu.memory_space<hbm>>
        %dma_wait3A_810 = arith.constant 0 : i32
        %dma_wait3A_811 = tpu.memref_slice %arg3[%add3A, %dma_wait3A_810] : memref<6400x128xi32, #tpu.memory_space<hbm>> -> memref<16x128xi32, #tpu.memory_space<hbm>>
        tpu.wait_dma2 semaphore(%run_scoped3A : memref<!tpu.dma_semaphore, #tpu.memory_space<semaphore_mem>>) src(%dma_wait3A_811 : memref<16x128xi32, #tpu.memory_space<hbm>>) dst(%arg6 : memref<16x128xi32, #tpu.memory_space<vmem>>)
        tpu.yield
      }) : () -> ()
      "tpu.region"() ({
        %run_scoped3A = tpu.sem_alloc : memref<!tpu.dma_semaphore, #tpu.memory_space<semaphore_mem>>
        %dma_start3A_804 = arith.constant 0 : i32
        %dma_start3A_805 = tpu.memref_slice %arg4[%add3A, %dma_start3A_804] : memref<6400x128xi32, #tpu.memory_space<hbm>> -> memref<16x128xi32, #tpu.memory_space<hbm>>
        %dma_start3A_806 = arith.constant 0 : i32
        %dma_start3A_807 = tpu.memref_slice %arg4[%add3A, %dma_start3A_806] : memref<6400x128xi32, #tpu.memory_space<hbm>> -> memref<16x128xi32, #tpu.memory_space<hbm>>
        tpu.enqueue_dma source(%dma_start3A_807 : memref<16x128xi32, #tpu.memory_space<hbm>>) target(%arg8 : memref<16x128xi32, #tpu.memory_space<vmem>>) target_semaphore(%run_scoped3A : memref<!tpu.dma_semaphore, #tpu.memory_space<semaphore_mem>>)
        %dma_wait3A_808 = arith.constant 0 : i32
        %dma_wait3A_809 = tpu.memref_slice %arg4[%add3A, %dma_wait3A_808] : memref<6400x128xi32, #tpu.memory_space<hbm>> -> memref<16x128xi32, #tpu.memory_space<hbm>>
        %dma_wait3A_810 = arith.constant 0 : i32
        %dma_wait3A_811 = tpu.memref_slice %arg4[%add3A, %dma_wait3A_810] : memref<6400x128xi32, #tpu.memory_space<hbm>> -> memref<16x128xi32, #tpu.memory_space<hbm>>
        tpu.wait_dma2 semaphore(%run_scoped3A : memref<!tpu.dma_semaphore, #tpu.memory_space<semaphore_mem>>) src(%dma_wait3A_811 : memref<16x128xi32, #tpu.memory_space<hbm>>) dst(%arg8 : memref<16x128xi32, #tpu.memory_space<vmem>>)
        tpu.yield
      }) : () -> ()
      %add3A_30 = arith.constant 2 : i32
      %add3A_31 = arith.addi %add3A_30, %arg0 : i32
      %scan3A_32 = arith.constant 0 : i32
      %scan3A_33 = arith.constant 0 : i32
      %scan3A_34 = arith.constant 16 : i32
      %scan3A_35 = arith.addi %scan3A_33, %scan3A_34 : i32
      %scan3A_36 = arith.constant 1 : i32
      scf.for %scan3A_804 = %scan3A_33 to %scan3A_35 step %scan3A_36  : i32 {
        %get3A = arith.index_cast %scan3A_804 : i32 to index
        %get3A_805 = arith.constant 0 : index
        %get3A_806 = tpu.vector_load %arg6[%get3A, %get3A_805] {strides = array<i32>} : memref<16x128xi32, #tpu.memory_space<vmem>>, vector<1x16xi32>,
        %get3A_807 = vector.shape_cast %get3A_806 : vector<1x16xi32> to vector<16xi32>
        %mul3A_808 = arith.constant 4 : i32
        %mul3A_809 = vector.broadcast %mul3A_808 : i32 to vector<16xi32>
        %mul3A_810 = arith.muli %get3A_807, %mul3A_809 : vector<16xi32>
        %add3A_811 = vector.broadcast %add3A_31 : i32 to vector<16xi32>
        %add3A_812 = arith.addi %mul3A_810, %add3A_811 : vector<16xi32>
        %swap3A = arith.index_cast %scan3A_804 : i32 to index
        %swap3A_813 = arith.constant 0 : index
        %swap3A_814 = tpu.vector_load %arg7[%swap3A, %swap3A_813] {strides = array<i32>} : memref<16x128xi32, #tpu.memory_space<vmem>>, vector<1x16xi32>,
        %swap3A_815 = vector.shape_cast %swap3A_814 : vector<1x16xi32> to vector<16xi32>
        %swap3A_816 = vector.shape_cast %add3A_812 : vector<16xi32> to vector<1x16xi32>
        tpu.vector_store %arg7[%swap3A, %swap3A_813], %swap3A_816 {strides = array<i32>} : memref<16x128xi32, #tpu.memory_space<vmem>>, vector<1x16xi32>,
        %get3A_817 = arith.index_cast %scan3A_804 : i32 to index
        %get3A_818 = arith.constant 16 : index
        %get3A_819 = tpu.vector_load %arg6[%get3A_817, %get3A_818] {strides = array<i32>} : memref<16x128xi32, #tpu.memory_space<vmem>>, vector<1x16xi32>,
        %get3A_820 = vector.shape_cast %get3A_819 : vector<1x16xi32> to vector<16xi32>
        %mul3A_821 = arith.constant 4 : i32
        %mul3A_822 = vector.broadcast %mul3A_821 : i32 to vector<16xi32>
        %mul3A_823 = arith.muli %get3A_820, %mul3A_822 : vector<16xi32>
        %add3A_824 = vector.broadcast %add3A_31 : i32 to vector<16xi32>
        %add3A_825 = arith.addi %mul3A_823, %add3A_824 : vector<16xi32>
        %swap3A_826 = arith.index_cast %scan3A_804 : i32 to index
        %swap3A_827 = arith.constant 16 : index
        %swap3A_828 = tpu.vector_load %arg7[%swap3A_826, %swap3A_827] {strides = array<i32>} : memref<16x128xi32, #tpu.memory_space<vmem>>, vector<1x16xi32>,
        %swap3A_829 = vector.shape_cast %swap3A_828 : vector<1x16xi32> to vector<16xi32>
        %swap3A_830 = vector.shape_cast %add3A_825 : vector<16xi32> to vector<1x16xi32>
        tpu.vector_store %arg7[%swap3A_826, %swap3A_827], %swap3A_830 {strides = array<i32>} : memref<16x128xi32, #tpu.memory_space<vmem>>, vector<1x16xi32>,
        %get3A_831 = arith.index_cast %scan3A_804 : i32 to index
        %get3A_832 = arith.constant 32 : index
        %get3A_833 = tpu.vector_load %arg6[%get3A_831, %get3A_832] {strides = array<i32>} : memref<16x128xi32, #tpu.memory_space<vmem>>, vector<1x16xi32>,
        %get3A_834 = vector.shape_cast %get3A_833 : vector<1x16xi32> to vector<16xi32>
        %mul3A_835 = arith.constant 4 : i32
        %mul3A_836 = vector.broadcast %mul3A_835 : i32 to vector<16xi32>
        %mul3A_837 = arith.muli %get3A_834, %mul3A_836 : vector<16xi32>
        %add3A_838 = vector.broadcast %add3A_31 : i32 to vector<16xi32>
        %add3A_839 = arith.addi %mul3A_837, %add3A_838 : vector<16xi32>
        %swap3A_840 = arith.index_cast %scan3A_804 : i32 to index
        %swap3A_841 = arith.constant 32 : index
        %swap3A_842 = tpu.vector_load %arg7[%swap3A_840, %swap3A_841] {strides = array<i32>} : memref<16x128xi32, #tpu.memory_space<vmem>>, vector<1x16xi32>,
        %swap3A_843 = vector.shape_cast %swap3A_842 : vector<1x16xi32> to vector<16xi32>
        %swap3A_844 = vector.shape_cast %add3A_839 : vector<16xi32> to vector<1x16xi32>
        tpu.vector_store %arg7[%swap3A_840, %swap3A_841], %swap3A_844 {strides = array<i32>} : memref<16x128xi32, #tpu.memory_space<vmem>>, vector<1x16xi32>,
        %get3A_845 = arith.index_cast %scan3A_804 : i32 to index
        %get3A_846 = arith.constant 48 : index
        %get3A_847 = tpu.vector_load %arg6[%get3A_845, %get3A_846] {strides = array<i32>} : memref<16x128xi32, #tpu.memory_space<vmem>>, vector<1x16xi32>,
        %get3A_848 = vector.shape_cast %get3A_847 : vector<1x16xi32> to vector<16xi32>
        %mul3A_849 = arith.constant 4 : i32
        %mul3A_850 = vector.broadcast %mul3A_849 : i32 to vector<16xi32>
        %mul3A_851 = arith.muli %get3A_848, %mul3A_850 : vector<16xi32>
        %add3A_852 = vector.broadcast %add3A_31 : i32 to vector<16xi32>
        %add3A_853 = arith.addi %mul3A_851, %add3A_852 : vector<16xi32>
        %swap3A_854 = arith.index_cast %scan3A_804 : i32 to index
        %swap3A_855 = arith.constant 48 : index
        %swap3A_856 = tpu.vector_load %arg7[%swap3A_854, %swap3A_855] {strides = array<i32>} : memref<16x128xi32, #tpu.memory_space<vmem>>, vector<1x16xi32>,
        %swap3A_857 = vector.shape_cast %swap3A_856 : vector<1x16xi32> to vector<16xi32>
        %swap3A_858 = vector.shape_cast %add3A_853 : vector<16xi32> to vector<1x16xi32>
        tpu.vector_store %arg7[%swap3A_854, %swap3A_855], %swap3A_858 {strides = array<i32>} : memref<16x128xi32, #tpu.memory_space<vmem>>, vector<1x16xi32>,
        %get3A_859 = arith.index_cast %scan3A_804 : i32 to index
        %get3A_860 = arith.constant 64 : index
        %get3A_861 = tpu.vector_load %arg6[%get3A_859, %get3A_860] {strides = array<i32>} : memref<16x128xi32, #tpu.memory_space<vmem>>, vector<1x16xi32>,
        %get3A_862 = vector.shape_cast %get3A_861 : vector<1x16xi32> to vector<16xi32>
        %mul3A_863 = arith.constant 4 : i32
        %mul3A_864 = vector.broadcast %mul3A_863 : i32 to vector<16xi32>
        %mul3A_865 = arith.muli %get3A_862, %mul3A_864 : vector<16xi32>
        %add3A_866 = vector.broadcast %add3A_31 : i32 to vector<16xi32>
        %add3A_867 = arith.addi %mul3A_865, %add3A_866 : vector<16xi32>
        %swap3A_868 = arith.index_cast %scan3A_804 : i32 to index
        %swap3A_869 = arith.constant 64 : index
        %swap3A_870 = tpu.vector_load %arg7[%swap3A_868, %swap3A_869] {strides = array<i32>} : memref<16x128xi32, #tpu.memory_space<vmem>>, vector<1x16xi32>,
        %swap3A_871 = vector.shape_cast %swap3A_870 : vector<1x16xi32> to vector<16xi32>
        %swap3A_872 = vector.shape_cast %add3A_867 : vector<16xi32> to vector<1x16xi32>
        tpu.vector_store %arg7[%swap3A_868, %swap3A_869], %swap3A_872 {strides = array<i32>} : memref<16x128xi32, #tpu.memory_space<vmem>>, vector<1x16xi32>,
        %get3A_873 = arith.index_cast %scan3A_804 : i32 to index
        %get3A_874 = arith.constant 80 : index
        %get3A_875 = tpu.vector_load %arg6[%get3A_873, %get3A_874] {strides = array<i32>} : memref<16x128xi32, #tpu.memory_space<vmem>>, vector<1x16xi32>,
        %get3A_876 = vector.shape_cast %get3A_875 : vector<1x16xi32> to vector<16xi32>
        %mul3A_877 = arith.constant 4 : i32
        %mul3A_878 = vector.broadcast %mul3A_877 : i32 to vector<16xi32>
        %mul3A_879 = arith.muli %get3A_876, %mul3A_878 : vector<16xi32>
        %add3A_880 = vector.broadcast %add3A_31 : i32 to vector<16xi32>
        %add3A_881 = arith.addi %mul3A_879, %add3A_880 : vector<16xi32>
        %swap3A_882 = arith.index_cast %scan3A_804 : i32 to index
        %swap3A_883 = arith.constant 80 : index
        %swap3A_884 = tpu.vector_load %arg7[%swap3A_882, %swap3A_883] {strides = array<i32>} : memref<16x128xi32, #tpu.memory_space<vmem>>, vector<1x16xi32>,
        %swap3A_885 = vector.shape_cast %swap3A_884 : vector<1x16xi32> to vector<16xi32>
        %swap3A_886 = vector.shape_cast %add3A_881 : vector<16xi32> to vector<1x16xi32>
        tpu.vector_store %arg7[%swap3A_882, %swap3A_883], %swap3A_886 {strides = array<i32>} : memref<16x128xi32, #tpu.memory_space<vmem>>, vector<1x16xi32>,
        %get3A_887 = arith.index_cast %scan3A_804 : i32 to index
        %get3A_888 = arith.constant 96 : index
        %get3A_889 = tpu.vector_load %arg6[%get3A_887, %get3A_888] {strides = array<i32>} : memref<16x128xi32, #tpu.memory_space<vmem>>, vector<1x16xi32>,
        %get3A_890 = vector.shape_cast %get3A_889 : vector<1x16xi32> to vector<16xi32>
        %mul3A_891 = arith.constant 4 : i32
        %mul3A_892 = vector.broadcast %mul3A_891 : i32 to vector<16xi32>
        %mul3A_893 = arith.muli %get3A_890, %mul3A_892 : vector<16xi32>
        %add3A_894 = vector.broadcast %add3A_31 : i32 to vector<16xi32>
        %add3A_895 = arith.addi %mul3A_893, %add3A_894 : vector<16xi32>
        %swap3A_896 = arith.index_cast %scan3A_804 : i32 to index
        %swap3A_897 = arith.constant 96 : index
        %swap3A_898 = tpu.vector_load %arg7[%swap3A_896, %swap3A_897] {strides = array<i32>} : memref<16x128xi32, #tpu.memory_space<vmem>>, vector<1x16xi32>,
        %swap3A_899 = vector.shape_cast %swap3A_898 : vector<1x16xi32> to vector<16xi32>
        %swap3A_900 = vector.shape_cast %add3A_895 : vector<16xi32> to vector<1x16xi32>
        tpu.vector_store %arg7[%swap3A_896, %swap3A_897], %swap3A_900 {strides = array<i32>} : memref<16x128xi32, #tpu.memory_space<vmem>>, vector<1x16xi32>,
        %get3A_901 = arith.index_cast %scan3A_804 : i32 to index
        %get3A_902 = arith.constant 112 : index
        %get3A_903 = tpu.vector_load %arg6[%get3A_901, %get3A_902] {strides = array<i32>} : memref<16x128xi32, #tpu.memory_space<vmem>>, vector<1x16xi32>,
        %get3A_904 = vector.shape_cast %get3A_903 : vector<1x16xi32> to vector<16xi32>
        %mul3A_905 = arith.constant 4 : i32
        %mul3A_906 = vector.broadcast %mul3A_905 : i32 to vector<16xi32>
        %mul3A_907 = arith.muli %get3A_904, %mul3A_906 : vector<16xi32>
        %add3A_908 = vector.broadcast %add3A_31 : i32 to vector<16xi32>
        %add3A_909 = arith.addi %mul3A_907, %add3A_908 : vector<16xi32>
        %swap3A_910 = arith.index_cast %scan3A_804 : i32 to index
        %swap3A_911 = arith.constant 112 : index
        %swap3A_912 = tpu.vector_load %arg7[%swap3A_910, %swap3A_911] {strides = array<i32>} : memref<16x128xi32, #tpu.memory_space<vmem>>, vector<1x16xi32>,
        %swap3A_913 = vector.shape_cast %swap3A_912 : vector<1x16xi32> to vector<16xi32>
        %swap3A_914 = vector.shape_cast %add3A_909 : vector<16xi32> to vector<1x16xi32>
        tpu.vector_store %arg7[%swap3A_910, %swap3A_911], %swap3A_914 {strides = array<i32>} : memref<16x128xi32, #tpu.memory_space<vmem>>, vector<1x16xi32>,
      }
      %scan3A_37 = arith.constant 16 : i32
      %dma_start3A = arith.constant 0 : i32
      %dma_start3A_38 = arith.constant 0 : i32
      %dma_start3A_39 = arith.constant 0 : i32
      %dma_start3A_40 = arith.constant 0 : i32
      %dma_start3A_41 = tpu.memref_slice %arg9[%dma_start3A_38, %dma_start3A_39, %dma_start3A_40] : memref<8x128x16xf32, #tpu.memory_space<vmem>> -> memref<1x128x16xf32, #tpu.memory_space<vmem>>
      %dma_start3A_42 = tpu.memref_squeeze %dma_start3A_41 : memref<1x128x16xf32, #tpu.memory_space<vmem>> -> memref<128x16xf32, #tpu.memory_space<vmem>>
      %dma_start3A_43 = arith.constant 0 : i32
      %dma_start3A_44 = tpu.memref_slice %arg7[%dma_start3A, %dma_start3A_43] : memref<16x128xi32, #tpu.memory_space<vmem>> -> memref<1x128xi32, #tpu.memory_space<vmem>>
      %dma_start3A_45 = tpu.memref_squeeze %dma_start3A_44 : memref<1x128xi32, #tpu.memory_space<vmem>> -> memref<128xi32, #tpu.memory_space<vmem>>
      %dma_start3A_46 = arith.constant 0 : i32
      %dma_start3A_47 = arith.constant 0 : i32
      %dma_start3A_48 = tpu.memref_slice %arg2[%dma_start3A_46, %dma_start3A_47] : memref<200000x16xf32, #tpu.memory_space<hbm>> -> memref<200000x16xf32, #tpu.memory_space<hbm>>
      tpu.enqueue_indirect_dma source(%dma_start3A_48 : memref<200000x16xf32, #tpu.memory_space<hbm>>) target(%dma_start3A_42 : memref<128x16xf32, #tpu.memory_space<vmem>>) offsets(%dma_start3A_45 : memref<128xi32, #tpu.memory_space<vmem>>) semaphore(%arg12 : memref<!tpu.dma_semaphore, #tpu.memory_space<semaphore_mem>>)
      %dma_start3A_49 = arith.constant 1 : i32
      %dma_start3A_50 = arith.constant 1 : i32
      %dma_start3A_51 = arith.constant 0 : i32
      %dma_start3A_52 = arith.constant 0 : i32
      %dma_start3A_53 = tpu.memref_slice %arg9[%dma_start3A_50, %dma_start3A_51, %dma_start3A_52] : memref<8x128x16xf32, #tpu.memory_space<vmem>> -> memref<1x128x16xf32, #tpu.memory_space<vmem>>
      %dma_start3A_54 = tpu.memref_squeeze %dma_start3A_53 : memref<1x128x16xf32, #tpu.memory_space<vmem>> -> memref<128x16xf32, #tpu.memory_space<vmem>>
      %dma_start3A_55 = arith.constant 0 : i32
      %dma_start3A_56 = tpu.memref_slice %arg7[%dma_start3A_49, %dma_start3A_55] : memref<16x128xi32, #tpu.memory_space<vmem>> -> memref<1x128xi32, #tpu.memory_space<vmem>>
      %dma_start3A_57 = tpu.memref_squeeze %dma_start3A_56 : memref<1x128xi32, #tpu.memory_space<vmem>> -> memref<128xi32, #tpu.memory_space<vmem>>
      %dma_start3A_58 = arith.constant 0 : i32
      %dma_start3A_59 = arith.constant 0 : i32
      %dma_start3A_60 = tpu.memref_slice %arg2[%dma_start3A_58, %dma_start3A_59] : memref<200000x16xf32, #tpu.memory_space<hbm>> -> memref<200000x16xf32, #tpu.memory_space<hbm>>
      tpu.enqueue_indirect_dma source(%dma_start3A_60 : memref<200000x16xf32, #tpu.memory_space<hbm>>) target(%dma_start3A_54 : memref<128x16xf32, #tpu.memory_space<vmem>>) offsets(%dma_start3A_57 : memref<128xi32, #tpu.memory_space<vmem>>) semaphore(%arg13 : memref<!tpu.dma_semaphore, #tpu.memory_space<semaphore_mem>>)
      %dma_start3A_61 = arith.constant 2 : i32
      %dma_start3A_62 = arith.constant 2 : i32
      %dma_start3A_63 = arith.constant 0 : i32
      %dma_start3A_64 = arith.constant 0 : i32
      %dma_start3A_65 = tpu.memref_slice %arg9[%dma_start3A_62, %dma_start3A_63, %dma_start3A_64] : memref<8x128x16xf32, #tpu.memory_space<vmem>> -> memref<1x128x16xf32, #tpu.memory_space<vmem>>
      %dma_start3A_66 = tpu.memref_squeeze %dma_start3A_65 : memref<1x128x16xf32, #tpu.memory_space<vmem>> -> memref<128x16xf32, #tpu.memory_space<vmem>>
      %dma_start3A_67 = arith.constant 0 : i32
      %dma_start3A_68 = tpu.memref_slice %arg7[%dma_start3A_61, %dma_start3A_67] : memref<16x128xi32, #tpu.memory_space<vmem>> -> memref<1x128xi32, #tpu.memory_space<vmem>>
      %dma_start3A_69 = tpu.memref_squeeze %dma_start3A_68 : memref<1x128xi32, #tpu.memory_space<vmem>> -> memref<128xi32, #tpu.memory_space<vmem>>
      %dma_start3A_70 = arith.constant 0 : i32
      %dma_start3A_71 = arith.constant 0 : i32
      %dma_start3A_72 = tpu.memref_slice %arg2[%dma_start3A_70, %dma_start3A_71] : memref<200000x16xf32, #tpu.memory_space<hbm>> -> memref<200000x16xf32, #tpu.memory_space<hbm>>
      tpu.enqueue_indirect_dma source(%dma_start3A_72 : memref<200000x16xf32, #tpu.memory_space<hbm>>) target(%dma_start3A_66 : memref<128x16xf32, #tpu.memory_space<vmem>>) offsets(%dma_start3A_69 : memref<128xi32, #tpu.memory_space<vmem>>) semaphore(%arg14 : memref<!tpu.dma_semaphore, #tpu.memory_space<semaphore_mem>>)
      %dma_start3A_73 = arith.constant 3 : i32
      %dma_start3A_74 = arith.constant 3 : i32
      %dma_start3A_75 = arith.constant 0 : i32
      %dma_start3A_76 = arith.constant 0 : i32
      %dma_start3A_77 = tpu.memref_slice %arg9[%dma_start3A_74, %dma_start3A_75, %dma_start3A_76] : memref<8x128x16xf32, #tpu.memory_space<vmem>> -> memref<1x128x16xf32, #tpu.memory_space<vmem>>
      %dma_start3A_78 = tpu.memref_squeeze %dma_start3A_77 : memref<1x128x16xf32, #tpu.memory_space<vmem>> -> memref<128x16xf32, #tpu.memory_space<vmem>>
      %dma_start3A_79 = arith.constant 0 : i32
      %dma_start3A_80 = tpu.memref_slice %arg7[%dma_start3A_73, %dma_start3A_79] : memref<16x128xi32, #tpu.memory_space<vmem>> -> memref<1x128xi32, #tpu.memory_space<vmem>>
      %dma_start3A_81 = tpu.memref_squeeze %dma_start3A_80 : memref<1x128xi32, #tpu.memory_space<vmem>> -> memref<128xi32, #tpu.memory_space<vmem>>
      %dma_start3A_82 = arith.constant 0 : i32
      %dma_start3A_83 = arith.constant 0 : i32
      %dma_start3A_84 = tpu.memref_slice %arg2[%dma_start3A_82, %dma_start3A_83] : memref<200000x16xf32, #tpu.memory_space<hbm>> -> memref<200000x16xf32, #tpu.memory_space<hbm>>
      tpu.enqueue_indirect_dma source(%dma_start3A_84 : memref<200000x16xf32, #tpu.memory_space<hbm>>) target(%dma_start3A_78 : memref<128x16xf32, #tpu.memory_space<vmem>>) offsets(%dma_start3A_81 : memref<128xi32, #tpu.memory_space<vmem>>) semaphore(%arg15 : memref<!tpu.dma_semaphore, #tpu.memory_space<semaphore_mem>>)
      %dma_start3A_85 = arith.constant 4 : i32
      %dma_start3A_86 = arith.constant 4 : i32
      %dma_start3A_87 = arith.constant 0 : i32
      %dma_start3A_88 = arith.constant 0 : i32
      %dma_start3A_89 = tpu.memref_slice %arg9[%dma_start3A_86, %dma_start3A_87, %dma_start3A_88] : memref<8x128x16xf32, #tpu.memory_space<vmem>> -> memref<1x128x16xf32, #tpu.memory_space<vmem>>
      %dma_start3A_90 = tpu.memref_squeeze %dma_start3A_89 : memref<1x128x16xf32, #tpu.memory_space<vmem>> -> memref<128x16xf32, #tpu.memory_space<vmem>>
      %dma_start3A_91 = arith.constant 0 : i32
      %dma_start3A_92 = tpu.memref_slice %arg7[%dma_start3A_85, %dma_start3A_91] : memref<16x128xi32, #tpu.memory_space<vmem>> -> memref<1x128xi32, #tpu.memory_space<vmem>>
      %dma_start3A_93 = tpu.memref_squeeze %dma_start3A_92 : memref<1x128xi32, #tpu.memory_space<vmem>> -> memref<128xi32, #tpu.memory_space<vmem>>
      %dma_start3A_94 = arith.constant 0 : i32
      %dma_start3A_95 = arith.constant 0 : i32
      %dma_start3A_96 = tpu.memref_slice %arg2[%dma_start3A_94, %dma_start3A_95] : memref<200000x16xf32, #tpu.memory_space<hbm>> -> memref<200000x16xf32, #tpu.memory_space<hbm>>
      tpu.enqueue_indirect_dma source(%dma_start3A_96 : memref<200000x16xf32, #tpu.memory_space<hbm>>) target(%dma_start3A_90 : memref<128x16xf32, #tpu.memory_space<vmem>>) offsets(%dma_start3A_93 : memref<128xi32, #tpu.memory_space<vmem>>) semaphore(%arg16 : memref<!tpu.dma_semaphore, #tpu.memory_space<semaphore_mem>>)
      %dma_start3A_97 = arith.constant 5 : i32
      %dma_start3A_98 = arith.constant 5 : i32
      %dma_start3A_99 = arith.constant 0 : i32
      %dma_start3A_100 = arith.constant 0 : i32
      %dma_start3A_101 = tpu.memref_slice %arg9[%dma_start3A_98, %dma_start3A_99, %dma_start3A_100] : memref<8x128x16xf32, #tpu.memory_space<vmem>> -> memref<1x128x16xf32, #tpu.memory_space<vmem>>
      %dma_start3A_102 = tpu.memref_squeeze %dma_start3A_101 : memref<1x128x16xf32, #tpu.memory_space<vmem>> -> memref<128x16xf32, #tpu.memory_space<vmem>>
      %dma_start3A_103 = arith.constant 0 : i32
      %dma_start3A_104 = tpu.memref_slice %arg7[%dma_start3A_97, %dma_start3A_103] : memref<16x128xi32, #tpu.memory_space<vmem>> -> memref<1x128xi32, #tpu.memory_space<vmem>>
      %dma_start3A_105 = tpu.memref_squeeze %dma_start3A_104 : memref<1x128xi32, #tpu.memory_space<vmem>> -> memref<128xi32, #tpu.memory_space<vmem>>
      %dma_start3A_106 = arith.constant 0 : i32
      %dma_start3A_107 = arith.constant 0 : i32
      %dma_start3A_108 = tpu.memref_slice %arg2[%dma_start3A_106, %dma_start3A_107] : memref<200000x16xf32, #tpu.memory_space<hbm>> -> memref<200000x16xf32, #tpu.memory_space<hbm>>
      tpu.enqueue_indirect_dma source(%dma_start3A_108 : memref<200000x16xf32, #tpu.memory_space<hbm>>) target(%dma_start3A_102 : memref<128x16xf32, #tpu.memory_space<vmem>>) offsets(%dma_start3A_105 : memref<128xi32, #tpu.memory_space<vmem>>) semaphore(%arg17 : memref<!tpu.dma_semaphore, #tpu.memory_space<semaphore_mem>>)
      %dma_start3A_109 = arith.constant 6 : i32
      %dma_start3A_110 = arith.constant 6 : i32
      %dma_start3A_111 = arith.constant 0 : i32
      %dma_start3A_112 = arith.constant 0 : i32
      %dma_start3A_113 = tpu.memref_slice %arg9[%dma_start3A_110, %dma_start3A_111, %dma_start3A_112] : memref<8x128x16xf32, #tpu.memory_space<vmem>> -> memref<1x128x16xf32, #tpu.memory_space<vmem>>
      %dma_start3A_114 = tpu.memref_squeeze %dma_start3A_113 : memref<1x128x16xf32, #tpu.memory_space<vmem>> -> memref<128x16xf32, #tpu.memory_space<vmem>>
      %dma_start3A_115 = arith.constant 0 : i32
      %dma_start3A_116 = tpu.memref_slice %arg7[%dma_start3A_109, %dma_start3A_115] : memref<16x128xi32, #tpu.memory_space<vmem>> -> memref<1x128xi32, #tpu.memory_space<vmem>>
      %dma_start3A_117 = tpu.memref_squeeze %dma_start3A_116 : memref<1x128xi32, #tpu.memory_space<vmem>> -> memref<128xi32, #tpu.memory_space<vmem>>
      %dma_start3A_118 = arith.constant 0 : i32
      %dma_start3A_119 = arith.constant 0 : i32
      %dma_start3A_120 = tpu.memref_slice %arg2[%dma_start3A_118, %dma_start3A_119] : memref<200000x16xf32, #tpu.memory_space<hbm>> -> memref<200000x16xf32, #tpu.memory_space<hbm>>
      tpu.enqueue_indirect_dma source(%dma_start3A_120 : memref<200000x16xf32, #tpu.memory_space<hbm>>) target(%dma_start3A_114 : memref<128x16xf32, #tpu.memory_space<vmem>>) offsets(%dma_start3A_117 : memref<128xi32, #tpu.memory_space<vmem>>) semaphore(%arg18 : memref<!tpu.dma_semaphore, #tpu.memory_space<semaphore_mem>>)
      %dma_start3A_121 = arith.constant 7 : i32
      %dma_start3A_122 = arith.constant 7 : i32
      %dma_start3A_123 = arith.constant 0 : i32
      %dma_start3A_124 = arith.constant 0 : i32
      %dma_start3A_125 = tpu.memref_slice %arg9[%dma_start3A_122, %dma_start3A_123, %dma_start3A_124] : memref<8x128x16xf32, #tpu.memory_space<vmem>> -> memref<1x128x16xf32, #tpu.memory_space<vmem>>
      %dma_start3A_126 = tpu.memref_squeeze %dma_start3A_125 : memref<1x128x16xf32, #tpu.memory_space<vmem>> -> memref<128x16xf32, #tpu.memory_space<vmem>>
      %dma_start3A_127 = arith.constant 0 : i32
      %dma_start3A_128 = tpu.memref_slice %arg7[%dma_start3A_121, %dma_start3A_127] : memref<16x128xi32, #tpu.memory_space<vmem>> -> memref<1x128xi32, #tpu.memory_space<vmem>>
      %dma_start3A_129 = tpu.memref_squeeze %dma_start3A_128 : memref<1x128xi32, #tpu.memory_space<vmem>> -> memref<128xi32, #tpu.memory_space<vmem>>
      %dma_start3A_130 = arith.constant 0 : i32
      %dma_start3A_131 = arith.constant 0 : i32
      %dma_start3A_132 = tpu.memref_slice %arg2[%dma_start3A_130, %dma_start3A_131] : memref<200000x16xf32, #tpu.memory_space<hbm>> -> memref<200000x16xf32, #tpu.memory_space<hbm>>
      tpu.enqueue_indirect_dma source(%dma_start3A_132 : memref<200000x16xf32, #tpu.memory_space<hbm>>) target(%dma_start3A_126 : memref<128x16xf32, #tpu.memory_space<vmem>>) offsets(%dma_start3A_129 : memref<128xi32, #tpu.memory_space<vmem>>) semaphore(%arg19 : memref<!tpu.dma_semaphore, #tpu.memory_space<semaphore_mem>>)
      %dma_wait3A = arith.constant 0 : i32
      %dma_wait3A_133 = arith.constant 0 : i32
      %dma_wait3A_134 = arith.constant 0 : i32
      %dma_wait3A_135 = arith.constant 0 : i32
      %dma_wait3A_136 = tpu.memref_slice %arg9[%dma_wait3A_133, %dma_wait3A_134, %dma_wait3A_135] : memref<8x128x16xf32, #tpu.memory_space<vmem>> -> memref<1x128x16xf32, #tpu.memory_space<vmem>>
      %dma_wait3A_137 = tpu.memref_squeeze %dma_wait3A_136 : memref<1x128x16xf32, #tpu.memory_space<vmem>> -> memref<128x16xf32, #tpu.memory_space<vmem>>
      %dma_wait3A_138 = arith.constant 0 : i32
      %dma_wait3A_139 = tpu.memref_slice %arg7[%dma_wait3A, %dma_wait3A_138] : memref<16x128xi32, #tpu.memory_space<vmem>> -> memref<1x128xi32, #tpu.memory_space<vmem>>
      %dma_wait3A_140 = tpu.memref_squeeze %dma_wait3A_139 : memref<1x128xi32, #tpu.memory_space<vmem>> -> memref<128xi32, #tpu.memory_space<vmem>>
      %dma_wait3A_141 = arith.constant 0 : i32
      %dma_wait3A_142 = arith.constant 0 : i32
      %dma_wait3A_143 = tpu.memref_slice %arg2[%dma_wait3A_141, %dma_wait3A_142] : memref<200000x16xf32, #tpu.memory_space<hbm>> -> memref<200000x16xf32, #tpu.memory_space<hbm>>
      tpu.wait_indirect_dma semaphore(%arg12 : memref<!tpu.dma_semaphore, #tpu.memory_space<semaphore_mem>>) src(%dma_wait3A_143 : memref<200000x16xf32, #tpu.memory_space<hbm>>) dst(%dma_wait3A_137 : memref<128x16xf32, #tpu.memory_space<vmem>>)
      %dma_start3A_144 = arith.constant 0 : i32
      %dma_start3A_145 = arith.constant 0 : i32
      %dma_start3A_146 = arith.constant 0 : i32
      %dma_start3A_147 = arith.constant 0 : i32
      %dma_start3A_148 = tpu.memref_slice %arg9[%dma_start3A_144, %dma_start3A_146, %dma_start3A_147] : memref<8x128x16xf32, #tpu.memory_space<vmem>> -> memref<1x128x16xf32, #tpu.memory_space<vmem>>
      %dma_start3A_149 = tpu.memref_squeeze %dma_start3A_148 : memref<1x128x16xf32, #tpu.memory_space<vmem>> -> memref<128x16xf32, #tpu.memory_space<vmem>>
      %dma_start3A_150 = arith.constant 0 : i32
      %dma_start3A_151 = tpu.memref_slice %arg8[%dma_start3A_145, %dma_start3A_150] : memref<16x128xi32, #tpu.memory_space<vmem>> -> memref<1x128xi32, #tpu.memory_space<vmem>>
      %dma_start3A_152 = tpu.memref_squeeze %dma_start3A_151 : memref<1x128xi32, #tpu.memory_space<vmem>> -> memref<128xi32, #tpu.memory_space<vmem>>
      %dma_start3A_153 = arith.constant 0 : i32
      %dma_start3A_154 = arith.constant 0 : i32
      %dma_start3A_155 = tpu.memref_slice %arg11[%dma_start3A_153, %dma_start3A_154] : memref<50176x16xf32, #tpu.memory_space<vmem_shared>> -> memref<50176x16xf32, #tpu.memory_space<vmem_shared>>
      tpu.enqueue_indirect_dma source(%dma_start3A_149 : memref<128x16xf32, #tpu.memory_space<vmem>>) target(%dma_start3A_155 : memref<50176x16xf32, #tpu.memory_space<vmem_shared>>) offsets(%dma_start3A_152 : memref<128xi32, #tpu.memory_space<vmem>>) semaphore(%arg20 : memref<!tpu.dma_semaphore, #tpu.memory_space<semaphore_mem>>) {add = true}
      %dma_wait3A_156 = arith.constant 0 : i32
      %dma_wait3A_157 = arith.constant 0 : i32
      %dma_wait3A_158 = arith.constant 0 : i32
      %dma_wait3A_159 = arith.constant 0 : i32
      %dma_wait3A_160 = tpu.memref_slice %arg9[%dma_wait3A_156, %dma_wait3A_158, %dma_wait3A_159] : memref<8x128x16xf32, #tpu.memory_space<vmem>> -> memref<1x128x16xf32, #tpu.memory_space<vmem>>
      %dma_wait3A_161 = tpu.memref_squeeze %dma_wait3A_160 : memref<1x128x16xf32, #tpu.memory_space<vmem>> -> memref<128x16xf32, #tpu.memory_space<vmem>>
      %dma_wait3A_162 = arith.constant 0 : i32
      %dma_wait3A_163 = tpu.memref_slice %arg8[%dma_wait3A_157, %dma_wait3A_162] : memref<16x128xi32, #tpu.memory_space<vmem>> -> memref<1x128xi32, #tpu.memory_space<vmem>>
      %dma_wait3A_164 = tpu.memref_squeeze %dma_wait3A_163 : memref<1x128xi32, #tpu.memory_space<vmem>> -> memref<128xi32, #tpu.memory_space<vmem>>
      %dma_wait3A_165 = arith.constant 0 : i32
      %dma_wait3A_166 = arith.constant 0 : i32
      %dma_wait3A_167 = tpu.memref_slice %arg11[%dma_wait3A_165, %dma_wait3A_166] : memref<50176x16xf32, #tpu.memory_space<vmem_shared>> -> memref<50176x16xf32, #tpu.memory_space<vmem_shared>>
      tpu.wait_indirect_dma semaphore(%arg20 : memref<!tpu.dma_semaphore, #tpu.memory_space<semaphore_mem>>) src(%dma_wait3A_161 : memref<128x16xf32, #tpu.memory_space<vmem>>) dst(%dma_wait3A_167 : memref<50176x16xf32, #tpu.memory_space<vmem_shared>>)
      %dma_start3A_168 = arith.constant 8 : i32
      %dma_start3A_169 = arith.constant 0 : i32
      %dma_start3A_170 = arith.constant 0 : i32
      %dma_start3A_171 = arith.constant 0 : i32
      %dma_start3A_172 = tpu.memref_slice %arg9[%dma_start3A_169, %dma_start3A_170, %dma_start3A_171] : memref<8x128x16xf32, #tpu.memory_space<vmem>> -> memref<1x128x16xf32, #tpu.memory_space<vmem>>
      %dma_start3A_173 = tpu.memref_squeeze %dma_start3A_172 : memref<1x128x16xf32, #tpu.memory_space<vmem>> -> memref<128x16xf32, #tpu.memory_space<vmem>>
      %dma_start3A_174 = arith.constant 0 : i32
      %dma_start3A_175 = tpu.memref_slice %arg7[%dma_start3A_168, %dma_start3A_174] : memref<16x128xi32, #tpu.memory_space<vmem>> -> memref<1x128xi32, #tpu.memory_space<vmem>>
      %dma_start3A_176 = tpu.memref_squeeze %dma_start3A_175 : memref<1x128xi32, #tpu.memory_space<vmem>> -> memref<128xi32, #tpu.memory_space<vmem>>
      %dma_start3A_177 = arith.constant 0 : i32
      %dma_start3A_178 = arith.constant 0 : i32
      %dma_start3A_179 = tpu.memref_slice %arg2[%dma_start3A_177, %dma_start3A_178] : memref<200000x16xf32, #tpu.memory_space<hbm>> -> memref<200000x16xf32, #tpu.memory_space<hbm>>
      tpu.enqueue_indirect_dma source(%dma_start3A_179 : memref<200000x16xf32, #tpu.memory_space<hbm>>) target(%dma_start3A_173 : memref<128x16xf32, #tpu.memory_space<vmem>>) offsets(%dma_start3A_176 : memref<128xi32, #tpu.memory_space<vmem>>) semaphore(%arg12 : memref<!tpu.dma_semaphore, #tpu.memory_space<semaphore_mem>>)
      %dma_wait3A_180 = arith.constant 1 : i32
      %dma_wait3A_181 = arith.constant 1 : i32
      %dma_wait3A_182 = arith.constant 0 : i32
      %dma_wait3A_183 = arith.constant 0 : i32
      %dma_wait3A_184 = tpu.memref_slice %arg9[%dma_wait3A_181, %dma_wait3A_182, %dma_wait3A_183] : memref<8x128x16xf32, #tpu.memory_space<vmem>> -> memref<1x128x16xf32, #tpu.memory_space<vmem>>
      %dma_wait3A_185 = tpu.memref_squeeze %dma_wait3A_184 : memref<1x128x16xf32, #tpu.memory_space<vmem>> -> memref<128x16xf32, #tpu.memory_space<vmem>>
      %dma_wait3A_186 = arith.constant 0 : i32
      %dma_wait3A_187 = tpu.memref_slice %arg7[%dma_wait3A_180, %dma_wait3A_186] : memref<16x128xi32, #tpu.memory_space<vmem>> -> memref<1x128xi32, #tpu.memory_space<vmem>>
      %dma_wait3A_188 = tpu.memref_squeeze %dma_wait3A_187 : memref<1x128xi32, #tpu.memory_space<vmem>> -> memref<128xi32, #tpu.memory_space<vmem>>
      %dma_wait3A_189 = arith.constant 0 : i32
      %dma_wait3A_190 = arith.constant 0 : i32
      %dma_wait3A_191 = tpu.memref_slice %arg2[%dma_wait3A_189, %dma_wait3A_190] : memref<200000x16xf32, #tpu.memory_space<hbm>> -> memref<200000x16xf32, #tpu.memory_space<hbm>>
      tpu.wait_indirect_dma semaphore(%arg13 : memref<!tpu.dma_semaphore, #tpu.memory_space<semaphore_mem>>) src(%dma_wait3A_191 : memref<200000x16xf32, #tpu.memory_space<hbm>>) dst(%dma_wait3A_185 : memref<128x16xf32, #tpu.memory_space<vmem>>)
      %dma_start3A_192 = arith.constant 1 : i32
      %dma_start3A_193 = arith.constant 1 : i32
      %dma_start3A_194 = arith.constant 0 : i32
      %dma_start3A_195 = arith.constant 0 : i32
      %dma_start3A_196 = tpu.memref_slice %arg9[%dma_start3A_192, %dma_start3A_194, %dma_start3A_195] : memref<8x128x16xf32, #tpu.memory_space<vmem>> -> memref<1x128x16xf32, #tpu.memory_space<vmem>>
      %dma_start3A_197 = tpu.memref_squeeze %dma_start3A_196 : memref<1x128x16xf32, #tpu.memory_space<vmem>> -> memref<128x16xf32, #tpu.memory_space<vmem>>
      %dma_start3A_198 = arith.constant 0 : i32
      %dma_start3A_199 = tpu.memref_slice %arg8[%dma_start3A_193, %dma_start3A_198] : memref<16x128xi32, #tpu.memory_space<vmem>> -> memref<1x128xi32, #tpu.memory_space<vmem>>
      %dma_start3A_200 = tpu.memref_squeeze %dma_start3A_199 : memref<1x128xi32, #tpu.memory_space<vmem>> -> memref<128xi32, #tpu.memory_space<vmem>>
      %dma_start3A_201 = arith.constant 0 : i32
      %dma_start3A_202 = arith.constant 0 : i32
      %dma_start3A_203 = tpu.memref_slice %arg11[%dma_start3A_201, %dma_start3A_202] : memref<50176x16xf32, #tpu.memory_space<vmem_shared>> -> memref<50176x16xf32, #tpu.memory_space<vmem_shared>>
      tpu.enqueue_indirect_dma source(%dma_start3A_197 : memref<128x16xf32, #tpu.memory_space<vmem>>) target(%dma_start3A_203 : memref<50176x16xf32, #tpu.memory_space<vmem_shared>>) offsets(%dma_start3A_200 : memref<128xi32, #tpu.memory_space<vmem>>) semaphore(%arg21 : memref<!tpu.dma_semaphore, #tpu.memory_space<semaphore_mem>>) {add = true}
      %dma_wait3A_204 = arith.constant 1 : i32
      %dma_wait3A_205 = arith.constant 1 : i32
      %dma_wait3A_206 = arith.constant 0 : i32
      %dma_wait3A_207 = arith.constant 0 : i32
      %dma_wait3A_208 = tpu.memref_slice %arg9[%dma_wait3A_204, %dma_wait3A_206, %dma_wait3A_207] : memref<8x128x16xf32, #tpu.memory_space<vmem>> -> memref<1x128x16xf32, #tpu.memory_space<vmem>>
      %dma_wait3A_209 = tpu.memref_squeeze %dma_wait3A_208 : memref<1x128x16xf32, #tpu.memory_space<vmem>> -> memref<128x16xf32, #tpu.memory_space<vmem>>
      %dma_wait3A_210 = arith.constant 0 : i32
      %dma_wait3A_211 = tpu.memref_slice %arg8[%dma_wait3A_205, %dma_wait3A_210] : memref<16x128xi32, #tpu.memory_space<vmem>> -> memref<1x128xi32, #tpu.memory_space<vmem>>
      %dma_wait3A_212 = tpu.memref_squeeze %dma_wait3A_211 : memref<1x128xi32, #tpu.memory_space<vmem>> -> memref<128xi32, #tpu.memory_space<vmem>>
      %dma_wait3A_213 = arith.constant 0 : i32
      %dma_wait3A_214 = arith.constant 0 : i32
      %dma_wait3A_215 = tpu.memref_slice %arg11[%dma_wait3A_213, %dma_wait3A_214] : memref<50176x16xf32, #tpu.memory_space<vmem_shared>> -> memref<50176x16xf32, #tpu.memory_space<vmem_shared>>
      tpu.wait_indirect_dma semaphore(%arg21 : memref<!tpu.dma_semaphore, #tpu.memory_space<semaphore_mem>>) src(%dma_wait3A_209 : memref<128x16xf32, #tpu.memory_space<vmem>>) dst(%dma_wait3A_215 : memref<50176x16xf32, #tpu.memory_space<vmem_shared>>)
      %dma_start3A_216 = arith.constant 9 : i32
      %dma_start3A_217 = arith.constant 1 : i32
      %dma_start3A_218 = arith.constant 0 : i32
      %dma_start3A_219 = arith.constant 0 : i32
      %dma_start3A_220 = tpu.memref_slice %arg9[%dma_start3A_217, %dma_start3A_218, %dma_start3A_219] : memref<8x128x16xf32, #tpu.memory_space<vmem>> -> memref<1x128x16xf32, #tpu.memory_space<vmem>>
      %dma_start3A_221 = tpu.memref_squeeze %dma_start3A_220 : memref<1x128x16xf32, #tpu.memory_space<vmem>> -> memref<128x16xf32, #tpu.memory_space<vmem>>
      %dma_start3A_222 = arith.constant 0 : i32
      %dma_start3A_223 = tpu.memref_slice %arg7[%dma_start3A_216, %dma_start3A_222] : memref<16x128xi32, #tpu.memory_space<vmem>> -> memref<1x128xi32, #tpu.memory_space<vmem>>
      %dma_start3A_224 = tpu.memref_squeeze %dma_start3A_223 : memref<1x128xi32, #tpu.memory_space<vmem>> -> memref<128xi32, #tpu.memory_space<vmem>>
      %dma_start3A_225 = arith.constant 0 : i32
      %dma_start3A_226 = arith.constant 0 : i32
      %dma_start3A_227 = tpu.memref_slice %arg2[%dma_start3A_225, %dma_start3A_226] : memref<200000x16xf32, #tpu.memory_space<hbm>> -> memref<200000x16xf32, #tpu.memory_space<hbm>>
      tpu.enqueue_indirect_dma source(%dma_start3A_227 : memref<200000x16xf32, #tpu.memory_space<hbm>>) target(%dma_start3A_221 : memref<128x16xf32, #tpu.memory_space<vmem>>) offsets(%dma_start3A_224 : memref<128xi32, #tpu.memory_space<vmem>>) semaphore(%arg13 : memref<!tpu.dma_semaphore, #tpu.memory_space<semaphore_mem>>)
      %dma_wait3A_228 = arith.constant 2 : i32
      %dma_wait3A_229 = arith.constant 2 : i32
      %dma_wait3A_230 = arith.constant 0 : i32
      %dma_wait3A_231 = arith.constant 0 : i32
      %dma_wait3A_232 = tpu.memref_slice %arg9[%dma_wait3A_229, %dma_wait3A_230, %dma_wait3A_231] : memref<8x128x16xf32, #tpu.memory_space<vmem>> -> memref<1x128x16xf32, #tpu.memory_space<vmem>>
      %dma_wait3A_233 = tpu.memref_squeeze %dma_wait3A_232 : memref<1x128x16xf32, #tpu.memory_space<vmem>> -> memref<128x16xf32, #tpu.memory_space<vmem>>
      %dma_wait3A_234 = arith.constant 0 : i32
      %dma_wait3A_235 = tpu.memref_slice %arg7[%dma_wait3A_228, %dma_wait3A_234] : memref<16x128xi32, #tpu.memory_space<vmem>> -> memref<1x128xi32, #tpu.memory_space<vmem>>
      %dma_wait3A_236 = tpu.memref_squeeze %dma_wait3A_235 : memref<1x128xi32, #tpu.memory_space<vmem>> -> memref<128xi32, #tpu.memory_space<vmem>>
      %dma_wait3A_237 = arith.constant 0 : i32
      %dma_wait3A_238 = arith.constant 0 : i32
      %dma_wait3A_239 = tpu.memref_slice %arg2[%dma_wait3A_237, %dma_wait3A_238] : memref<200000x16xf32, #tpu.memory_space<hbm>> -> memref<200000x16xf32, #tpu.memory_space<hbm>>
      tpu.wait_indirect_dma semaphore(%arg14 : memref<!tpu.dma_semaphore, #tpu.memory_space<semaphore_mem>>) src(%dma_wait3A_239 : memref<200000x16xf32, #tpu.memory_space<hbm>>) dst(%dma_wait3A_233 : memref<128x16xf32, #tpu.memory_space<vmem>>)
      %dma_start3A_240 = arith.constant 2 : i32
      %dma_start3A_241 = arith.constant 2 : i32
      %dma_start3A_242 = arith.constant 0 : i32
      %dma_start3A_243 = arith.constant 0 : i32
      %dma_start3A_244 = tpu.memref_slice %arg9[%dma_start3A_240, %dma_start3A_242, %dma_start3A_243] : memref<8x128x16xf32, #tpu.memory_space<vmem>> -> memref<1x128x16xf32, #tpu.memory_space<vmem>>
      %dma_start3A_245 = tpu.memref_squeeze %dma_start3A_244 : memref<1x128x16xf32, #tpu.memory_space<vmem>> -> memref<128x16xf32, #tpu.memory_space<vmem>>
      %dma_start3A_246 = arith.constant 0 : i32
      %dma_start3A_247 = tpu.memref_slice %arg8[%dma_start3A_241, %dma_start3A_246] : memref<16x128xi32, #tpu.memory_space<vmem>> -> memref<1x128xi32, #tpu.memory_space<vmem>>
      %dma_start3A_248 = tpu.memref_squeeze %dma_start3A_247 : memref<1x128xi32, #tpu.memory_space<vmem>> -> memref<128xi32, #tpu.memory_space<vmem>>
      %dma_start3A_249 = arith.constant 0 : i32
      %dma_start3A_250 = arith.constant 0 : i32
      %dma_start3A_251 = tpu.memref_slice %arg11[%dma_start3A_249, %dma_start3A_250] : memref<50176x16xf32, #tpu.memory_space<vmem_shared>> -> memref<50176x16xf32, #tpu.memory_space<vmem_shared>>
      tpu.enqueue_indirect_dma source(%dma_start3A_245 : memref<128x16xf32, #tpu.memory_space<vmem>>) target(%dma_start3A_251 : memref<50176x16xf32, #tpu.memory_space<vmem_shared>>) offsets(%dma_start3A_248 : memref<128xi32, #tpu.memory_space<vmem>>) semaphore(%arg22 : memref<!tpu.dma_semaphore, #tpu.memory_space<semaphore_mem>>) {add = true}
      %dma_wait3A_252 = arith.constant 2 : i32
      %dma_wait3A_253 = arith.constant 2 : i32
      %dma_wait3A_254 = arith.constant 0 : i32
      %dma_wait3A_255 = arith.constant 0 : i32
      %dma_wait3A_256 = tpu.memref_slice %arg9[%dma_wait3A_252, %dma_wait3A_254, %dma_wait3A_255] : memref<8x128x16xf32, #tpu.memory_space<vmem>> -> memref<1x128x16xf32, #tpu.memory_space<vmem>>
      %dma_wait3A_257 = tpu.memref_squeeze %dma_wait3A_256 : memref<1x128x16xf32, #tpu.memory_space<vmem>> -> memref<128x16xf32, #tpu.memory_space<vmem>>
      %dma_wait3A_258 = arith.constant 0 : i32
      %dma_wait3A_259 = tpu.memref_slice %arg8[%dma_wait3A_253, %dma_wait3A_258] : memref<16x128xi32, #tpu.memory_space<vmem>> -> memref<1x128xi32, #tpu.memory_space<vmem>>
      %dma_wait3A_260 = tpu.memref_squeeze %dma_wait3A_259 : memref<1x128xi32, #tpu.memory_space<vmem>> -> memref<128xi32, #tpu.memory_space<vmem>>
      %dma_wait3A_261 = arith.constant 0 : i32
      %dma_wait3A_262 = arith.constant 0 : i32
      %dma_wait3A_263 = tpu.memref_slice %arg11[%dma_wait3A_261, %dma_wait3A_262] : memref<50176x16xf32, #tpu.memory_space<vmem_shared>> -> memref<50176x16xf32, #tpu.memory_space<vmem_shared>>
      tpu.wait_indirect_dma semaphore(%arg22 : memref<!tpu.dma_semaphore, #tpu.memory_space<semaphore_mem>>) src(%dma_wait3A_257 : memref<128x16xf32, #tpu.memory_space<vmem>>) dst(%dma_wait3A_263 : memref<50176x16xf32, #tpu.memory_space<vmem_shared>>)
      %dma_start3A_264 = arith.constant 10 : i32
      %dma_start3A_265 = arith.constant 2 : i32
      %dma_start3A_266 = arith.constant 0 : i32
      %dma_start3A_267 = arith.constant 0 : i32
      %dma_start3A_268 = tpu.memref_slice %arg9[%dma_start3A_265, %dma_start3A_266, %dma_start3A_267] : memref<8x128x16xf32, #tpu.memory_space<vmem>> -> memref<1x128x16xf32, #tpu.memory_space<vmem>>
      %dma_start3A_269 = tpu.memref_squeeze %dma_start3A_268 : memref<1x128x16xf32, #tpu.memory_space<vmem>> -> memref<128x16xf32, #tpu.memory_space<vmem>>
      %dma_start3A_270 = arith.constant 0 : i32
      %dma_start3A_271 = tpu.memref_slice %arg7[%dma_start3A_264, %dma_start3A_270] : memref<16x128xi32, #tpu.memory_space<vmem>> -> memref<1x128xi32, #tpu.memory_space<vmem>>
      %dma_start3A_272 = tpu.memref_squeeze %dma_start3A_271 : memref<1x128xi32, #tpu.memory_space<vmem>> -> memref<128xi32, #tpu.memory_space<vmem>>
      %dma_start3A_273 = arith.constant 0 : i32
      %dma_start3A_274 = arith.constant 0 : i32
      %dma_start3A_275 = tpu.memref_slice %arg2[%dma_start3A_273, %dma_start3A_274] : memref<200000x16xf32, #tpu.memory_space<hbm>> -> memref<200000x16xf32, #tpu.memory_space<hbm>>
      tpu.enqueue_indirect_dma source(%dma_start3A_275 : memref<200000x16xf32, #tpu.memory_space<hbm>>) target(%dma_start3A_269 : memref<128x16xf32, #tpu.memory_space<vmem>>) offsets(%dma_start3A_272 : memref<128xi32, #tpu.memory_space<vmem>>) semaphore(%arg14 : memref<!tpu.dma_semaphore, #tpu.memory_space<semaphore_mem>>)
      %dma_wait3A_276 = arith.constant 3 : i32
      %dma_wait3A_277 = arith.constant 3 : i32
      %dma_wait3A_278 = arith.constant 0 : i32
      %dma_wait3A_279 = arith.constant 0 : i32
      %dma_wait3A_280 = tpu.memref_slice %arg9[%dma_wait3A_277, %dma_wait3A_278, %dma_wait3A_279] : memref<8x128x16xf32, #tpu.memory_space<vmem>> -> memref<1x128x16xf32, #tpu.memory_space<vmem>>
      %dma_wait3A_281 = tpu.memref_squeeze %dma_wait3A_280 : memref<1x128x16xf32, #tpu.memory_space<vmem>> -> memref<128x16xf32, #tpu.memory_space<vmem>>
      %dma_wait3A_282 = arith.constant 0 : i32
      %dma_wait3A_283 = tpu.memref_slice %arg7[%dma_wait3A_276, %dma_wait3A_282] : memref<16x128xi32, #tpu.memory_space<vmem>> -> memref<1x128xi32, #tpu.memory_space<vmem>>
      %dma_wait3A_284 = tpu.memref_squeeze %dma_wait3A_283 : memref<1x128xi32, #tpu.memory_space<vmem>> -> memref<128xi32, #tpu.memory_space<vmem>>
      %dma_wait3A_285 = arith.constant 0 : i32
      %dma_wait3A_286 = arith.constant 0 : i32
      %dma_wait3A_287 = tpu.memref_slice %arg2[%dma_wait3A_285, %dma_wait3A_286] : memref<200000x16xf32, #tpu.memory_space<hbm>> -> memref<200000x16xf32, #tpu.memory_space<hbm>>
      tpu.wait_indirect_dma semaphore(%arg15 : memref<!tpu.dma_semaphore, #tpu.memory_space<semaphore_mem>>) src(%dma_wait3A_287 : memref<200000x16xf32, #tpu.memory_space<hbm>>) dst(%dma_wait3A_281 : memref<128x16xf32, #tpu.memory_space<vmem>>)
      %dma_start3A_288 = arith.constant 3 : i32
      %dma_start3A_289 = arith.constant 3 : i32
      %dma_start3A_290 = arith.constant 0 : i32
      %dma_start3A_291 = arith.constant 0 : i32
      %dma_start3A_292 = tpu.memref_slice %arg9[%dma_start3A_288, %dma_start3A_290, %dma_start3A_291] : memref<8x128x16xf32, #tpu.memory_space<vmem>> -> memref<1x128x16xf32, #tpu.memory_space<vmem>>
      %dma_start3A_293 = tpu.memref_squeeze %dma_start3A_292 : memref<1x128x16xf32, #tpu.memory_space<vmem>> -> memref<128x16xf32, #tpu.memory_space<vmem>>
      %dma_start3A_294 = arith.constant 0 : i32
      %dma_start3A_295 = tpu.memref_slice %arg8[%dma_start3A_289, %dma_start3A_294] : memref<16x128xi32, #tpu.memory_space<vmem>> -> memref<1x128xi32, #tpu.memory_space<vmem>>
      %dma_start3A_296 = tpu.memref_squeeze %dma_start3A_295 : memref<1x128xi32, #tpu.memory_space<vmem>> -> memref<128xi32, #tpu.memory_space<vmem>>
      %dma_start3A_297 = arith.constant 0 : i32
      %dma_start3A_298 = arith.constant 0 : i32
      %dma_start3A_299 = tpu.memref_slice %arg11[%dma_start3A_297, %dma_start3A_298] : memref<50176x16xf32, #tpu.memory_space<vmem_shared>> -> memref<50176x16xf32, #tpu.memory_space<vmem_shared>>
      tpu.enqueue_indirect_dma source(%dma_start3A_293 : memref<128x16xf32, #tpu.memory_space<vmem>>) target(%dma_start3A_299 : memref<50176x16xf32, #tpu.memory_space<vmem_shared>>) offsets(%dma_start3A_296 : memref<128xi32, #tpu.memory_space<vmem>>) semaphore(%arg23 : memref<!tpu.dma_semaphore, #tpu.memory_space<semaphore_mem>>) {add = true}
      %dma_wait3A_300 = arith.constant 3 : i32
      %dma_wait3A_301 = arith.constant 3 : i32
      %dma_wait3A_302 = arith.constant 0 : i32
      %dma_wait3A_303 = arith.constant 0 : i32
      %dma_wait3A_304 = tpu.memref_slice %arg9[%dma_wait3A_300, %dma_wait3A_302, %dma_wait3A_303] : memref<8x128x16xf32, #tpu.memory_space<vmem>> -> memref<1x128x16xf32, #tpu.memory_space<vmem>>
      %dma_wait3A_305 = tpu.memref_squeeze %dma_wait3A_304 : memref<1x128x16xf32, #tpu.memory_space<vmem>> -> memref<128x16xf32, #tpu.memory_space<vmem>>
      %dma_wait3A_306 = arith.constant 0 : i32
      %dma_wait3A_307 = tpu.memref_slice %arg8[%dma_wait3A_301, %dma_wait3A_306] : memref<16x128xi32, #tpu.memory_space<vmem>> -> memref<1x128xi32, #tpu.memory_space<vmem>>
      %dma_wait3A_308 = tpu.memref_squeeze %dma_wait3A_307 : memref<1x128xi32, #tpu.memory_space<vmem>> -> memref<128xi32, #tpu.memory_space<vmem>>
      %dma_wait3A_309 = arith.constant 0 : i32
      %dma_wait3A_310 = arith.constant 0 : i32
      %dma_wait3A_311 = tpu.memref_slice %arg11[%dma_wait3A_309, %dma_wait3A_310] : memref<50176x16xf32, #tpu.memory_space<vmem_shared>> -> memref<50176x16xf32, #tpu.memory_space<vmem_shared>>
      tpu.wait_indirect_dma semaphore(%arg23 : memref<!tpu.dma_semaphore, #tpu.memory_space<semaphore_mem>>) src(%dma_wait3A_305 : memref<128x16xf32, #tpu.memory_space<vmem>>) dst(%dma_wait3A_311 : memref<50176x16xf32, #tpu.memory_space<vmem_shared>>)
      %dma_start3A_312 = arith.constant 11 : i32
      %dma_start3A_313 = arith.constant 3 : i32
      %dma_start3A_314 = arith.constant 0 : i32
      %dma_start3A_315 = arith.constant 0 : i32
      %dma_start3A_316 = tpu.memref_slice %arg9[%dma_start3A_313, %dma_start3A_314, %dma_start3A_315] : memref<8x128x16xf32, #tpu.memory_space<vmem>> -> memref<1x128x16xf32, #tpu.memory_space<vmem>>
      %dma_start3A_317 = tpu.memref_squeeze %dma_start3A_316 : memref<1x128x16xf32, #tpu.memory_space<vmem>> -> memref<128x16xf32, #tpu.memory_space<vmem>>
      %dma_start3A_318 = arith.constant 0 : i32
      %dma_start3A_319 = tpu.memref_slice %arg7[%dma_start3A_312, %dma_start3A_318] : memref<16x128xi32, #tpu.memory_space<vmem>> -> memref<1x128xi32, #tpu.memory_space<vmem>>
      %dma_start3A_320 = tpu.memref_squeeze %dma_start3A_319 : memref<1x128xi32, #tpu.memory_space<vmem>> -> memref<128xi32, #tpu.memory_space<vmem>>
      %dma_start3A_321 = arith.constant 0 : i32
      %dma_start3A_322 = arith.constant 0 : i32
      %dma_start3A_323 = tpu.memref_slice %arg2[%dma_start3A_321, %dma_start3A_322] : memref<200000x16xf32, #tpu.memory_space<hbm>> -> memref<200000x16xf32, #tpu.memory_space<hbm>>
      tpu.enqueue_indirect_dma source(%dma_start3A_323 : memref<200000x16xf32, #tpu.memory_space<hbm>>) target(%dma_start3A_317 : memref<128x16xf32, #tpu.memory_space<vmem>>) offsets(%dma_start3A_320 : memref<128xi32, #tpu.memory_space<vmem>>) semaphore(%arg15 : memref<!tpu.dma_semaphore, #tpu.memory_space<semaphore_mem>>)
      %dma_wait3A_324 = arith.constant 4 : i32
      %dma_wait3A_325 = arith.constant 4 : i32
      %dma_wait3A_326 = arith.constant 0 : i32
      %dma_wait3A_327 = arith.constant 0 : i32
      %dma_wait3A_328 = tpu.memref_slice %arg9[%dma_wait3A_325, %dma_wait3A_326, %dma_wait3A_327] : memref<8x128x16xf32, #tpu.memory_space<vmem>> -> memref<1x128x16xf32, #tpu.memory_space<vmem>>
      %dma_wait3A_329 = tpu.memref_squeeze %dma_wait3A_328 : memref<1x128x16xf32, #tpu.memory_space<vmem>> -> memref<128x16xf32, #tpu.memory_space<vmem>>
      %dma_wait3A_330 = arith.constant 0 : i32
      %dma_wait3A_331 = tpu.memref_slice %arg7[%dma_wait3A_324, %dma_wait3A_330] : memref<16x128xi32, #tpu.memory_space<vmem>> -> memref<1x128xi32, #tpu.memory_space<vmem>>
      %dma_wait3A_332 = tpu.memref_squeeze %dma_wait3A_331 : memref<1x128xi32, #tpu.memory_space<vmem>> -> memref<128xi32, #tpu.memory_space<vmem>>
      %dma_wait3A_333 = arith.constant 0 : i32
      %dma_wait3A_334 = arith.constant 0 : i32
      %dma_wait3A_335 = tpu.memref_slice %arg2[%dma_wait3A_333, %dma_wait3A_334] : memref<200000x16xf32, #tpu.memory_space<hbm>> -> memref<200000x16xf32, #tpu.memory_space<hbm>>
      tpu.wait_indirect_dma semaphore(%arg16 : memref<!tpu.dma_semaphore, #tpu.memory_space<semaphore_mem>>) src(%dma_wait3A_335 : memref<200000x16xf32, #tpu.memory_space<hbm>>) dst(%dma_wait3A_329 : memref<128x16xf32, #tpu.memory_space<vmem>>)
      %dma_start3A_336 = arith.constant 4 : i32
      %dma_start3A_337 = arith.constant 4 : i32
      %dma_start3A_338 = arith.constant 0 : i32
      %dma_start3A_339 = arith.constant 0 : i32
      %dma_start3A_340 = tpu.memref_slice %arg9[%dma_start3A_336, %dma_start3A_338, %dma_start3A_339] : memref<8x128x16xf32, #tpu.memory_space<vmem>> -> memref<1x128x16xf32, #tpu.memory_space<vmem>>
      %dma_start3A_341 = tpu.memref_squeeze %dma_start3A_340 : memref<1x128x16xf32, #tpu.memory_space<vmem>> -> memref<128x16xf32, #tpu.memory_space<vmem>>
      %dma_start3A_342 = arith.constant 0 : i32
      %dma_start3A_343 = tpu.memref_slice %arg8[%dma_start3A_337, %dma_start3A_342] : memref<16x128xi32, #tpu.memory_space<vmem>> -> memref<1x128xi32, #tpu.memory_space<vmem>>
      %dma_start3A_344 = tpu.memref_squeeze %dma_start3A_343 : memref<1x128xi32, #tpu.memory_space<vmem>> -> memref<128xi32, #tpu.memory_space<vmem>>
      %dma_start3A_345 = arith.constant 0 : i32
      %dma_start3A_346 = arith.constant 0 : i32
      %dma_start3A_347 = tpu.memref_slice %arg11[%dma_start3A_345, %dma_start3A_346] : memref<50176x16xf32, #tpu.memory_space<vmem_shared>> -> memref<50176x16xf32, #tpu.memory_space<vmem_shared>>
      tpu.enqueue_indirect_dma source(%dma_start3A_341 : memref<128x16xf32, #tpu.memory_space<vmem>>) target(%dma_start3A_347 : memref<50176x16xf32, #tpu.memory_space<vmem_shared>>) offsets(%dma_start3A_344 : memref<128xi32, #tpu.memory_space<vmem>>) semaphore(%arg24 : memref<!tpu.dma_semaphore, #tpu.memory_space<semaphore_mem>>) {add = true}
      %dma_wait3A_348 = arith.constant 4 : i32
      %dma_wait3A_349 = arith.constant 4 : i32
      %dma_wait3A_350 = arith.constant 0 : i32
      %dma_wait3A_351 = arith.constant 0 : i32
      %dma_wait3A_352 = tpu.memref_slice %arg9[%dma_wait3A_348, %dma_wait3A_350, %dma_wait3A_351] : memref<8x128x16xf32, #tpu.memory_space<vmem>> -> memref<1x128x16xf32, #tpu.memory_space<vmem>>
      %dma_wait3A_353 = tpu.memref_squeeze %dma_wait3A_352 : memref<1x128x16xf32, #tpu.memory_space<vmem>> -> memref<128x16xf32, #tpu.memory_space<vmem>>
      %dma_wait3A_354 = arith.constant 0 : i32
      %dma_wait3A_355 = tpu.memref_slice %arg8[%dma_wait3A_349, %dma_wait3A_354] : memref<16x128xi32, #tpu.memory_space<vmem>> -> memref<1x128xi32, #tpu.memory_space<vmem>>
      %dma_wait3A_356 = tpu.memref_squeeze %dma_wait3A_355 : memref<1x128xi32, #tpu.memory_space<vmem>> -> memref<128xi32, #tpu.memory_space<vmem>>
      %dma_wait3A_357 = arith.constant 0 : i32
      %dma_wait3A_358 = arith.constant 0 : i32
      %dma_wait3A_359 = tpu.memref_slice %arg11[%dma_wait3A_357, %dma_wait3A_358] : memref<50176x16xf32, #tpu.memory_space<vmem_shared>> -> memref<50176x16xf32, #tpu.memory_space<vmem_shared>>
      tpu.wait_indirect_dma semaphore(%arg24 : memref<!tpu.dma_semaphore, #tpu.memory_space<semaphore_mem>>) src(%dma_wait3A_353 : memref<128x16xf32, #tpu.memory_space<vmem>>) dst(%dma_wait3A_359 : memref<50176x16xf32, #tpu.memory_space<vmem_shared>>)
      %dma_start3A_360 = arith.constant 12 : i32
      %dma_start3A_361 = arith.constant 4 : i32
      %dma_start3A_362 = arith.constant 0 : i32
      %dma_start3A_363 = arith.constant 0 : i32
      %dma_start3A_364 = tpu.memref_slice %arg9[%dma_start3A_361, %dma_start3A_362, %dma_start3A_363] : memref<8x128x16xf32, #tpu.memory_space<vmem>> -> memref<1x128x16xf32, #tpu.memory_space<vmem>>
      %dma_start3A_365 = tpu.memref_squeeze %dma_start3A_364 : memref<1x128x16xf32, #tpu.memory_space<vmem>> -> memref<128x16xf32, #tpu.memory_space<vmem>>
      %dma_start3A_366 = arith.constant 0 : i32
      %dma_start3A_367 = tpu.memref_slice %arg7[%dma_start3A_360, %dma_start3A_366] : memref<16x128xi32, #tpu.memory_space<vmem>> -> memref<1x128xi32, #tpu.memory_space<vmem>>
      %dma_start3A_368 = tpu.memref_squeeze %dma_start3A_367 : memref<1x128xi32, #tpu.memory_space<vmem>> -> memref<128xi32, #tpu.memory_space<vmem>>
      %dma_start3A_369 = arith.constant 0 : i32
      %dma_start3A_370 = arith.constant 0 : i32
      %dma_start3A_371 = tpu.memref_slice %arg2[%dma_start3A_369, %dma_start3A_370] : memref<200000x16xf32, #tpu.memory_space<hbm>> -> memref<200000x16xf32, #tpu.memory_space<hbm>>
      tpu.enqueue_indirect_dma source(%dma_start3A_371 : memref<200000x16xf32, #tpu.memory_space<hbm>>) target(%dma_start3A_365 : memref<128x16xf32, #tpu.memory_space<vmem>>) offsets(%dma_start3A_368 : memref<128xi32, #tpu.memory_space<vmem>>) semaphore(%arg16 : memref<!tpu.dma_semaphore, #tpu.memory_space<semaphore_mem>>)
      %dma_wait3A_372 = arith.constant 5 : i32
      %dma_wait3A_373 = arith.constant 5 : i32
      %dma_wait3A_374 = arith.constant 0 : i32
      %dma_wait3A_375 = arith.constant 0 : i32
      %dma_wait3A_376 = tpu.memref_slice %arg9[%dma_wait3A_373, %dma_wait3A_374, %dma_wait3A_375] : memref<8x128x16xf32, #tpu.memory_space<vmem>> -> memref<1x128x16xf32, #tpu.memory_space<vmem>>
      %dma_wait3A_377 = tpu.memref_squeeze %dma_wait3A_376 : memref<1x128x16xf32, #tpu.memory_space<vmem>> -> memref<128x16xf32, #tpu.memory_space<vmem>>
      %dma_wait3A_378 = arith.constant 0 : i32
      %dma_wait3A_379 = tpu.memref_slice %arg7[%dma_wait3A_372, %dma_wait3A_378] : memref<16x128xi32, #tpu.memory_space<vmem>> -> memref<1x128xi32, #tpu.memory_space<vmem>>
      %dma_wait3A_380 = tpu.memref_squeeze %dma_wait3A_379 : memref<1x128xi32, #tpu.memory_space<vmem>> -> memref<128xi32, #tpu.memory_space<vmem>>
      %dma_wait3A_381 = arith.constant 0 : i32
      %dma_wait3A_382 = arith.constant 0 : i32
      %dma_wait3A_383 = tpu.memref_slice %arg2[%dma_wait3A_381, %dma_wait3A_382] : memref<200000x16xf32, #tpu.memory_space<hbm>> -> memref<200000x16xf32, #tpu.memory_space<hbm>>
      tpu.wait_indirect_dma semaphore(%arg17 : memref<!tpu.dma_semaphore, #tpu.memory_space<semaphore_mem>>) src(%dma_wait3A_383 : memref<200000x16xf32, #tpu.memory_space<hbm>>) dst(%dma_wait3A_377 : memref<128x16xf32, #tpu.memory_space<vmem>>)
      %dma_start3A_384 = arith.constant 5 : i32
      %dma_start3A_385 = arith.constant 5 : i32
      %dma_start3A_386 = arith.constant 0 : i32
      %dma_start3A_387 = arith.constant 0 : i32
      %dma_start3A_388 = tpu.memref_slice %arg9[%dma_start3A_384, %dma_start3A_386, %dma_start3A_387] : memref<8x128x16xf32, #tpu.memory_space<vmem>> -> memref<1x128x16xf32, #tpu.memory_space<vmem>>
      %dma_start3A_389 = tpu.memref_squeeze %dma_start3A_388 : memref<1x128x16xf32, #tpu.memory_space<vmem>> -> memref<128x16xf32, #tpu.memory_space<vmem>>
      %dma_start3A_390 = arith.constant 0 : i32
      %dma_start3A_391 = tpu.memref_slice %arg8[%dma_start3A_385, %dma_start3A_390] : memref<16x128xi32, #tpu.memory_space<vmem>> -> memref<1x128xi32, #tpu.memory_space<vmem>>
      %dma_start3A_392 = tpu.memref_squeeze %dma_start3A_391 : memref<1x128xi32, #tpu.memory_space<vmem>> -> memref<128xi32, #tpu.memory_space<vmem>>
      %dma_start3A_393 = arith.constant 0 : i32
      %dma_start3A_394 = arith.constant 0 : i32
      %dma_start3A_395 = tpu.memref_slice %arg11[%dma_start3A_393, %dma_start3A_394] : memref<50176x16xf32, #tpu.memory_space<vmem_shared>> -> memref<50176x16xf32, #tpu.memory_space<vmem_shared>>
      tpu.enqueue_indirect_dma source(%dma_start3A_389 : memref<128x16xf32, #tpu.memory_space<vmem>>) target(%dma_start3A_395 : memref<50176x16xf32, #tpu.memory_space<vmem_shared>>) offsets(%dma_start3A_392 : memref<128xi32, #tpu.memory_space<vmem>>) semaphore(%arg25 : memref<!tpu.dma_semaphore, #tpu.memory_space<semaphore_mem>>) {add = true}
      %dma_wait3A_396 = arith.constant 5 : i32
      %dma_wait3A_397 = arith.constant 5 : i32
      %dma_wait3A_398 = arith.constant 0 : i32
      %dma_wait3A_399 = arith.constant 0 : i32
      %dma_wait3A_400 = tpu.memref_slice %arg9[%dma_wait3A_396, %dma_wait3A_398, %dma_wait3A_399] : memref<8x128x16xf32, #tpu.memory_space<vmem>> -> memref<1x128x16xf32, #tpu.memory_space<vmem>>
      %dma_wait3A_401 = tpu.memref_squeeze %dma_wait3A_400 : memref<1x128x16xf32, #tpu.memory_space<vmem>> -> memref<128x16xf32, #tpu.memory_space<vmem>>
      %dma_wait3A_402 = arith.constant 0 : i32
      %dma_wait3A_403 = tpu.memref_slice %arg8[%dma_wait3A_397, %dma_wait3A_402] : memref<16x128xi32, #tpu.memory_space<vmem>> -> memref<1x128xi32, #tpu.memory_space<vmem>>
      %dma_wait3A_404 = tpu.memref_squeeze %dma_wait3A_403 : memref<1x128xi32, #tpu.memory_space<vmem>> -> memref<128xi32, #tpu.memory_space<vmem>>
      %dma_wait3A_405 = arith.constant 0 : i32
      %dma_wait3A_406 = arith.constant 0 : i32
      %dma_wait3A_407 = tpu.memref_slice %arg11[%dma_wait3A_405, %dma_wait3A_406] : memref<50176x16xf32, #tpu.memory_space<vmem_shared>> -> memref<50176x16xf32, #tpu.memory_space<vmem_shared>>
      tpu.wait_indirect_dma semaphore(%arg25 : memref<!tpu.dma_semaphore, #tpu.memory_space<semaphore_mem>>) src(%dma_wait3A_401 : memref<128x16xf32, #tpu.memory_space<vmem>>) dst(%dma_wait3A_407 : memref<50176x16xf32, #tpu.memory_space<vmem_shared>>)
      %dma_start3A_408 = arith.constant 13 : i32
      %dma_start3A_409 = arith.constant 5 : i32
      %dma_start3A_410 = arith.constant 0 : i32
      %dma_start3A_411 = arith.constant 0 : i32
      %dma_start3A_412 = tpu.memref_slice %arg9[%dma_start3A_409, %dma_start3A_410, %dma_start3A_411] : memref<8x128x16xf32, #tpu.memory_space<vmem>> -> memref<1x128x16xf32, #tpu.memory_space<vmem>>
      %dma_start3A_413 = tpu.memref_squeeze %dma_start3A_412 : memref<1x128x16xf32, #tpu.memory_space<vmem>> -> memref<128x16xf32, #tpu.memory_space<vmem>>
      %dma_start3A_414 = arith.constant 0 : i32
      %dma_start3A_415 = tpu.memref_slice %arg7[%dma_start3A_408, %dma_start3A_414] : memref<16x128xi32, #tpu.memory_space<vmem>> -> memref<1x128xi32, #tpu.memory_space<vmem>>
      %dma_start3A_416 = tpu.memref_squeeze %dma_start3A_415 : memref<1x128xi32, #tpu.memory_space<vmem>> -> memref<128xi32, #tpu.memory_space<vmem>>
      %dma_start3A_417 = arith.constant 0 : i32
      %dma_start3A_418 = arith.constant 0 : i32
      %dma_start3A_419 = tpu.memref_slice %arg2[%dma_start3A_417, %dma_start3A_418] : memref<200000x16xf32, #tpu.memory_space<hbm>> -> memref<200000x16xf32, #tpu.memory_space<hbm>>
      tpu.enqueue_indirect_dma source(%dma_start3A_419 : memref<200000x16xf32, #tpu.memory_space<hbm>>) target(%dma_start3A_413 : memref<128x16xf32, #tpu.memory_space<vmem>>) offsets(%dma_start3A_416 : memref<128xi32, #tpu.memory_space<vmem>>) semaphore(%arg17 : memref<!tpu.dma_semaphore, #tpu.memory_space<semaphore_mem>>)
      %dma_wait3A_420 = arith.constant 6 : i32
      %dma_wait3A_421 = arith.constant 6 : i32
      %dma_wait3A_422 = arith.constant 0 : i32
      %dma_wait3A_423 = arith.constant 0 : i32
      %dma_wait3A_424 = tpu.memref_slice %arg9[%dma_wait3A_421, %dma_wait3A_422, %dma_wait3A_423] : memref<8x128x16xf32, #tpu.memory_space<vmem>> -> memref<1x128x16xf32, #tpu.memory_space<vmem>>
      %dma_wait3A_425 = tpu.memref_squeeze %dma_wait3A_424 : memref<1x128x16xf32, #tpu.memory_space<vmem>> -> memref<128x16xf32, #tpu.memory_space<vmem>>
      %dma_wait3A_426 = arith.constant 0 : i32
      %dma_wait3A_427 = tpu.memref_slice %arg7[%dma_wait3A_420, %dma_wait3A_426] : memref<16x128xi32, #tpu.memory_space<vmem>> -> memref<1x128xi32, #tpu.memory_space<vmem>>
      %dma_wait3A_428 = tpu.memref_squeeze %dma_wait3A_427 : memref<1x128xi32, #tpu.memory_space<vmem>> -> memref<128xi32, #tpu.memory_space<vmem>>
      %dma_wait3A_429 = arith.constant 0 : i32
      %dma_wait3A_430 = arith.constant 0 : i32
      %dma_wait3A_431 = tpu.memref_slice %arg2[%dma_wait3A_429, %dma_wait3A_430] : memref<200000x16xf32, #tpu.memory_space<hbm>> -> memref<200000x16xf32, #tpu.memory_space<hbm>>
      tpu.wait_indirect_dma semaphore(%arg18 : memref<!tpu.dma_semaphore, #tpu.memory_space<semaphore_mem>>) src(%dma_wait3A_431 : memref<200000x16xf32, #tpu.memory_space<hbm>>) dst(%dma_wait3A_425 : memref<128x16xf32, #tpu.memory_space<vmem>>)
      %dma_start3A_432 = arith.constant 6 : i32
      %dma_start3A_433 = arith.constant 6 : i32
      %dma_start3A_434 = arith.constant 0 : i32
      %dma_start3A_435 = arith.constant 0 : i32
      %dma_start3A_436 = tpu.memref_slice %arg9[%dma_start3A_432, %dma_start3A_434, %dma_start3A_435] : memref<8x128x16xf32, #tpu.memory_space<vmem>> -> memref<1x128x16xf32, #tpu.memory_space<vmem>>
      %dma_start3A_437 = tpu.memref_squeeze %dma_start3A_436 : memref<1x128x16xf32, #tpu.memory_space<vmem>> -> memref<128x16xf32, #tpu.memory_space<vmem>>
      %dma_start3A_438 = arith.constant 0 : i32
      %dma_start3A_439 = tpu.memref_slice %arg8[%dma_start3A_433, %dma_start3A_438] : memref<16x128xi32, #tpu.memory_space<vmem>> -> memref<1x128xi32, #tpu.memory_space<vmem>>
      %dma_start3A_440 = tpu.memref_squeeze %dma_start3A_439 : memref<1x128xi32, #tpu.memory_space<vmem>> -> memref<128xi32, #tpu.memory_space<vmem>>
      %dma_start3A_441 = arith.constant 0 : i32
      %dma_start3A_442 = arith.constant 0 : i32
      %dma_start3A_443 = tpu.memref_slice %arg11[%dma_start3A_441, %dma_start3A_442] : memref<50176x16xf32, #tpu.memory_space<vmem_shared>> -> memref<50176x16xf32, #tpu.memory_space<vmem_shared>>
      tpu.enqueue_indirect_dma source(%dma_start3A_437 : memref<128x16xf32, #tpu.memory_space<vmem>>) target(%dma_start3A_443 : memref<50176x16xf32, #tpu.memory_space<vmem_shared>>) offsets(%dma_start3A_440 : memref<128xi32, #tpu.memory_space<vmem>>) semaphore(%arg26 : memref<!tpu.dma_semaphore, #tpu.memory_space<semaphore_mem>>) {add = true}
      %dma_wait3A_444 = arith.constant 6 : i32
      %dma_wait3A_445 = arith.constant 6 : i32
      %dma_wait3A_446 = arith.constant 0 : i32
      %dma_wait3A_447 = arith.constant 0 : i32
      %dma_wait3A_448 = tpu.memref_slice %arg9[%dma_wait3A_444, %dma_wait3A_446, %dma_wait3A_447] : memref<8x128x16xf32, #tpu.memory_space<vmem>> -> memref<1x128x16xf32, #tpu.memory_space<vmem>>
      %dma_wait3A_449 = tpu.memref_squeeze %dma_wait3A_448 : memref<1x128x16xf32, #tpu.memory_space<vmem>> -> memref<128x16xf32, #tpu.memory_space<vmem>>
      %dma_wait3A_450 = arith.constant 0 : i32
      %dma_wait3A_451 = tpu.memref_slice %arg8[%dma_wait3A_445, %dma_wait3A_450] : memref<16x128xi32, #tpu.memory_space<vmem>> -> memref<1x128xi32, #tpu.memory_space<vmem>>
      %dma_wait3A_452 = tpu.memref_squeeze %dma_wait3A_451 : memref<1x128xi32, #tpu.memory_space<vmem>> -> memref<128xi32, #tpu.memory_space<vmem>>
      %dma_wait3A_453 = arith.constant 0 : i32
      %dma_wait3A_454 = arith.constant 0 : i32
      %dma_wait3A_455 = tpu.memref_slice %arg11[%dma_wait3A_453, %dma_wait3A_454] : memref<50176x16xf32, #tpu.memory_space<vmem_shared>> -> memref<50176x16xf32, #tpu.memory_space<vmem_shared>>
      tpu.wait_indirect_dma semaphore(%arg26 : memref<!tpu.dma_semaphore, #tpu.memory_space<semaphore_mem>>) src(%dma_wait3A_449 : memref<128x16xf32, #tpu.memory_space<vmem>>) dst(%dma_wait3A_455 : memref<50176x16xf32, #tpu.memory_space<vmem_shared>>)
      %dma_start3A_456 = arith.constant 14 : i32
      %dma_start3A_457 = arith.constant 6 : i32
      %dma_start3A_458 = arith.constant 0 : i32
      %dma_start3A_459 = arith.constant 0 : i32
      %dma_start3A_460 = tpu.memref_slice %arg9[%dma_start3A_457, %dma_start3A_458, %dma_start3A_459] : memref<8x128x16xf32, #tpu.memory_space<vmem>> -> memref<1x128x16xf32, #tpu.memory_space<vmem>>
      %dma_start3A_461 = tpu.memref_squeeze %dma_start3A_460 : memref<1x128x16xf32, #tpu.memory_space<vmem>> -> memref<128x16xf32, #tpu.memory_space<vmem>>
      %dma_start3A_462 = arith.constant 0 : i32
      %dma_start3A_463 = tpu.memref_slice %arg7[%dma_start3A_456, %dma_start3A_462] : memref<16x128xi32, #tpu.memory_space<vmem>> -> memref<1x128xi32, #tpu.memory_space<vmem>>
      %dma_start3A_464 = tpu.memref_squeeze %dma_start3A_463 : memref<1x128xi32, #tpu.memory_space<vmem>> -> memref<128xi32, #tpu.memory_space<vmem>>
      %dma_start3A_465 = arith.constant 0 : i32
      %dma_start3A_466 = arith.constant 0 : i32
      %dma_start3A_467 = tpu.memref_slice %arg2[%dma_start3A_465, %dma_start3A_466] : memref<200000x16xf32, #tpu.memory_space<hbm>> -> memref<200000x16xf32, #tpu.memory_space<hbm>>
      tpu.enqueue_indirect_dma source(%dma_start3A_467 : memref<200000x16xf32, #tpu.memory_space<hbm>>) target(%dma_start3A_461 : memref<128x16xf32, #tpu.memory_space<vmem>>) offsets(%dma_start3A_464 : memref<128xi32, #tpu.memory_space<vmem>>) semaphore(%arg18 : memref<!tpu.dma_semaphore, #tpu.memory_space<semaphore_mem>>)
      %dma_wait3A_468 = arith.constant 7 : i32
      %dma_wait3A_469 = arith.constant 7 : i32
      %dma_wait3A_470 = arith.constant 0 : i32
      %dma_wait3A_471 = arith.constant 0 : i32
      %dma_wait3A_472 = tpu.memref_slice %arg9[%dma_wait3A_469, %dma_wait3A_470, %dma_wait3A_471] : memref<8x128x16xf32, #tpu.memory_space<vmem>> -> memref<1x128x16xf32, #tpu.memory_space<vmem>>
      %dma_wait3A_473 = tpu.memref_squeeze %dma_wait3A_472 : memref<1x128x16xf32, #tpu.memory_space<vmem>> -> memref<128x16xf32, #tpu.memory_space<vmem>>
      %dma_wait3A_474 = arith.constant 0 : i32
      %dma_wait3A_475 = tpu.memref_slice %arg7[%dma_wait3A_468, %dma_wait3A_474] : memref<16x128xi32, #tpu.memory_space<vmem>> -> memref<1x128xi32, #tpu.memory_space<vmem>>
      %dma_wait3A_476 = tpu.memref_squeeze %dma_wait3A_475 : memref<1x128xi32, #tpu.memory_space<vmem>> -> memref<128xi32, #tpu.memory_space<vmem>>
      %dma_wait3A_477 = arith.constant 0 : i32
      %dma_wait3A_478 = arith.constant 0 : i32
      %dma_wait3A_479 = tpu.memref_slice %arg2[%dma_wait3A_477, %dma_wait3A_478] : memref<200000x16xf32, #tpu.memory_space<hbm>> -> memref<200000x16xf32, #tpu.memory_space<hbm>>
      tpu.wait_indirect_dma semaphore(%arg19 : memref<!tpu.dma_semaphore, #tpu.memory_space<semaphore_mem>>) src(%dma_wait3A_479 : memref<200000x16xf32, #tpu.memory_space<hbm>>) dst(%dma_wait3A_473 : memref<128x16xf32, #tpu.memory_space<vmem>>)
      %dma_start3A_480 = arith.constant 7 : i32
      %dma_start3A_481 = arith.constant 7 : i32
      %dma_start3A_482 = arith.constant 0 : i32
      %dma_start3A_483 = arith.constant 0 : i32
      %dma_start3A_484 = tpu.memref_slice %arg9[%dma_start3A_480, %dma_start3A_482, %dma_start3A_483] : memref<8x128x16xf32, #tpu.memory_space<vmem>> -> memref<1x128x16xf32, #tpu.memory_space<vmem>>
      %dma_start3A_485 = tpu.memref_squeeze %dma_start3A_484 : memref<1x128x16xf32, #tpu.memory_space<vmem>> -> memref<128x16xf32, #tpu.memory_space<vmem>>
      %dma_start3A_486 = arith.constant 0 : i32
      %dma_start3A_487 = tpu.memref_slice %arg8[%dma_start3A_481, %dma_start3A_486] : memref<16x128xi32, #tpu.memory_space<vmem>> -> memref<1x128xi32, #tpu.memory_space<vmem>>
      %dma_start3A_488 = tpu.memref_squeeze %dma_start3A_487 : memref<1x128xi32, #tpu.memory_space<vmem>> -> memref<128xi32, #tpu.memory_space<vmem>>
      %dma_start3A_489 = arith.constant 0 : i32
      %dma_start3A_490 = arith.constant 0 : i32
      %dma_start3A_491 = tpu.memref_slice %arg11[%dma_start3A_489, %dma_start3A_490] : memref<50176x16xf32, #tpu.memory_space<vmem_shared>> -> memref<50176x16xf32, #tpu.memory_space<vmem_shared>>
      tpu.enqueue_indirect_dma source(%dma_start3A_485 : memref<128x16xf32, #tpu.memory_space<vmem>>) target(%dma_start3A_491 : memref<50176x16xf32, #tpu.memory_space<vmem_shared>>) offsets(%dma_start3A_488 : memref<128xi32, #tpu.memory_space<vmem>>) semaphore(%arg27 : memref<!tpu.dma_semaphore, #tpu.memory_space<semaphore_mem>>) {add = true}
      %dma_wait3A_492 = arith.constant 7 : i32
      %dma_wait3A_493 = arith.constant 7 : i32
      %dma_wait3A_494 = arith.constant 0 : i32
      %dma_wait3A_495 = arith.constant 0 : i32
      %dma_wait3A_496 = tpu.memref_slice %arg9[%dma_wait3A_492, %dma_wait3A_494, %dma_wait3A_495] : memref<8x128x16xf32, #tpu.memory_space<vmem>> -> memref<1x128x16xf32, #tpu.memory_space<vmem>>
      %dma_wait3A_497 = tpu.memref_squeeze %dma_wait3A_496 : memref<1x128x16xf32, #tpu.memory_space<vmem>> -> memref<128x16xf32, #tpu.memory_space<vmem>>
      %dma_wait3A_498 = arith.constant 0 : i32
      %dma_wait3A_499 = tpu.memref_slice %arg8[%dma_wait3A_493, %dma_wait3A_498] : memref<16x128xi32, #tpu.memory_space<vmem>> -> memref<1x128xi32, #tpu.memory_space<vmem>>
      %dma_wait3A_500 = tpu.memref_squeeze %dma_wait3A_499 : memref<1x128xi32, #tpu.memory_space<vmem>> -> memref<128xi32, #tpu.memory_space<vmem>>
      %dma_wait3A_501 = arith.constant 0 : i32
      %dma_wait3A_502 = arith.constant 0 : i32
      %dma_wait3A_503 = tpu.memref_slice %arg11[%dma_wait3A_501, %dma_wait3A_502] : memref<50176x16xf32, #tpu.memory_space<vmem_shared>> -> memref<50176x16xf32, #tpu.memory_space<vmem_shared>>
      tpu.wait_indirect_dma semaphore(%arg27 : memref<!tpu.dma_semaphore, #tpu.memory_space<semaphore_mem>>) src(%dma_wait3A_497 : memref<128x16xf32, #tpu.memory_space<vmem>>) dst(%dma_wait3A_503 : memref<50176x16xf32, #tpu.memory_space<vmem_shared>>)
      %dma_start3A_504 = arith.constant 15 : i32
      %dma_start3A_505 = arith.constant 7 : i32
      %dma_start3A_506 = arith.constant 0 : i32
      %dma_start3A_507 = arith.constant 0 : i32
      %dma_start3A_508 = tpu.memref_slice %arg9[%dma_start3A_505, %dma_start3A_506, %dma_start3A_507] : memref<8x128x16xf32, #tpu.memory_space<vmem>> -> memref<1x128x16xf32, #tpu.memory_space<vmem>>
      %dma_start3A_509 = tpu.memref_squeeze %dma_start3A_508 : memref<1x128x16xf32, #tpu.memory_space<vmem>> -> memref<128x16xf32, #tpu.memory_space<vmem>>
      %dma_start3A_510 = arith.constant 0 : i32
      %dma_start3A_511 = tpu.memref_slice %arg7[%dma_start3A_504, %dma_start3A_510] : memref<16x128xi32, #tpu.memory_space<vmem>> -> memref<1x128xi32, #tpu.memory_space<vmem>>
      %dma_start3A_512 = tpu.memref_squeeze %dma_start3A_511 : memref<1x128xi32, #tpu.memory_space<vmem>> -> memref<128xi32, #tpu.memory_space<vmem>>
      %dma_start3A_513 = arith.constant 0 : i32
      %dma_start3A_514 = arith.constant 0 : i32
      %dma_start3A_515 = tpu.memref_slice %arg2[%dma_start3A_513, %dma_start3A_514] : memref<200000x16xf32, #tpu.memory_space<hbm>> -> memref<200000x16xf32, #tpu.memory_space<hbm>>
      tpu.enqueue_indirect_dma source(%dma_start3A_515 : memref<200000x16xf32, #tpu.memory_space<hbm>>) target(%dma_start3A_509 : memref<128x16xf32, #tpu.memory_space<vmem>>) offsets(%dma_start3A_512 : memref<128xi32, #tpu.memory_space<vmem>>) semaphore(%arg19 : memref<!tpu.dma_semaphore, #tpu.memory_space<semaphore_mem>>)
      %dma_wait3A_516 = arith.constant 8 : i32
      %dma_wait3A_517 = arith.constant 0 : i32
      %dma_wait3A_518 = arith.constant 0 : i32
      %dma_wait3A_519 = arith.constant 0 : i32
      %dma_wait3A_520 = tpu.memref_slice %arg9[%dma_wait3A_517, %dma_wait3A_518, %dma_wait3A_519] : memref<8x128x16xf32, #tpu.memory_space<vmem>> -> memref<1x128x16xf32, #tpu.memory_space<vmem>>
      %dma_wait3A_521 = tpu.memref_squeeze %dma_wait3A_520 : memref<1x128x16xf32, #tpu.memory_space<vmem>> -> memref<128x16xf32, #tpu.memory_space<vmem>>
      %dma_wait3A_522 = arith.constant 0 : i32
      %dma_wait3A_523 = tpu.memref_slice %arg7[%dma_wait3A_516, %dma_wait3A_522] : memref<16x128xi32, #tpu.memory_space<vmem>> -> memref<1x128xi32, #tpu.memory_space<vmem>>
      %dma_wait3A_524 = tpu.memref_squeeze %dma_wait3A_523 : memref<1x128xi32, #tpu.memory_space<vmem>> -> memref<128xi32, #tpu.memory_space<vmem>>
      %dma_wait3A_525 = arith.constant 0 : i32
      %dma_wait3A_526 = arith.constant 0 : i32
      %dma_wait3A_527 = tpu.memref_slice %arg2[%dma_wait3A_525, %dma_wait3A_526] : memref<200000x16xf32, #tpu.memory_space<hbm>> -> memref<200000x16xf32, #tpu.memory_space<hbm>>
      tpu.wait_indirect_dma semaphore(%arg12 : memref<!tpu.dma_semaphore, #tpu.memory_space<semaphore_mem>>) src(%dma_wait3A_527 : memref<200000x16xf32, #tpu.memory_space<hbm>>) dst(%dma_wait3A_521 : memref<128x16xf32, #tpu.memory_space<vmem>>)
      %dma_start3A_528 = arith.constant 0 : i32
      %dma_start3A_529 = arith.constant 8 : i32
      %dma_start3A_530 = arith.constant 0 : i32
      %dma_start3A_531 = arith.constant 0 : i32
      %dma_start3A_532 = tpu.memref_slice %arg9[%dma_start3A_528, %dma_start3A_530, %dma_start3A_531] : memref<8x128x16xf32, #tpu.memory_space<vmem>> -> memref<1x128x16xf32, #tpu.memory_space<vmem>>
      %dma_start3A_533 = tpu.memref_squeeze %dma_start3A_532 : memref<1x128x16xf32, #tpu.memory_space<vmem>> -> memref<128x16xf32, #tpu.memory_space<vmem>>
      %dma_start3A_534 = arith.constant 0 : i32
      %dma_start3A_535 = tpu.memref_slice %arg8[%dma_start3A_529, %dma_start3A_534] : memref<16x128xi32, #tpu.memory_space<vmem>> -> memref<1x128xi32, #tpu.memory_space<vmem>>
      %dma_start3A_536 = tpu.memref_squeeze %dma_start3A_535 : memref<1x128xi32, #tpu.memory_space<vmem>> -> memref<128xi32, #tpu.memory_space<vmem>>
      %dma_start3A_537 = arith.constant 0 : i32
      %dma_start3A_538 = arith.constant 0 : i32
      %dma_start3A_539 = tpu.memref_slice %arg11[%dma_start3A_537, %dma_start3A_538] : memref<50176x16xf32, #tpu.memory_space<vmem_shared>> -> memref<50176x16xf32, #tpu.memory_space<vmem_shared>>
      tpu.enqueue_indirect_dma source(%dma_start3A_533 : memref<128x16xf32, #tpu.memory_space<vmem>>) target(%dma_start3A_539 : memref<50176x16xf32, #tpu.memory_space<vmem_shared>>) offsets(%dma_start3A_536 : memref<128xi32, #tpu.memory_space<vmem>>) semaphore(%arg20 : memref<!tpu.dma_semaphore, #tpu.memory_space<semaphore_mem>>) {add = true}
      %dma_wait3A_540 = arith.constant 9 : i32
      %dma_wait3A_541 = arith.constant 1 : i32
      %dma_wait3A_542 = arith.constant 0 : i32
      %dma_wait3A_543 = arith.constant 0 : i32
      %dma_wait3A_544 = tpu.memref_slice %arg9[%dma_wait3A_541, %dma_wait3A_542, %dma_wait3A_543] : memref<8x128x16xf32, #tpu.memory_space<vmem>> -> memref<1x128x16xf32, #tpu.memory_space<vmem>>
      %dma_wait3A_545 = tpu.memref_squeeze %dma_wait3A_544 : memref<1x128x16xf32, #tpu.memory_space<vmem>> -> memref<128x16xf32, #tpu.memory_space<vmem>>
      %dma_wait3A_546 = arith.constant 0 : i32
      %dma_wait3A_547 = tpu.memref_slice %arg7[%dma_wait3A_540, %dma_wait3A_546] : memref<16x128xi32, #tpu.memory_space<vmem>> -> memref<1x128xi32, #tpu.memory_space<vmem>>
      %dma_wait3A_548 = tpu.memref_squeeze %dma_wait3A_547 : memref<1x128xi32, #tpu.memory_space<vmem>> -> memref<128xi32, #tpu.memory_space<vmem>>
      %dma_wait3A_549 = arith.constant 0 : i32
      %dma_wait3A_550 = arith.constant 0 : i32
      %dma_wait3A_551 = tpu.memref_slice %arg2[%dma_wait3A_549, %dma_wait3A_550] : memref<200000x16xf32, #tpu.memory_space<hbm>> -> memref<200000x16xf32, #tpu.memory_space<hbm>>
      tpu.wait_indirect_dma semaphore(%arg13 : memref<!tpu.dma_semaphore, #tpu.memory_space<semaphore_mem>>) src(%dma_wait3A_551 : memref<200000x16xf32, #tpu.memory_space<hbm>>) dst(%dma_wait3A_545 : memref<128x16xf32, #tpu.memory_space<vmem>>)
      %dma_start3A_552 = arith.constant 1 : i32
      %dma_start3A_553 = arith.constant 9 : i32
      %dma_start3A_554 = arith.constant 0 : i32
      %dma_start3A_555 = arith.constant 0 : i32
      %dma_start3A_556 = tpu.memref_slice %arg9[%dma_start3A_552, %dma_start3A_554, %dma_start3A_555] : memref<8x128x16xf32, #tpu.memory_space<vmem>> -> memref<1x128x16xf32, #tpu.memory_space<vmem>>
      %dma_start3A_557 = tpu.memref_squeeze %dma_start3A_556 : memref<1x128x16xf32, #tpu.memory_space<vmem>> -> memref<128x16xf32, #tpu.memory_space<vmem>>
      %dma_start3A_558 = arith.constant 0 : i32
      %dma_start3A_559 = tpu.memref_slice %arg8[%dma_start3A_553, %dma_start3A_558] : memref<16x128xi32, #tpu.memory_space<vmem>> -> memref<1x128xi32, #tpu.memory_space<vmem>>
      %dma_start3A_560 = tpu.memref_squeeze %dma_start3A_559 : memref<1x128xi32, #tpu.memory_space<vmem>> -> memref<128xi32, #tpu.memory_space<vmem>>
      %dma_start3A_561 = arith.constant 0 : i32
      %dma_start3A_562 = arith.constant 0 : i32
      %dma_start3A_563 = tpu.memref_slice %arg11[%dma_start3A_561, %dma_start3A_562] : memref<50176x16xf32, #tpu.memory_space<vmem_shared>> -> memref<50176x16xf32, #tpu.memory_space<vmem_shared>>
      tpu.enqueue_indirect_dma source(%dma_start3A_557 : memref<128x16xf32, #tpu.memory_space<vmem>>) target(%dma_start3A_563 : memref<50176x16xf32, #tpu.memory_space<vmem_shared>>) offsets(%dma_start3A_560 : memref<128xi32, #tpu.memory_space<vmem>>) semaphore(%arg21 : memref<!tpu.dma_semaphore, #tpu.memory_space<semaphore_mem>>) {add = true}
      %dma_wait3A_564 = arith.constant 10 : i32
      %dma_wait3A_565 = arith.constant 2 : i32
      %dma_wait3A_566 = arith.constant 0 : i32
      %dma_wait3A_567 = arith.constant 0 : i32
      %dma_wait3A_568 = tpu.memref_slice %arg9[%dma_wait3A_565, %dma_wait3A_566, %dma_wait3A_567] : memref<8x128x16xf32, #tpu.memory_space<vmem>> -> memref<1x128x16xf32, #tpu.memory_space<vmem>>
      %dma_wait3A_569 = tpu.memref_squeeze %dma_wait3A_568 : memref<1x128x16xf32, #tpu.memory_space<vmem>> -> memref<128x16xf32, #tpu.memory_space<vmem>>
      %dma_wait3A_570 = arith.constant 0 : i32
      %dma_wait3A_571 = tpu.memref_slice %arg7[%dma_wait3A_564, %dma_wait3A_570] : memref<16x128xi32, #tpu.memory_space<vmem>> -> memref<1x128xi32, #tpu.memory_space<vmem>>
      %dma_wait3A_572 = tpu.memref_squeeze %dma_wait3A_571 : memref<1x128xi32, #tpu.memory_space<vmem>> -> memref<128xi32, #tpu.memory_space<vmem>>
      %dma_wait3A_573 = arith.constant 0 : i32
      %dma_wait3A_574 = arith.constant 0 : i32
      %dma_wait3A_575 = tpu.memref_slice %arg2[%dma_wait3A_573, %dma_wait3A_574] : memref<200000x16xf32, #tpu.memory_space<hbm>> -> memref<200000x16xf32, #tpu.memory_space<hbm>>
      tpu.wait_indirect_dma semaphore(%arg14 : memref<!tpu.dma_semaphore, #tpu.memory_space<semaphore_mem>>) src(%dma_wait3A_575 : memref<200000x16xf32, #tpu.memory_space<hbm>>) dst(%dma_wait3A_569 : memref<128x16xf32, #tpu.memory_space<vmem>>)
      %dma_start3A_576 = arith.constant 2 : i32
      %dma_start3A_577 = arith.constant 10 : i32
      %dma_start3A_578 = arith.constant 0 : i32
      %dma_start3A_579 = arith.constant 0 : i32
      %dma_start3A_580 = tpu.memref_slice %arg9[%dma_start3A_576, %dma_start3A_578, %dma_start3A_579] : memref<8x128x16xf32, #tpu.memory_space<vmem>> -> memref<1x128x16xf32, #tpu.memory_space<vmem>>
      %dma_start3A_581 = tpu.memref_squeeze %dma_start3A_580 : memref<1x128x16xf32, #tpu.memory_space<vmem>> -> memref<128x16xf32, #tpu.memory_space<vmem>>
      %dma_start3A_582 = arith.constant 0 : i32
      %dma_start3A_583 = tpu.memref_slice %arg8[%dma_start3A_577, %dma_start3A_582] : memref<16x128xi32, #tpu.memory_space<vmem>> -> memref<1x128xi32, #tpu.memory_space<vmem>>
      %dma_start3A_584 = tpu.memref_squeeze %dma_start3A_583 : memref<1x128xi32, #tpu.memory_space<vmem>> -> memref<128xi32, #tpu.memory_space<vmem>>
      %dma_start3A_585 = arith.constant 0 : i32
      %dma_start3A_586 = arith.constant 0 : i32
      %dma_start3A_587 = tpu.memref_slice %arg11[%dma_start3A_585, %dma_start3A_586] : memref<50176x16xf32, #tpu.memory_space<vmem_shared>> -> memref<50176x16xf32, #tpu.memory_space<vmem_shared>>
      tpu.enqueue_indirect_dma source(%dma_start3A_581 : memref<128x16xf32, #tpu.memory_space<vmem>>) target(%dma_start3A_587 : memref<50176x16xf32, #tpu.memory_space<vmem_shared>>) offsets(%dma_start3A_584 : memref<128xi32, #tpu.memory_space<vmem>>) semaphore(%arg22 : memref<!tpu.dma_semaphore, #tpu.memory_space<semaphore_mem>>) {add = true}
      %dma_wait3A_588 = arith.constant 11 : i32
      %dma_wait3A_589 = arith.constant 3 : i32
      %dma_wait3A_590 = arith.constant 0 : i32
      %dma_wait3A_591 = arith.constant 0 : i32
      %dma_wait3A_592 = tpu.memref_slice %arg9[%dma_wait3A_589, %dma_wait3A_590, %dma_wait3A_591] : memref<8x128x16xf32, #tpu.memory_space<vmem>> -> memref<1x128x16xf32, #tpu.memory_space<vmem>>
      %dma_wait3A_593 = tpu.memref_squeeze %dma_wait3A_592 : memref<1x128x16xf32, #tpu.memory_space<vmem>> -> memref<128x16xf32, #tpu.memory_space<vmem>>
      %dma_wait3A_594 = arith.constant 0 : i32
      %dma_wait3A_595 = tpu.memref_slice %arg7[%dma_wait3A_588, %dma_wait3A_594] : memref<16x128xi32, #tpu.memory_space<vmem>> -> memref<1x128xi32, #tpu.memory_space<vmem>>
      %dma_wait3A_596 = tpu.memref_squeeze %dma_wait3A_595 : memref<1x128xi32, #tpu.memory_space<vmem>> -> memref<128xi32, #tpu.memory_space<vmem>>
      %dma_wait3A_597 = arith.constant 0 : i32
      %dma_wait3A_598 = arith.constant 0 : i32
      %dma_wait3A_599 = tpu.memref_slice %arg2[%dma_wait3A_597, %dma_wait3A_598] : memref<200000x16xf32, #tpu.memory_space<hbm>> -> memref<200000x16xf32, #tpu.memory_space<hbm>>
      tpu.wait_indirect_dma semaphore(%arg15 : memref<!tpu.dma_semaphore, #tpu.memory_space<semaphore_mem>>) src(%dma_wait3A_599 : memref<200000x16xf32, #tpu.memory_space<hbm>>) dst(%dma_wait3A_593 : memref<128x16xf32, #tpu.memory_space<vmem>>)
      %dma_start3A_600 = arith.constant 3 : i32
      %dma_start3A_601 = arith.constant 11 : i32
      %dma_start3A_602 = arith.constant 0 : i32
      %dma_start3A_603 = arith.constant 0 : i32
      %dma_start3A_604 = tpu.memref_slice %arg9[%dma_start3A_600, %dma_start3A_602, %dma_start3A_603] : memref<8x128x16xf32, #tpu.memory_space<vmem>> -> memref<1x128x16xf32, #tpu.memory_space<vmem>>
      %dma_start3A_605 = tpu.memref_squeeze %dma_start3A_604 : memref<1x128x16xf32, #tpu.memory_space<vmem>> -> memref<128x16xf32, #tpu.memory_space<vmem>>
      %dma_start3A_606 = arith.constant 0 : i32
      %dma_start3A_607 = tpu.memref_slice %arg8[%dma_start3A_601, %dma_start3A_606] : memref<16x128xi32, #tpu.memory_space<vmem>> -> memref<1x128xi32, #tpu.memory_space<vmem>>
      %dma_start3A_608 = tpu.memref_squeeze %dma_start3A_607 : memref<1x128xi32, #tpu.memory_space<vmem>> -> memref<128xi32, #tpu.memory_space<vmem>>
      %dma_start3A_609 = arith.constant 0 : i32
      %dma_start3A_610 = arith.constant 0 : i32
      %dma_start3A_611 = tpu.memref_slice %arg11[%dma_start3A_609, %dma_start3A_610] : memref<50176x16xf32, #tpu.memory_space<vmem_shared>> -> memref<50176x16xf32, #tpu.memory_space<vmem_shared>>
      tpu.enqueue_indirect_dma source(%dma_start3A_605 : memref<128x16xf32, #tpu.memory_space<vmem>>) target(%dma_start3A_611 : memref<50176x16xf32, #tpu.memory_space<vmem_shared>>) offsets(%dma_start3A_608 : memref<128xi32, #tpu.memory_space<vmem>>) semaphore(%arg23 : memref<!tpu.dma_semaphore, #tpu.memory_space<semaphore_mem>>) {add = true}
      %dma_wait3A_612 = arith.constant 12 : i32
      %dma_wait3A_613 = arith.constant 4 : i32
      %dma_wait3A_614 = arith.constant 0 : i32
      %dma_wait3A_615 = arith.constant 0 : i32
      %dma_wait3A_616 = tpu.memref_slice %arg9[%dma_wait3A_613, %dma_wait3A_614, %dma_wait3A_615] : memref<8x128x16xf32, #tpu.memory_space<vmem>> -> memref<1x128x16xf32, #tpu.memory_space<vmem>>
      %dma_wait3A_617 = tpu.memref_squeeze %dma_wait3A_616 : memref<1x128x16xf32, #tpu.memory_space<vmem>> -> memref<128x16xf32, #tpu.memory_space<vmem>>
      %dma_wait3A_618 = arith.constant 0 : i32
      %dma_wait3A_619 = tpu.memref_slice %arg7[%dma_wait3A_612, %dma_wait3A_618] : memref<16x128xi32, #tpu.memory_space<vmem>> -> memref<1x128xi32, #tpu.memory_space<vmem>>
      %dma_wait3A_620 = tpu.memref_squeeze %dma_wait3A_619 : memref<1x128xi32, #tpu.memory_space<vmem>> -> memref<128xi32, #tpu.memory_space<vmem>>
      %dma_wait3A_621 = arith.constant 0 : i32
      %dma_wait3A_622 = arith.constant 0 : i32
      %dma_wait3A_623 = tpu.memref_slice %arg2[%dma_wait3A_621, %dma_wait3A_622] : memref<200000x16xf32, #tpu.memory_space<hbm>> -> memref<200000x16xf32, #tpu.memory_space<hbm>>
      tpu.wait_indirect_dma semaphore(%arg16 : memref<!tpu.dma_semaphore, #tpu.memory_space<semaphore_mem>>) src(%dma_wait3A_623 : memref<200000x16xf32, #tpu.memory_space<hbm>>) dst(%dma_wait3A_617 : memref<128x16xf32, #tpu.memory_space<vmem>>)
      %dma_start3A_624 = arith.constant 4 : i32
      %dma_start3A_625 = arith.constant 12 : i32
      %dma_start3A_626 = arith.constant 0 : i32
      %dma_start3A_627 = arith.constant 0 : i32
      %dma_start3A_628 = tpu.memref_slice %arg9[%dma_start3A_624, %dma_start3A_626, %dma_start3A_627] : memref<8x128x16xf32, #tpu.memory_space<vmem>> -> memref<1x128x16xf32, #tpu.memory_space<vmem>>
      %dma_start3A_629 = tpu.memref_squeeze %dma_start3A_628 : memref<1x128x16xf32, #tpu.memory_space<vmem>> -> memref<128x16xf32, #tpu.memory_space<vmem>>
      %dma_start3A_630 = arith.constant 0 : i32
      %dma_start3A_631 = tpu.memref_slice %arg8[%dma_start3A_625, %dma_start3A_630] : memref<16x128xi32, #tpu.memory_space<vmem>> -> memref<1x128xi32, #tpu.memory_space<vmem>>
      %dma_start3A_632 = tpu.memref_squeeze %dma_start3A_631 : memref<1x128xi32, #tpu.memory_space<vmem>> -> memref<128xi32, #tpu.memory_space<vmem>>
      %dma_start3A_633 = arith.constant 0 : i32
      %dma_start3A_634 = arith.constant 0 : i32
      %dma_start3A_635 = tpu.memref_slice %arg11[%dma_start3A_633, %dma_start3A_634] : memref<50176x16xf32, #tpu.memory_space<vmem_shared>> -> memref<50176x16xf32, #tpu.memory_space<vmem_shared>>
      tpu.enqueue_indirect_dma source(%dma_start3A_629 : memref<128x16xf32, #tpu.memory_space<vmem>>) target(%dma_start3A_635 : memref<50176x16xf32, #tpu.memory_space<vmem_shared>>) offsets(%dma_start3A_632 : memref<128xi32, #tpu.memory_space<vmem>>) semaphore(%arg24 : memref<!tpu.dma_semaphore, #tpu.memory_space<semaphore_mem>>) {add = true}
      %dma_wait3A_636 = arith.constant 13 : i32
      %dma_wait3A_637 = arith.constant 5 : i32
      %dma_wait3A_638 = arith.constant 0 : i32
      %dma_wait3A_639 = arith.constant 0 : i32
      %dma_wait3A_640 = tpu.memref_slice %arg9[%dma_wait3A_637, %dma_wait3A_638, %dma_wait3A_639] : memref<8x128x16xf32, #tpu.memory_space<vmem>> -> memref<1x128x16xf32, #tpu.memory_space<vmem>>
      %dma_wait3A_641 = tpu.memref_squeeze %dma_wait3A_640 : memref<1x128x16xf32, #tpu.memory_space<vmem>> -> memref<128x16xf32, #tpu.memory_space<vmem>>
      %dma_wait3A_642 = arith.constant 0 : i32
      %dma_wait3A_643 = tpu.memref_slice %arg7[%dma_wait3A_636, %dma_wait3A_642] : memref<16x128xi32, #tpu.memory_space<vmem>> -> memref<1x128xi32, #tpu.memory_space<vmem>>
      %dma_wait3A_644 = tpu.memref_squeeze %dma_wait3A_643 : memref<1x128xi32, #tpu.memory_space<vmem>> -> memref<128xi32, #tpu.memory_space<vmem>>
      %dma_wait3A_645 = arith.constant 0 : i32
      %dma_wait3A_646 = arith.constant 0 : i32
      %dma_wait3A_647 = tpu.memref_slice %arg2[%dma_wait3A_645, %dma_wait3A_646] : memref<200000x16xf32, #tpu.memory_space<hbm>> -> memref<200000x16xf32, #tpu.memory_space<hbm>>
      tpu.wait_indirect_dma semaphore(%arg17 : memref<!tpu.dma_semaphore, #tpu.memory_space<semaphore_mem>>) src(%dma_wait3A_647 : memref<200000x16xf32, #tpu.memory_space<hbm>>) dst(%dma_wait3A_641 : memref<128x16xf32, #tpu.memory_space<vmem>>)
      %dma_start3A_648 = arith.constant 5 : i32
      %dma_start3A_649 = arith.constant 13 : i32
      %dma_start3A_650 = arith.constant 0 : i32
      %dma_start3A_651 = arith.constant 0 : i32
      %dma_start3A_652 = tpu.memref_slice %arg9[%dma_start3A_648, %dma_start3A_650, %dma_start3A_651] : memref<8x128x16xf32, #tpu.memory_space<vmem>> -> memref<1x128x16xf32, #tpu.memory_space<vmem>>
      %dma_start3A_653 = tpu.memref_squeeze %dma_start3A_652 : memref<1x128x16xf32, #tpu.memory_space<vmem>> -> memref<128x16xf32, #tpu.memory_space<vmem>>
      %dma_start3A_654 = arith.constant 0 : i32
      %dma_start3A_655 = tpu.memref_slice %arg8[%dma_start3A_649, %dma_start3A_654] : memref<16x128xi32, #tpu.memory_space<vmem>> -> memref<1x128xi32, #tpu.memory_space<vmem>>
      %dma_start3A_656 = tpu.memref_squeeze %dma_start3A_655 : memref<1x128xi32, #tpu.memory_space<vmem>> -> memref<128xi32, #tpu.memory_space<vmem>>
      %dma_start3A_657 = arith.constant 0 : i32
      %dma_start3A_658 = arith.constant 0 : i32
      %dma_start3A_659 = tpu.memref_slice %arg11[%dma_start3A_657, %dma_start3A_658] : memref<50176x16xf32, #tpu.memory_space<vmem_shared>> -> memref<50176x16xf32, #tpu.memory_space<vmem_shared>>
      tpu.enqueue_indirect_dma source(%dma_start3A_653 : memref<128x16xf32, #tpu.memory_space<vmem>>) target(%dma_start3A_659 : memref<50176x16xf32, #tpu.memory_space<vmem_shared>>) offsets(%dma_start3A_656 : memref<128xi32, #tpu.memory_space<vmem>>) semaphore(%arg25 : memref<!tpu.dma_semaphore, #tpu.memory_space<semaphore_mem>>) {add = true}
      %dma_wait3A_660 = arith.constant 14 : i32
      %dma_wait3A_661 = arith.constant 6 : i32
      %dma_wait3A_662 = arith.constant 0 : i32
      %dma_wait3A_663 = arith.constant 0 : i32
      %dma_wait3A_664 = tpu.memref_slice %arg9[%dma_wait3A_661, %dma_wait3A_662, %dma_wait3A_663] : memref<8x128x16xf32, #tpu.memory_space<vmem>> -> memref<1x128x16xf32, #tpu.memory_space<vmem>>
      %dma_wait3A_665 = tpu.memref_squeeze %dma_wait3A_664 : memref<1x128x16xf32, #tpu.memory_space<vmem>> -> memref<128x16xf32, #tpu.memory_space<vmem>>
      %dma_wait3A_666 = arith.constant 0 : i32
      %dma_wait3A_667 = tpu.memref_slice %arg7[%dma_wait3A_660, %dma_wait3A_666] : memref<16x128xi32, #tpu.memory_space<vmem>> -> memref<1x128xi32, #tpu.memory_space<vmem>>
      %dma_wait3A_668 = tpu.memref_squeeze %dma_wait3A_667 : memref<1x128xi32, #tpu.memory_space<vmem>> -> memref<128xi32, #tpu.memory_space<vmem>>
      %dma_wait3A_669 = arith.constant 0 : i32
      %dma_wait3A_670 = arith.constant 0 : i32
      %dma_wait3A_671 = tpu.memref_slice %arg2[%dma_wait3A_669, %dma_wait3A_670] : memref<200000x16xf32, #tpu.memory_space<hbm>> -> memref<200000x16xf32, #tpu.memory_space<hbm>>
      tpu.wait_indirect_dma semaphore(%arg18 : memref<!tpu.dma_semaphore, #tpu.memory_space<semaphore_mem>>) src(%dma_wait3A_671 : memref<200000x16xf32, #tpu.memory_space<hbm>>) dst(%dma_wait3A_665 : memref<128x16xf32, #tpu.memory_space<vmem>>)
      %dma_start3A_672 = arith.constant 6 : i32
      %dma_start3A_673 = arith.constant 14 : i32
      %dma_start3A_674 = arith.constant 0 : i32
      %dma_start3A_675 = arith.constant 0 : i32
      %dma_start3A_676 = tpu.memref_slice %arg9[%dma_start3A_672, %dma_start3A_674, %dma_start3A_675] : memref<8x128x16xf32, #tpu.memory_space<vmem>> -> memref<1x128x16xf32, #tpu.memory_space<vmem>>
      %dma_start3A_677 = tpu.memref_squeeze %dma_start3A_676 : memref<1x128x16xf32, #tpu.memory_space<vmem>> -> memref<128x16xf32, #tpu.memory_space<vmem>>
      %dma_start3A_678 = arith.constant 0 : i32
      %dma_start3A_679 = tpu.memref_slice %arg8[%dma_start3A_673, %dma_start3A_678] : memref<16x128xi32, #tpu.memory_space<vmem>> -> memref<1x128xi32, #tpu.memory_space<vmem>>
      %dma_start3A_680 = tpu.memref_squeeze %dma_start3A_679 : memref<1x128xi32, #tpu.memory_space<vmem>> -> memref<128xi32, #tpu.memory_space<vmem>>
      %dma_start3A_681 = arith.constant 0 : i32
      %dma_start3A_682 = arith.constant 0 : i32
      %dma_start3A_683 = tpu.memref_slice %arg11[%dma_start3A_681, %dma_start3A_682] : memref<50176x16xf32, #tpu.memory_space<vmem_shared>> -> memref<50176x16xf32, #tpu.memory_space<vmem_shared>>
      tpu.enqueue_indirect_dma source(%dma_start3A_677 : memref<128x16xf32, #tpu.memory_space<vmem>>) target(%dma_start3A_683 : memref<50176x16xf32, #tpu.memory_space<vmem_shared>>) offsets(%dma_start3A_680 : memref<128xi32, #tpu.memory_space<vmem>>) semaphore(%arg26 : memref<!tpu.dma_semaphore, #tpu.memory_space<semaphore_mem>>) {add = true}
      %dma_wait3A_684 = arith.constant 15 : i32
      %dma_wait3A_685 = arith.constant 7 : i32
      %dma_wait3A_686 = arith.constant 0 : i32
      %dma_wait3A_687 = arith.constant 0 : i32
      %dma_wait3A_688 = tpu.memref_slice %arg9[%dma_wait3A_685, %dma_wait3A_686, %dma_wait3A_687] : memref<8x128x16xf32, #tpu.memory_space<vmem>> -> memref<1x128x16xf32, #tpu.memory_space<vmem>>
      %dma_wait3A_689 = tpu.memref_squeeze %dma_wait3A_688 : memref<1x128x16xf32, #tpu.memory_space<vmem>> -> memref<128x16xf32, #tpu.memory_space<vmem>>
      %dma_wait3A_690 = arith.constant 0 : i32
      %dma_wait3A_691 = tpu.memref_slice %arg7[%dma_wait3A_684, %dma_wait3A_690] : memref<16x128xi32, #tpu.memory_space<vmem>> -> memref<1x128xi32, #tpu.memory_space<vmem>>
      %dma_wait3A_692 = tpu.memref_squeeze %dma_wait3A_691 : memref<1x128xi32, #tpu.memory_space<vmem>> -> memref<128xi32, #tpu.memory_space<vmem>>
      %dma_wait3A_693 = arith.constant 0 : i32
      %dma_wait3A_694 = arith.constant 0 : i32
      %dma_wait3A_695 = tpu.memref_slice %arg2[%dma_wait3A_693, %dma_wait3A_694] : memref<200000x16xf32, #tpu.memory_space<hbm>> -> memref<200000x16xf32, #tpu.memory_space<hbm>>
      tpu.wait_indirect_dma semaphore(%arg19 : memref<!tpu.dma_semaphore, #tpu.memory_space<semaphore_mem>>) src(%dma_wait3A_695 : memref<200000x16xf32, #tpu.memory_space<hbm>>) dst(%dma_wait3A_689 : memref<128x16xf32, #tpu.memory_space<vmem>>)
      %dma_start3A_696 = arith.constant 7 : i32
      %dma_start3A_697 = arith.constant 15 : i32
      %dma_start3A_698 = arith.constant 0 : i32
      %dma_start3A_699 = arith.constant 0 : i32
      %dma_start3A_700 = tpu.memref_slice %arg9[%dma_start3A_696, %dma_start3A_698, %dma_start3A_699] : memref<8x128x16xf32, #tpu.memory_space<vmem>> -> memref<1x128x16xf32, #tpu.memory_space<vmem>>
      %dma_start3A_701 = tpu.memref_squeeze %dma_start3A_700 : memref<1x128x16xf32, #tpu.memory_space<vmem>> -> memref<128x16xf32, #tpu.memory_space<vmem>>
      %dma_start3A_702 = arith.constant 0 : i32
      %dma_start3A_703 = tpu.memref_slice %arg8[%dma_start3A_697, %dma_start3A_702] : memref<16x128xi32, #tpu.memory_space<vmem>> -> memref<1x128xi32, #tpu.memory_space<vmem>>
      %dma_start3A_704 = tpu.memref_squeeze %dma_start3A_703 : memref<1x128xi32, #tpu.memory_space<vmem>> -> memref<128xi32, #tpu.memory_space<vmem>>
      %dma_start3A_705 = arith.constant 0 : i32
      %dma_start3A_706 = arith.constant 0 : i32
      %dma_start3A_707 = tpu.memref_slice %arg11[%dma_start3A_705, %dma_start3A_706] : memref<50176x16xf32, #tpu.memory_space<vmem_shared>> -> memref<50176x16xf32, #tpu.memory_space<vmem_shared>>
      tpu.enqueue_indirect_dma source(%dma_start3A_701 : memref<128x16xf32, #tpu.memory_space<vmem>>) target(%dma_start3A_707 : memref<50176x16xf32, #tpu.memory_space<vmem_shared>>) offsets(%dma_start3A_704 : memref<128xi32, #tpu.memory_space<vmem>>) semaphore(%arg27 : memref<!tpu.dma_semaphore, #tpu.memory_space<semaphore_mem>>) {add = true}
      %dma_wait3A_708 = arith.constant 0 : i32
      %dma_wait3A_709 = arith.constant 8 : i32
      %dma_wait3A_710 = arith.constant 0 : i32
      %dma_wait3A_711 = arith.constant 0 : i32
      %dma_wait3A_712 = tpu.memref_slice %arg9[%dma_wait3A_708, %dma_wait3A_710, %dma_wait3A_711] : memref<8x128x16xf32, #tpu.memory_space<vmem>> -> memref<1x128x16xf32, #tpu.memory_space<vmem>>
      %dma_wait3A_713 = tpu.memref_squeeze %dma_wait3A_712 : memref<1x128x16xf32, #tpu.memory_space<vmem>> -> memref<128x16xf32, #tpu.memory_space<vmem>>
      %dma_wait3A_714 = arith.constant 0 : i32
      %dma_wait3A_715 = tpu.memref_slice %arg8[%dma_wait3A_709, %dma_wait3A_714] : memref<16x128xi32, #tpu.memory_space<vmem>> -> memref<1x128xi32, #tpu.memory_space<vmem>>
      %dma_wait3A_716 = tpu.memref_squeeze %dma_wait3A_715 : memref<1x128xi32, #tpu.memory_space<vmem>> -> memref<128xi32, #tpu.memory_space<vmem>>
      %dma_wait3A_717 = arith.constant 0 : i32
      %dma_wait3A_718 = arith.constant 0 : i32
      %dma_wait3A_719 = tpu.memref_slice %arg11[%dma_wait3A_717, %dma_wait3A_718] : memref<50176x16xf32, #tpu.memory_space<vmem_shared>> -> memref<50176x16xf32, #tpu.memory_space<vmem_shared>>
      tpu.wait_indirect_dma semaphore(%arg20 : memref<!tpu.dma_semaphore, #tpu.memory_space<semaphore_mem>>) src(%dma_wait3A_713 : memref<128x16xf32, #tpu.memory_space<vmem>>) dst(%dma_wait3A_719 : memref<50176x16xf32, #tpu.memory_space<vmem_shared>>)
      %dma_wait3A_720 = arith.constant 1 : i32
      %dma_wait3A_721 = arith.constant 9 : i32
      %dma_wait3A_722 = arith.constant 0 : i32
      %dma_wait3A_723 = arith.constant 0 : i32
      %dma_wait3A_724 = tpu.memref_slice %arg9[%dma_wait3A_720, %dma_wait3A_722, %dma_wait3A_723] : memref<8x128x16xf32, #tpu.memory_space<vmem>> -> memref<1x128x16xf32, #tpu.memory_space<vmem>>
      %dma_wait3A_725 = tpu.memref_squeeze %dma_wait3A_724 : memref<1x128x16xf32, #tpu.memory_space<vmem>> -> memref<128x16xf32, #tpu.memory_space<vmem>>
      %dma_wait3A_726 = arith.constant 0 : i32
      %dma_wait3A_727 = tpu.memref_slice %arg8[%dma_wait3A_721, %dma_wait3A_726] : memref<16x128xi32, #tpu.memory_space<vmem>> -> memref<1x128xi32, #tpu.memory_space<vmem>>
      %dma_wait3A_728 = tpu.memref_squeeze %dma_wait3A_727 : memref<1x128xi32, #tpu.memory_space<vmem>> -> memref<128xi32, #tpu.memory_space<vmem>>
      %dma_wait3A_729 = arith.constant 0 : i32
      %dma_wait3A_730 = arith.constant 0 : i32
      %dma_wait3A_731 = tpu.memref_slice %arg11[%dma_wait3A_729, %dma_wait3A_730] : memref<50176x16xf32, #tpu.memory_space<vmem_shared>> -> memref<50176x16xf32, #tpu.memory_space<vmem_shared>>
      tpu.wait_indirect_dma semaphore(%arg21 : memref<!tpu.dma_semaphore, #tpu.memory_space<semaphore_mem>>) src(%dma_wait3A_725 : memref<128x16xf32, #tpu.memory_space<vmem>>) dst(%dma_wait3A_731 : memref<50176x16xf32, #tpu.memory_space<vmem_shared>>)
      %dma_wait3A_732 = arith.constant 2 : i32
      %dma_wait3A_733 = arith.constant 10 : i32
      %dma_wait3A_734 = arith.constant 0 : i32
      %dma_wait3A_735 = arith.constant 0 : i32
      %dma_wait3A_736 = tpu.memref_slice %arg9[%dma_wait3A_732, %dma_wait3A_734, %dma_wait3A_735] : memref<8x128x16xf32, #tpu.memory_space<vmem>> -> memref<1x128x16xf32, #tpu.memory_space<vmem>>
      %dma_wait3A_737 = tpu.memref_squeeze %dma_wait3A_736 : memref<1x128x16xf32, #tpu.memory_space<vmem>> -> memref<128x16xf32, #tpu.memory_space<vmem>>
      %dma_wait3A_738 = arith.constant 0 : i32
      %dma_wait3A_739 = tpu.memref_slice %arg8[%dma_wait3A_733, %dma_wait3A_738] : memref<16x128xi32, #tpu.memory_space<vmem>> -> memref<1x128xi32, #tpu.memory_space<vmem>>
      %dma_wait3A_740 = tpu.memref_squeeze %dma_wait3A_739 : memref<1x128xi32, #tpu.memory_space<vmem>> -> memref<128xi32, #tpu.memory_space<vmem>>
      %dma_wait3A_741 = arith.constant 0 : i32
      %dma_wait3A_742 = arith.constant 0 : i32
      %dma_wait3A_743 = tpu.memref_slice %arg11[%dma_wait3A_741, %dma_wait3A_742] : memref<50176x16xf32, #tpu.memory_space<vmem_shared>> -> memref<50176x16xf32, #tpu.memory_space<vmem_shared>>
      tpu.wait_indirect_dma semaphore(%arg22 : memref<!tpu.dma_semaphore, #tpu.memory_space<semaphore_mem>>) src(%dma_wait3A_737 : memref<128x16xf32, #tpu.memory_space<vmem>>) dst(%dma_wait3A_743 : memref<50176x16xf32, #tpu.memory_space<vmem_shared>>)
      %dma_wait3A_744 = arith.constant 3 : i32
      %dma_wait3A_745 = arith.constant 11 : i32
      %dma_wait3A_746 = arith.constant 0 : i32
      %dma_wait3A_747 = arith.constant 0 : i32
      %dma_wait3A_748 = tpu.memref_slice %arg9[%dma_wait3A_744, %dma_wait3A_746, %dma_wait3A_747] : memref<8x128x16xf32, #tpu.memory_space<vmem>> -> memref<1x128x16xf32, #tpu.memory_space<vmem>>
      %dma_wait3A_749 = tpu.memref_squeeze %dma_wait3A_748 : memref<1x128x16xf32, #tpu.memory_space<vmem>> -> memref<128x16xf32, #tpu.memory_space<vmem>>
      %dma_wait3A_750 = arith.constant 0 : i32
      %dma_wait3A_751 = tpu.memref_slice %arg8[%dma_wait3A_745, %dma_wait3A_750] : memref<16x128xi32, #tpu.memory_space<vmem>> -> memref<1x128xi32, #tpu.memory_space<vmem>>
      %dma_wait3A_752 = tpu.memref_squeeze %dma_wait3A_751 : memref<1x128xi32, #tpu.memory_space<vmem>> -> memref<128xi32, #tpu.memory_space<vmem>>
      %dma_wait3A_753 = arith.constant 0 : i32
      %dma_wait3A_754 = arith.constant 0 : i32
      %dma_wait3A_755 = tpu.memref_slice %arg11[%dma_wait3A_753, %dma_wait3A_754] : memref<50176x16xf32, #tpu.memory_space<vmem_shared>> -> memref<50176x16xf32, #tpu.memory_space<vmem_shared>>
      tpu.wait_indirect_dma semaphore(%arg23 : memref<!tpu.dma_semaphore, #tpu.memory_space<semaphore_mem>>) src(%dma_wait3A_749 : memref<128x16xf32, #tpu.memory_space<vmem>>) dst(%dma_wait3A_755 : memref<50176x16xf32, #tpu.memory_space<vmem_shared>>)
      %dma_wait3A_756 = arith.constant 4 : i32
      %dma_wait3A_757 = arith.constant 12 : i32
      %dma_wait3A_758 = arith.constant 0 : i32
      %dma_wait3A_759 = arith.constant 0 : i32
      %dma_wait3A_760 = tpu.memref_slice %arg9[%dma_wait3A_756, %dma_wait3A_758, %dma_wait3A_759] : memref<8x128x16xf32, #tpu.memory_space<vmem>> -> memref<1x128x16xf32, #tpu.memory_space<vmem>>
      %dma_wait3A_761 = tpu.memref_squeeze %dma_wait3A_760 : memref<1x128x16xf32, #tpu.memory_space<vmem>> -> memref<128x16xf32, #tpu.memory_space<vmem>>
      %dma_wait3A_762 = arith.constant 0 : i32
      %dma_wait3A_763 = tpu.memref_slice %arg8[%dma_wait3A_757, %dma_wait3A_762] : memref<16x128xi32, #tpu.memory_space<vmem>> -> memref<1x128xi32, #tpu.memory_space<vmem>>
      %dma_wait3A_764 = tpu.memref_squeeze %dma_wait3A_763 : memref<1x128xi32, #tpu.memory_space<vmem>> -> memref<128xi32, #tpu.memory_space<vmem>>
      %dma_wait3A_765 = arith.constant 0 : i32
      %dma_wait3A_766 = arith.constant 0 : i32
      %dma_wait3A_767 = tpu.memref_slice %arg11[%dma_wait3A_765, %dma_wait3A_766] : memref<50176x16xf32, #tpu.memory_space<vmem_shared>> -> memref<50176x16xf32, #tpu.memory_space<vmem_shared>>
      tpu.wait_indirect_dma semaphore(%arg24 : memref<!tpu.dma_semaphore, #tpu.memory_space<semaphore_mem>>) src(%dma_wait3A_761 : memref<128x16xf32, #tpu.memory_space<vmem>>) dst(%dma_wait3A_767 : memref<50176x16xf32, #tpu.memory_space<vmem_shared>>)
      %dma_wait3A_768 = arith.constant 5 : i32
      %dma_wait3A_769 = arith.constant 13 : i32
      %dma_wait3A_770 = arith.constant 0 : i32
      %dma_wait3A_771 = arith.constant 0 : i32
      %dma_wait3A_772 = tpu.memref_slice %arg9[%dma_wait3A_768, %dma_wait3A_770, %dma_wait3A_771] : memref<8x128x16xf32, #tpu.memory_space<vmem>> -> memref<1x128x16xf32, #tpu.memory_space<vmem>>
      %dma_wait3A_773 = tpu.memref_squeeze %dma_wait3A_772 : memref<1x128x16xf32, #tpu.memory_space<vmem>> -> memref<128x16xf32, #tpu.memory_space<vmem>>
      %dma_wait3A_774 = arith.constant 0 : i32
      %dma_wait3A_775 = tpu.memref_slice %arg8[%dma_wait3A_769, %dma_wait3A_774] : memref<16x128xi32, #tpu.memory_space<vmem>> -> memref<1x128xi32, #tpu.memory_space<vmem>>
      %dma_wait3A_776 = tpu.memref_squeeze %dma_wait3A_775 : memref<1x128xi32, #tpu.memory_space<vmem>> -> memref<128xi32, #tpu.memory_space<vmem>>
      %dma_wait3A_777 = arith.constant 0 : i32
      %dma_wait3A_778 = arith.constant 0 : i32
      %dma_wait3A_779 = tpu.memref_slice %arg11[%dma_wait3A_777, %dma_wait3A_778] : memref<50176x16xf32, #tpu.memory_space<vmem_shared>> -> memref<50176x16xf32, #tpu.memory_space<vmem_shared>>
      tpu.wait_indirect_dma semaphore(%arg25 : memref<!tpu.dma_semaphore, #tpu.memory_space<semaphore_mem>>) src(%dma_wait3A_773 : memref<128x16xf32, #tpu.memory_space<vmem>>) dst(%dma_wait3A_779 : memref<50176x16xf32, #tpu.memory_space<vmem_shared>>)
      %dma_wait3A_780 = arith.constant 6 : i32
      %dma_wait3A_781 = arith.constant 14 : i32
      %dma_wait3A_782 = arith.constant 0 : i32
      %dma_wait3A_783 = arith.constant 0 : i32
      %dma_wait3A_784 = tpu.memref_slice %arg9[%dma_wait3A_780, %dma_wait3A_782, %dma_wait3A_783] : memref<8x128x16xf32, #tpu.memory_space<vmem>> -> memref<1x128x16xf32, #tpu.memory_space<vmem>>
      %dma_wait3A_785 = tpu.memref_squeeze %dma_wait3A_784 : memref<1x128x16xf32, #tpu.memory_space<vmem>> -> memref<128x16xf32, #tpu.memory_space<vmem>>
      %dma_wait3A_786 = arith.constant 0 : i32
      %dma_wait3A_787 = tpu.memref_slice %arg8[%dma_wait3A_781, %dma_wait3A_786] : memref<16x128xi32, #tpu.memory_space<vmem>> -> memref<1x128xi32, #tpu.memory_space<vmem>>
      %dma_wait3A_788 = tpu.memref_squeeze %dma_wait3A_787 : memref<1x128xi32, #tpu.memory_space<vmem>> -> memref<128xi32, #tpu.memory_space<vmem>>
      %dma_wait3A_789 = arith.constant 0 : i32
      %dma_wait3A_790 = arith.constant 0 : i32
      %dma_wait3A_791 = tpu.memref_slice %arg11[%dma_wait3A_789, %dma_wait3A_790] : memref<50176x16xf32, #tpu.memory_space<vmem_shared>> -> memref<50176x16xf32, #tpu.memory_space<vmem_shared>>
      tpu.wait_indirect_dma semaphore(%arg26 : memref<!tpu.dma_semaphore, #tpu.memory_space<semaphore_mem>>) src(%dma_wait3A_785 : memref<128x16xf32, #tpu.memory_space<vmem>>) dst(%dma_wait3A_791 : memref<50176x16xf32, #tpu.memory_space<vmem_shared>>)
      %dma_wait3A_792 = arith.constant 7 : i32
      %dma_wait3A_793 = arith.constant 15 : i32
      %dma_wait3A_794 = arith.constant 0 : i32
      %dma_wait3A_795 = arith.constant 0 : i32
      %dma_wait3A_796 = tpu.memref_slice %arg9[%dma_wait3A_792, %dma_wait3A_794, %dma_wait3A_795] : memref<8x128x16xf32, #tpu.memory_space<vmem>> -> memref<1x128x16xf32, #tpu.memory_space<vmem>>
      %dma_wait3A_797 = tpu.memref_squeeze %dma_wait3A_796 : memref<1x128x16xf32, #tpu.memory_space<vmem>> -> memref<128x16xf32, #tpu.memory_space<vmem>>
      %dma_wait3A_798 = arith.constant 0 : i32
      %dma_wait3A_799 = tpu.memref_slice %arg8[%dma_wait3A_793, %dma_wait3A_798] : memref<16x128xi32, #tpu.memory_space<vmem>> -> memref<1x128xi32, #tpu.memory_space<vmem>>
      %dma_wait3A_800 = tpu.memref_squeeze %dma_wait3A_799 : memref<1x128xi32, #tpu.memory_space<vmem>> -> memref<128xi32, #tpu.memory_space<vmem>>
      %dma_wait3A_801 = arith.constant 0 : i32
      %dma_wait3A_802 = arith.constant 0 : i32
      %dma_wait3A_803 = tpu.memref_slice %arg11[%dma_wait3A_801, %dma_wait3A_802] : memref<50176x16xf32, #tpu.memory_space<vmem_shared>> -> memref<50176x16xf32, #tpu.memory_space<vmem_shared>>
      tpu.wait_indirect_dma semaphore(%arg27 : memref<!tpu.dma_semaphore, #tpu.memory_space<semaphore_mem>>) src(%dma_wait3A_797 : memref<128x16xf32, #tpu.memory_space<vmem>>) dst(%dma_wait3A_803 : memref<50176x16xf32, #tpu.memory_space<vmem_shared>>)
    }
    %scan3A_19 = arith.constant 25 : i32
    %barrier3A_20 = arith.constant 0 : index
    tpu.barrier barrier_id(%barrier3A_20)
    %scan3A_21 = arith.constant 0 : i32
    %scan3A_22 = arith.constant 0 : i32
    %scan3A_23 = arith.constant 28 : i32
    %scan3A_24 = arith.addi %scan3A_22, %scan3A_23 : i32
    %scan3A_25 = arith.constant 1 : i32
    scf.for %scan3A_27 = %scan3A_22 to %scan3A_24 step %scan3A_25  : i32 {
      %mul3A_28 = arith.constant 112 : i32
      %mul3A_29 = arith.muli %scan3A_27, %mul3A_28 : i32
      %add3A = arith.addi %mul3A_5, %mul3A_29 : i32
      %mul3A_30 = arith.constant 112 : i32
      %mul3A_31 = arith.muli %scan3A_27, %mul3A_30 : i32
      %add3A_32 = arith.addi %mul3A_5, %mul3A_31 : i32
      %mul3A_33 = arith.constant 16 : i32
      %mul3A_34 = arith.muli %arg0, %mul3A_33 : i32
      "tpu.region"() ({
        %run_scoped3A = tpu.sem_alloc : memref<!tpu.dma_semaphore, #tpu.memory_space<semaphore_mem>>
        %dma_start3A = tpu.memref_slice %arg5[%add3A_32, %mul3A_34] : memref<50176x32xf32, #tpu.memory_space<hbm>> -> memref<112x16xf32, #tpu.memory_space<hbm>>
        %dma_start3A_35 = arith.constant 0 : i32
        %dma_start3A_36 = tpu.memref_slice %arg11[%add3A, %dma_start3A_35] : memref<50176x16xf32, #tpu.memory_space<vmem_shared>> -> memref<112x16xf32, #tpu.memory_space<vmem_shared>>
        tpu.enqueue_dma source(%dma_start3A_36 : memref<112x16xf32, #tpu.memory_space<vmem_shared>>) target(%dma_start3A : memref<112x16xf32, #tpu.memory_space<hbm>>) target_semaphore(%run_scoped3A : memref<!tpu.dma_semaphore, #tpu.memory_space<semaphore_mem>>)
        %dma_wait3A = tpu.memref_slice %arg5[%add3A_32, %mul3A_34] : memref<50176x32xf32, #tpu.memory_space<hbm>> -> memref<112x16xf32, #tpu.memory_space<hbm>>
        %dma_wait3A_37 = arith.constant 0 : i32
        %dma_wait3A_38 = tpu.memref_slice %arg11[%add3A, %dma_wait3A_37] : memref<50176x16xf32, #tpu.memory_space<vmem_shared>> -> memref<112x16xf32, #tpu.memory_space<vmem_shared>>
        tpu.wait_dma2 semaphore(%run_scoped3A : memref<!tpu.dma_semaphore, #tpu.memory_space<semaphore_mem>>) src(%dma_wait3A_38 : memref<112x16xf32, #tpu.memory_space<vmem_shared>>) dst(%dma_wait3A : memref<112x16xf32, #tpu.memory_space<hbm>>)
        tpu.yield
      }) : () -> ()
    }
    %scan3A_26 = arith.constant 28 : i32
    return
  }
}

module attributes {stable_mosaic.version = 14 : i64} {
  func.func @_pa_body(%arg0: i32, %arg1: memref<2000x64xf32, #tpu.memory_space<vmem>>, %arg2: memref<64x64xf32, #tpu.memory_space<vmem>>, %arg3: memref<1x64xf32, #tpu.memory_space<vmem>>, %arg4: memref<64x64xf32, #tpu.memory_space<vmem>>, %arg5: memref<1x64xf32, #tpu.memory_space<vmem>>, %arg6: memref<64x64xf32, #tpu.memory_space<vmem>>, %arg7: memref<1x64xf32, #tpu.memory_space<vmem>>, %arg8: memref<2000x64xf32, #tpu.memory_space<vmem>>) attributes {dimension_semantics = [#tpu.dimension_semantics<arbitrary>], iteration_bounds = array<i64: 25>, scalar_prefetch = 0 : i64, scratch_operands = 0 : i64, tpu.core_type = #tpu.core_type<tc>, window_params = [{transform_indices = @transform_0, window_bounds = array<i64: 2000, 64>}, {pipeline_mode = #tpu.pipeline_mode<synchronous>, transform_indices = @transform_1, window_bounds = array<i64: 64, 64>}, {pipeline_mode = #tpu.pipeline_mode<synchronous>, transform_indices = @transform_2, window_bounds = array<i64: 1, 64>}, {pipeline_mode = #tpu.pipeline_mode<synchronous>, transform_indices = @transform_3, window_bounds = array<i64: 64, 64>}, {pipeline_mode = #tpu.pipeline_mode<synchronous>, transform_indices = @transform_4, window_bounds = array<i64: 1, 64>}, {pipeline_mode = #tpu.pipeline_mode<synchronous>, transform_indices = @transform_5, window_bounds = array<i64: 64, 64>}, {pipeline_mode = #tpu.pipeline_mode<synchronous>, transform_indices = @transform_6, window_bounds = array<i64: 1, 64>}, {transform_indices = @transform_7, window_bounds = array<i64: 2000, 64>}]} {
    %get3A = arith.constant 0 : index
    %get3A_0 = arith.constant 0 : index
    %get3A_1 = vector.load %arg1[%get3A, %get3A_0] : memref<2000x64xf32, #tpu.memory_space<vmem>>, vector<2000x64xf32>
    %get3A_2 = arith.constant 0 : index
    %get3A_3 = arith.constant 0 : index
    %get3A_4 = vector.load %arg2[%get3A_2, %get3A_3] : memref<64x64xf32, #tpu.memory_space<vmem>>, vector<64x64xf32>
    %dot_general3A = arith.constant dense<0.000000e+00> : vector<2000x64xf32>
    %dot_general3A_5 = tpu.matmul %get3A_1, %get3A_4, %dot_general3A {dimension_numbers = #tpu.dot_dimension_numbers<[1], [0], [0], [1], [0, 0, 1, 1], [], []>, transpose_lhs_hint = false} : vector<2000x64xf32>, vector<64x64xf32>, vector<2000x64xf32> -> vector<2000x64xf32>
    %get3A_6 = arith.constant 0 : index
    %get3A_7 = arith.constant 0 : index
    %get3A_8 = vector.load %arg3[%get3A_6, %get3A_7] : memref<1x64xf32, #tpu.memory_space<vmem>>, vector<1x64xf32>
    %add3A = vector.broadcast %get3A_8 : vector<1x64xf32> to vector<2000x64xf32>
    %add3A_9 = arith.addf %dot_general3A_5, %add3A : vector<2000x64xf32>
    %max3A = arith.constant 0.000000e+00 : f32
    %max3A_10 = vector.broadcast %max3A : f32 to vector<2000x64xf32>
    %max3A_11 = arith.maximumf %add3A_9, %max3A_10 : vector<2000x64xf32>
    %get3A_12 = arith.constant 0 : index
    %get3A_13 = arith.constant 0 : index
    %get3A_14 = vector.load %arg4[%get3A_12, %get3A_13] : memref<64x64xf32, #tpu.memory_space<vmem>>, vector<64x64xf32>
    %dot_general3A_15 = arith.constant dense<0.000000e+00> : vector<2000x64xf32>
    %dot_general3A_16 = tpu.matmul %get3A_1, %get3A_14, %dot_general3A_15 {dimension_numbers = #tpu.dot_dimension_numbers<[1], [0], [0], [1], [0, 0, 1, 1], [], []>, transpose_lhs_hint = false} : vector<2000x64xf32>, vector<64x64xf32>, vector<2000x64xf32> -> vector<2000x64xf32>
    %get3A_17 = arith.constant 0 : index
    %get3A_18 = arith.constant 0 : index
    %get3A_19 = vector.load %arg5[%get3A_17, %get3A_18] : memref<1x64xf32, #tpu.memory_space<vmem>>, vector<1x64xf32>
    %add3A_20 = vector.broadcast %get3A_19 : vector<1x64xf32> to vector<2000x64xf32>
    %add3A_21 = arith.addf %dot_general3A_16, %add3A_20 : vector<2000x64xf32>
    %get3A_22 = arith.constant 0 : index
    %get3A_23 = arith.constant 0 : index
    %get3A_24 = vector.load %arg6[%get3A_22, %get3A_23] : memref<64x64xf32, #tpu.memory_space<vmem>>, vector<64x64xf32>
    %dot_general3A_25 = arith.constant dense<0.000000e+00> : vector<2000x64xf32>
    %dot_general3A_26 = tpu.matmul %get3A_1, %get3A_24, %dot_general3A_25 {dimension_numbers = #tpu.dot_dimension_numbers<[1], [0], [0], [1], [0, 0, 1, 1], [], []>, transpose_lhs_hint = false} : vector<2000x64xf32>, vector<64x64xf32>, vector<2000x64xf32> -> vector<2000x64xf32>
    %get3A_27 = arith.constant 0 : index
    %get3A_28 = arith.constant 0 : index
    %get3A_29 = vector.load %arg7[%get3A_27, %get3A_28] : memref<1x64xf32, #tpu.memory_space<vmem>>, vector<1x64xf32>
    %add3A_30 = vector.broadcast %get3A_29 : vector<1x64xf32> to vector<2000x64xf32>
    %add3A_31 = arith.addf %dot_general3A_26, %add3A_30 : vector<2000x64xf32>
    %mul3A = arith.mulf %add3A_21, %add3A_31 : vector<2000x64xf32>
    %max3A_32 = arith.constant 0.000000e+00 : f32
    %max3A_33 = vector.broadcast %max3A_32 : f32 to vector<2000x64xf32>
    %max3A_34 = arith.maximumf %mul3A, %max3A_33 : vector<2000x64xf32>
    %add3A_35 = arith.addf %max3A_11, %max3A_34 : vector<2000x64xf32>
    %swap3A = arith.constant 0 : index
    %swap3A_36 = arith.constant 0 : index
    %swap3A_37 = vector.load %arg8[%swap3A, %swap3A_36] : memref<2000x64xf32, #tpu.memory_space<vmem>>, vector<2000x64xf32>
    tpu.vector_store %arg8[%swap3A, %swap3A_36], %add3A_35 {strides = array<i32>} : memref<2000x64xf32, #tpu.memory_space<vmem>>, vector<2000x64xf32>,
    return
  }
  func.func @transform_0(%arg0: i32) -> (i32, i32) {
    %c0_i32 = arith.constant 0 : i32
    %c0_i32_0 = arith.constant 0 : i32
    return %arg0, %c0_i32 : i32, i32
  }
  func.func @transform_1(%arg0: i32) -> (i32, i32) {
    %c0_i32 = arith.constant 0 : i32
    %c0_i32_0 = arith.constant 0 : i32
    %c0_i32_1 = arith.constant 0 : i32
    return %c0_i32, %c0_i32_0 : i32, i32
  }
  func.func @transform_2(%arg0: i32) -> (i32, i32) {
    %c0_i32 = arith.constant 0 : i32
    %c0_i32_0 = arith.constant 0 : i32
    %c0_i32_1 = arith.constant 0 : i32
    return %c0_i32, %c0_i32_0 : i32, i32
  }
  func.func @transform_3(%arg0: i32) -> (i32, i32) {
    %c0_i32 = arith.constant 0 : i32
    %c0_i32_0 = arith.constant 0 : i32
    %c0_i32_1 = arith.constant 0 : i32
    return %c0_i32, %c0_i32_0 : i32, i32
  }
  func.func @transform_4(%arg0: i32) -> (i32, i32) {
    %c0_i32 = arith.constant 0 : i32
    %c0_i32_0 = arith.constant 0 : i32
    %c0_i32_1 = arith.constant 0 : i32
    return %c0_i32, %c0_i32_0 : i32, i32
  }
  func.func @transform_5(%arg0: i32) -> (i32, i32) {
    %c0_i32 = arith.constant 0 : i32
    %c0_i32_0 = arith.constant 0 : i32
    %c0_i32_1 = arith.constant 0 : i32
    return %c0_i32, %c0_i32_0 : i32, i32
  }
  func.func @transform_6(%arg0: i32) -> (i32, i32) {
    %c0_i32 = arith.constant 0 : i32
    %c0_i32_0 = arith.constant 0 : i32
    %c0_i32_1 = arith.constant 0 : i32
    return %c0_i32, %c0_i32_0 : i32, i32
  }
  func.func @transform_7(%arg0: i32) -> (i32, i32) {
    %c0_i32 = arith.constant 0 : i32
    %c0_i32_0 = arith.constant 0 : i32
    return %arg0, %c0_i32 : i32, i32
  }
}

module attributes {stable_mosaic.version = 14 : i64} {
  func.func @_pbc_body(%arg0: i32, %arg1: memref<2000x64xf32, #tpu.memory_space<vmem>>, %arg2: memref<2000x64xf32, #tpu.memory_space<vmem>>, %arg3: memref<64x64xf32, #tpu.memory_space<vmem>>, %arg4: memref<1x64xf32, #tpu.memory_space<vmem>>, %arg5: memref<64x32xf32, #tpu.memory_space<vmem>>, %arg6: memref<1x32xf32, #tpu.memory_space<vmem>>, %arg7: memref<64x32xf32, #tpu.memory_space<vmem>>, %arg8: memref<1x32xf32, #tpu.memory_space<vmem>>, %arg9: memref<32x32xf32, #tpu.memory_space<vmem>>, %arg10: memref<1x32xf32, #tpu.memory_space<vmem>>, %arg11: memref<32x32xf32, #tpu.memory_space<vmem>>, %arg12: memref<1x32xf32, #tpu.memory_space<vmem>>, %arg13: memref<32x32xf32, #tpu.memory_space<vmem>>, %arg14: memref<1x32xf32, #tpu.memory_space<vmem>>, %arg15: memref<2000x64xf32, #tpu.memory_space<vmem>>) attributes {dimension_semantics = [#tpu.dimension_semantics<arbitrary>], iteration_bounds = array<i64: 25>, scalar_prefetch = 0 : i64, scratch_operands = 0 : i64, tpu.core_type = #tpu.core_type<tc>, window_params = [{transform_indices = @transform_0, window_bounds = array<i64: 2000, 64>}, {transform_indices = @transform_1, window_bounds = array<i64: 2000, 64>}, {pipeline_mode = #tpu.pipeline_mode<synchronous>, transform_indices = @transform_2, window_bounds = array<i64: 64, 64>}, {pipeline_mode = #tpu.pipeline_mode<synchronous>, transform_indices = @transform_3, window_bounds = array<i64: 1, 64>}, {pipeline_mode = #tpu.pipeline_mode<synchronous>, transform_indices = @transform_4, window_bounds = array<i64: 64, 32>}, {pipeline_mode = #tpu.pipeline_mode<synchronous>, transform_indices = @transform_5, window_bounds = array<i64: 1, 32>}, {pipeline_mode = #tpu.pipeline_mode<synchronous>, transform_indices = @transform_6, window_bounds = array<i64: 64, 32>}, {pipeline_mode = #tpu.pipeline_mode<synchronous>, transform_indices = @transform_7, window_bounds = array<i64: 1, 32>}, {pipeline_mode = #tpu.pipeline_mode<synchronous>, transform_indices = @transform_8, window_bounds = array<i64: 32, 32>}, {pipeline_mode = #tpu.pipeline_mode<synchronous>, transform_indices = @transform_9, window_bounds = array<i64: 1, 32>}, {pipeline_mode = #tpu.pipeline_mode<synchronous>, transform_indices = @transform_10, window_bounds = array<i64: 32, 32>}, {pipeline_mode = #tpu.pipeline_mode<synchronous>, transform_indices = @transform_11, window_bounds = array<i64: 1, 32>}, {pipeline_mode = #tpu.pipeline_mode<synchronous>, transform_indices = @transform_12, window_bounds = array<i64: 32, 32>}, {pipeline_mode = #tpu.pipeline_mode<synchronous>, transform_indices = @transform_13, window_bounds = array<i64: 1, 32>}, {transform_indices = @transform_14, window_bounds = array<i64: 2000, 64>}]} {
    %get3A = arith.constant 0 : index
    %get3A_0 = arith.constant 0 : index
    %get3A_1 = vector.load %arg1[%get3A, %get3A_0] : memref<2000x64xf32, #tpu.memory_space<vmem>>, vector<2000x64xf32>
    %get3A_2 = arith.constant 0 : index
    %get3A_3 = arith.constant 0 : index
    %get3A_4 = vector.load %arg2[%get3A_2, %get3A_3] : memref<2000x64xf32, #tpu.memory_space<vmem>>, vector<2000x64xf32>
    %get3A_5 = arith.constant 0 : index
    %get3A_6 = arith.constant 0 : index
    %get3A_7 = vector.load %arg3[%get3A_5, %get3A_6] : memref<64x64xf32, #tpu.memory_space<vmem>>, vector<64x64xf32>
    %dot_general3A = arith.constant dense<0.000000e+00> : vector<2000x64xf32>
    %dot_general3A_8 = tpu.matmul %get3A_4, %get3A_7, %dot_general3A {dimension_numbers = #tpu.dot_dimension_numbers<[1], [0], [0], [1], [0, 0, 1, 1], [], []>, transpose_lhs_hint = false} : vector<2000x64xf32>, vector<64x64xf32>, vector<2000x64xf32> -> vector<2000x64xf32>
    %get3A_9 = arith.constant 0 : index
    %get3A_10 = arith.constant 0 : index
    %get3A_11 = vector.load %arg4[%get3A_9, %get3A_10] : memref<1x64xf32, #tpu.memory_space<vmem>>, vector<1x64xf32>
    %add3A = vector.broadcast %get3A_11 : vector<1x64xf32> to vector<2000x64xf32>
    %add3A_12 = arith.addf %dot_general3A_8, %add3A : vector<2000x64xf32>
    %max3A = arith.constant 0.000000e+00 : f32
    %max3A_13 = vector.broadcast %max3A : f32 to vector<2000x64xf32>
    %max3A_14 = arith.maximumf %add3A_12, %max3A_13 : vector<2000x64xf32>
    %add3A_15 = arith.addf %get3A_1, %max3A_14 : vector<2000x64xf32>
    %get3A_16 = arith.constant 0 : index
    %get3A_17 = arith.constant 0 : index
    %get3A_18 = vector.load %arg5[%get3A_16, %get3A_17] : memref<64x32xf32, #tpu.memory_space<vmem>>, vector<64x32xf32>
    %dot_general3A_19 = arith.constant dense<0.000000e+00> : vector<2000x32xf32>
    %dot_general3A_20 = tpu.matmul %add3A_15, %get3A_18, %dot_general3A_19 {dimension_numbers = #tpu.dot_dimension_numbers<[1], [0], [0], [1], [0, 0, 1, 1], [], []>, transpose_lhs_hint = false} : vector<2000x64xf32>, vector<64x32xf32>, vector<2000x32xf32> -> vector<2000x32xf32>
    %get3A_21 = arith.constant 0 : index
    %get3A_22 = arith.constant 0 : index
    %get3A_23 = vector.load %arg6[%get3A_21, %get3A_22] : memref<1x32xf32, #tpu.memory_space<vmem>>, vector<1x32xf32>
    %add3A_24 = vector.broadcast %get3A_23 : vector<1x32xf32> to vector<2000x32xf32>
    %add3A_25 = arith.addf %dot_general3A_20, %add3A_24 : vector<2000x32xf32>
    %logistic3A = arith.negf %add3A_25 : vector<2000x32xf32>
    %logistic3A_26 = math.exp %logistic3A : vector<2000x32xf32>
    %logistic3A_27 = arith.constant 1.000000e+00 : f32
    %logistic3A_28 = vector.broadcast %logistic3A_27 : f32 to vector<2000x32xf32>
    %logistic3A_29 = arith.addf %logistic3A_28, %logistic3A_26 : vector<2000x32xf32>
    %logistic3A_30 = arith.divf %logistic3A_28, %logistic3A_29 : vector<2000x32xf32>
    %get3A_31 = arith.constant 0 : index
    %get3A_32 = arith.constant 0 : index
    %get3A_33 = vector.load %arg7[%get3A_31, %get3A_32] : memref<64x32xf32, #tpu.memory_space<vmem>>, vector<64x32xf32>
    %dot_general3A_34 = arith.constant dense<0.000000e+00> : vector<2000x32xf32>
    %dot_general3A_35 = tpu.matmul %add3A_15, %get3A_33, %dot_general3A_34 {dimension_numbers = #tpu.dot_dimension_numbers<[1], [0], [0], [1], [0, 0, 1, 1], [], []>, transpose_lhs_hint = false} : vector<2000x64xf32>, vector<64x32xf32>, vector<2000x32xf32> -> vector<2000x32xf32>
    %get3A_36 = arith.constant 0 : index
    %get3A_37 = arith.constant 0 : index
    %get3A_38 = vector.load %arg8[%get3A_36, %get3A_37] : memref<1x32xf32, #tpu.memory_space<vmem>>, vector<1x32xf32>
    %add3A_39 = vector.broadcast %get3A_38 : vector<1x32xf32> to vector<2000x32xf32>
    %add3A_40 = arith.addf %dot_general3A_35, %add3A_39 : vector<2000x32xf32>
    %mul3A = arith.mulf %logistic3A_30, %add3A_40 : vector<2000x32xf32>
    %get3A_41 = arith.constant 0 : index
    %get3A_42 = arith.constant 0 : index
    %get3A_43 = vector.load %arg9[%get3A_41, %get3A_42] : memref<32x32xf32, #tpu.memory_space<vmem>>, vector<32x32xf32>
    %dot_general3A_44 = arith.constant dense<0.000000e+00> : vector<2000x32xf32>
    %dot_general3A_45 = tpu.matmul %mul3A, %get3A_43, %dot_general3A_44 {dimension_numbers = #tpu.dot_dimension_numbers<[1], [0], [0], [1], [0, 0, 1, 1], [], []>, transpose_lhs_hint = false} : vector<2000x32xf32>, vector<32x32xf32>, vector<2000x32xf32> -> vector<2000x32xf32>
    %get3A_46 = arith.constant 0 : index
    %get3A_47 = arith.constant 0 : index
    %get3A_48 = vector.load %arg10[%get3A_46, %get3A_47] : memref<1x32xf32, #tpu.memory_space<vmem>>, vector<1x32xf32>
    %add3A_49 = vector.broadcast %get3A_48 : vector<1x32xf32> to vector<2000x32xf32>
    %add3A_50 = arith.addf %dot_general3A_45, %add3A_49 : vector<2000x32xf32>
    %max3A_51 = arith.constant 0.000000e+00 : f32
    %max3A_52 = vector.broadcast %max3A_51 : f32 to vector<2000x32xf32>
    %max3A_53 = arith.maximumf %add3A_50, %max3A_52 : vector<2000x32xf32>
    %get3A_54 = arith.constant 0 : index
    %get3A_55 = arith.constant 0 : index
    %get3A_56 = vector.load %arg11[%get3A_54, %get3A_55] : memref<32x32xf32, #tpu.memory_space<vmem>>, vector<32x32xf32>
    %dot_general3A_57 = arith.constant dense<0.000000e+00> : vector<2000x32xf32>
    %dot_general3A_58 = tpu.matmul %mul3A, %get3A_56, %dot_general3A_57 {dimension_numbers = #tpu.dot_dimension_numbers<[1], [0], [0], [1], [0, 0, 1, 1], [], []>, transpose_lhs_hint = false} : vector<2000x32xf32>, vector<32x32xf32>, vector<2000x32xf32> -> vector<2000x32xf32>
    %get3A_59 = arith.constant 0 : index
    %get3A_60 = arith.constant 0 : index
    %get3A_61 = vector.load %arg12[%get3A_59, %get3A_60] : memref<1x32xf32, #tpu.memory_space<vmem>>, vector<1x32xf32>
    %add3A_62 = vector.broadcast %get3A_61 : vector<1x32xf32> to vector<2000x32xf32>
    %add3A_63 = arith.addf %dot_general3A_58, %add3A_62 : vector<2000x32xf32>
    %get3A_64 = arith.constant 0 : index
    %get3A_65 = arith.constant 0 : index
    %get3A_66 = vector.load %arg13[%get3A_64, %get3A_65] : memref<32x32xf32, #tpu.memory_space<vmem>>, vector<32x32xf32>
    %dot_general3A_67 = arith.constant dense<0.000000e+00> : vector<2000x32xf32>
    %dot_general3A_68 = tpu.matmul %mul3A, %get3A_66, %dot_general3A_67 {dimension_numbers = #tpu.dot_dimension_numbers<[1], [0], [0], [1], [0, 0, 1, 1], [], []>, transpose_lhs_hint = false} : vector<2000x32xf32>, vector<32x32xf32>, vector<2000x32xf32> -> vector<2000x32xf32>
    %get3A_69 = arith.constant 0 : index
    %get3A_70 = arith.constant 0 : index
    %get3A_71 = vector.load %arg14[%get3A_69, %get3A_70] : memref<1x32xf32, #tpu.memory_space<vmem>>, vector<1x32xf32>
    %add3A_72 = vector.broadcast %get3A_71 : vector<1x32xf32> to vector<2000x32xf32>
    %add3A_73 = arith.addf %dot_general3A_68, %add3A_72 : vector<2000x32xf32>
    %mul3A_74 = arith.mulf %add3A_63, %add3A_73 : vector<2000x32xf32>
    %max3A_75 = arith.constant 0.000000e+00 : f32
    %max3A_76 = vector.broadcast %max3A_75 : f32 to vector<2000x32xf32>
    %max3A_77 = arith.maximumf %mul3A_74, %max3A_76 : vector<2000x32xf32>
    %add3A_78 = arith.addf %max3A_53, %max3A_77 : vector<2000x32xf32>
    %concatenate3A = tpu.concatenate %add3A_78, %mul3A in 1 : vector<2000x32xf32>, vector<2000x32xf32> -> vector<2000x64xf32>
    %swap3A = arith.constant 0 : index
    %swap3A_79 = arith.constant 0 : index
    %swap3A_80 = vector.load %arg15[%swap3A, %swap3A_79] : memref<2000x64xf32, #tpu.memory_space<vmem>>, vector<2000x64xf32>
    tpu.vector_store %arg15[%swap3A, %swap3A_79], %concatenate3A {strides = array<i32>} : memref<2000x64xf32, #tpu.memory_space<vmem>>, vector<2000x64xf32>,
    return
  }
  func.func @transform_0(%arg0: i32) -> (i32, i32) {
    %c0_i32 = arith.constant 0 : i32
    %c0_i32_0 = arith.constant 0 : i32
    return %arg0, %c0_i32 : i32, i32
  }
  func.func @transform_1(%arg0: i32) -> (i32, i32) {
    %c0_i32 = arith.constant 0 : i32
    %c0_i32_0 = arith.constant 0 : i32
    return %arg0, %c0_i32 : i32, i32
  }
  func.func @transform_2(%arg0: i32) -> (i32, i32) {
    %c0_i32 = arith.constant 0 : i32
    %c0_i32_0 = arith.constant 0 : i32
    %c0_i32_1 = arith.constant 0 : i32
    return %c0_i32, %c0_i32_0 : i32, i32
  }
  func.func @transform_3(%arg0: i32) -> (i32, i32) {
    %c0_i32 = arith.constant 0 : i32
    %c0_i32_0 = arith.constant 0 : i32
    %c0_i32_1 = arith.constant 0 : i32
    return %c0_i32, %c0_i32_0 : i32, i32
  }
  func.func @transform_4(%arg0: i32) -> (i32, i32) {
    %c0_i32 = arith.constant 0 : i32
    %c0_i32_0 = arith.constant 0 : i32
    %c0_i32_1 = arith.constant 0 : i32
    return %c0_i32, %c0_i32_0 : i32, i32
  }
  func.func @transform_5(%arg0: i32) -> (i32, i32) {
    %c0_i32 = arith.constant 0 : i32
    %c0_i32_0 = arith.constant 0 : i32
    %c0_i32_1 = arith.constant 0 : i32
    return %c0_i32, %c0_i32_0 : i32, i32
  }
  func.func @transform_6(%arg0: i32) -> (i32, i32) {
    %c0_i32 = arith.constant 0 : i32
    %c0_i32_0 = arith.constant 0 : i32
    %c0_i32_1 = arith.constant 0 : i32
    return %c0_i32, %c0_i32_0 : i32, i32
  }
  func.func @transform_7(%arg0: i32) -> (i32, i32) {
    %c0_i32 = arith.constant 0 : i32
    %c0_i32_0 = arith.constant 0 : i32
    %c0_i32_1 = arith.constant 0 : i32
    return %c0_i32, %c0_i32_0 : i32, i32
  }
  func.func @transform_8(%arg0: i32) -> (i32, i32) {
    %c0_i32 = arith.constant 0 : i32
    %c0_i32_0 = arith.constant 0 : i32
    %c0_i32_1 = arith.constant 0 : i32
    return %c0_i32, %c0_i32_0 : i32, i32
  }
  func.func @transform_9(%arg0: i32) -> (i32, i32) {
    %c0_i32 = arith.constant 0 : i32
    %c0_i32_0 = arith.constant 0 : i32
    %c0_i32_1 = arith.constant 0 : i32
    return %c0_i32, %c0_i32_0 : i32, i32
  }
  func.func @transform_10(%arg0: i32) -> (i32, i32) {
    %c0_i32 = arith.constant 0 : i32
    %c0_i32_0 = arith.constant 0 : i32
    %c0_i32_1 = arith.constant 0 : i32
    return %c0_i32, %c0_i32_0 : i32, i32
  }
  func.func @transform_11(%arg0: i32) -> (i32, i32) {
    %c0_i32 = arith.constant 0 : i32
    %c0_i32_0 = arith.constant 0 : i32
    %c0_i32_1 = arith.constant 0 : i32
    return %c0_i32, %c0_i32_0 : i32, i32
  }
  func.func @transform_12(%arg0: i32) -> (i32, i32) {
    %c0_i32 = arith.constant 0 : i32
    %c0_i32_0 = arith.constant 0 : i32
    %c0_i32_1 = arith.constant 0 : i32
    return %c0_i32, %c0_i32_0 : i32, i32
  }
  func.func @transform_13(%arg0: i32) -> (i32, i32) {
    %c0_i32 = arith.constant 0 : i32
    %c0_i32_0 = arith.constant 0 : i32
    %c0_i32_1 = arith.constant 0 : i32
    return %c0_i32, %c0_i32_0 : i32, i32
  }
  func.func @transform_14(%arg0: i32) -> (i32, i32) {
    %c0_i32 = arith.constant 0 : i32
    %c0_i32_0 = arith.constant 0 : i32
    return %arg0, %c0_i32 : i32, i32
  }
}

module attributes {stable_mosaic.version = 14 : i64} {
  func.func @_pbc_merged_body(%arg0: i32, %arg1: memref<2000x64xf32, #tpu.memory_space<vmem>>, %arg2: memref<2000x32xf32, #tpu.memory_space<vmem>>, %arg3: memref<32x32xf32, #tpu.memory_space<vmem>>, %arg4: memref<1x32xf32, #tpu.memory_space<vmem>>, %arg5: memref<32x16xf32, #tpu.memory_space<vmem>>, %arg6: memref<1x16xf32, #tpu.memory_space<vmem>>, %arg7: memref<32x16xf32, #tpu.memory_space<vmem>>, %arg8: memref<1x16xf32, #tpu.memory_space<vmem>>, %arg9: memref<16x16xf32, #tpu.memory_space<vmem>>, %arg10: memref<1x16xf32, #tpu.memory_space<vmem>>, %arg11: memref<16x16xf32, #tpu.memory_space<vmem>>, %arg12: memref<1x16xf32, #tpu.memory_space<vmem>>, %arg13: memref<16x16xf32, #tpu.memory_space<vmem>>, %arg14: memref<1x16xf32, #tpu.memory_space<vmem>>, %arg15: memref<2000x32xf32, #tpu.memory_space<vmem>>) attributes {dimension_semantics = [#tpu.dimension_semantics<arbitrary>], iteration_bounds = array<i64: 25>, scalar_prefetch = 0 : i64, scratch_operands = 0 : i64, tpu.core_type = #tpu.core_type<tc>, window_params = [{transform_indices = @transform_0, window_bounds = array<i64: 2000, 64>}, {transform_indices = @transform_1, window_bounds = array<i64: 2000, 32>}, {pipeline_mode = #tpu.pipeline_mode<synchronous>, transform_indices = @transform_2, window_bounds = array<i64: 32, 32>}, {pipeline_mode = #tpu.pipeline_mode<synchronous>, transform_indices = @transform_3, window_bounds = array<i64: 1, 32>}, {pipeline_mode = #tpu.pipeline_mode<synchronous>, transform_indices = @transform_4, window_bounds = array<i64: 32, 16>}, {pipeline_mode = #tpu.pipeline_mode<synchronous>, transform_indices = @transform_5, window_bounds = array<i64: 1, 16>}, {pipeline_mode = #tpu.pipeline_mode<synchronous>, transform_indices = @transform_6, window_bounds = array<i64: 32, 16>}, {pipeline_mode = #tpu.pipeline_mode<synchronous>, transform_indices = @transform_7, window_bounds = array<i64: 1, 16>}, {pipeline_mode = #tpu.pipeline_mode<synchronous>, transform_indices = @transform_8, window_bounds = array<i64: 16, 16>}, {pipeline_mode = #tpu.pipeline_mode<synchronous>, transform_indices = @transform_9, window_bounds = array<i64: 1, 16>}, {pipeline_mode = #tpu.pipeline_mode<synchronous>, transform_indices = @transform_10, window_bounds = array<i64: 16, 16>}, {pipeline_mode = #tpu.pipeline_mode<synchronous>, transform_indices = @transform_11, window_bounds = array<i64: 1, 16>}, {pipeline_mode = #tpu.pipeline_mode<synchronous>, transform_indices = @transform_12, window_bounds = array<i64: 16, 16>}, {pipeline_mode = #tpu.pipeline_mode<synchronous>, transform_indices = @transform_13, window_bounds = array<i64: 1, 16>}, {transform_indices = @transform_14, window_bounds = array<i64: 2000, 32>}]} {
    %get3A = arith.constant 0 : index
    %get3A_0 = arith.constant 0 : index
    %get3A_1 = vector.load %arg1[%get3A, %get3A_0] : memref<2000x64xf32, #tpu.memory_space<vmem>>, vector<2000x64xf32>
    %slice3A = vector.extract_strided_slice %get3A_1 {offsets = [0, 0], sizes = [2000, 32], strides = [1, 1]} : vector<2000x64xf32> to vector<2000x32xf32>
    %get3A_2 = arith.constant 0 : index
    %get3A_3 = arith.constant 0 : index
    %get3A_4 = vector.load %arg2[%get3A_2, %get3A_3] : memref<2000x32xf32, #tpu.memory_space<vmem>>, vector<2000x32xf32>
    %get3A_5 = arith.constant 0 : index
    %get3A_6 = arith.constant 0 : index
    %get3A_7 = vector.load %arg3[%get3A_5, %get3A_6] : memref<32x32xf32, #tpu.memory_space<vmem>>, vector<32x32xf32>
    %dot_general3A = arith.constant dense<0.000000e+00> : vector<2000x32xf32>
    %dot_general3A_8 = tpu.matmul %get3A_4, %get3A_7, %dot_general3A {dimension_numbers = #tpu.dot_dimension_numbers<[1], [0], [0], [1], [0, 0, 1, 1], [], []>, transpose_lhs_hint = false} : vector<2000x32xf32>, vector<32x32xf32>, vector<2000x32xf32> -> vector<2000x32xf32>
    %get3A_9 = arith.constant 0 : index
    %get3A_10 = arith.constant 0 : index
    %get3A_11 = vector.load %arg4[%get3A_9, %get3A_10] : memref<1x32xf32, #tpu.memory_space<vmem>>, vector<1x32xf32>
    %add3A = vector.broadcast %get3A_11 : vector<1x32xf32> to vector<2000x32xf32>
    %add3A_12 = arith.addf %dot_general3A_8, %add3A : vector<2000x32xf32>
    %max3A = arith.constant 0.000000e+00 : f32
    %max3A_13 = vector.broadcast %max3A : f32 to vector<2000x32xf32>
    %max3A_14 = arith.maximumf %add3A_12, %max3A_13 : vector<2000x32xf32>
    %add3A_15 = arith.addf %slice3A, %max3A_14 : vector<2000x32xf32>
    %get3A_16 = arith.constant 0 : index
    %get3A_17 = arith.constant 0 : index
    %get3A_18 = vector.load %arg5[%get3A_16, %get3A_17] : memref<32x16xf32, #tpu.memory_space<vmem>>, vector<32x16xf32>
    %dot_general3A_19 = arith.constant dense<0.000000e+00> : vector<2000x16xf32>
    %dot_general3A_20 = tpu.matmul %add3A_15, %get3A_18, %dot_general3A_19 {dimension_numbers = #tpu.dot_dimension_numbers<[1], [0], [0], [1], [0, 0, 1, 1], [], []>, transpose_lhs_hint = false} : vector<2000x32xf32>, vector<32x16xf32>, vector<2000x16xf32> -> vector<2000x16xf32>
    %get3A_21 = arith.constant 0 : index
    %get3A_22 = arith.constant 0 : index
    %get3A_23 = vector.load %arg6[%get3A_21, %get3A_22] : memref<1x16xf32, #tpu.memory_space<vmem>>, vector<1x16xf32>
    %add3A_24 = vector.broadcast %get3A_23 : vector<1x16xf32> to vector<2000x16xf32>
    %add3A_25 = arith.addf %dot_general3A_20, %add3A_24 : vector<2000x16xf32>
    %logistic3A = arith.negf %add3A_25 : vector<2000x16xf32>
    %logistic3A_26 = math.exp %logistic3A : vector<2000x16xf32>
    %logistic3A_27 = arith.constant 1.000000e+00 : f32
    %logistic3A_28 = vector.broadcast %logistic3A_27 : f32 to vector<2000x16xf32>
    %logistic3A_29 = arith.addf %logistic3A_28, %logistic3A_26 : vector<2000x16xf32>
    %logistic3A_30 = arith.divf %logistic3A_28, %logistic3A_29 : vector<2000x16xf32>
    %get3A_31 = arith.constant 0 : index
    %get3A_32 = arith.constant 0 : index
    %get3A_33 = vector.load %arg7[%get3A_31, %get3A_32] : memref<32x16xf32, #tpu.memory_space<vmem>>, vector<32x16xf32>
    %dot_general3A_34 = arith.constant dense<0.000000e+00> : vector<2000x16xf32>
    %dot_general3A_35 = tpu.matmul %add3A_15, %get3A_33, %dot_general3A_34 {dimension_numbers = #tpu.dot_dimension_numbers<[1], [0], [0], [1], [0, 0, 1, 1], [], []>, transpose_lhs_hint = false} : vector<2000x32xf32>, vector<32x16xf32>, vector<2000x16xf32> -> vector<2000x16xf32>
    %get3A_36 = arith.constant 0 : index
    %get3A_37 = arith.constant 0 : index
    %get3A_38 = vector.load %arg8[%get3A_36, %get3A_37] : memref<1x16xf32, #tpu.memory_space<vmem>>, vector<1x16xf32>
    %add3A_39 = vector.broadcast %get3A_38 : vector<1x16xf32> to vector<2000x16xf32>
    %add3A_40 = arith.addf %dot_general3A_35, %add3A_39 : vector<2000x16xf32>
    %mul3A = arith.mulf %logistic3A_30, %add3A_40 : vector<2000x16xf32>
    %get3A_41 = arith.constant 0 : index
    %get3A_42 = arith.constant 0 : index
    %get3A_43 = vector.load %arg9[%get3A_41, %get3A_42] : memref<16x16xf32, #tpu.memory_space<vmem>>, vector<16x16xf32>
    %dot_general3A_44 = arith.constant dense<0.000000e+00> : vector<2000x16xf32>
    %dot_general3A_45 = tpu.matmul %mul3A, %get3A_43, %dot_general3A_44 {dimension_numbers = #tpu.dot_dimension_numbers<[1], [0], [0], [1], [0, 0, 1, 1], [], []>, transpose_lhs_hint = false} : vector<2000x16xf32>, vector<16x16xf32>, vector<2000x16xf32> -> vector<2000x16xf32>
    %get3A_46 = arith.constant 0 : index
    %get3A_47 = arith.constant 0 : index
    %get3A_48 = vector.load %arg10[%get3A_46, %get3A_47] : memref<1x16xf32, #tpu.memory_space<vmem>>, vector<1x16xf32>
    %add3A_49 = vector.broadcast %get3A_48 : vector<1x16xf32> to vector<2000x16xf32>
    %add3A_50 = arith.addf %dot_general3A_45, %add3A_49 : vector<2000x16xf32>
    %max3A_51 = arith.constant 0.000000e+00 : f32
    %max3A_52 = vector.broadcast %max3A_51 : f32 to vector<2000x16xf32>
    %max3A_53 = arith.maximumf %add3A_50, %max3A_52 : vector<2000x16xf32>
    %get3A_54 = arith.constant 0 : index
    %get3A_55 = arith.constant 0 : index
    %get3A_56 = vector.load %arg11[%get3A_54, %get3A_55] : memref<16x16xf32, #tpu.memory_space<vmem>>, vector<16x16xf32>
    %dot_general3A_57 = arith.constant dense<0.000000e+00> : vector<2000x16xf32>
    %dot_general3A_58 = tpu.matmul %mul3A, %get3A_56, %dot_general3A_57 {dimension_numbers = #tpu.dot_dimension_numbers<[1], [0], [0], [1], [0, 0, 1, 1], [], []>, transpose_lhs_hint = false} : vector<2000x16xf32>, vector<16x16xf32>, vector<2000x16xf32> -> vector<2000x16xf32>
    %get3A_59 = arith.constant 0 : index
    %get3A_60 = arith.constant 0 : index
    %get3A_61 = vector.load %arg12[%get3A_59, %get3A_60] : memref<1x16xf32, #tpu.memory_space<vmem>>, vector<1x16xf32>
    %add3A_62 = vector.broadcast %get3A_61 : vector<1x16xf32> to vector<2000x16xf32>
    %add3A_63 = arith.addf %dot_general3A_58, %add3A_62 : vector<2000x16xf32>
    %get3A_64 = arith.constant 0 : index
    %get3A_65 = arith.constant 0 : index
    %get3A_66 = vector.load %arg13[%get3A_64, %get3A_65] : memref<16x16xf32, #tpu.memory_space<vmem>>, vector<16x16xf32>
    %dot_general3A_67 = arith.constant dense<0.000000e+00> : vector<2000x16xf32>
    %dot_general3A_68 = tpu.matmul %mul3A, %get3A_66, %dot_general3A_67 {dimension_numbers = #tpu.dot_dimension_numbers<[1], [0], [0], [1], [0, 0, 1, 1], [], []>, transpose_lhs_hint = false} : vector<2000x16xf32>, vector<16x16xf32>, vector<2000x16xf32> -> vector<2000x16xf32>
    %get3A_69 = arith.constant 0 : index
    %get3A_70 = arith.constant 0 : index
    %get3A_71 = vector.load %arg14[%get3A_69, %get3A_70] : memref<1x16xf32, #tpu.memory_space<vmem>>, vector<1x16xf32>
    %add3A_72 = vector.broadcast %get3A_71 : vector<1x16xf32> to vector<2000x16xf32>
    %add3A_73 = arith.addf %dot_general3A_68, %add3A_72 : vector<2000x16xf32>
    %mul3A_74 = arith.mulf %add3A_63, %add3A_73 : vector<2000x16xf32>
    %max3A_75 = arith.constant 0.000000e+00 : f32
    %max3A_76 = vector.broadcast %max3A_75 : f32 to vector<2000x16xf32>
    %max3A_77 = arith.maximumf %mul3A_74, %max3A_76 : vector<2000x16xf32>
    %add3A_78 = arith.addf %max3A_53, %max3A_77 : vector<2000x16xf32>
    %concatenate3A = tpu.concatenate %add3A_78, %mul3A in 1 : vector<2000x16xf32>, vector<2000x16xf32> -> vector<2000x32xf32>
    %swap3A = arith.constant 0 : index
    %swap3A_79 = arith.constant 0 : index
    %swap3A_80 = vector.load %arg15[%swap3A, %swap3A_79] : memref<2000x32xf32, #tpu.memory_space<vmem>>, vector<2000x32xf32>
    tpu.vector_store %arg15[%swap3A, %swap3A_79], %concatenate3A {strides = array<i32>} : memref<2000x32xf32, #tpu.memory_space<vmem>>, vector<2000x32xf32>,
    return
  }
  func.func @transform_0(%arg0: i32) -> (i32, i32) {
    %c0_i32 = arith.constant 0 : i32
    %c0_i32_0 = arith.constant 0 : i32
    return %arg0, %c0_i32 : i32, i32
  }
  func.func @transform_1(%arg0: i32) -> (i32, i32) {
    %c0_i32 = arith.constant 0 : i32
    %c0_i32_0 = arith.constant 0 : i32
    return %arg0, %c0_i32 : i32, i32
  }
  func.func @transform_2(%arg0: i32) -> (i32, i32) {
    %c0_i32 = arith.constant 0 : i32
    %c0_i32_0 = arith.constant 0 : i32
    %c0_i32_1 = arith.constant 0 : i32
    return %c0_i32, %c0_i32_0 : i32, i32
  }
  func.func @transform_3(%arg0: i32) -> (i32, i32) {
    %c0_i32 = arith.constant 0 : i32
    %c0_i32_0 = arith.constant 0 : i32
    %c0_i32_1 = arith.constant 0 : i32
    return %c0_i32, %c0_i32_0 : i32, i32
  }
  func.func @transform_4(%arg0: i32) -> (i32, i32) {
    %c0_i32 = arith.constant 0 : i32
    %c0_i32_0 = arith.constant 0 : i32
    %c0_i32_1 = arith.constant 0 : i32
    return %c0_i32, %c0_i32_0 : i32, i32
  }
  func.func @transform_5(%arg0: i32) -> (i32, i32) {
    %c0_i32 = arith.constant 0 : i32
    %c0_i32_0 = arith.constant 0 : i32
    %c0_i32_1 = arith.constant 0 : i32
    return %c0_i32, %c0_i32_0 : i32, i32
  }
  func.func @transform_6(%arg0: i32) -> (i32, i32) {
    %c0_i32 = arith.constant 0 : i32
    %c0_i32_0 = arith.constant 0 : i32
    %c0_i32_1 = arith.constant 0 : i32
    return %c0_i32, %c0_i32_0 : i32, i32
  }
  func.func @transform_7(%arg0: i32) -> (i32, i32) {
    %c0_i32 = arith.constant 0 : i32
    %c0_i32_0 = arith.constant 0 : i32
    %c0_i32_1 = arith.constant 0 : i32
    return %c0_i32, %c0_i32_0 : i32, i32
  }
  func.func @transform_8(%arg0: i32) -> (i32, i32) {
    %c0_i32 = arith.constant 0 : i32
    %c0_i32_0 = arith.constant 0 : i32
    %c0_i32_1 = arith.constant 0 : i32
    return %c0_i32, %c0_i32_0 : i32, i32
  }
  func.func @transform_9(%arg0: i32) -> (i32, i32) {
    %c0_i32 = arith.constant 0 : i32
    %c0_i32_0 = arith.constant 0 : i32
    %c0_i32_1 = arith.constant 0 : i32
    return %c0_i32, %c0_i32_0 : i32, i32
  }
  func.func @transform_10(%arg0: i32) -> (i32, i32) {
    %c0_i32 = arith.constant 0 : i32
    %c0_i32_0 = arith.constant 0 : i32
    %c0_i32_1 = arith.constant 0 : i32
    return %c0_i32, %c0_i32_0 : i32, i32
  }
  func.func @transform_11(%arg0: i32) -> (i32, i32) {
    %c0_i32 = arith.constant 0 : i32
    %c0_i32_0 = arith.constant 0 : i32
    %c0_i32_1 = arith.constant 0 : i32
    return %c0_i32, %c0_i32_0 : i32, i32
  }
  func.func @transform_12(%arg0: i32) -> (i32, i32) {
    %c0_i32 = arith.constant 0 : i32
    %c0_i32_0 = arith.constant 0 : i32
    %c0_i32_1 = arith.constant 0 : i32
    return %c0_i32, %c0_i32_0 : i32, i32
  }
  func.func @transform_13(%arg0: i32) -> (i32, i32) {
    %c0_i32 = arith.constant 0 : i32
    %c0_i32_0 = arith.constant 0 : i32
    %c0_i32_1 = arith.constant 0 : i32
    return %c0_i32, %c0_i32_0 : i32, i32
  }
  func.func @transform_14(%arg0: i32) -> (i32, i32) {
    %c0_i32 = arith.constant 0 : i32
    %c0_i32_0 = arith.constant 0 : i32
    return %arg0, %c0_i32 : i32, i32
  }
}

module attributes {stable_mosaic.version = 14 : i64} {
  func.func @_pd_body(%arg0: i32, %arg1: memref<2000x32xf32, #tpu.memory_space<vmem>>, %arg2: memref<2000x32xf32, #tpu.memory_space<vmem>>, %arg3: memref<16x16xf32, #tpu.memory_space<vmem>>, %arg4: memref<1x16xf32, #tpu.memory_space<vmem>>, %arg5: memref<16x16xf32, #tpu.memory_space<vmem>>, %arg6: memref<1x16xf32, #tpu.memory_space<vmem>>, %arg7: memref<2000x16xf32, #tpu.memory_space<vmem>>) attributes {dimension_semantics = [#tpu.dimension_semantics<arbitrary>], iteration_bounds = array<i64: 25>, scalar_prefetch = 0 : i64, scratch_operands = 0 : i64, tpu.core_type = #tpu.core_type<tc>, window_params = [{transform_indices = @transform_0, window_bounds = array<i64: 2000, 32>}, {transform_indices = @transform_1, window_bounds = array<i64: 2000, 32>}, {pipeline_mode = #tpu.pipeline_mode<synchronous>, transform_indices = @transform_2, window_bounds = array<i64: 16, 16>}, {pipeline_mode = #tpu.pipeline_mode<synchronous>, transform_indices = @transform_3, window_bounds = array<i64: 1, 16>}, {pipeline_mode = #tpu.pipeline_mode<synchronous>, transform_indices = @transform_4, window_bounds = array<i64: 16, 16>}, {pipeline_mode = #tpu.pipeline_mode<synchronous>, transform_indices = @transform_5, window_bounds = array<i64: 1, 16>}, {transform_indices = @transform_6, window_bounds = array<i64: 2000, 16>}]} {
    %get3A = arith.constant 0 : index
    %get3A_0 = arith.constant 0 : index
    %get3A_1 = vector.load %arg1[%get3A, %get3A_0] : memref<2000x32xf32, #tpu.memory_space<vmem>>, vector<2000x32xf32>
    %get3A_2 = arith.constant 0 : index
    %get3A_3 = arith.constant 0 : index
    %get3A_4 = vector.load %arg2[%get3A_2, %get3A_3] : memref<2000x32xf32, #tpu.memory_space<vmem>>, vector<2000x32xf32>
    %slice3A = vector.extract_strided_slice %get3A_4 {offsets = [0, 0], sizes = [2000, 16], strides = [1, 1]} : vector<2000x32xf32> to vector<2000x16xf32>
    %slice3A_5 = vector.extract_strided_slice %get3A_4 {offsets = [0, 16], sizes = [2000, 16], strides = [1, 1]} : vector<2000x32xf32> to vector<2000x16xf32>
    %add3A = arith.addf %slice3A, %slice3A_5 : vector<2000x16xf32>
    %slice3A_6 = vector.extract_strided_slice %get3A_1 {offsets = [0, 0], sizes = [2000, 16], strides = [1, 1]} : vector<2000x32xf32> to vector<2000x16xf32>
    %get3A_7 = arith.constant 0 : index
    %get3A_8 = arith.constant 0 : index
    %get3A_9 = vector.load %arg3[%get3A_7, %get3A_8] : memref<16x16xf32, #tpu.memory_space<vmem>>, vector<16x16xf32>
    %dot_general3A = arith.constant dense<0.000000e+00> : vector<2000x16xf32>
    %dot_general3A_10 = tpu.matmul %add3A, %get3A_9, %dot_general3A {dimension_numbers = #tpu.dot_dimension_numbers<[1], [0], [0], [1], [0, 0, 1, 1], [], []>, transpose_lhs_hint = false} : vector<2000x16xf32>, vector<16x16xf32>, vector<2000x16xf32> -> vector<2000x16xf32>
    %get3A_11 = arith.constant 0 : index
    %get3A_12 = arith.constant 0 : index
    %get3A_13 = vector.load %arg4[%get3A_11, %get3A_12] : memref<1x16xf32, #tpu.memory_space<vmem>>, vector<1x16xf32>
    %add3A_14 = vector.broadcast %get3A_13 : vector<1x16xf32> to vector<2000x16xf32>
    %add3A_15 = arith.addf %dot_general3A_10, %add3A_14 : vector<2000x16xf32>
    %max3A = arith.constant 0.000000e+00 : f32
    %max3A_16 = vector.broadcast %max3A : f32 to vector<2000x16xf32>
    %max3A_17 = arith.maximumf %add3A_15, %max3A_16 : vector<2000x16xf32>
    %add3A_18 = arith.addf %slice3A_6, %max3A_17 : vector<2000x16xf32>
    %get3A_19 = arith.constant 0 : index
    %get3A_20 = arith.constant 0 : index
    %get3A_21 = vector.load %arg5[%get3A_19, %get3A_20] : memref<16x16xf32, #tpu.memory_space<vmem>>, vector<16x16xf32>
    %dot_general3A_22 = arith.constant dense<0.000000e+00> : vector<2000x16xf32>
    %dot_general3A_23 = tpu.matmul %add3A_18, %get3A_21, %dot_general3A_22 {dimension_numbers = #tpu.dot_dimension_numbers<[1], [0], [0], [1], [0, 0, 1, 1], [], []>, transpose_lhs_hint = false} : vector<2000x16xf32>, vector<16x16xf32>, vector<2000x16xf32> -> vector<2000x16xf32>
    %get3A_24 = arith.constant 0 : index
    %get3A_25 = arith.constant 0 : index
    %get3A_26 = vector.load %arg6[%get3A_24, %get3A_25] : memref<1x16xf32, #tpu.memory_space<vmem>>, vector<1x16xf32>
    %add3A_27 = vector.broadcast %get3A_26 : vector<1x16xf32> to vector<2000x16xf32>
    %add3A_28 = arith.addf %dot_general3A_23, %add3A_27 : vector<2000x16xf32>
    %swap3A = arith.constant 0 : index
    %swap3A_29 = arith.constant 0 : index
    %swap3A_30 = vector.load %arg7[%swap3A, %swap3A_29] : memref<2000x16xf32, #tpu.memory_space<vmem>>, vector<2000x16xf32>
    tpu.vector_store %arg7[%swap3A, %swap3A_29], %add3A_28 {strides = array<i32>} : memref<2000x16xf32, #tpu.memory_space<vmem>>, vector<2000x16xf32>,
    return
  }
  func.func @transform_0(%arg0: i32) -> (i32, i32) {
    %c0_i32 = arith.constant 0 : i32
    %c0_i32_0 = arith.constant 0 : i32
    return %arg0, %c0_i32 : i32, i32
  }
  func.func @transform_1(%arg0: i32) -> (i32, i32) {
    %c0_i32 = arith.constant 0 : i32
    %c0_i32_0 = arith.constant 0 : i32
    return %arg0, %c0_i32 : i32, i32
  }
  func.func @transform_2(%arg0: i32) -> (i32, i32) {
    %c0_i32 = arith.constant 0 : i32
    %c0_i32_0 = arith.constant 0 : i32
    %c0_i32_1 = arith.constant 0 : i32
    return %c0_i32, %c0_i32_0 : i32, i32
  }
  func.func @transform_3(%arg0: i32) -> (i32, i32) {
    %c0_i32 = arith.constant 0 : i32
    %c0_i32_0 = arith.constant 0 : i32
    %c0_i32_1 = arith.constant 0 : i32
    return %c0_i32, %c0_i32_0 : i32, i32
  }
  func.func @transform_4(%arg0: i32) -> (i32, i32) {
    %c0_i32 = arith.constant 0 : i32
    %c0_i32_0 = arith.constant 0 : i32
    %c0_i32_1 = arith.constant 0 : i32
    return %c0_i32, %c0_i32_0 : i32, i32
  }
  func.func @transform_5(%arg0: i32) -> (i32, i32) {
    %c0_i32 = arith.constant 0 : i32
    %c0_i32_0 = arith.constant 0 : i32
    %c0_i32_1 = arith.constant 0 : i32
    return %c0_i32, %c0_i32_0 : i32, i32
  }
  func.func @transform_6(%arg0: i32) -> (i32, i32) {
    %c0_i32 = arith.constant 0 : i32
    %c0_i32_0 = arith.constant 0 : i32
    return %arg0, %c0_i32 : i32, i32
  }
}

</mosaic_0001>

<sc_bundles>
// kernel: kernel.12.cloned.1.call-start
scs
__scs_entry_jumppad:
0x0: {  	(pc) =	sbr.rel $0x88, $3  }
0x1: {  	(tag) =	ssettag $0x0;
	lr =	simm.s32 $0x1  }
0x2: {  	[smem:$0x3F7D] =	sst lr;
	_ =	strace $0xD0000000  }
0x3: {  	_ = 	snop  }
0x4: {  	_ = 	snop  }
0x5: {  	_ = 	snop  }
0x6: {  	_ = 	snop  }
0x7: {  	_ = 	snop  }
__scs_overlays_trampoline_lowered:
0x8: {  	[smem:$0x3F8C] =	sst s0  }
0x9: {  	[smem:$0x3F8D] =	sst s1  }
0xa: {  	[smem:$0x3F8E] =	sst s2  }
0xb: {  	[smem:$0x3F8F] =	sst s3  }
0xc: {  	[smem:$0x3F90] =	sst s4  }
0xd: {  	[smem:$0x3F91] =	sst s5  }
0xe: {  	[smem:$0x3F92] =	sst s6  }
0xf: {  	[smem:$0x3F93] =	sst s7  }
0x10: {  	[smem:$0x3F94] =	sst s8  }
0x11: {  	[smem:$0x3F95] =	sst s9;
	s0 =	simm.s32 @!p0 $0x0  }
0x12: {  	s1 =	sld [smem:$0x3F7B];
	s0 =	simm.s32 @p0 $0x1  }
0x13: {  	[smem:$0x3F96] =	sst s0;
	s0 =	simm.s32 @!p1 $0x0  }
0x14: {  	s2 =	sld [smem:$0x3F7A];
	s0 =	simm.s32 @p1 $0x1  }
0x15: {  	[smem:$0x3F97] =	sst s0;
	s0 =	simm.s32 @!p2 $0x0  }
0x16: {  	s3 =	sld [smem:$0x3FDB];
	s0 =	simm.s32 @p2 $0x1  }
0x17: {  	s4 =	simm.s32 $0x1BF5;
	[smem:$0x3F99] =	sst s0  }
0x18: {  	s0 =	sld [smem:$0x3F7C];
	_ =	swait.ge [sflag:s4], $0x0  }
0x19: {  	s7 =	sld [smem:$0x3F7D]  }
0x1a: {  	s8 =	sadd.s32 $0xFFFFE003, lr  }
0x1b: {  	s9 =	sadd.s32 $0xFFFFFEF7, lr;
	s5 =	simm.s32 $0xFFFFFFFF;
	p2 =	slt.u32 s8, $0xFFFFF086  }
0x1c: {  	p1 =	slt.u32 s9, $0xF7A;
	s5 =	simm.s32 @!p2 $0x0  }
0x1d: {  	s5 =	simm.s32 @p1 $0x1;
	p0 =	seq.s32 s7, s2  }
0x1e: {  	s7 =	smul.u32 @!p0 $0xF7A, s2;
	p2 =	seq.s32 @!p0 s5, $0x0  }
0x1f: {  	s9 =	smul.u32 $0xF7A, s1;
	s8 =	simm.s32 @!p0 $0x1BF5;
	p2 =	por !p2, p0  }
0x20: {  	[sflag:s8] =	ssyncset.s32 @!p0 $0xFFFFF086;
	s6 =	sadd.s32 @!p0 s3, s7;
	s7 =	simm.s32 @!p0 $0x108  }
0x21: {  	s3 =	sadd.s32 s3, s9;
	s6 =	sadd.s32 @!p0 $0x88, s6;
	s7 =	simm.s32 @p2 $0x1082  }
0x22: {  	[simem:s7], [sflag:s8] =	dma.local @!p0 [hbm:s6], $0xF7A  }
0x23: {  	s9 =	sor.u32 $0xD0000000, s2;
	s6 =	simm.s32 $0x108;
	_ =	swait.ge @!p0 [sflag:s8], $0x0  }
0x24: {  	s3 =	sadd.s32 $0x88, s3;
	s6 =	simm.s32 @!p1 $0x1082;
	[sflag:s4] =	ssyncset.s32 $0xFFFFF086  }
0x25: {  	[simem:s6], [sflag:s4] =	dma.local [hbm:s3], $0xF7A  }
0x26: {  	[smem:$0x3F7D] =	sst s1;
	(tag) =	ssettag s2;
	_ =	strace s9  }
0x27: {  	s1 =	sld [smem:$0x3F8D]  }
0x28: {  	s2 =	sld [smem:$0x3F8E]  }
0x29: {  	s4 =	sld [smem:$0x3F90]  }
0x2a: {  	p0 =	seq.s32 s5, $0x0;
	s5 =	sld [smem:$0x3F91]  }
0x2b: {  	s6 =	sld [smem:$0x3F92]  }
0x2c: {  	s7 =	sld [smem:$0x3F93]  }
0x2d: {  	s3 =	simm.s32 $0x108;
	s8 =	sld [smem:$0x3F94]  }
0x2e: {  	s3 =	simm.s32 @!p0 $0x1082;
	s9 =	sld [smem:$0x3F95]  }
0x2f: {  	lr =	sadd.s32 s0, s3;
	s0 =	sld [smem:$0x3F8C]  }
0x30: {  	s3 =	sld [smem:$0x3F8F]  }
0x31: {  	[smem:$0x3F98] =	sst s10  }
0x32: {  	s10 =	sld [smem:$0x3F96];
	_ =	sdelay $0x3  }
0x33: {  	p0 =	seq.s32 s10, $0x1;
	s10 =	sld [smem:$0x3F98];
	_ =	sdelay $0x3  }
0x34: {  	[smem:$0x3F98] =	sst s10  }
0x35: {  	s10 =	sld [smem:$0x3F97];
	_ =	sdelay $0x3  }
0x36: {  	p1 =	seq.s32 s10, $0x1;
	s10 =	sld [smem:$0x3F98];
	_ =	sdelay $0x3  }
0x37: {  	[smem:$0x3F98] =	sst s10  }
0x38: {  	s10 =	sld [smem:$0x3F99]  }
0x39: {  	_ = 	snop;
	(pc) =	sbr.ind lr, $3  }
0x3a: {  	_ = 	snop  }
0x3b: {  	_ = 	snop  }
0x3c: {  	p2 =	seq.s32 s10, $0x1;
	s10 =	sld [smem:$0x3F98]  }
0x3d: {  	_ =	shalt  }
0x3e: {  	_ =	shalt  }
0x3f: {  	_ =	shalt  }
0x40: {  	_ =	shalt  }
0x41: {  	_ =	shalt  }
0x42: {  	_ =	shalt  }
0x43: {  	_ =	shalt  }
0x44: {  	_ =	shalt  }
0x45: {  	_ =	shalt  }
0x46: {  	_ =	shalt  }
0x47: {  	_ =	shalt  }
0x48: {  	_ =	shalt  }
0x49: {  	_ =	shalt  }
0x4a: {  	_ =	shalt  }
0x4b: {  	_ =	shalt  }
0x4c: {  	_ =	shalt  }
0x4d: {  	_ =	shalt  }
0x4e: {  	_ =	shalt  }
0x4f: {  	_ =	shalt  }
0x50: {  	_ =	shalt  }
0x51: {  	_ =	shalt  }
0x52: {  	_ =	shalt  }
0x53: {  	_ =	shalt  }
0x54: {  	_ =	shalt  }
0x55: {  	_ =	shalt  }
0x56: {  	_ =	shalt  }
0x57: {  	_ =	shalt  }
0x58: {  	_ =	shalt  }
0x59: {  	_ =	shalt  }
0x5a: {  	_ =	shalt  }
0x5b: {  	_ =	shalt  }
0x5c: {  	_ =	shalt  }
0x5d: {  	_ =	shalt  }
0x5e: {  	_ =	shalt  }
0x5f: {  	_ =	shalt  }
0x60: {  	_ =	shalt  }
0x61: {  	_ =	shalt  }
0x62: {  	_ =	shalt  }
0x63: {  	_ =	shalt  }
0x64: {  	_ =	shalt  }
0x65: {  	_ =	shalt  }
0x66: {  	_ =	shalt  }
0x67: {  	_ =	shalt  }
0x68: {  	_ =	shalt  }
0x69: {  	_ =	shalt  }
0x6a: {  	_ =	shalt  }
0x6b: {  	_ =	shalt  }
0x6c: {  	_ =	shalt  }
0x6d: {  	_ =	shalt  }
0x6e: {  	_ =	shalt  }
0x6f: {  	_ =	shalt  }
0x70: {  	_ =	shalt  }
0x71: {  	_ =	shalt  }
0x72: {  	_ =	shalt  }
0x73: {  	_ =	shalt  }
0x74: {  	_ =	shalt  }
0x75: {  	_ =	shalt  }
0x76: {  	_ =	shalt  }
0x77: {  	_ =	shalt  }
0x78: {  	_ =	shalt  }
0x79: {  	_ =	shalt  }
0x7a: {  	_ =	shalt  }
0x7b: {  	_ =	shalt  }
0x7c: {  	_ =	shalt  }
0x7d: {  	_ =	shalt  }
0x7e: {  	_ =	shalt  }
0x7f: {  	_ =	shalt  }
0x80: {  	_ =	shalt  }
0x81: {  	_ =	shalt  }
0x82: {  	_ =	shalt  }
0x83: {  	_ =	shalt  }
0x84: {  	_ =	shalt  }
0x85: {  	_ =	shalt  }
0x86: {  	_ =	shalt  }
0x87: {  	_ =	shalt  }
.Lfunc_end0:
.L_simem_size_0:
called_computation.1_lowered:
.L_overlay_start_0:
0x88: {  	s2 =	sld [smem:$0x3FD9]  }
0x89: {  	s3 =	sld [smem:$0x3FFE];
	_ =	sdelay $0x1  }
0x8a: {  	s1 =	srdreg.scid  }
0x8b: {  	s0 =	sand.u32 $0x1, s1  }
0x8c: {  	s16 =	sshll.u32 s0, $0xA;
	s2 =	sadd.s32 s3, s2  }
0x8d: {  	s2 =	sadd.s32 s2, s16  }
0x8e: {  	[smem:$0x3FA4] =	sst s2  }
0x8f: {  	_ = 	snop  }
0x90: {  	(tm) =	ssettm $0x1  }
0x91: {  	s17 =	sld [smem:$0x3FFB];
	_ =	sdelay $0x3  }
0x92: {  	_ =	strace s17  }
0x93: {  	s2 =	sld [smem:$0x3FFC];
	_ =	sdelay $0x3  }
0x94: {  	_ =	strace s2  }
0x95: {  	s2 =	sld [smem:$0x3FFD];
	_ =	sdelay $0x3  }
0x96: {  	_ =	strace s2  }
0x97: {  	_ =	strace $0x8FFFFFFF  }
0x98: {  	s18 =	sld [smem:$0x3FDB];
	_ =	sdelay $0x1  }
0x99: {  	s19 =	simm.s32 $_scs_section_size  }
0x9a: {  	s4 =	simm.s32 $_size__tile_overlayer_lowered;
	s5 =	simm.s32 $_tile_overlayer_lowered  }
0x9b: {  	s22 =	simm.s32 $0x1BFF;
	s21 =	sshll.u32 s5, $0x1;
	s2 =	sadd.s32 s19, s18  }
0x9c: {  	s6 =	simm.s32 $0x0;
	s20 =	sshll.u32 s4, $0x1;
	s4 =	sadd.s32 s21, s2  }
0x9d: {  	[timem:s6], [sflag:s22] =	dma.local [hbm:s4], s20  }
0x9e: {  	_ =	swait.ge [sflag:s22], s20  }
0x9f: {  	s3 =	ssub.s32 $0x0, s20;
	[sflag:s22] =	ssyncset.done $0x0  }
0xa0: {  	[sflag:s22] =	ssyncadd.s32 s3;
	_ =	sdelay $0x1  }
0xa1: {  	s23 =	simm.s32 $0x1B8B  }
0xa2: {  	_ =	swait.ge [sflag:s23], $0x1  }
0xa3: {  	[sflag:s23] =	ssyncset.done $0x0  }
0xa4: {  	s25 =	simm.s32 $0x1B8E;
	s24 =	sld [smem:$0x3FFE];
	[sflag:s23] =	ssyncadd.s32 $0xFFFFFFFF  }
0xa5: {  	s26 =	simm.s32 $execute0_lowered;
	[smem:$0x3FD2] =	sst s25  }
0xa6: {  	s4 =	sshll.u32 s26, $0x1;
	_ =	strace $0x80000049;
	[dreg:$0x1] =	wrdreg $0xFFFFFFFF  }
0xa7: {  	s28 =	simm.s32 $_size_execute0_lowered;
	s2 =	sadd.s32 s2, s4;
	[dreg:$0x0] =	wrdreg $0x0  }
0xa8: {  	s4 =	sshll.u32 s28, $0x1;
	[dreg:$0x2] =	wrdreg s2  }
0xa9: {  	[dreg:$0x3] =	wrdreg s4  }
0xaa: {  	[dreg:$0x4] =	wrdreg $0xC0  }
0xab: {  	_ =	task [dreg:s6], $0x5FFFF  }
0xac: {  	[dreg:$0x1] =	wrdreg $0xFFFFFFFF  }
0xad: {  	[dreg:$0x0] =	wrdreg $0x60  }
0xae: {  	[dreg:$0x2] =	wrdreg s24  }
0xaf: {  	[dreg:$0x3] =	wrdreg $0x5F000  }
0xb0: {  	[dreg:$0x4] =	wrdreg $0x9  }
0xb1: {  	_ =	task.clear_ibuf [dreg:s6], $0x5FFFF;
	_ =	strace $0x90000049  }
0xb2: {  	s29 =	simm.s32 $0x9;
	_ =	strace $0x8000004B  }
0xb3: {  	_ =	swait.ge [sflag:s29], $0x1  }
0xb4: {  	[sflag:s29] =	ssyncadd.s32 $0xFFFFFFFF  }
0xb5: {  	_ =	strace $0x9000004B  }
0xb6: {  	_ =	sfence  }
0xb7: {  	s30 =	sld [smem:$0x0];
	_ =	sdelay $0x2  }
0xb8: {  	s31 =	sshll.u32 s1, $0xD;
	s1 =	sshrl.u32 s1, $0x2  }
0xb9: {  	s3 =	sand.u32 $0x4000, s31;
	s1 =	sadd.s32 s1, s30  }
0xba: {  	s0 =	sor.u32 s3, s0;
	s1 =	sshll.u32 s1, $0x11  }
0xbb: {  	s0 =	sor.u32 s1, s0  }
0xbc: {  	s0 =	sadd.s32 $0x8F2B, s0  }
0xbd: {  	[sflag:s0] =	ssyncadd.remote.s32 $0x1  }
0xbe: {  	_ =	sfence.sel $0xFFFF  }
0xbf: {  	[dreg:$0x0] =	wrdreg $0xFFFFFFFF;
	(pc) =	sbr.abs _section_cstart, $3  }
0xc0: {  	[dreg:$0x1] =	wrdreg $0xFFFFFFFF  }
0xc1: {  	_ =	task.clear_ibuf [dreg:s6], $0x2FFFF;
	_ =	strace $0x9FFFFFFF  }
0xc2: {  	(tm) =	ssettm $0x7FFFFFFF  }
0xc3: {  	_ =	shalt  }
tec
execute0_lowered:
.L_overlay_start_1:
0x0: {  	(tag) =	ssettag $0x1  }
0x1: {  	s0 =	rddreg [dreg:$0x0]  }
0x2: {  	s1 =	rddreg [dreg:$0x1]  }
0x3: {  	s18 =	simm.s32 $0x0;
	s2 =	srdreg.scid;
	s8 =	stileid.u32  }
0x4: {  	s11 =	simm.s32 $0x5800;
	s12 =	simm.s32 $0x11;
	s14 =	simm.s32 $0x80  }
0x5: {  	s30 =	simm.s32 $0x4;
	s29 =	simm.s32 $0x3000;
	[smem:$0x7FF] =	sst s18  }
0x6: {  	s4 =	sadd.s32 $0x4C00, s0;
	s3 =	sadd.s32 $0x129E00, s0;
	s24 =	smul.u32 $0x3100, s8  }
0x7: {  	s2 =	sand.u32 $0x1, s2;
	s6 =	sadd.s32 $0x142E00, s0;
	s7 =	smul.u32 $0x31000, s8  }
0x8: {  	s28 =	smul.u32 $0xC800, s8;
	_ =	strace $0x8000004A;
	[dreg:$0x4] =	wrdreg s3  }
0x9: {  	s5 =	ssub.s32 $0x2, s2;
	[dreg:$0x5] =	wrdreg s6;
	s16 =	sor.u32 $0x2, s2  }
0xa: {  	s2 =	sshll.u32 s2, $0x1;
	s25 =	sshrl.u32 s5, $0x1;
	s0 =	sadd.s32 s24, s0  }
0xb: {  	[dreg:$0x6] =	wrdreg s28;
	s31 =	sshrl.u32 s7, $0x2;
	s26 =	ssub.s32 s5, s25  }
0xc: {  	s9 =	sadd.s32 s31, s1;
	s0 =	sadd.s32 s2, s0;
	s5 =	simm.s32 $0x1000  }
0xd: {  	s2 =	simm.s32 $0x2;
	s3 =	smax.u32 s26, $0x1;
	s10 =	sadd.s32 $0x66800, s0  }
0xe: {  	v1 =	vimm.f32 $0.0e+00;
	v0 =	vmov s16;
	s0 =	simm.s32 $0x1;
	s26 =	simm.s32 $0x2800;
	[dreg:$0x7] =	wrdreg s3  }
.LBB2_1:
0xf: {  	[dreg:$0x3] =	wrdreg s18;
	s16 =	simm.s32 $0x0  }
.LBB2_2:
0x10: {  	p0 =	sne.s32 s16, $0x1BC0  }
.Ltmp0:
0x11: {  	_ = 	snop;
	(pc) =	sbr.rel @p0 .LBB2_2-.Ltmp0, $3  }
0x12: {  	_ =	sdelay $0x1  }
0x13: {  	s18 =	sshra.s32 s16, $0x2  }
0x14: {  	s16 =	sadd.s32 $0x40, s16;
	[tilespmem:s18+$0x5800] =	vst v1  }
0x15: {  	s16 =	sadd.s32 $0x0, s9  }
0x16: {  	[spmem:s16] =	stream.linear.scatter [tilespmem:s11], [sflag:$0x11], $0x700, $0x38;
	[tilespmem:$0x12300] =	vst v63  }
0x17: {  	s16 =	simm.s32 $0x1C00;
	_ =	swait.ge [sflag:s12], $0x700  }
.LBB2_4:
0x18: {  	s18 =	sshra.s32 s16, $0x2;
	[sflag:s12] =	ssyncset.done $0x0;
	p0 =	sne.s32 s16, $0x2F400  }
.Ltmp1:
0x19: {  	s18 =	sadd.s32 s18, s9;
	[sflag:s12] =	ssyncadd.s32 $0xFFFFF900;
	(pc) =	sbr.rel @p0 .LBB2_4-.Ltmp1, $3  }
0x1a: {  	[spmem:s18] =	stream.linear.scatter [tilespmem:s11], [sflag:$0x11], $0x700, $0x38;
	[tilespmem:$0x12300] =	vst v63  }
0x1b: {  	s16 =	sadd.s32 $0x1C00, s16;
	_ =	sdelay $0x1  }
0x1c: {  	_ =	swait.ge [sflag:s12], $0x700  }
0x1d: {  	[sflag:s12] =	ssyncset.done $0x0  }
0x1e: {  	[sflag:s12] =	ssyncadd.s32 $0xFFFFF900  }
0x1f: {  	s31 =	simm.s32 $0x0;
	[bflag:$0x0] =	sbarrier.arrive $0xFFFF  }
.LBB2_6:
0x20: {  	s18 =	sshll.u32 s31, $0xB;
	s20 =	rddreg [dreg:$0x6]  }
0x21: {  	s18 =	sadd.s32 s20, s18  }
0x22: {  	s3 =	rddreg [dreg:$0x4];
	s18 =	sshrl.u32 s18, $0x3  }
0x23: {  	s1 =	simm.s32 $0x0;
	s25 =	sadd.s32 s3, s18  }
0x24: {  	[tilespmem:s1], [sflag:$0x11] =	stream.linear.gather [hbm4b:s25+s1], $0x800, $0x38;
	[tilespmem:$0x12300] =	vst v63  }
0x25: {  	_ =	swait.ge [sflag:s12], $0x800  }
0x26: {  	[sflag:s12] =	ssyncset.done $0x0;
	s28 =	rddreg [dreg:$0x5]  }
0x27: {  	[sflag:s12] =	ssyncadd.s32 $0xFFFFF800;
	s18 =	sadd.s32 s28, s18  }
0x28: {  	[tilespmem:s5], [sflag:$0x11] =	stream.linear.gather [hbm4b:s18+s1], $0x800, $0x38;
	[tilespmem:$0x12300] =	vst v63  }
0x29: {  	_ =	swait.ge [sflag:s12], $0x800  }
0x2a: {  	[sflag:s12] =	ssyncset.done $0x0  }
0x2b: {  	s20 =	simm.s32 $0x0;
	[sflag:s12] =	ssyncadd.s32 $0xFFFFF800  }
0x2c: {  	v2 =	vld [tilespmem:s20+$0x70]  }
0x2d: {  	v4 =	vld [tilespmem:s20+$0x0]  }
0x2e: {  	v8 =	vld [tilespmem:s20+$0x10]  }
0x2f: {  	v6 =	vld [tilespmem:s20+$0x20]  }
0x30: {  	v5 =	vld [tilespmem:s20+$0x30]  }
0x31: {  	v3 =	vld [tilespmem:s20+$0x40];
	v7 =	vshll.u32 v2, $0x2  }
0x32: {  	v2 =	vld [tilespmem:s20+$0x50];
	v9 =	vshll.u32 v4, $0x2;
	v10 =	vor.u32 v0, v7  }
0x33: {  	s22 =	simm.s32 $0x400;
	s18 =	simm.s32 $0x80;
	v4 =	vld [tilespmem:s20+$0x60];
	v8 =	vshll.u32 v8, $0x2;
	v7 =	vor.u32 v0, v9;
	[tilespmem:s20+$0x870] =	vst v10  }
.LBB2_7:
0x34: {  	p0 =	sne.s32 s22, $0x1E00;
	v9 =	vld [tilespmem:s18+$0x70];
	[tilespmem:s20+$0x800] =	vst v7;
	v7 =	vor.u32 v0, v8;
	v6 =	vshll.u32 v6, $0x2  }
0x35: {  	v8 =	vld [tilespmem:s18+$0x0];
	[tilespmem:s20+$0x810] =	vst v7;
	v6 =	vor.u32 v0, v6;
	v5 =	vshll.u32 v5, $0x2  }
0x36: {  	v10 =	vld [tilespmem:s18+$0x10];
	[tilespmem:s20+$0x820] =	vst v6;
	v5 =	vor.u32 v0, v5;
	v3 =	vshll.u32 v3, $0x2  }
.Ltmp2:
0x37: {  	v6 =	vld [tilespmem:s18+$0x20];
	[tilespmem:s20+$0x830] =	vst v5;
	v3 =	vor.u32 v0, v3;
	v2 =	vshll.u32 v2, $0x2;
	(pc) =	sbr.rel @p0 .LBB2_7-.Ltmp2, $4  }
0x38: {  	v5 =	vld [tilespmem:s18+$0x30];
	[tilespmem:s20+$0x840] =	vst v3;
	v2 =	vor.u32 v0, v2;
	v4 =	vshll.u32 v4, $0x2  }
0x39: {  	v3 =	vld [tilespmem:s18+$0x40];
	v7 =	vshll.u32 v9, $0x2;
	[tilespmem:s20+$0x850] =	vst v2;
	v4 =	vor.u32 v0, v4  }
0x3a: {  	v8 =	vshll.u32 v8, $0x2;
	v2 =	vld [tilespmem:s18+$0x50];
	v9 =	vor.u32 v0, v7;
	[tilespmem:s20+$0x860] =	vst v4;
	s20 =	smov.u32 s18  }
0x3b: {  	s18 =	sshra.s32 s22, $0x2;
	s22 =	sadd.s32 $0x200, s22;
	v7 =	vor.u32 v0, v8;
	v8 =	vshll.u32 v10, $0x2;
	v4 =	vld [tilespmem:s20+$0x60];
	[tilespmem:s20+$0x870] =	vst v9  }
0x3c: {  	v9 =	vld [tilespmem:s18+$0x70];
	[tilespmem:s20+$0x800] =	vst v7;
	v60 =	vor.u32 v0, v8;
	v6 =	vshll.u32 v6, $0x2  }
0x3d: {  	v61 =	vld [tilespmem:s18+$0x0];
	[tilespmem:s20+$0x810] =	vst v60;
	v6 =	vor.u32 v0, v6;
	v5 =	vshll.u32 v5, $0x2  }
0x3e: {  	v7 =	vld [tilespmem:s18+$0x10];
	[tilespmem:s20+$0x820] =	vst v6;
	v5 =	vor.u32 v0, v5;
	v3 =	vshll.u32 v3, $0x2  }
0x3f: {  	v6 =	vld [tilespmem:s18+$0x20];
	[tilespmem:s20+$0x830] =	vst v5;
	v3 =	vor.u32 v0, v3;
	v2 =	vshll.u32 v2, $0x2  }
0x40: {  	v5 =	vld [tilespmem:s18+$0x30];
	[tilespmem:s20+$0x840] =	vst v3;
	v2 =	vor.u32 v0, v2;
	v4 =	vshll.u32 v4, $0x2  }
0x41: {  	v3 =	vld [tilespmem:s18+$0x40];
	[tilespmem:s20+$0x850] =	vst v2;
	v2 =	vor.u32 v0, v4  }
0x42: {  	v62 =	vld [tilespmem:s18+$0x50];
	[tilespmem:s20+$0x860] =	vst v2;
	v2 =	vshll.u32 v9, $0x2  }
0x43: {  	v8 =	vshll.u32 v61, $0x2;
	v2 =	vor.u32 v0, v2  }
0x44: {  	v63 =	vld [tilespmem:s18+$0x60];
	v8 =	vor.u32 v0, v8;
	v7 =	vshll.u32 v7, $0x2;
	[tilespmem:s18+$0x870] =	vst v2  }
0x45: {  	[tilespmem:s18+$0x800] =	vst v8;
	v2 =	vor.u32 v0, v7;
	v6 =	vshll.u32 v6, $0x2  }
0x46: {  	[tilespmem:s18+$0x810] =	vst v2;
	v2 =	vor.u32 v0, v6;
	v5 =	vshll.u32 v5, $0x2  }
0x47: {  	[tilespmem:s18+$0x820] =	vst v2;
	v2 =	vor.u32 v0, v5;
	v3 =	vshll.u32 v3, $0x2  }
0x48: {  	[tilespmem:s18+$0x830] =	vst v2;
	v2 =	vor.u32 v0, v3;
	v3 =	vshll.u32 v62, $0x2  }
0x49: {  	[tilespmem:s18+$0x840] =	vst v2;
	v2 =	vor.u32 v0, v3;
	v3 =	vshll.u32 v63, $0x2  }
0x4a: {  	[tilespmem:s18+$0x850] =	vst v2;
	v2 =	vor.u32 v0, v3  }
0x4b: {  	s16 =	simm.s32 $0x800;
	s20 =	simm.s32 $0x1800;
	[tilespmem:s18+$0x860] =	vst v2  }
0x4c: {  	[tilespmem:s20], [sflag:$0x1] =	stream.indirect.gather [hbm4b:s4+s14], $0x10, s16, s14, $0xb8;
	[tilespmem:$0x12300] =	vst v63  }
0x4d: {  	s17 =	simm.s32 $0x880;
	s24 =	simm.s32 $0x2000  }
0x4e: {  	[tilespmem:s24], [sflag:$0x2] =	stream.indirect.gather [hbm4b:s4+s14], $0x10, s17, s14, $0xb8;
	[tilespmem:$0x12300] =	vst v63  }
0x4f: {  	s19 =	simm.s32 $0x900  }
0x50: {  	[tilespmem:s26], [sflag:$0x3] =	stream.indirect.gather [hbm4b:s4+s14], $0x10, s19, s14, $0xb8;
	[tilespmem:$0x12300] =	vst v63  }
0x51: {  	s21 =	simm.s32 $0x980  }
0x52: {  	[tilespmem:s29], [sflag:$0x4] =	stream.indirect.gather [hbm4b:s4+s14], $0x10, s21, s14, $0xb8;
	[tilespmem:$0x12300] =	vst v63  }
0x53: {  	s22 =	simm.s32 $0xA00;
	s3 =	simm.s32 $0x3800  }
0x54: {  	[tilespmem:s3], [sflag:$0x5] =	stream.indirect.gather [hbm4b:s4+s14], $0x10, s22, s14, $0xb8;
	[tilespmem:$0x12300] =	vst v63  }
0x55: {  	s23 =	simm.s32 $0xA80;
	s1 =	simm.s32 $0x4000  }
0x56: {  	[tilespmem:s1], [sflag:$0x6] =	stream.indirect.gather [hbm4b:s4+s14], $0x10, s23, s14, $0xb8;
	[tilespmem:$0x12300] =	vst v63  }
0x57: {  	s25 =	simm.s32 $0xB00;
	s28 =	simm.s32 $0x4800  }
0x58: {  	[tilespmem:s28], [sflag:$0x7] =	stream.indirect.gather [hbm4b:s4+s14], $0x10, s25, s14, $0xb8;
	[tilespmem:$0x12300] =	vst v63  }
0x59: {  	s5 =	simm.s32 $0xB80;
	s6 =	simm.s32 $0x5000  }
0x5a: {  	[tilespmem:s6], [sflag:$0x8] =	stream.indirect.gather [hbm4b:s4+s14], $0x10, s5, s14, $0xb8;
	[tilespmem:$0x12300] =	vst v63  }
0x5b: {  	_ =	swait.ge [sflag:s0], $0x800  }
0x5c: {  	[sflag:s0] =	ssyncset.done $0x0  }
0x5d: {  	[sflag:s0] =	ssyncadd.s32 $0xFFFFF800  }
0x5e: {  	s7 =	simm.s32 $0x1000;
	s18 =	simm.s32 $0x9;
	s22 =	rddreg [dreg:$0x1]  }
0x5f: {  	[spmem:s22] =	stream.indirect.scatter.add.f32 [tilespmem:s20], [sflag:$0x9], $0x10, s7, s14, $0xb8;
	[tilespmem:$0x12300] =	vst v63  }
0x60: {  	_ =	swait.ge [sflag:s18], $0x800  }
0x61: {  	[sflag:s18] =	ssyncset.done $0x0  }
0x62: {  	s25 =	simm.s32 $0xC00;
	[sflag:s18] =	ssyncadd.s32 $0xFFFFF800  }
0x63: {  	[tilespmem:s20], [sflag:$0x1] =	stream.indirect.gather [hbm4b:s4+s14], $0x10, s25, s14, $0xb8;
	[tilespmem:$0x12300] =	vst v63  }
0x64: {  	_ =	swait.ge [sflag:s2], $0x800  }
0x65: {  	[sflag:s2] =	ssyncset.done $0x0  }
0x66: {  	s8 =	simm.s32 $0x1080;
	s25 =	simm.s32 $0xA;
	[sflag:s2] =	ssyncadd.s32 $0xFFFFF800  }
0x67: {  	[spmem:s22] =	stream.indirect.scatter.add.f32 [tilespmem:s24], [sflag:$0xA], $0x10, s8, s14, $0xb8;
	[tilespmem:$0x12300] =	vst v63  }
0x68: {  	_ =	swait.ge [sflag:s25], $0x800  }
0x69: {  	[sflag:s25] =	ssyncset.done $0x0  }
0x6a: {  	s15 =	simm.s32 $0xC80;
	[sflag:s25] =	ssyncadd.s32 $0xFFFFF800  }
0x6b: {  	[tilespmem:s24], [sflag:$0x2] =	stream.indirect.gather [hbm4b:s4+s14], $0x10, s15, s14, $0xb8;
	[tilespmem:$0x12300] =	vst v63  }
0x6c: {  	s15 =	simm.s32 $0x3  }
0x6d: {  	_ =	swait.ge [sflag:s15], $0x800  }
0x6e: {  	[sflag:s15] =	ssyncset.done $0x0  }
0x6f: {  	s23 =	simm.s32 $0x1100;
	[sflag:s15] =	ssyncadd.s32 $0xFFFFF800  }
0x70: {  	[spmem:s22] =	stream.indirect.scatter.add.f32 [tilespmem:s26], [sflag:$0xB], $0x10, s23, s14, $0xb8;
	[tilespmem:$0x12300] =	vst v63  }
0x71: {  	s23 =	simm.s32 $0xB  }
0x72: {  	_ =	swait.ge [sflag:s23], $0x800  }
0x73: {  	[sflag:s23] =	ssyncset.done $0x0  }
0x74: {  	s8 =	simm.s32 $0xD00;
	[sflag:s23] =	ssyncadd.s32 $0xFFFFF800  }
0x75: {  	[tilespmem:s26], [sflag:$0x3] =	stream.indirect.gather [hbm4b:s4+s14], $0x10, s8, s14, $0xb8;
	[tilespmem:$0x12300] =	vst v63  }
0x76: {  	_ =	swait.ge [sflag:s30], $0x800  }
0x77: {  	[sflag:s30] =	ssyncset.done $0x0  }
0x78: {  	s13 =	simm.s32 $0x1180;
	s8 =	simm.s32 $0xC;
	[sflag:s30] =	ssyncadd.s32 $0xFFFFF800  }
0x79: {  	[spmem:s22] =	stream.indirect.scatter.add.f32 [tilespmem:s29], [sflag:$0xC], $0x10, s13, s14, $0xb8;
	[tilespmem:$0x12300] =	vst v63  }
0x7a: {  	_ =	swait.ge [sflag:s8], $0x800  }
0x7b: {  	[sflag:s8] =	ssyncset.done $0x0  }
0x7c: {  	s28 =	simm.s32 $0xD80;
	[sflag:s8] =	ssyncadd.s32 $0xFFFFF800  }
0x7d: {  	[tilespmem:s29], [sflag:$0x4] =	stream.indirect.gather [hbm4b:s4+s14], $0x10, s28, s14, $0xb8;
	[tilespmem:$0x12300] =	vst v63  }
0x7e: {  	s28 =	simm.s32 $0x5  }
0x7f: {  	_ =	swait.ge [sflag:s28], $0x800  }
0x80: {  	[sflag:s28] =	ssyncset.done $0x0  }
0x81: {  	s19 =	simm.s32 $0x1200;
	[sflag:s28] =	ssyncadd.s32 $0xFFFFF800  }
0x82: {  	[spmem:s22] =	stream.indirect.scatter.add.f32 [tilespmem:s3], [sflag:$0xD], $0x10, s19, s14, $0xb8;
	[tilespmem:$0x12300] =	vst v63  }
0x83: {  	s19 =	simm.s32 $0xD  }
0x84: {  	_ =	swait.ge [sflag:s19], $0x800  }
0x85: {  	[sflag:s19] =	ssyncset.done $0x0  }
0x86: {  	s5 =	simm.s32 $0xE00;
	[sflag:s19] =	ssyncadd.s32 $0xFFFFF800  }
0x87: {  	[tilespmem:s3], [sflag:$0x5] =	stream.indirect.gather [hbm4b:s4+s14], $0x10, s5, s14, $0xb8;
	[tilespmem:$0x12300] =	vst v63  }
0x88: {  	s5 =	simm.s32 $0x6  }
0x89: {  	_ =	swait.ge [sflag:s5], $0x800  }
0x8a: {  	[sflag:s5] =	ssyncset.done $0x0  }
0x8b: {  	s16 =	simm.s32 $0x4000;
	s6 =	simm.s32 $0x1280;
	[sflag:s5] =	ssyncadd.s32 $0xFFFFF800  }
0x8c: {  	[spmem:s22] =	stream.indirect.scatter.add.f32 [tilespmem:s16], [sflag:$0xE], $0x10, s6, s14, $0xb8;
	[tilespmem:$0x12300] =	vst v63  }
0x8d: {  	s6 =	simm.s32 $0xE  }
0x8e: {  	_ =	swait.ge [sflag:s6], $0x800  }
0x8f: {  	[sflag:s6] =	ssyncset.done $0x0  }
0x90: {  	s7 =	simm.s32 $0xE80;
	[sflag:s6] =	ssyncadd.s32 $0xFFFFF800  }
0x91: {  	[tilespmem:s16], [sflag:$0x6] =	stream.indirect.gather [hbm4b:s4+s14], $0x10, s7, s14, $0xb8;
	[tilespmem:$0x12300] =	vst v63  }
0x92: {  	s7 =	simm.s32 $0x7  }
0x93: {  	_ =	swait.ge [sflag:s7], $0x800  }
0x94: {  	[sflag:s7] =	ssyncset.done $0x0  }
0x95: {  	s13 =	simm.s32 $0x1300;
	s16 =	simm.s32 $0x4800;
	[sflag:s7] =	ssyncadd.s32 $0xFFFFF800  }
0x96: {  	[spmem:s22] =	stream.indirect.scatter.add.f32 [tilespmem:s16], [sflag:$0xF], $0x10, s13, s14, $0xb8;
	[tilespmem:$0x12300] =	vst v63  }
0x97: {  	s13 =	simm.s32 $0xF  }
0x98: {  	_ =	swait.ge [sflag:s13], $0x800  }
0x99: {  	[sflag:s13] =	ssyncset.done $0x0  }
0x9a: {  	s17 =	simm.s32 $0xF00;
	s1 =	simm.s32 $0x8;
	[sflag:s13] =	ssyncadd.s32 $0xFFFFF800  }
0x9b: {  	[tilespmem:s16], [sflag:$0x7] =	stream.indirect.gather [hbm4b:s4+s14], $0x10, s17, s14, $0xb8;
	[tilespmem:$0x12300] =	vst v63  }
0x9c: {  	_ =	swait.ge [sflag:s1], $0x800  }
0x9d: {  	[sflag:s1] =	ssyncset.done $0x0  }
0x9e: {  	s21 =	simm.s32 $0x1380;
	s16 =	simm.s32 $0x5000;
	[sflag:s1] =	ssyncadd.s32 $0xFFFFF800  }
0x9f: {  	[spmem:s22] =	stream.indirect.scatter.add.f32 [tilespmem:s16], [sflag:$0x10], $0x10, s21, s14, $0xb8;
	[tilespmem:$0x12300] =	vst v63  }
0xa0: {  	s21 =	simm.s32 $0x10  }
0xa1: {  	_ =	swait.ge [sflag:s21], $0x800  }
0xa2: {  	[sflag:s21] =	ssyncset.done $0x0  }
0xa3: {  	s17 =	simm.s32 $0xF80;
	[sflag:s21] =	ssyncadd.s32 $0xFFFFF800  }
0xa4: {  	[tilespmem:s16], [sflag:$0x8] =	stream.indirect.gather [hbm4b:s4+s14], $0x10, s17, s14, $0xb8;
	[tilespmem:$0x12300] =	vst v63  }
0xa5: {  	_ =	swait.ge [sflag:s0], $0x800  }
0xa6: {  	[sflag:s0] =	ssyncset.done $0x0  }
0xa7: {  	s17 =	simm.s32 $0x1400;
	[sflag:s0] =	ssyncadd.s32 $0xFFFFF800  }
0xa8: {  	[spmem:s22] =	stream.indirect.scatter.add.f32 [tilespmem:s20], [sflag:$0x9], $0x10, s17, s14, $0xb8;
	[tilespmem:$0x12300] =	vst v63  }
0xa9: {  	_ =	swait.ge [sflag:s2], $0x800  }
0xaa: {  	[sflag:s2] =	ssyncset.done $0x0  }
0xab: {  	s20 =	simm.s32 $0x1480;
	[sflag:s2] =	ssyncadd.s32 $0xFFFFF800  }
0xac: {  	[spmem:s22] =	stream.indirect.scatter.add.f32 [tilespmem:s24], [sflag:$0xA], $0x10, s20, s14, $0xb8;
	[tilespmem:$0x12300] =	vst v63  }
0xad: {  	_ =	swait.ge [sflag:s15], $0x800  }
0xae: {  	[sflag:s15] =	ssyncset.done $0x0  }
0xaf: {  	s20 =	simm.s32 $0x1500;
	[sflag:s15] =	ssyncadd.s32 $0xFFFFF800  }
0xb0: {  	[spmem:s22] =	stream.indirect.scatter.add.f32 [tilespmem:s26], [sflag:$0xB], $0x10, s20, s14, $0xb8;
	[tilespmem:$0x12300] =	vst v63  }
0xb1: {  	_ =	swait.ge [sflag:s30], $0x800  }
0xb2: {  	[sflag:s30] =	ssyncset.done $0x0  }
0xb3: {  	s24 =	simm.s32 $0x1580;
	[sflag:s30] =	ssyncadd.s32 $0xFFFFF800  }
0xb4: {  	[spmem:s22] =	stream.indirect.scatter.add.f32 [tilespmem:s29], [sflag:$0xC], $0x10, s24, s14, $0xb8;
	[tilespmem:$0x12300] =	vst v63  }
0xb5: {  	_ =	swait.ge [sflag:s28], $0x800  }
0xb6: {  	[sflag:s28] =	ssyncset.done $0x0  }
0xb7: {  	[sflag:s28] =	ssyncadd.s32 $0xFFFFF800;
	s28 =	simm.s32 $0x1600  }
0xb8: {  	[spmem:s22] =	stream.indirect.scatter.add.f32 [tilespmem:s3], [sflag:$0xD], $0x10, s28, s14, $0xb8;
	[tilespmem:$0x12300] =	vst v63  }
0xb9: {  	_ =	swait.ge [sflag:s5], $0x800  }
0xba: {  	[sflag:s5] =	ssyncset.done $0x0  }
0xbb: {  	s17 =	simm.s32 $0x4000;
	s15 =	simm.s32 $0x1680;
	[sflag:s5] =	ssyncadd.s32 $0xFFFFF800  }
0xbc: {  	[spmem:s22] =	stream.indirect.scatter.add.f32 [tilespmem:s17], [sflag:$0xE], $0x10, s15, s14, $0xb8;
	[tilespmem:$0x12300] =	vst v63  }
0xbd: {  	_ =	swait.ge [sflag:s7], $0x800  }
0xbe: {  	[sflag:s7] =	ssyncset.done $0x0  }
0xbf: {  	s20 =	simm.s32 $0x1700;
	s24 =	simm.s32 $0x4800;
	[sflag:s7] =	ssyncadd.s32 $0xFFFFF800  }
0xc0: {  	[spmem:s22] =	stream.indirect.scatter.add.f32 [tilespmem:s24], [sflag:$0xF], $0x10, s20, s14, $0xb8;
	[tilespmem:$0x12300] =	vst v63  }
0xc1: {  	_ =	swait.ge [sflag:s1], $0x800  }
0xc2: {  	[sflag:s1] =	ssyncset.done $0x0  }
0xc3: {  	s16 =	simm.s32 $0x5000;
	s28 =	simm.s32 $0x1780;
	[sflag:s1] =	ssyncadd.s32 $0xFFFFF800  }
0xc4: {  	[spmem:s22] =	stream.indirect.scatter.add.f32 [tilespmem:s16], [sflag:$0x10], $0x10, s28, s14, $0xb8;
	[tilespmem:$0x12300] =	vst v63  }
0xc5: {  	_ =	swait.ge [sflag:s18], $0x800  }
0xc6: {  	[sflag:s18] =	ssyncset.done $0x0  }
0xc7: {  	[sflag:s18] =	ssyncadd.s32 $0xFFFFF800  }
0xc8: {  	_ =	swait.ge [sflag:s25], $0x800  }
0xc9: {  	[sflag:s25] =	ssyncset.done $0x0  }
0xca: {  	[sflag:s25] =	ssyncadd.s32 $0xFFFFF800  }
0xcb: {  	_ =	swait.ge [sflag:s23], $0x800  }
0xcc: {  	[sflag:s23] =	ssyncset.done $0x0  }
0xcd: {  	[sflag:s23] =	ssyncadd.s32 $0xFFFFF800  }
0xce: {  	_ =	swait.ge [sflag:s8], $0x800  }
0xcf: {  	[sflag:s8] =	ssyncset.done $0x0  }
0xd0: {  	[sflag:s8] =	ssyncadd.s32 $0xFFFFF800  }
0xd1: {  	_ =	swait.ge [sflag:s19], $0x800  }
0xd2: {  	[sflag:s19] =	ssyncset.done $0x0  }
0xd3: {  	[sflag:s19] =	ssyncadd.s32 $0xFFFFF800  }
0xd4: {  	_ =	swait.ge [sflag:s6], $0x800  }
0xd5: {  	[sflag:s6] =	ssyncset.done $0x0  }
0xd6: {  	s31 =	sadd.s32 $0x1, s31;
	[sflag:s6] =	ssyncadd.s32 $0xFFFFF800  }
0xd7: {  	p0 =	sne.s32 s31, $0x19;
	_ =	swait.ge [sflag:s13], $0x800  }
.Ltmp3:
0xd8: {  	[sflag:s13] =	ssyncset.done $0x0;
	(pc) =	sbr.rel @p0 .LBB2_6-.Ltmp3, $4  }
0xd9: {  	[sflag:s13] =	ssyncadd.s32 $0xFFFFF800  }
0xda: {  	_ =	swait.ge [sflag:s21], $0x800  }
0xdb: {  	[sflag:s21] =	ssyncset.done $0x0  }
0xdc: {  	s5 =	simm.s32 $0x1000;
	[sflag:s21] =	ssyncadd.s32 $0xFFFFF800  }
0xdd: {  	s16 =	stileid.u32  }
0xde: {  	[bflag:$0x0] =	sbarrier.arrive $0xFFFF;
	s16 =	sshll.u32 s16, $0x6  }
0xdf: {  	s18 =	sadd.s32 $0x0, s10;
	s20 =	sshrl.u32 s9, $0x3;
	s16 =	sor.u32 $0x1C11, s16  }
0xe0: {  	[hbm:s18@s30], [sflag:s16] =	dma.strided [spmem:s20@s2], $0xE0, s0, $0x2   }
0xe1: {  	s18 =	simm.s32 $0x1C0;
	s20 =	sadd.s32 $0x700, s9;
	_ =	swait.ge [sflag:s12], $0xE0  }
.LBB2_10:
0xe2: {  	s22 =	sadd.s32 s18, s10;
	[sflag:s12] =	ssyncset.done $0x0;
	p0 =	sne.s32 s18, $0x2F40  }
.Ltmp4:
0xe3: {  	s24 =	sshrl.u32 s20, $0x3;
	[sflag:s12] =	ssyncadd.s32 $0xFFFFFF20;
	(pc) =	sbr.rel @p0 .LBB2_10-.Ltmp4, $3  }
0xe4: {  	[hbm:s22@s30], [sflag:s16] =	dma.strided [spmem:s24@s2], $0xE0, s0, $0x2   }
0xe5: {  	s18 =	sadd.s32 $0x1C0, s18;
	_ =	sdelay $0x1  }
0xe6: {  	s20 =	sadd.s32 $0x700, s20;
	_ =	swait.ge [sflag:s12], $0xE0  }
0xe7: {  	s18 =	rddreg [dreg:$0x3]  }
0xe8: {  	s16 =	rddreg [dreg:$0x7];
	s18 =	sadd.s32 $0x1, s18  }
0xe9: {  	p0 =	sne.s32 s18, s16  }
.Ltmp5:
0xea: {  	_ = 	snop;
	(pc) =	sbr.rel @p0 .LBB2_1-.Ltmp5, $3  }
0xeb: {  	_ =	sdelay $0x1  }
0xec: {  	[sflag:s12] =	ssyncset.done $0x0  }
0xed: {  	s5 =	simm.s32 $0x1000;
	[sflag:s12] =	ssyncadd.s32 $0xFFFFFF20  }
0xee: {  	_ =	sfence.sel $0x180000  }
0xef: {  	[bflag:$0x0] =	sbarrier.arrive $0xFFFF  }
0xf0: {  	_ =	strace $0x9000004A  }
0xf1: {  	s0 =	stileid.u32;
	[bflag:$0x2] =	sbarrier.arrive $0xFFFF  }
0xf2: {  	p0 =	sne.s32 s0, $0x0;
	s0 =	rddreg [dreg:$0x2]  }
0xf3: {  	s0 =	sadd.s32 @!p0 $0x100000, s0  }
0xf4: {  	[sflag:s0] =	ssyncadd.tile.s32 @!p0 $0x1;
	_ =	shalt  }
.Lfunc_end2:
_tile_overlayer_lowered:
.L_overlay_start_2:
0xf5: {  	(tag) =	ssettag $0x2  }
0xf6: {  	s0 =	rddreg [dreg:$0x0];
	s2 =	stileid.u32  }
0xf7: {  	s1 =	rddreg [dreg:$0x1];
	p0 =	sne.s32 s2, $0x0  }
0xf8: {  	s3 =	rddreg [dreg:$0x2];
	[bflag:$0x3] =	sbarrier.arrive $0xFFFF;
	s2 =	simm.s32 @!p0 $0x1C11  }
0xf9: {  	[timem:s3], [sflag:s2] =	dma.local @!p0 [hbm:s0], s1  }
0xfa: {  	s0 =	simm.s32 @!p0 $0x11  }
0xfb: {  	_ =	swait.ge @!p0 [sflag:s0], s1  }
0xfc: {  	s1 =	ssub.s32 @!p0 $0x0, s1;
	[sflag:s0] =	ssyncset.done @!p0 $0x0  }
0xfd: {  	[sflag:s0] =	ssyncadd.s32 @!p0 s1  }
0xfe: {  	[bflag:$0x3] =	sbarrier.arrive $0xFFFF  }
0xff: {  	_ =	shalt  }

// kernel: kernel.15.cloned.1.call-start
scs
__scs_entry_jumppad:
0x0: {  	(pc) =	sbr.rel $0x88, $3  }
0x1: {  	(tag) =	ssettag $0x0;
	lr =	simm.s32 $0x1  }
0x2: {  	[smem:$0x3F7D] =	sst lr;
	_ =	strace $0xD0000000  }
0x3: {  	_ = 	snop  }
0x4: {  	_ = 	snop  }
0x5: {  	_ = 	snop  }
0x6: {  	_ = 	snop  }
0x7: {  	_ = 	snop  }
__scs_overlays_trampoline_lowered:
0x8: {  	[smem:$0x3F8C] =	sst s0  }
0x9: {  	[smem:$0x3F8D] =	sst s1  }
0xa: {  	[smem:$0x3F8E] =	sst s2  }
0xb: {  	[smem:$0x3F8F] =	sst s3  }
0xc: {  	[smem:$0x3F90] =	sst s4  }
0xd: {  	[smem:$0x3F91] =	sst s5  }
0xe: {  	[smem:$0x3F92] =	sst s6  }
0xf: {  	[smem:$0x3F93] =	sst s7  }
0x10: {  	[smem:$0x3F94] =	sst s8  }
0x11: {  	[smem:$0x3F95] =	sst s9;
	s0 =	simm.s32 @!p0 $0x0  }
0x12: {  	s1 =	sld [smem:$0x3F7B];
	s0 =	simm.s32 @p0 $0x1  }
0x13: {  	[smem:$0x3F96] =	sst s0;
	s0 =	simm.s32 @!p1 $0x0  }
0x14: {  	s2 =	sld [smem:$0x3F7A];
	s0 =	simm.s32 @p1 $0x1  }
0x15: {  	[smem:$0x3F97] =	sst s0;
	s0 =	simm.s32 @!p2 $0x0  }
0x16: {  	s3 =	sld [smem:$0x3FDB];
	s0 =	simm.s32 @p2 $0x1  }
0x17: {  	s4 =	simm.s32 $0x1BF5;
	[smem:$0x3F99] =	sst s0  }
0x18: {  	s0 =	sld [smem:$0x3F7C];
	_ =	swait.ge [sflag:s4], $0x0  }
0x19: {  	s7 =	sld [smem:$0x3F7D]  }
0x1a: {  	s8 =	sadd.s32 $0xFFFFE003, lr  }
0x1b: {  	s9 =	sadd.s32 $0xFFFFFEF7, lr;
	s5 =	simm.s32 $0xFFFFFFFF;
	p2 =	slt.u32 s8, $0xFFFFF086  }
0x1c: {  	p1 =	slt.u32 s9, $0xF7A;
	s5 =	simm.s32 @!p2 $0x0  }
0x1d: {  	s5 =	simm.s32 @p1 $0x1;
	p0 =	seq.s32 s7, s2  }
0x1e: {  	s7 =	smul.u32 @!p0 $0xF7A, s2;
	p2 =	seq.s32 @!p0 s5, $0x0  }
0x1f: {  	s9 =	smul.u32 $0xF7A, s1;
	s8 =	simm.s32 @!p0 $0x1BF5;
	p2 =	por !p2, p0  }
0x20: {  	[sflag:s8] =	ssyncset.s32 @!p0 $0xFFFFF086;
	s6 =	sadd.s32 @!p0 s3, s7;
	s7 =	simm.s32 @!p0 $0x108  }
0x21: {  	s3 =	sadd.s32 s3, s9;
	s6 =	sadd.s32 @!p0 $0x88, s6;
	s7 =	simm.s32 @p2 $0x1082  }
0x22: {  	[simem:s7], [sflag:s8] =	dma.local @!p0 [hbm:s6], $0xF7A  }
0x23: {  	s9 =	sor.u32 $0xD0000000, s2;
	s6 =	simm.s32 $0x108;
	_ =	swait.ge @!p0 [sflag:s8], $0x0  }
0x24: {  	s3 =	sadd.s32 $0x88, s3;
	s6 =	simm.s32 @!p1 $0x1082;
	[sflag:s4] =	ssyncset.s32 $0xFFFFF086  }
0x25: {  	[simem:s6], [sflag:s4] =	dma.local [hbm:s3], $0xF7A  }
0x26: {  	[smem:$0x3F7D] =	sst s1;
	(tag) =	ssettag s2;
	_ =	strace s9  }
0x27: {  	s1 =	sld [smem:$0x3F8D]  }
0x28: {  	s2 =	sld [smem:$0x3F8E]  }
0x29: {  	s4 =	sld [smem:$0x3F90]  }
0x2a: {  	p0 =	seq.s32 s5, $0x0;
	s5 =	sld [smem:$0x3F91]  }
0x2b: {  	s6 =	sld [smem:$0x3F92]  }
0x2c: {  	s7 =	sld [smem:$0x3F93]  }
0x2d: {  	s3 =	simm.s32 $0x108;
	s8 =	sld [smem:$0x3F94]  }
0x2e: {  	s3 =	simm.s32 @!p0 $0x1082;
	s9 =	sld [smem:$0x3F95]  }
0x2f: {  	lr =	sadd.s32 s0, s3;
	s0 =	sld [smem:$0x3F8C]  }
0x30: {  	s3 =	sld [smem:$0x3F8F]  }
0x31: {  	[smem:$0x3F98] =	sst s10  }
0x32: {  	s10 =	sld [smem:$0x3F96];
	_ =	sdelay $0x3  }
0x33: {  	p0 =	seq.s32 s10, $0x1;
	s10 =	sld [smem:$0x3F98];
	_ =	sdelay $0x3  }
0x34: {  	[smem:$0x3F98] =	sst s10  }
0x35: {  	s10 =	sld [smem:$0x3F97];
	_ =	sdelay $0x3  }
0x36: {  	p1 =	seq.s32 s10, $0x1;
	s10 =	sld [smem:$0x3F98];
	_ =	sdelay $0x3  }
0x37: {  	[smem:$0x3F98] =	sst s10  }
0x38: {  	s10 =	sld [smem:$0x3F99]  }
0x39: {  	_ = 	snop;
	(pc) =	sbr.ind lr, $3  }
0x3a: {  	_ = 	snop  }
0x3b: {  	_ = 	snop  }
0x3c: {  	p2 =	seq.s32 s10, $0x1;
	s10 =	sld [smem:$0x3F98]  }
0x3d: {  	_ =	shalt  }
0x3e: {  	_ =	shalt  }
0x3f: {  	_ =	shalt  }
0x40: {  	_ =	shalt  }
0x41: {  	_ =	shalt  }
0x42: {  	_ =	shalt  }
0x43: {  	_ =	shalt  }
0x44: {  	_ =	shalt  }
0x45: {  	_ =	shalt  }
0x46: {  	_ =	shalt  }
0x47: {  	_ =	shalt  }
0x48: {  	_ =	shalt  }
0x49: {  	_ =	shalt  }
0x4a: {  	_ =	shalt  }
0x4b: {  	_ =	shalt  }
0x4c: {  	_ =	shalt  }
0x4d: {  	_ =	shalt  }
0x4e: {  	_ =	shalt  }
0x4f: {  	_ =	shalt  }
0x50: {  	_ =	shalt  }
0x51: {  	_ =	shalt  }
0x52: {  	_ =	shalt  }
0x53: {  	_ =	shalt  }
0x54: {  	_ =	shalt  }
0x55: {  	_ =	shalt  }
0x56: {  	_ =	shalt  }
0x57: {  	_ =	shalt  }
0x58: {  	_ =	shalt  }
0x59: {  	_ =	shalt  }
0x5a: {  	_ =	shalt  }
0x5b: {  	_ =	shalt  }
0x5c: {  	_ =	shalt  }
0x5d: {  	_ =	shalt  }
0x5e: {  	_ =	shalt  }
0x5f: {  	_ =	shalt  }
0x60: {  	_ =	shalt  }
0x61: {  	_ =	shalt  }
0x62: {  	_ =	shalt  }
0x63: {  	_ =	shalt  }
0x64: {  	_ =	shalt  }
0x65: {  	_ =	shalt  }
0x66: {  	_ =	shalt  }
0x67: {  	_ =	shalt  }
0x68: {  	_ =	shalt  }
0x69: {  	_ =	shalt  }
0x6a: {  	_ =	shalt  }
0x6b: {  	_ =	shalt  }
0x6c: {  	_ =	shalt  }
0x6d: {  	_ =	shalt  }
0x6e: {  	_ =	shalt  }
0x6f: {  	_ =	shalt  }
0x70: {  	_ =	shalt  }
0x71: {  	_ =	shalt  }
0x72: {  	_ =	shalt  }
0x73: {  	_ =	shalt  }
0x74: {  	_ =	shalt  }
0x75: {  	_ =	shalt  }
0x76: {  	_ =	shalt  }
0x77: {  	_ =	shalt  }
0x78: {  	_ =	shalt  }
0x79: {  	_ =	shalt  }
0x7a: {  	_ =	shalt  }
0x7b: {  	_ =	shalt  }
0x7c: {  	_ =	shalt  }
0x7d: {  	_ =	shalt  }
0x7e: {  	_ =	shalt  }
0x7f: {  	_ =	shalt  }
0x80: {  	_ =	shalt  }
0x81: {  	_ =	shalt  }
0x82: {  	_ =	shalt  }
0x83: {  	_ =	shalt  }
0x84: {  	_ =	shalt  }
0x85: {  	_ =	shalt  }
0x86: {  	_ =	shalt  }
0x87: {  	_ =	shalt  }
.Lfunc_end0:
.L_simem_size_0:
called_computation.2_lowered:
.L_overlay_start_0:
0x88: {  	s2 =	sld [smem:$0x3FD9]  }
0x89: {  	s3 =	sld [smem:$0x3FFE];
	_ =	sdelay $0x1  }
0x8a: {  	s1 =	srdreg.scid  }
0x8b: {  	s0 =	sand.u32 $0x1, s1  }
0x8c: {  	s16 =	sshll.u32 s0, $0xA;
	s2 =	sadd.s32 s3, s2  }
0x8d: {  	s2 =	sadd.s32 s2, s16  }
0x8e: {  	[smem:$0x3FA4] =	sst s2  }
0x8f: {  	_ = 	snop  }
0x90: {  	(tm) =	ssettm $0x1  }
0x91: {  	s17 =	sld [smem:$0x3FFB];
	_ =	sdelay $0x3  }
0x92: {  	_ =	strace s17  }
0x93: {  	s2 =	sld [smem:$0x3FFC];
	_ =	sdelay $0x3  }
0x94: {  	_ =	strace s2  }
0x95: {  	s2 =	sld [smem:$0x3FFD];
	_ =	sdelay $0x3  }
0x96: {  	_ =	strace s2  }
0x97: {  	_ =	strace $0x8FFFFFFF  }
0x98: {  	s18 =	sld [smem:$0x3FDB];
	_ =	sdelay $0x1  }
0x99: {  	s19 =	simm.s32 $_scs_section_size  }
0x9a: {  	s4 =	simm.s32 $_size__tile_overlayer_lowered;
	s5 =	simm.s32 $_tile_overlayer_lowered  }
0x9b: {  	s22 =	simm.s32 $0x1BFF;
	s21 =	sshll.u32 s5, $0x1;
	s2 =	sadd.s32 s19, s18  }
0x9c: {  	s6 =	simm.s32 $0x0;
	s20 =	sshll.u32 s4, $0x1;
	s4 =	sadd.s32 s21, s2  }
0x9d: {  	[timem:s6], [sflag:s22] =	dma.local [hbm:s4], s20  }
0x9e: {  	_ =	swait.ge [sflag:s22], s20  }
0x9f: {  	s3 =	ssub.s32 $0x0, s20;
	[sflag:s22] =	ssyncset.done $0x0  }
0xa0: {  	[sflag:s22] =	ssyncadd.s32 s3;
	_ =	sdelay $0x1  }
0xa1: {  	s23 =	simm.s32 $0x1B8B  }
0xa2: {  	_ =	swait.ge [sflag:s23], $0x1  }
0xa3: {  	[sflag:s23] =	ssyncset.done $0x0  }
0xa4: {  	s25 =	simm.s32 $0x1B8E;
	s24 =	sld [smem:$0x3FFE];
	[sflag:s23] =	ssyncadd.s32 $0xFFFFFFFF  }
0xa5: {  	s26 =	simm.s32 $execute0_lowered;
	[smem:$0x3FD2] =	sst s25  }
0xa6: {  	s4 =	sshll.u32 s26, $0x1;
	_ =	strace $0x8000004C;
	[dreg:$0x1] =	wrdreg $0xFFFFFFFF  }
0xa7: {  	s28 =	simm.s32 $_size_execute0_lowered;
	s2 =	sadd.s32 s2, s4;
	[dreg:$0x0] =	wrdreg $0x0  }
0xa8: {  	s4 =	sshll.u32 s28, $0x1;
	[dreg:$0x2] =	wrdreg s2  }
0xa9: {  	[dreg:$0x3] =	wrdreg s4  }
0xaa: {  	[dreg:$0x4] =	wrdreg $0xC0  }
0xab: {  	_ =	task [dreg:s6], $0x5FFFF  }
0xac: {  	[dreg:$0x1] =	wrdreg $0xFFFFFFFF  }
0xad: {  	[dreg:$0x0] =	wrdreg $0x60  }
0xae: {  	[dreg:$0x2] =	wrdreg s24  }
0xaf: {  	[dreg:$0x3] =	wrdreg $0x53000  }
0xb0: {  	[dreg:$0x4] =	wrdreg $0x9  }
0xb1: {  	_ =	task.clear_ibuf [dreg:s6], $0x5FFFF;
	_ =	strace $0x9000004C  }
0xb2: {  	s29 =	simm.s32 $0x9;
	_ =	strace $0x8000004E  }
0xb3: {  	_ =	swait.ge [sflag:s29], $0x1  }
0xb4: {  	[sflag:s29] =	ssyncadd.s32 $0xFFFFFFFF  }
0xb5: {  	_ =	strace $0x9000004E  }
0xb6: {  	_ =	sfence  }
0xb7: {  	s30 =	sld [smem:$0x0];
	_ =	sdelay $0x2  }
0xb8: {  	s31 =	sshll.u32 s1, $0xD;
	s1 =	sshrl.u32 s1, $0x2  }
0xb9: {  	s3 =	sand.u32 $0x4000, s31;
	s1 =	sadd.s32 s1, s30  }
0xba: {  	s0 =	sor.u32 s3, s0;
	s1 =	sshll.u32 s1, $0x11  }
0xbb: {  	s0 =	sor.u32 s1, s0  }
0xbc: {  	s0 =	sadd.s32 $0x8F2B, s0  }
0xbd: {  	[sflag:s0] =	ssyncadd.remote.s32 $0x1  }
0xbe: {  	_ =	sfence.sel $0xFFFF  }
0xbf: {  	[dreg:$0x0] =	wrdreg $0xFFFFFFFF;
	(pc) =	sbr.abs _section_cstart, $3  }
0xc0: {  	[dreg:$0x1] =	wrdreg $0xFFFFFFFF  }
0xc1: {  	_ =	task.clear_ibuf [dreg:s6], $0x2FFFF;
	_ =	strace $0x9FFFFFFF  }
0xc2: {  	(tm) =	ssettm $0x7FFFFFFF  }
0xc3: {  	_ =	shalt  }
tec
execute0_lowered:
.L_overlay_start_1:
0x0: {  	(tag) =	ssettag $0x1  }
0x1: {  	s0 =	rddreg [dreg:$0x0]  }
0x2: {  	s1 =	srdreg.scid;
	s8 =	stileid.u32  }
0x3: {  	s2 =	rddreg [dreg:$0x1];
	s15 =	simm.s32 $0x0;
	s10 =	simm.s32 $0x400  }
0x4: {  	s11 =	simm.s32 $0x480;
	s16 =	simm.s32 $0x800;
	[smem:$0x7FF] =	sst s15  }
0x5: {  	s12 =	simm.s32 $0x500;
	_ =	strace $0x8000004D;
	[dreg:$0x5] =	wrdreg s10  }
0x6: {  	s13 =	simm.s32 $0x580;
	s14 =	simm.s32 $0x600;
	[dreg:$0x6] =	wrdreg s11  }
0x7: {  	s17 =	simm.s32 $0x680;
	s18 =	simm.s32 $0x700;
	[dreg:$0x7] =	wrdreg s12  }
0x8: {  	s19 =	simm.s32 $0x780;
	s20 =	simm.s32 $0x880;
	[dreg:$0x8] =	wrdreg s13  }
0x9: {  	s21 =	simm.s32 $0x900;
	s22 =	simm.s32 $0x980;
	[dreg:$0x9] =	wrdreg s14  }
0xa: {  	s23 =	simm.s32 $0xA00;
	s24 =	simm.s32 $0xA80;
	[dreg:$0xa] =	wrdreg s17  }
0xb: {  	s25 =	simm.s32 $0xB00;
	s26 =	simm.s32 $0xB80;
	[dreg:$0xb] =	wrdreg s18  }
0xc: {  	s29 =	simm.s32 $0x9;
	s30 =	simm.s32 $0xA;
	[dreg:$0xc] =	wrdreg s19  }
0xd: {  	s31 =	simm.s32 $0xB;
	s3 =	smul.u32 $0xC800, s8;
	[dreg:$0xd] =	wrdreg s20  }
0xe: {  	s28 =	simm.s32 $0x4400;
	s5 =	smul.u32 $0x3100, s8;
	[dreg:$0xe] =	wrdreg s21  }
0xf: {  	s1 =	sand.u32 $0x1, s1;
	s8 =	smul.u32 $0x31000, s8;
	[dreg:$0xf] =	wrdreg s22  }
0x10: {  	s4 =	smul.u32 $0x6400, s1;
	s6 =	ssub.s32 $0x2, s1;
	[dreg:$0x10] =	wrdreg s23  }
0x11: {  	s1 =	sshll.u32 s1, $0x1;
	s11 =	simm.s32 $0x80;
	[dreg:$0x11] =	wrdreg s24  }
0x12: {  	s20 =	simm.s32 $0x1;
	s21 =	simm.s32 $0x2;
	[dreg:$0x12] =	wrdreg s25  }
0x13: {  	s23 =	simm.s32 $0x4;
	[dreg:$0x13] =	wrdreg s26;
	s10 =	simm.s32 $0x10  }
0x14: {  	s13 =	simm.s32 $0x0;
	s19 =	simm.s32 $0xC00;
	s18 =	simm.s32 $0x1C00  }
0x15: {  	s22 =	simm.s32 $0x2400;
	s24 =	simm.s32 $0x2C00;
	s25 =	simm.s32 $0x3400  }
0x16: {  	s26 =	simm.s32 $0x3C00;
	s7 =	sshrl.u32 s6, $0x1;
	s3 =	sadd.s32 s4, s3  }
0x17: {  	s4 =	sadd.s32 $0xC8200, s0;
	s7 =	ssub.s32 s6, s7;
	s6 =	sshrl.u32 s8, $0x2  }
0x18: {  	s8 =	simm.s32 $0x4C00;
	s3 =	sshrl.u32 s3, $0x3;
	s6 =	sadd.s32 s6, s2  }
0x19: {  	s3 =	sadd.s32 s3, s0;
	s0 =	sadd.s32 s5, s0;
	s5 =	smax.u32 s7, $0x1  }
0x1a: {  	[dreg:$0x14] =	wrdreg s5;
	s9 =	sadd.s32 $0x142E00, s3;
	s3 =	sadd.s32 $0x129E00, s3  }
0x1b: {  	s0 =	sadd.s32 s1, s0;
	s1 =	simm.s32 $0xC;
	[dreg:$0x3] =	wrdreg s9  }
0x1c: {  	s5 =	simm.s32 $0xE;
	[dreg:$0x4] =	wrdreg s3;
	s7 =	sadd.s32 $0x15BE00, s0  }
0x1d: {  	v0 =	vimm.f32 $0.0e+00;
	s9 =	simm.s32 $0x11;
	s0 =	simm.s32 $0xD;
	s3 =	simm.s32 $0xF  }
.LBB2_1:
0x1e: {  	[dreg:$0x15] =	wrdreg s13;
	s12 =	simm.s32 $0x0  }
.LBB2_2:
0x1f: {  	p0 =	sne.s32 s12, $0x1BC0  }
.Ltmp0:
0x20: {  	_ = 	snop;
	(pc) =	sbr.rel @p0 .LBB2_2-.Ltmp0, $3  }
0x21: {  	_ =	sdelay $0x1  }
0x22: {  	s13 =	sshra.s32 s12, $0x2  }
0x23: {  	s12 =	sadd.s32 $0x40, s12;
	[tilespmem:s13+$0x4C00] =	vst v0  }
0x24: {  	s12 =	sadd.s32 $0x0, s6  }
0x25: {  	[spmem:s12] =	stream.linear.scatter [tilespmem:s8], [sflag:$0x11], $0x700, $0x38;
	[tilespmem:$0x11700] =	vst v63  }
0x26: {  	s12 =	simm.s32 $0x1C00;
	_ =	swait.ge [sflag:s9], $0x700  }
.LBB2_4:
0x27: {  	s13 =	sshra.s32 s12, $0x2;
	[sflag:s9] =	ssyncset.done $0x0;
	p0 =	sne.s32 s12, $0x2F400  }
.Ltmp1:
0x28: {  	s13 =	sadd.s32 s13, s6;
	[sflag:s9] =	ssyncadd.s32 $0xFFFFF900;
	(pc) =	sbr.rel @p0 .LBB2_4-.Ltmp1, $3  }
0x29: {  	[spmem:s13] =	stream.linear.scatter [tilespmem:s8], [sflag:$0x11], $0x700, $0x38;
	[tilespmem:$0x11700] =	vst v63  }
0x2a: {  	s12 =	sadd.s32 $0x1C00, s12;
	_ =	sdelay $0x1  }
0x2b: {  	_ =	swait.ge [sflag:s9], $0x700  }
0x2c: {  	[sflag:s9] =	ssyncset.done $0x0  }
0x2d: {  	[sflag:s9] =	ssyncadd.s32 $0xFFFFF900  }
0x2e: {  	s12 =	simm.s32 $0x0;
	[bflag:$0x0] =	sbarrier.arrive $0xFFFF  }
.LBB2_6:
0x2f: {  	s13 =	rddreg [dreg:$0x4]  }
0x30: {  	s13 =	sadd.s32 s12, s13  }
0x31: {  	[tilespmem:s15], [sflag:$0x11] =	stream.linear.gather [hbm4b:s13+s15], $0x400, $0x38;
	[tilespmem:$0x11700] =	vst v63  }
0x32: {  	_ =	swait.ge [sflag:s9], $0x400  }
0x33: {  	s14 =	rddreg [dreg:$0x3];
	[sflag:s9] =	ssyncset.done $0x0  }
0x34: {  	[sflag:s9] =	ssyncadd.s32 $0xFFFFFC00;
	s13 =	sadd.s32 s12, s14  }
0x35: {  	[tilespmem:s16], [sflag:$0x11] =	stream.linear.gather [hbm4b:s13+s15], $0x400, $0x38;
	[tilespmem:$0x11700] =	vst v63  }
0x36: {  	_ =	swait.ge [sflag:s9], $0x400  }
0x37: {  	[sflag:s9] =	ssyncset.done $0x0  }
0x38: {  	[sflag:s9] =	ssyncadd.s32 $0xFFFFFC00  }
0x39: {  	v1 =	vld [tilespmem:$0x0]  }
0x3a: {  	v2 =	vld [tilespmem:$0x10]  }
0x3b: {  	v3 =	vld [tilespmem:$0x20]  }
0x3c: {  	v4 =	vld [tilespmem:$0x30]  }
0x3d: {  	v5 =	vld [tilespmem:$0x40]  }
0x3e: {  	v6 =	vld [tilespmem:$0x50];
	v1 =	vshll.u32 v1, $0x1  }
0x3f: {  	v7 =	vld [tilespmem:$0x60];
	v2 =	vshll.u32 v2, $0x1;
	v1 =	vor.u32 $0x1, v1  }
0x40: {  	[tilespmem:$0x400] =	vst v1;
	v1 =	vor.u32 $0x1, v2;
	v2 =	vshll.u32 v3, $0x1;
	v3 =	vld [tilespmem:$0x70]  }
0x41: {  	v19 =	vld [tilespmem:$0x80];
	[tilespmem:$0x410] =	vst v1;
	v1 =	vor.u32 $0x1, v2;
	v2 =	vshll.u32 v4, $0x1  }
0x42: {  	v20 =	vld [tilespmem:$0x90];
	[tilespmem:$0x420] =	vst v1;
	v1 =	vor.u32 $0x1, v2;
	v2 =	vshll.u32 v5, $0x1  }
0x43: {  	v21 =	vld [tilespmem:$0xA0];
	[tilespmem:$0x430] =	vst v1;
	v1 =	vor.u32 $0x1, v2;
	v2 =	vshll.u32 v6, $0x1  }
0x44: {  	v22 =	vld [tilespmem:$0xB0];
	[tilespmem:$0x440] =	vst v1;
	v1 =	vor.u32 $0x1, v2;
	v2 =	vshll.u32 v7, $0x1  }
0x45: {  	[tilespmem:$0x450] =	vst v1;
	v1 =	vor.u32 $0x1, v2;
	v2 =	vshll.u32 v3, $0x1;
	v3 =	vld [tilespmem:$0xC0]  }
0x46: {  	v23 =	vld [tilespmem:$0xD0];
	[tilespmem:$0x460] =	vst v1;
	v1 =	vor.u32 $0x1, v2;
	v2 =	vshll.u32 v19, $0x1  }
0x47: {  	v24 =	vld [tilespmem:$0xE0];
	[tilespmem:$0x470] =	vst v1;
	v1 =	vor.u32 $0x1, v2;
	v2 =	vshll.u32 v20, $0x1  }
0x48: {  	v25 =	vld [tilespmem:$0xF0];
	[tilespmem:$0x480] =	vst v1;
	v1 =	vor.u32 $0x1, v2;
	v2 =	vshll.u32 v21, $0x1  }
0x49: {  	v26 =	vld [tilespmem:$0x100];
	[tilespmem:$0x490] =	vst v1;
	v1 =	vor.u32 $0x1, v2;
	v2 =	vshll.u32 v22, $0x1  }
0x4a: {  	[tilespmem:$0x4A0] =	vst v1;
	v1 =	vor.u32 $0x1, v2;
	v2 =	vshll.u32 v3, $0x1;
	v3 =	vld [tilespmem:$0x110]  }
0x4b: {  	v27 =	vld [tilespmem:$0x120];
	[tilespmem:$0x4B0] =	vst v1;
	v1 =	vor.u32 $0x1, v2;
	v2 =	vshll.u32 v23, $0x1  }
0x4c: {  	v28 =	vld [tilespmem:$0x130];
	[tilespmem:$0x4C0] =	vst v1;
	v1 =	vor.u32 $0x1, v2;
	v2 =	vshll.u32 v24, $0x1  }
0x4d: {  	v29 =	vld [tilespmem:$0x140];
	[tilespmem:$0x4D0] =	vst v1;
	v1 =	vor.u32 $0x1, v2;
	v2 =	vshll.u32 v25, $0x1  }
0x4e: {  	v30 =	vld [tilespmem:$0x150];
	[tilespmem:$0x4E0] =	vst v1;
	v1 =	vor.u32 $0x1, v2;
	v2 =	vshll.u32 v26, $0x1  }
0x4f: {  	[tilespmem:$0x4F0] =	vst v1;
	v1 =	vor.u32 $0x1, v2;
	v2 =	vshll.u32 v3, $0x1;
	v3 =	vld [tilespmem:$0x160]  }
0x50: {  	v31 =	vld [tilespmem:$0x170];
	[tilespmem:$0x500] =	vst v1;
	v1 =	vor.u32 $0x1, v2;
	v2 =	vshll.u32 v27, $0x1  }
0x51: {  	v32 =	vld [tilespmem:$0x180];
	[tilespmem:$0x510] =	vst v1;
	v1 =	vor.u32 $0x1, v2;
	v2 =	vshll.u32 v28, $0x1  }
0x52: {  	v33 =	vld [tilespmem:$0x190];
	[tilespmem:$0x520] =	vst v1;
	v1 =	vor.u32 $0x1, v2;
	v2 =	vshll.u32 v29, $0x1  }
0x53: {  	v34 =	vld [tilespmem:$0x1A0];
	[tilespmem:$0x530] =	vst v1;
	v1 =	vor.u32 $0x1, v2;
	v2 =	vshll.u32 v30, $0x1  }
0x54: {  	[tilespmem:$0x540] =	vst v1;
	v1 =	vor.u32 $0x1, v2;
	v2 =	vshll.u32 v3, $0x1;
	v3 =	vld [tilespmem:$0x1B0]  }
0x55: {  	v35 =	vld [tilespmem:$0x1C0];
	[tilespmem:$0x550] =	vst v1;
	v1 =	vor.u32 $0x1, v2;
	v2 =	vshll.u32 v31, $0x1  }
0x56: {  	v36 =	vld [tilespmem:$0x1D0];
	[tilespmem:$0x560] =	vst v1;
	v1 =	vor.u32 $0x1, v2;
	v2 =	vshll.u32 v32, $0x1  }
0x57: {  	v37 =	vld [tilespmem:$0x1E0];
	[tilespmem:$0x570] =	vst v1;
	v1 =	vor.u32 $0x1, v2;
	v2 =	vshll.u32 v33, $0x1  }
0x58: {  	v38 =	vld [tilespmem:$0x1F0];
	[tilespmem:$0x580] =	vst v1;
	v1 =	vor.u32 $0x1, v2;
	v2 =	vshll.u32 v34, $0x1  }
0x59: {  	[tilespmem:$0x590] =	vst v1;
	v1 =	vor.u32 $0x1, v2;
	v2 =	vshll.u32 v3, $0x1;
	v3 =	vld [tilespmem:$0x200]  }
0x5a: {  	v39 =	vld [tilespmem:$0x210];
	[tilespmem:$0x5A0] =	vst v1;
	v1 =	vor.u32 $0x1, v2;
	v2 =	vshll.u32 v35, $0x1  }
0x5b: {  	v40 =	vld [tilespmem:$0x220];
	[tilespmem:$0x5B0] =	vst v1;
	v1 =	vor.u32 $0x1, v2;
	v2 =	vshll.u32 v36, $0x1  }
0x5c: {  	v41 =	vld [tilespmem:$0x230];
	[tilespmem:$0x5C0] =	vst v1;
	v1 =	vor.u32 $0x1, v2;
	v2 =	vshll.u32 v37, $0x1  }
0x5d: {  	v42 =	vld [tilespmem:$0x240];
	[tilespmem:$0x5D0] =	vst v1;
	v1 =	vor.u32 $0x1, v2;
	v2 =	vshll.u32 v38, $0x1  }
0x5e: {  	[tilespmem:$0x5E0] =	vst v1;
	v1 =	vor.u32 $0x1, v2;
	v2 =	vshll.u32 v3, $0x1;
	v3 =	vld [tilespmem:$0x250]  }
0x5f: {  	v43 =	vld [tilespmem:$0x260];
	[tilespmem:$0x5F0] =	vst v1;
	v1 =	vor.u32 $0x1, v2;
	v2 =	vshll.u32 v39, $0x1  }
0x60: {  	v44 =	vld [tilespmem:$0x270];
	[tilespmem:$0x600] =	vst v1;
	v1 =	vor.u32 $0x1, v2;
	v2 =	vshll.u32 v40, $0x1  }
0x61: {  	v45 =	vld [tilespmem:$0x280];
	[tilespmem:$0x610] =	vst v1;
	v1 =	vor.u32 $0x1, v2;
	v2 =	vshll.u32 v41, $0x1  }
0x62: {  	v46 =	vld [tilespmem:$0x290];
	[tilespmem:$0x620] =	vst v1;
	v1 =	vor.u32 $0x1, v2;
	v2 =	vshll.u32 v42, $0x1  }
0x63: {  	[tilespmem:$0x630] =	vst v1;
	v1 =	vor.u32 $0x1, v2;
	v2 =	vshll.u32 v3, $0x1;
	v3 =	vld [tilespmem:$0x2A0]  }
0x64: {  	v47 =	vld [tilespmem:$0x2B0];
	[tilespmem:$0x640] =	vst v1;
	v1 =	vor.u32 $0x1, v2;
	v2 =	vshll.u32 v43, $0x1  }
0x65: {  	v48 =	vld [tilespmem:$0x2C0];
	[tilespmem:$0x650] =	vst v1;
	v1 =	vor.u32 $0x1, v2;
	v2 =	vshll.u32 v44, $0x1  }
0x66: {  	v49 =	vld [tilespmem:$0x2D0];
	[tilespmem:$0x660] =	vst v1;
	v1 =	vor.u32 $0x1, v2;
	v2 =	vshll.u32 v45, $0x1  }
0x67: {  	v50 =	vld [tilespmem:$0x2E0];
	[tilespmem:$0x670] =	vst v1;
	v1 =	vor.u32 $0x1, v2;
	v2 =	vshll.u32 v46, $0x1  }
0x68: {  	[tilespmem:$0x680] =	vst v1;
	v1 =	vor.u32 $0x1, v2;
	v2 =	vshll.u32 v3, $0x1;
	v3 =	vld [tilespmem:$0x2F0]  }
0x69: {  	v51 =	vld [tilespmem:$0x300];
	[tilespmem:$0x690] =	vst v1;
	v1 =	vor.u32 $0x1, v2;
	v2 =	vshll.u32 v47, $0x1  }
0x6a: {  	v52 =	vld [tilespmem:$0x310];
	[tilespmem:$0x6A0] =	vst v1;
	v1 =	vor.u32 $0x1, v2;
	v2 =	vshll.u32 v48, $0x1  }
0x6b: {  	v53 =	vld [tilespmem:$0x320];
	[tilespmem:$0x6B0] =	vst v1;
	v1 =	vor.u32 $0x1, v2;
	v2 =	vshll.u32 v49, $0x1  }
0x6c: {  	v54 =	vld [tilespmem:$0x330];
	[tilespmem:$0x6C0] =	vst v1;
	v1 =	vor.u32 $0x1, v2;
	v2 =	vshll.u32 v50, $0x1  }
0x6d: {  	[tilespmem:$0x6D0] =	vst v1;
	v1 =	vor.u32 $0x1, v2;
	v2 =	vshll.u32 v3, $0x1;
	v3 =	vld [tilespmem:$0x340]  }
0x6e: {  	v55 =	vld [tilespmem:$0x350];
	[tilespmem:$0x6E0] =	vst v1;
	v1 =	vor.u32 $0x1, v2;
	v2 =	vshll.u32 v51, $0x1  }
0x6f: {  	v56 =	vld [tilespmem:$0x360];
	[tilespmem:$0x6F0] =	vst v1;
	v1 =	vor.u32 $0x1, v2;
	v2 =	vshll.u32 v52, $0x1  }
0x70: {  	v57 =	vld [tilespmem:$0x370];
	[tilespmem:$0x700] =	vst v1;
	v1 =	vor.u32 $0x1, v2;
	v2 =	vshll.u32 v53, $0x1  }
0x71: {  	v58 =	vld [tilespmem:$0x380];
	[tilespmem:$0x710] =	vst v1;
	v1 =	vor.u32 $0x1, v2;
	v2 =	vshll.u32 v54, $0x1  }
0x72: {  	[tilespmem:$0x720] =	vst v1;
	v1 =	vor.u32 $0x1, v2;
	v2 =	vshll.u32 v3, $0x1;
	v3 =	vld [tilespmem:$0x390]  }
0x73: {  	v59 =	vld [tilespmem:$0x3A0];
	[tilespmem:$0x730] =	vst v1;
	v1 =	vor.u32 $0x1, v2;
	v2 =	vshll.u32 v55, $0x1  }
0x74: {  	v60 =	vld [tilespmem:$0x3B0];
	[tilespmem:$0x740] =	vst v1;
	v1 =	vor.u32 $0x1, v2;
	v2 =	vshll.u32 v56, $0x1  }
0x75: {  	v61 =	vld [tilespmem:$0x3C0];
	[tilespmem:$0x750] =	vst v1;
	v1 =	vor.u32 $0x1, v2;
	v2 =	vshll.u32 v57, $0x1  }
0x76: {  	v62 =	vld [tilespmem:$0x3D0];
	[tilespmem:$0x760] =	vst v1;
	v1 =	vor.u32 $0x1, v2;
	v2 =	vshll.u32 v58, $0x1  }
0x77: {  	[tilespmem:$0x770] =	vst v1;
	v1 =	vor.u32 $0x1, v2;
	v2 =	vshll.u32 v3, $0x1;
	v3 =	vld [tilespmem:$0x3E0]  }
0x78: {  	v63 =	vld [tilespmem:$0x3F0];
	[tilespmem:$0x780] =	vst v1;
	v1 =	vor.u32 $0x1, v2;
	v2 =	vshll.u32 v59, $0x1  }
0x79: {  	[tilespmem:$0x790] =	vst v1;
	v1 =	vor.u32 $0x1, v2;
	v2 =	vshll.u32 v60, $0x1  }
0x7a: {  	[tilespmem:$0x7A0] =	vst v1;
	v1 =	vor.u32 $0x1, v2;
	v2 =	vshll.u32 v61, $0x1  }
0x7b: {  	[tilespmem:$0x7B0] =	vst v1;
	v1 =	vor.u32 $0x1, v2;
	v2 =	vshll.u32 v62, $0x1  }
0x7c: {  	[tilespmem:$0x7C0] =	vst v1;
	v1 =	vor.u32 $0x1, v2;
	v2 =	vshll.u32 v3, $0x1  }
0x7d: {  	[tilespmem:$0x7D0] =	vst v1;
	v1 =	vor.u32 $0x1, v2;
	v2 =	vshll.u32 v63, $0x1  }
0x7e: {  	[tilespmem:$0x7E0] =	vst v1;
	v1 =	vor.u32 $0x1, v2  }
0x7f: {  	s17 =	rddreg [dreg:$0x5];
	[tilespmem:$0x7F0] =	vst v1  }
0x80: {  	[tilespmem:s19], [sflag:$0x1] =	stream.indirect.gather [hbm4b:s4+s11], $0x10, s17, s11, $0xb8;
	[tilespmem:$0x11700] =	vst v63  }
0x81: {  	s14 =	rddreg [dreg:$0x6];
	s17 =	simm.s32 $0x1400  }
0x82: {  	[tilespmem:s17], [sflag:$0x2] =	stream.indirect.gather [hbm4b:s4+s11], $0x10, s14, s11, $0xb8;
	[tilespmem:$0x11700] =	vst v63  }
0x83: {  	s13 =	rddreg [dreg:$0x7]  }
0x84: {  	[tilespmem:s18], [sflag:$0x3] =	stream.indirect.gather [hbm4b:s4+s11], $0x10, s13, s11, $0xb8;
	[tilespmem:$0x11700] =	vst v63  }
0x85: {  	s14 =	rddreg [dreg:$0x8]  }
0x86: {  	[tilespmem:s22], [sflag:$0x4] =	stream.indirect.gather [hbm4b:s4+s11], $0x10, s14, s11, $0xb8;
	[tilespmem:$0x11700] =	vst v63  }
0x87: {  	s13 =	rddreg [dreg:$0x9]  }
0x88: {  	[tilespmem:s24], [sflag:$0x5] =	stream.indirect.gather [hbm4b:s4+s11], $0x10, s13, s11, $0xb8;
	[tilespmem:$0x11700] =	vst v63  }
0x89: {  	s14 =	rddreg [dreg:$0xa]  }
0x8a: {  	[tilespmem:s25], [sflag:$0x6] =	stream.indirect.gather [hbm4b:s4+s11], $0x10, s14, s11, $0xb8;
	[tilespmem:$0x11700] =	vst v63  }
0x8b: {  	s13 =	rddreg [dreg:$0xb]  }
0x8c: {  	[tilespmem:s26], [sflag:$0x7] =	stream.indirect.gather [hbm4b:s4+s11], $0x10, s13, s11, $0xb8;
	[tilespmem:$0x11700] =	vst v63  }
0x8d: {  	s14 =	rddreg [dreg:$0xc]  }
0x8e: {  	[tilespmem:s28], [sflag:$0x8] =	stream.indirect.gather [hbm4b:s4+s11], $0x10, s14, s11, $0xb8;
	[tilespmem:$0x11700] =	vst v63  }
0x8f: {  	_ =	swait.ge [sflag:s20], $0x800  }
0x90: {  	[sflag:s20] =	ssyncset.done $0x0  }
0x91: {  	[sflag:s20] =	ssyncadd.s32 $0xFFFFF800  }
0x92: {  	[spmem:s2] =	stream.indirect.scatter.add.f32 [tilespmem:s19], [sflag:$0x9], $0x10, s16, s11, $0xb8;
	[tilespmem:$0x11700] =	vst v63  }
0x93: {  	_ =	swait.ge [sflag:s21], $0x800  }
0x94: {  	[sflag:s21] =	ssyncset.done $0x0  }
0x95: {  	s14 =	rddreg [dreg:$0xd];
	[sflag:s21] =	ssyncadd.s32 $0xFFFFF800  }
0x96: {  	[spmem:s2] =	stream.indirect.scatter.add.f32 [tilespmem:s17], [sflag:$0xA], $0x10, s14, s11, $0xb8;
	[tilespmem:$0x11700] =	vst v63  }
0x97: {  	s14 =	simm.s32 $0x3  }
0x98: {  	_ =	swait.ge [sflag:s14], $0x800  }
0x99: {  	[sflag:s14] =	ssyncset.done $0x0  }
0x9a: {  	s13 =	rddreg [dreg:$0xe];
	[sflag:s14] =	ssyncadd.s32 $0xFFFFF800  }
0x9b: {  	[spmem:s2] =	stream.indirect.scatter.add.f32 [tilespmem:s18], [sflag:$0xB], $0x10, s13, s11, $0xb8;
	[tilespmem:$0x11700] =	vst v63  }
0x9c: {  	_ =	swait.ge [sflag:s23], $0x800  }
0x9d: {  	[sflag:s23] =	ssyncset.done $0x0  }
0x9e: {  	s17 =	simm.s32 $0x5;
	s14 =	rddreg [dreg:$0xf];
	[sflag:s23] =	ssyncadd.s32 $0xFFFFF800  }
0x9f: {  	[spmem:s2] =	stream.indirect.scatter.add.f32 [tilespmem:s22], [sflag:$0xC], $0x10, s14, s11, $0xb8;
	[tilespmem:$0x11700] =	vst v63  }
0xa0: {  	_ =	swait.ge [sflag:s17], $0x800  }
0xa1: {  	[sflag:s17] =	ssyncset.done $0x0  }
0xa2: {  	s14 =	simm.s32 $0x6;
	s13 =	rddreg [dreg:$0x10];
	[sflag:s17] =	ssyncadd.s32 $0xFFFFF800  }
0xa3: {  	[spmem:s2] =	stream.indirect.scatter.add.f32 [tilespmem:s24], [sflag:$0xD], $0x10, s13, s11, $0xb8;
	[tilespmem:$0x11700] =	vst v63  }
0xa4: {  	_ =	swait.ge [sflag:s14], $0x800  }
0xa5: {  	[sflag:s14] =	ssyncset.done $0x0  }
0xa6: {  	s17 =	simm.s32 $0x7;
	s13 =	rddreg [dreg:$0x11];
	[sflag:s14] =	ssyncadd.s32 $0xFFFFF800  }
0xa7: {  	[spmem:s2] =	stream.indirect.scatter.add.f32 [tilespmem:s25], [sflag:$0xE], $0x10, s13, s11, $0xb8;
	[tilespmem:$0x11700] =	vst v63  }
0xa8: {  	_ =	swait.ge [sflag:s17], $0x800  }
0xa9: {  	[sflag:s17] =	ssyncset.done $0x0  }
0xaa: {  	s14 =	simm.s32 $0x8;
	s13 =	rddreg [dreg:$0x12];
	[sflag:s17] =	ssyncadd.s32 $0xFFFFF800  }
0xab: {  	[spmem:s2] =	stream.indirect.scatter.add.f32 [tilespmem:s26], [sflag:$0xF], $0x10, s13, s11, $0xb8;
	[tilespmem:$0x11700] =	vst v63  }
0xac: {  	_ =	swait.ge [sflag:s14], $0x800  }
0xad: {  	[sflag:s14] =	ssyncset.done $0x0  }
0xae: {  	s17 =	rddreg [dreg:$0x13];
	[sflag:s14] =	ssyncadd.s32 $0xFFFFF800  }
0xaf: {  	[spmem:s2] =	stream.indirect.scatter.add.f32 [tilespmem:s28], [sflag:$0x10], $0x10, s17, s11, $0xb8;
	[tilespmem:$0x11700] =	vst v63  }
0xb0: {  	_ =	swait.ge [sflag:s29], $0x800  }
0xb1: {  	[sflag:s29] =	ssyncset.done $0x0  }
0xb2: {  	[sflag:s29] =	ssyncadd.s32 $0xFFFFF800  }
0xb3: {  	_ =	swait.ge [sflag:s30], $0x800  }
0xb4: {  	[sflag:s30] =	ssyncset.done $0x0  }
0xb5: {  	[sflag:s30] =	ssyncadd.s32 $0xFFFFF800  }
0xb6: {  	_ =	swait.ge [sflag:s31], $0x800  }
0xb7: {  	[sflag:s31] =	ssyncset.done $0x0  }
0xb8: {  	[sflag:s31] =	ssyncadd.s32 $0xFFFFF800  }
0xb9: {  	_ =	swait.ge [sflag:s1], $0x800  }
0xba: {  	[sflag:s1] =	ssyncset.done $0x0  }
0xbb: {  	[sflag:s1] =	ssyncadd.s32 $0xFFFFF800  }
0xbc: {  	_ =	swait.ge [sflag:s0], $0x800  }
0xbd: {  	[sflag:s0] =	ssyncset.done $0x0  }
0xbe: {  	[sflag:s0] =	ssyncadd.s32 $0xFFFFF800  }
0xbf: {  	_ =	swait.ge [sflag:s5], $0x800  }
0xc0: {  	[sflag:s5] =	ssyncset.done $0x0  }
0xc1: {  	[sflag:s5] =	ssyncadd.s32 $0xFFFFF800  }
0xc2: {  	p0 =	sne.s32 s12, $0xC00;
	_ =	swait.ge [sflag:s3], $0x800  }
.Ltmp2:
0xc3: {  	[sflag:s3] =	ssyncset.done $0x0;
	(pc) =	sbr.rel @p0 .LBB2_6-.Ltmp2, $4  }
0xc4: {  	[sflag:s3] =	ssyncadd.s32 $0xFFFFF800  }
0xc5: {  	_ =	swait.ge [sflag:s10], $0x800  }
0xc6: {  	[sflag:s10] =	ssyncset.done $0x0  }
0xc7: {  	s12 =	sadd.s32 $0x80, s12;
	[sflag:s10] =	ssyncadd.s32 $0xFFFFF800  }
0xc8: {  	s12 =	stileid.u32  }
0xc9: {  	[bflag:$0x0] =	sbarrier.arrive $0xFFFF;
	s12 =	sshll.u32 s12, $0x6  }
0xca: {  	s13 =	sadd.s32 $0x0, s7;
	s14 =	sshrl.u32 s6, $0x3;
	s12 =	sor.u32 $0x1C11, s12  }
0xcb: {  	[hbm:s13@s23], [sflag:s12] =	dma.strided [spmem:s14@s21], $0xE0, s20, $0x2   }
0xcc: {  	s13 =	simm.s32 $0x1C0;
	s14 =	sadd.s32 $0x700, s6;
	_ =	swait.ge [sflag:s9], $0xE0  }
.LBB2_8:
0xcd: {  	s15 =	sadd.s32 s13, s7;
	[sflag:s9] =	ssyncset.done $0x0;
	p0 =	sne.s32 s13, $0x2F40  }
.Ltmp3:
0xce: {  	s16 =	sshrl.u32 s14, $0x3;
	[sflag:s9] =	ssyncadd.s32 $0xFFFFFF20;
	(pc) =	sbr.rel @p0 .LBB2_8-.Ltmp3, $3  }
0xcf: {  	[hbm:s15@s23], [sflag:s12] =	dma.strided [spmem:s16@s21], $0xE0, s20, $0x2   }
0xd0: {  	s13 =	sadd.s32 $0x1C0, s13;
	_ =	sdelay $0x1  }
0xd1: {  	s14 =	sadd.s32 $0x700, s14;
	_ =	swait.ge [sflag:s9], $0xE0  }
0xd2: {  	s13 =	rddreg [dreg:$0x15]  }
0xd3: {  	s12 =	rddreg [dreg:$0x14];
	s13 =	sadd.s32 $0x1, s13  }
0xd4: {  	p0 =	sne.s32 s13, s12  }
.Ltmp4:
0xd5: {  	_ = 	snop;
	(pc) =	sbr.rel @p0 .LBB2_1-.Ltmp4, $3  }
0xd6: {  	_ =	sdelay $0x1  }
0xd7: {  	[sflag:s9] =	ssyncset.done $0x0  }
0xd8: {  	s15 =	simm.s32 $0x0;
	s16 =	simm.s32 $0x800;
	[sflag:s9] =	ssyncadd.s32 $0xFFFFFF20  }
0xd9: {  	_ =	sfence.sel $0x180000  }
0xda: {  	[bflag:$0x0] =	sbarrier.arrive $0xFFFF  }
0xdb: {  	_ =	strace $0x9000004D  }
0xdc: {  	s0 =	stileid.u32;
	[bflag:$0x2] =	sbarrier.arrive $0xFFFF  }
0xdd: {  	p0 =	sne.s32 s0, $0x0;
	s0 =	rddreg [dreg:$0x2]  }
0xde: {  	s0 =	sadd.s32 @!p0 $0x100000, s0  }
0xdf: {  	[sflag:s0] =	ssyncadd.tile.s32 @!p0 $0x1;
	_ =	shalt  }
.Lfunc_end2:
_tile_overlayer_lowered:
.L_overlay_start_2:
0xe0: {  	(tag) =	ssettag $0x2  }
0xe1: {  	s0 =	rddreg [dreg:$0x0];
	s2 =	stileid.u32  }
0xe2: {  	s1 =	rddreg [dreg:$0x1];
	p0 =	sne.s32 s2, $0x0  }
0xe3: {  	s3 =	rddreg [dreg:$0x2];
	[bflag:$0x3] =	sbarrier.arrive $0xFFFF;
	s2 =	simm.s32 @!p0 $0x1C11  }
0xe4: {  	[timem:s3], [sflag:s2] =	dma.local @!p0 [hbm:s0], s1  }
0xe5: {  	s0 =	simm.s32 @!p0 $0x11  }
0xe6: {  	_ =	swait.ge @!p0 [sflag:s0], s1  }
0xe7: {  	s1 =	ssub.s32 @!p0 $0x0, s1;
	[sflag:s0] =	ssyncset.done @!p0 $0x0  }
0xe8: {  	[sflag:s0] =	ssyncadd.s32 @!p0 s1  }
0xe9: {  	[bflag:$0x3] =	sbarrier.arrive $0xFFFF  }
0xea: {  	_ =	shalt  }

// kernel: kernel.9.cloned.1.call-start
scs
__scs_entry_jumppad:
0x0: {  	(pc) =	sbr.rel $0x88, $3  }
0x1: {  	(tag) =	ssettag $0x0;
	lr =	simm.s32 $0x1  }
0x2: {  	[smem:$0x3F7D] =	sst lr;
	_ =	strace $0xD0000000  }
0x3: {  	_ = 	snop  }
0x4: {  	_ = 	snop  }
0x5: {  	_ = 	snop  }
0x6: {  	_ = 	snop  }
0x7: {  	_ = 	snop  }
__scs_overlays_trampoline_lowered:
0x8: {  	[smem:$0x3F8C] =	sst s0  }
0x9: {  	[smem:$0x3F8D] =	sst s1  }
0xa: {  	[smem:$0x3F8E] =	sst s2  }
0xb: {  	[smem:$0x3F8F] =	sst s3  }
0xc: {  	[smem:$0x3F90] =	sst s4  }
0xd: {  	[smem:$0x3F91] =	sst s5  }
0xe: {  	[smem:$0x3F92] =	sst s6  }
0xf: {  	[smem:$0x3F93] =	sst s7  }
0x10: {  	[smem:$0x3F94] =	sst s8  }
0x11: {  	[smem:$0x3F95] =	sst s9;
	s0 =	simm.s32 @!p0 $0x0  }
0x12: {  	s1 =	sld [smem:$0x3F7B];
	s0 =	simm.s32 @p0 $0x1  }
0x13: {  	[smem:$0x3F96] =	sst s0;
	s0 =	simm.s32 @!p1 $0x0  }
0x14: {  	s2 =	sld [smem:$0x3F7A];
	s0 =	simm.s32 @p1 $0x1  }
0x15: {  	[smem:$0x3F97] =	sst s0;
	s0 =	simm.s32 @!p2 $0x0  }
0x16: {  	s3 =	sld [smem:$0x3FDB];
	s0 =	simm.s32 @p2 $0x1  }
0x17: {  	s4 =	simm.s32 $0x1BF5;
	[smem:$0x3F99] =	sst s0  }
0x18: {  	s0 =	sld [smem:$0x3F7C];
	_ =	swait.ge [sflag:s4], $0x0  }
0x19: {  	s7 =	sld [smem:$0x3F7D]  }
0x1a: {  	s8 =	sadd.s32 $0xFFFFE003, lr  }
0x1b: {  	s9 =	sadd.s32 $0xFFFFFEF7, lr;
	s5 =	simm.s32 $0xFFFFFFFF;
	p2 =	slt.u32 s8, $0xFFFFF086  }
0x1c: {  	p1 =	slt.u32 s9, $0xF7A;
	s5 =	simm.s32 @!p2 $0x0  }
0x1d: {  	s5 =	simm.s32 @p1 $0x1;
	p0 =	seq.s32 s7, s2  }
0x1e: {  	s7 =	smul.u32 @!p0 $0xF7A, s2;
	p2 =	seq.s32 @!p0 s5, $0x0  }
0x1f: {  	s9 =	smul.u32 $0xF7A, s1;
	s8 =	simm.s32 @!p0 $0x1BF5;
	p2 =	por !p2, p0  }
0x20: {  	[sflag:s8] =	ssyncset.s32 @!p0 $0xFFFFF086;
	s6 =	sadd.s32 @!p0 s3, s7;
	s7 =	simm.s32 @!p0 $0x108  }
0x21: {  	s3 =	sadd.s32 s3, s9;
	s6 =	sadd.s32 @!p0 $0x88, s6;
	s7 =	simm.s32 @p2 $0x1082  }
0x22: {  	[simem:s7], [sflag:s8] =	dma.local @!p0 [hbm:s6], $0xF7A  }
0x23: {  	s9 =	sor.u32 $0xD0000000, s2;
	s6 =	simm.s32 $0x108;
	_ =	swait.ge @!p0 [sflag:s8], $0x0  }
0x24: {  	s3 =	sadd.s32 $0x88, s3;
	s6 =	simm.s32 @!p1 $0x1082;
	[sflag:s4] =	ssyncset.s32 $0xFFFFF086  }
0x25: {  	[simem:s6], [sflag:s4] =	dma.local [hbm:s3], $0xF7A  }
0x26: {  	[smem:$0x3F7D] =	sst s1;
	(tag) =	ssettag s2;
	_ =	strace s9  }
0x27: {  	s1 =	sld [smem:$0x3F8D]  }
0x28: {  	s2 =	sld [smem:$0x3F8E]  }
0x29: {  	s4 =	sld [smem:$0x3F90]  }
0x2a: {  	p0 =	seq.s32 s5, $0x0;
	s5 =	sld [smem:$0x3F91]  }
0x2b: {  	s6 =	sld [smem:$0x3F92]  }
0x2c: {  	s7 =	sld [smem:$0x3F93]  }
0x2d: {  	s3 =	simm.s32 $0x108;
	s8 =	sld [smem:$0x3F94]  }
0x2e: {  	s3 =	simm.s32 @!p0 $0x1082;
	s9 =	sld [smem:$0x3F95]  }
0x2f: {  	lr =	sadd.s32 s0, s3;
	s0 =	sld [smem:$0x3F8C]  }
0x30: {  	s3 =	sld [smem:$0x3F8F]  }
0x31: {  	[smem:$0x3F98] =	sst s10  }
0x32: {  	s10 =	sld [smem:$0x3F96];
	_ =	sdelay $0x3  }
0x33: {  	p0 =	seq.s32 s10, $0x1;
	s10 =	sld [smem:$0x3F98];
	_ =	sdelay $0x3  }
0x34: {  	[smem:$0x3F98] =	sst s10  }
0x35: {  	s10 =	sld [smem:$0x3F97];
	_ =	sdelay $0x3  }
0x36: {  	p1 =	seq.s32 s10, $0x1;
	s10 =	sld [smem:$0x3F98];
	_ =	sdelay $0x3  }
0x37: {  	[smem:$0x3F98] =	sst s10  }
0x38: {  	s10 =	sld [smem:$0x3F99]  }
0x39: {  	_ = 	snop;
	(pc) =	sbr.ind lr, $3  }
0x3a: {  	_ = 	snop  }
0x3b: {  	_ = 	snop  }
0x3c: {  	p2 =	seq.s32 s10, $0x1;
	s10 =	sld [smem:$0x3F98]  }
0x3d: {  	_ =	shalt  }
0x3e: {  	_ =	shalt  }
0x3f: {  	_ =	shalt  }
0x40: {  	_ =	shalt  }
0x41: {  	_ =	shalt  }
0x42: {  	_ =	shalt  }
0x43: {  	_ =	shalt  }
0x44: {  	_ =	shalt  }
0x45: {  	_ =	shalt  }
0x46: {  	_ =	shalt  }
0x47: {  	_ =	shalt  }
0x48: {  	_ =	shalt  }
0x49: {  	_ =	shalt  }
0x4a: {  	_ =	shalt  }
0x4b: {  	_ =	shalt  }
0x4c: {  	_ =	shalt  }
0x4d: {  	_ =	shalt  }
0x4e: {  	_ =	shalt  }
0x4f: {  	_ =	shalt  }
0x50: {  	_ =	shalt  }
0x51: {  	_ =	shalt  }
0x52: {  	_ =	shalt  }
0x53: {  	_ =	shalt  }
0x54: {  	_ =	shalt  }
0x55: {  	_ =	shalt  }
0x56: {  	_ =	shalt  }
0x57: {  	_ =	shalt  }
0x58: {  	_ =	shalt  }
0x59: {  	_ =	shalt  }
0x5a: {  	_ =	shalt  }
0x5b: {  	_ =	shalt  }
0x5c: {  	_ =	shalt  }
0x5d: {  	_ =	shalt  }
0x5e: {  	_ =	shalt  }
0x5f: {  	_ =	shalt  }
0x60: {  	_ =	shalt  }
0x61: {  	_ =	shalt  }
0x62: {  	_ =	shalt  }
0x63: {  	_ =	shalt  }
0x64: {  	_ =	shalt  }
0x65: {  	_ =	shalt  }
0x66: {  	_ =	shalt  }
0x67: {  	_ =	shalt  }
0x68: {  	_ =	shalt  }
0x69: {  	_ =	shalt  }
0x6a: {  	_ =	shalt  }
0x6b: {  	_ =	shalt  }
0x6c: {  	_ =	shalt  }
0x6d: {  	_ =	shalt  }
0x6e: {  	_ =	shalt  }
0x6f: {  	_ =	shalt  }
0x70: {  	_ =	shalt  }
0x71: {  	_ =	shalt  }
0x72: {  	_ =	shalt  }
0x73: {  	_ =	shalt  }
0x74: {  	_ =	shalt  }
0x75: {  	_ =	shalt  }
0x76: {  	_ =	shalt  }
0x77: {  	_ =	shalt  }
0x78: {  	_ =	shalt  }
0x79: {  	_ =	shalt  }
0x7a: {  	_ =	shalt  }
0x7b: {  	_ =	shalt  }
0x7c: {  	_ =	shalt  }
0x7d: {  	_ =	shalt  }
0x7e: {  	_ =	shalt  }
0x7f: {  	_ =	shalt  }
0x80: {  	_ =	shalt  }
0x81: {  	_ =	shalt  }
0x82: {  	_ =	shalt  }
0x83: {  	_ =	shalt  }
0x84: {  	_ =	shalt  }
0x85: {  	_ =	shalt  }
0x86: {  	_ =	shalt  }
0x87: {  	_ =	shalt  }
.Lfunc_end0:
.L_simem_size_0:
called_computation_lowered:
.L_overlay_start_0:
0x88: {  	s2 =	sld [smem:$0x3FD9]  }
0x89: {  	s3 =	sld [smem:$0x3FFE];
	_ =	sdelay $0x1  }
0x8a: {  	s1 =	srdreg.scid  }
0x8b: {  	s0 =	sand.u32 $0x1, s1  }
0x8c: {  	s16 =	sshll.u32 s0, $0xA;
	s2 =	sadd.s32 s3, s2  }
0x8d: {  	s2 =	sadd.s32 s2, s16  }
0x8e: {  	[smem:$0x3FA4] =	sst s2  }
0x8f: {  	_ = 	snop  }
0x90: {  	(tm) =	ssettm $0x1  }
0x91: {  	s17 =	sld [smem:$0x3FFB];
	_ =	sdelay $0x3  }
0x92: {  	_ =	strace s17  }
0x93: {  	s2 =	sld [smem:$0x3FFC];
	_ =	sdelay $0x3  }
0x94: {  	_ =	strace s2  }
0x95: {  	s2 =	sld [smem:$0x3FFD];
	_ =	sdelay $0x3  }
0x96: {  	_ =	strace s2  }
0x97: {  	_ =	strace $0x8FFFFFFF  }
0x98: {  	s18 =	sld [smem:$0x3FDB];
	_ =	sdelay $0x1  }
0x99: {  	s19 =	simm.s32 $_scs_section_size  }
0x9a: {  	s4 =	simm.s32 $_size__tile_overlayer_lowered;
	s5 =	simm.s32 $_tile_overlayer_lowered  }
0x9b: {  	s22 =	simm.s32 $0x1BFF;
	s21 =	sshll.u32 s5, $0x1;
	s2 =	sadd.s32 s19, s18  }
0x9c: {  	s6 =	simm.s32 $0x0;
	s20 =	sshll.u32 s4, $0x1;
	s4 =	sadd.s32 s21, s2  }
0x9d: {  	[timem:s6], [sflag:s22] =	dma.local [hbm:s4], s20  }
0x9e: {  	_ =	swait.ge [sflag:s22], s20  }
0x9f: {  	s3 =	ssub.s32 $0x0, s20;
	[sflag:s22] =	ssyncset.done $0x0  }
0xa0: {  	[sflag:s22] =	ssyncadd.s32 s3;
	_ =	sdelay $0x1  }
0xa1: {  	s23 =	simm.s32 $0x1B8B  }
0xa2: {  	_ =	swait.ge [sflag:s23], $0x1  }
0xa3: {  	[sflag:s23] =	ssyncset.done $0x0  }
0xa4: {  	s25 =	simm.s32 $0x1B8E;
	s24 =	sld [smem:$0x3FFE];
	[sflag:s23] =	ssyncadd.s32 $0xFFFFFFFF  }
0xa5: {  	s26 =	simm.s32 $execute0_lowered;
	[smem:$0x3FD2] =	sst s25  }
0xa6: {  	s4 =	sshll.u32 s26, $0x1;
	_ =	strace $0x80000046;
	[dreg:$0x1] =	wrdreg $0xFFFFFFFF  }
0xa7: {  	s28 =	simm.s32 $_size_execute0_lowered;
	s2 =	sadd.s32 s2, s4;
	[dreg:$0x0] =	wrdreg $0x0  }
0xa8: {  	s4 =	sshll.u32 s28, $0x1;
	[dreg:$0x2] =	wrdreg s2  }
0xa9: {  	[dreg:$0x3] =	wrdreg s4  }
0xaa: {  	[dreg:$0x4] =	wrdreg $0xC0  }
0xab: {  	_ =	task [dreg:s6], $0x5FFFF  }
0xac: {  	[dreg:$0x1] =	wrdreg $0xFFFFFFFF  }
0xad: {  	[dreg:$0x0] =	wrdreg $0x60  }
0xae: {  	[dreg:$0x2] =	wrdreg s24  }
0xaf: {  	[dreg:$0x3] =	wrdreg $0x66000  }
0xb0: {  	[dreg:$0x4] =	wrdreg $0x9  }
0xb1: {  	_ =	task.clear_ibuf [dreg:s6], $0x5FFFF;
	_ =	strace $0x90000046  }
0xb2: {  	s29 =	simm.s32 $0x9;
	_ =	strace $0x80000048  }
0xb3: {  	_ =	swait.ge [sflag:s29], $0x1  }
0xb4: {  	[sflag:s29] =	ssyncadd.s32 $0xFFFFFFFF  }
0xb5: {  	_ =	strace $0x90000048  }
0xb6: {  	_ =	sfence  }
0xb7: {  	s30 =	sld [smem:$0x0];
	_ =	sdelay $0x2  }
0xb8: {  	s31 =	sshll.u32 s1, $0xD;
	s1 =	sshrl.u32 s1, $0x2  }
0xb9: {  	s3 =	sand.u32 $0x4000, s31;
	s1 =	sadd.s32 s1, s30  }
0xba: {  	s0 =	sor.u32 s3, s0;
	s1 =	sshll.u32 s1, $0x11  }
0xbb: {  	s0 =	sor.u32 s1, s0  }
0xbc: {  	s0 =	sadd.s32 $0x8F2B, s0  }
0xbd: {  	[sflag:s0] =	ssyncadd.remote.s32 $0x1  }
0xbe: {  	_ =	sfence.sel $0xFFFF  }
0xbf: {  	[dreg:$0x0] =	wrdreg $0xFFFFFFFF;
	(pc) =	sbr.abs _section_cstart, $3  }
0xc0: {  	[dreg:$0x1] =	wrdreg $0xFFFFFFFF  }
0xc1: {  	_ =	task.clear_ibuf [dreg:s6], $0x2FFFF;
	_ =	strace $0x9FFFFFFF  }
0xc2: {  	(tm) =	ssettm $0x7FFFFFFF  }
0xc3: {  	_ =	shalt  }
tec
execute0_lowered:
.L_overlay_start_1:
0x0: {  	(tag) =	ssettag $0x1  }
0x1: {  	s0 =	rddreg [dreg:$0x0]  }
0x2: {  	s1 =	rddreg [dreg:$0x1]  }
0x3: {  	s15 =	simm.s32 $0x0;
	s2 =	srdreg.scid;
	s10 =	stileid.u32  }
0x4: {  	s11 =	simm.s32 $0x5800;
	s12 =	simm.s32 $0x9;
	s13 =	simm.s32 $0x1000  }
0x5: {  	s14 =	simm.s32 $0x80;
	s16 =	simm.s32 $0x1800;
	s18 =	simm.s32 $0x2800  }
0x6: {  	s20 =	simm.s32 $0x3800;
	s22 =	simm.s32 $0x4800;
	s23 =	simm.s32 $0x1  }
0x7: {  	s29 =	simm.s32 $0x6;
	s31 =	simm.s32 $0x3;
	s17 =	simm.s32 $0x8  }
0x8: {  	s28 =	simm.s32 $0x1700;
	s30 =	simm.s32 $0x1780;
	[smem:$0x7FF] =	sst s15  }
0x9: {  	s8 =	sand.u32 $0x1, s2;
	s24 =	smul.u32 $0x6200, s10;
	s5 =	sadd.s32 $0x129E00, s0  }
0xa: {  	s4 =	sadd.s32 $0xC8200, s0;
	s9 =	smul.u32 $0x62000, s10;
	s6 =	sadd.s32 $0x142E00, s0  }
0xb: {  	_ =	strace $0x80000047;
	s3 =	ssub.s32 $0x2, s8;
	s26 =	sshll.u32 s8, $0x2  }
0xc: {  	s7 =	sshrl.u32 s3, $0x1;
	s0 =	sadd.s32 s24, s0;
	s9 =	sshrl.u32 s9, $0x2  }
0xd: {  	s24 =	simm.s32 $0x5;
	s25 =	ssub.s32 s3, s7;
	s7 =	smul.u32 $0xC800, s10  }
0xe: {  	s9 =	sadd.s32 s9, s1;
	s0 =	sadd.s32 s26, s0;
	s26 =	simm.s32 $0x2  }
0xf: {  	s3 =	simm.s32 $0x4;
	s2 =	smax.u32 s25, $0x1;
	s10 =	sadd.s32 $0x15BE00, s0  }
0x10: {  	v1 =	vimm.f32 $0.0e+00;
	v0 =	vmov s8;
	s25 =	simm.s32 $0x1680;
	[dreg:$0x4] =	wrdreg s2;
	s2 =	simm.s32 $0x7  }
.LBB2_1:
0x11: {  	s0 =	simm.s32 $0x0  }
.LBB2_2:
0x12: {  	p0 =	sne.s32 s0, $0x3780  }
.Ltmp0:
0x13: {  	_ = 	snop;
	(pc) =	sbr.rel @p0 .LBB2_2-.Ltmp0, $4  }
0x14: {  	_ = 	snop  }
0x15: {  	s8 =	sshra.s32 s0, $0x2  }
0x16: {  	[tilespmem:s8+$0x5800] =	vst v1  }
0x17: {  	s0 =	sadd.s32 $0x80, s0;
	[tilespmem:s8+$0x5810] =	vst v1  }
0x18: {  	s0 =	sadd.s32 $0x0, s9  }
0x19: {  	[spmem:s0] =	stream.linear.scatter [tilespmem:s11], [sflag:$0x9], $0xE00, $0x38;
	[tilespmem:$0x1EE00] =	vst v63  }
0x1a: {  	s0 =	simm.s32 $0x3800;
	_ =	swait.ge [sflag:s12], $0xE00  }
.LBB2_4:
0x1b: {  	s8 =	sshra.s32 s0, $0x2;
	[sflag:s12] =	ssyncset.done $0x0;
	p0 =	sne.s32 s0, $0x5E800  }
.Ltmp1:
0x1c: {  	s8 =	sadd.s32 s8, s9;
	[sflag:s12] =	ssyncadd.s32 $0xFFFFF200;
	(pc) =	sbr.rel @p0 .LBB2_4-.Ltmp1, $3  }
0x1d: {  	[spmem:s8] =	stream.linear.scatter [tilespmem:s11], [sflag:$0x9], $0xE00, $0x38;
	[tilespmem:$0x1EE00] =	vst v63  }
0x1e: {  	s0 =	sadd.s32 $0x3800, s0;
	_ =	sdelay $0x1  }
0x1f: {  	_ =	swait.ge [sflag:s12], $0xE00  }
0x20: {  	[sflag:s12] =	ssyncset.done $0x0  }
0x21: {  	[dreg:$0x3] =	wrdreg s15;
	[sflag:s12] =	ssyncadd.s32 $0xFFFFF200  }
0x22: {  	s0 =	simm.s32 $0x0;
	s8 =	simm.s32 $0x0;
	[bflag:$0x0] =	sbarrier.arrive $0xFFFF  }
.LBB2_6:
0x23: {  	s15 =	sshll.u32 s8, $0xB  }
0x24: {  	s15 =	sadd.s32 s7, s15  }
0x25: {  	s15 =	sshrl.u32 s15, $0x3  }
0x26: {  	s19 =	sadd.s32 s5, s15  }
0x27: {  	[tilespmem:s0], [sflag:$0x9] =	stream.linear.gather [hbm4b:s19+s0], $0x800, $0x38;
	[tilespmem:$0x1EE00] =	vst v63  }
0x28: {  	_ =	swait.ge [sflag:s12], $0x800  }
0x29: {  	[sflag:s12] =	ssyncset.done $0x0  }
0x2a: {  	s15 =	sadd.s32 s6, s15;
	[sflag:s12] =	ssyncadd.s32 $0xFFFFF800  }
0x2b: {  	[tilespmem:s13], [sflag:$0x9] =	stream.linear.gather [hbm4b:s15+s0], $0x800, $0x38;
	[tilespmem:$0x1EE00] =	vst v63  }
0x2c: {  	_ =	swait.ge [sflag:s12], $0x800  }
0x2d: {  	[sflag:s12] =	ssyncset.done $0x0  }
0x2e: {  	s19 =	simm.s32 $0x0;
	[sflag:s12] =	ssyncadd.s32 $0xFFFFF800  }
0x2f: {  	v2 =	vld [tilespmem:s19+$0x70]  }
0x30: {  	v4 =	vld [tilespmem:s19+$0x0]  }
0x31: {  	v8 =	vld [tilespmem:s19+$0x10]  }
0x32: {  	v6 =	vld [tilespmem:s19+$0x20]  }
0x33: {  	v5 =	vld [tilespmem:s19+$0x30]  }
0x34: {  	v3 =	vld [tilespmem:s19+$0x40];
	v7 =	vshll.u32 v2, $0x1  }
0x35: {  	v2 =	vld [tilespmem:s19+$0x50];
	v9 =	vshll.u32 v4, $0x1;
	v10 =	vor.u32 v0, v7  }
0x36: {  	s21 =	simm.s32 $0x400;
	s15 =	simm.s32 $0x80;
	v4 =	vld [tilespmem:s19+$0x60];
	v8 =	vshll.u32 v8, $0x1;
	v7 =	vor.u32 v0, v9;
	[tilespmem:s19+$0x870] =	vst v10  }
.LBB2_7:
0x37: {  	p0 =	sne.s32 s21, $0x1E00;
	v9 =	vld [tilespmem:s15+$0x70];
	[tilespmem:s19+$0x800] =	vst v7;
	v7 =	vor.u32 v0, v8;
	v6 =	vshll.u32 v6, $0x1  }
0x38: {  	v8 =	vld [tilespmem:s15+$0x0];
	[tilespmem:s19+$0x810] =	vst v7;
	v6 =	vor.u32 v0, v6;
	v5 =	vshll.u32 v5, $0x1  }
0x39: {  	v10 =	vld [tilespmem:s15+$0x10];
	[tilespmem:s19+$0x820] =	vst v6;
	v5 =	vor.u32 v0, v5;
	v3 =	vshll.u32 v3, $0x1  }
.Ltmp2:
0x3a: {  	v6 =	vld [tilespmem:s15+$0x20];
	[tilespmem:s19+$0x830] =	vst v5;
	v3 =	vor.u32 v0, v3;
	v2 =	vshll.u32 v2, $0x1;
	(pc) =	sbr.rel @p0 .LBB2_7-.Ltmp2, $4  }
0x3b: {  	v5 =	vld [tilespmem:s15+$0x30];
	[tilespmem:s19+$0x840] =	vst v3;
	v2 =	vor.u32 v0, v2;
	v4 =	vshll.u32 v4, $0x1  }
0x3c: {  	v3 =	vld [tilespmem:s15+$0x40];
	v7 =	vshll.u32 v9, $0x1;
	[tilespmem:s19+$0x850] =	vst v2;
	v4 =	vor.u32 v0, v4  }
0x3d: {  	v8 =	vshll.u32 v8, $0x1;
	v2 =	vld [tilespmem:s15+$0x50];
	v9 =	vor.u32 v0, v7;
	[tilespmem:s19+$0x860] =	vst v4;
	s19 =	smov.u32 s15  }
0x3e: {  	s15 =	sshra.s32 s21, $0x2;
	s21 =	sadd.s32 $0x200, s21;
	v7 =	vor.u32 v0, v8;
	v8 =	vshll.u32 v10, $0x1;
	v4 =	vld [tilespmem:s19+$0x60];
	[tilespmem:s19+$0x870] =	vst v9  }
0x3f: {  	v9 =	vld [tilespmem:s15+$0x70];
	[tilespmem:s19+$0x800] =	vst v7;
	v60 =	vor.u32 v0, v8;
	v6 =	vshll.u32 v6, $0x1  }
0x40: {  	v61 =	vld [tilespmem:s15+$0x0];
	[tilespmem:s19+$0x810] =	vst v60;
	v6 =	vor.u32 v0, v6;
	v5 =	vshll.u32 v5, $0x1  }
0x41: {  	v7 =	vld [tilespmem:s15+$0x10];
	[tilespmem:s19+$0x820] =	vst v6;
	v5 =	vor.u32 v0, v5;
	v3 =	vshll.u32 v3, $0x1  }
0x42: {  	v6 =	vld [tilespmem:s15+$0x20];
	[tilespmem:s19+$0x830] =	vst v5;
	v3 =	vor.u32 v0, v3;
	v2 =	vshll.u32 v2, $0x1  }
0x43: {  	v5 =	vld [tilespmem:s15+$0x30];
	[tilespmem:s19+$0x840] =	vst v3;
	v2 =	vor.u32 v0, v2;
	v4 =	vshll.u32 v4, $0x1  }
0x44: {  	v3 =	vld [tilespmem:s15+$0x40];
	[tilespmem:s19+$0x850] =	vst v2;
	v2 =	vor.u32 v0, v4  }
0x45: {  	v62 =	vld [tilespmem:s15+$0x50];
	[tilespmem:s19+$0x860] =	vst v2;
	v2 =	vshll.u32 v9, $0x1  }
0x46: {  	v8 =	vshll.u32 v61, $0x1;
	v2 =	vor.u32 v0, v2  }
0x47: {  	v63 =	vld [tilespmem:s15+$0x60];
	v8 =	vor.u32 v0, v8;
	v7 =	vshll.u32 v7, $0x1;
	[tilespmem:s15+$0x870] =	vst v2  }
0x48: {  	[tilespmem:s15+$0x800] =	vst v8;
	v2 =	vor.u32 v0, v7;
	v6 =	vshll.u32 v6, $0x1  }
0x49: {  	[tilespmem:s15+$0x810] =	vst v2;
	v2 =	vor.u32 v0, v6;
	v5 =	vshll.u32 v5, $0x1  }
0x4a: {  	[tilespmem:s15+$0x820] =	vst v2;
	v2 =	vor.u32 v0, v5;
	v3 =	vshll.u32 v3, $0x1  }
0x4b: {  	[tilespmem:s15+$0x830] =	vst v2;
	v2 =	vor.u32 v0, v3;
	v3 =	vshll.u32 v62, $0x1  }
0x4c: {  	[tilespmem:s15+$0x840] =	vst v2;
	v2 =	vor.u32 v0, v3;
	v3 =	vshll.u32 v63, $0x1  }
0x4d: {  	[tilespmem:s15+$0x850] =	vst v2;
	v2 =	vor.u32 v0, v3  }
0x4e: {  	s19 =	simm.s32 $0x800;
	[tilespmem:s15+$0x860] =	vst v2  }
0x4f: {  	[tilespmem:s16], [sflag:$0x1] =	stream.indirect.gather [hbm4b:s4+s14], $0x20, s19, s14, $0xb8;
	[tilespmem:$0x1EE00] =	vst v63  }
0x50: {  	s21 =	simm.s32 $0x880  }
0x51: {  	[tilespmem:s18], [sflag:$0x2] =	stream.indirect.gather [hbm4b:s4+s14], $0x20, s21, s14, $0xb8;
	[tilespmem:$0x1EE00] =	vst v63  }
0x52: {  	s19 =	simm.s32 $0x900  }
0x53: {  	[tilespmem:s20], [sflag:$0x3] =	stream.indirect.gather [hbm4b:s4+s14], $0x20, s19, s14, $0xb8;
	[tilespmem:$0x1EE00] =	vst v63  }
0x54: {  	s21 =	simm.s32 $0x980  }
0x55: {  	[tilespmem:s22], [sflag:$0x4] =	stream.indirect.gather [hbm4b:s4+s14], $0x20, s21, s14, $0xb8;
	[tilespmem:$0x1EE00] =	vst v63  }
0x56: {  	_ =	swait.ge [sflag:s23], $0x1000  }
0x57: {  	[sflag:s23] =	ssyncset.done $0x0  }
0x58: {  	[sflag:s23] =	ssyncadd.s32 $0xFFFFF000  }
0x59: {  	[spmem:s1] =	stream.indirect.scatter.add.f32 [tilespmem:s16], [sflag:$0x5], $0x20, s13, s14, $0xb8;
	[tilespmem:$0x1EE00] =	vst v63  }
0x5a: {  	_ =	swait.ge [sflag:s24], $0x1000  }
0x5b: {  	[sflag:s24] =	ssyncset.done $0x0  }
0x5c: {  	s19 =	simm.s32 $0xA00;
	[sflag:s24] =	ssyncadd.s32 $0xFFFFF000  }
0x5d: {  	[tilespmem:s16], [sflag:$0x1] =	stream.indirect.gather [hbm4b:s4+s14], $0x20, s19, s14, $0xb8;
	[tilespmem:$0x1EE00] =	vst v63  }
0x5e: {  	_ =	swait.ge [sflag:s26], $0x1000  }
0x5f: {  	[sflag:s26] =	ssyncset.done $0x0  }
0x60: {  	s21 =	simm.s32 $0x1080;
	[sflag:s26] =	ssyncadd.s32 $0xFFFFF000  }
0x61: {  	[spmem:s1] =	stream.indirect.scatter.add.f32 [tilespmem:s18], [sflag:$0x6], $0x20, s21, s14, $0xb8;
	[tilespmem:$0x1EE00] =	vst v63  }
0x62: {  	_ =	swait.ge [sflag:s29], $0x1000  }
0x63: {  	[sflag:s29] =	ssyncset.done $0x0  }
0x64: {  	s19 =	simm.s32 $0xA80;
	[sflag:s29] =	ssyncadd.s32 $0xFFFFF000  }
0x65: {  	[tilespmem:s18], [sflag:$0x2] =	stream.indirect.gather [hbm4b:s4+s14], $0x20, s19, s14, $0xb8;
	[tilespmem:$0x1EE00] =	vst v63  }
0x66: {  	_ =	swait.ge [sflag:s31], $0x1000  }
0x67: {  	[sflag:s31] =	ssyncset.done $0x0  }
0x68: {  	s21 =	simm.s32 $0x1100;
	[sflag:s31] =	ssyncadd.s32 $0xFFFFF000  }
0x69: {  	[spmem:s1] =	stream.indirect.scatter.add.f32 [tilespmem:s20], [sflag:$0x7], $0x20, s21, s14, $0xb8;
	[tilespmem:$0x1EE00] =	vst v63  }
0x6a: {  	_ =	swait.ge [sflag:s2], $0x1000  }
0x6b: {  	[sflag:s2] =	ssyncset.done $0x0  }
0x6c: {  	s19 =	simm.s32 $0xB00;
	[sflag:s2] =	ssyncadd.s32 $0xFFFFF000  }
0x6d: {  	[tilespmem:s20], [sflag:$0x3] =	stream.indirect.gather [hbm4b:s4+s14], $0x20, s19, s14, $0xb8;
	[tilespmem:$0x1EE00] =	vst v63  }
0x6e: {  	_ =	swait.ge [sflag:s3], $0x1000  }
0x6f: {  	[sflag:s3] =	ssyncset.done $0x0  }
0x70: {  	s21 =	simm.s32 $0x1180;
	[sflag:s3] =	ssyncadd.s32 $0xFFFFF000  }
0x71: {  	[spmem:s1] =	stream.indirect.scatter.add.f32 [tilespmem:s22], [sflag:$0x8], $0x20, s21, s14, $0xb8;
	[tilespmem:$0x1EE00] =	vst v63  }
0x72: {  	_ =	swait.ge [sflag:s17], $0x1000  }
0x73: {  	[sflag:s17] =	ssyncset.done $0x0  }
0x74: {  	s19 =	simm.s32 $0xB80;
	[sflag:s17] =	ssyncadd.s32 $0xFFFFF000  }
0x75: {  	[tilespmem:s22], [sflag:$0x4] =	stream.indirect.gather [hbm4b:s4+s14], $0x20, s19, s14, $0xb8;
	[tilespmem:$0x1EE00] =	vst v63  }
0x76: {  	_ =	swait.ge [sflag:s23], $0x1000  }
0x77: {  	[sflag:s23] =	ssyncset.done $0x0  }
0x78: {  	s21 =	simm.s32 $0x1200;
	[sflag:s23] =	ssyncadd.s32 $0xFFFFF000  }
0x79: {  	[spmem:s1] =	stream.indirect.scatter.add.f32 [tilespmem:s16], [sflag:$0x5], $0x20, s21, s14, $0xb8;
	[tilespmem:$0x1EE00] =	vst v63  }
0x7a: {  	_ =	swait.ge [sflag:s24], $0x1000  }
0x7b: {  	[sflag:s24] =	ssyncset.done $0x0  }
0x7c: {  	s19 =	simm.s32 $0xC00;
	[sflag:s24] =	ssyncadd.s32 $0xFFFFF000  }
0x7d: {  	[tilespmem:s16], [sflag:$0x1] =	stream.indirect.gather [hbm4b:s4+s14], $0x20, s19, s14, $0xb8;
	[tilespmem:$0x1EE00] =	vst v63  }
0x7e: {  	_ =	swait.ge [sflag:s26], $0x1000  }
0x7f: {  	[sflag:s26] =	ssyncset.done $0x0  }
0x80: {  	s21 =	simm.s32 $0x1280;
	[sflag:s26] =	ssyncadd.s32 $0xFFFFF000  }
0x81: {  	[spmem:s1] =	stream.indirect.scatter.add.f32 [tilespmem:s18], [sflag:$0x6], $0x20, s21, s14, $0xb8;
	[tilespmem:$0x1EE00] =	vst v63  }
0x82: {  	_ =	swait.ge [sflag:s29], $0x1000  }
0x83: {  	[sflag:s29] =	ssyncset.done $0x0  }
0x84: {  	s19 =	simm.s32 $0xC80;
	[sflag:s29] =	ssyncadd.s32 $0xFFFFF000  }
0x85: {  	[tilespmem:s18], [sflag:$0x2] =	stream.indirect.gather [hbm4b:s4+s14], $0x20, s19, s14, $0xb8;
	[tilespmem:$0x1EE00] =	vst v63  }
0x86: {  	_ =	swait.ge [sflag:s31], $0x1000  }
0x87: {  	[sflag:s31] =	ssyncset.done $0x0  }
0x88: {  	s21 =	simm.s32 $0x1300;
	[sflag:s31] =	ssyncadd.s32 $0xFFFFF000  }
0x89: {  	[spmem:s1] =	stream.indirect.scatter.add.f32 [tilespmem:s20], [sflag:$0x7], $0x20, s21, s14, $0xb8;
	[tilespmem:$0x1EE00] =	vst v63  }
0x8a: {  	_ =	swait.ge [sflag:s2], $0x1000  }
0x8b: {  	[sflag:s2] =	ssyncset.done $0x0  }
0x8c: {  	s19 =	simm.s32 $0xD00;
	[sflag:s2] =	ssyncadd.s32 $0xFFFFF000  }
0x8d: {  	[tilespmem:s20], [sflag:$0x3] =	stream.indirect.gather [hbm4b:s4+s14], $0x20, s19, s14, $0xb8;
	[tilespmem:$0x1EE00] =	vst v63  }
0x8e: {  	_ =	swait.ge [sflag:s3], $0x1000  }
0x8f: {  	[sflag:s3] =	ssyncset.done $0x0  }
0x90: {  	s21 =	simm.s32 $0x1380;
	[sflag:s3] =	ssyncadd.s32 $0xFFFFF000  }
0x91: {  	[spmem:s1] =	stream.indirect.scatter.add.f32 [tilespmem:s22], [sflag:$0x8], $0x20, s21, s14, $0xb8;
	[tilespmem:$0x1EE00] =	vst v63  }
0x92: {  	_ =	swait.ge [sflag:s17], $0x1000  }
0x93: {  	[sflag:s17] =	ssyncset.done $0x0  }
0x94: {  	s19 =	simm.s32 $0xD80;
	[sflag:s17] =	ssyncadd.s32 $0xFFFFF000  }
0x95: {  	[tilespmem:s22], [sflag:$0x4] =	stream.indirect.gather [hbm4b:s4+s14], $0x20, s19, s14, $0xb8;
	[tilespmem:$0x1EE00] =	vst v63  }
0x96: {  	_ =	swait.ge [sflag:s23], $0x1000  }
0x97: {  	[sflag:s23] =	ssyncset.done $0x0  }
0x98: {  	s21 =	simm.s32 $0x1400;
	[sflag:s23] =	ssyncadd.s32 $0xFFFFF000  }
0x99: {  	[spmem:s1] =	stream.indirect.scatter.add.f32 [tilespmem:s16], [sflag:$0x5], $0x20, s21, s14, $0xb8;
	[tilespmem:$0x1EE00] =	vst v63  }
0x9a: {  	_ =	swait.ge [sflag:s24], $0x1000  }
0x9b: {  	[sflag:s24] =	ssyncset.done $0x0  }
0x9c: {  	s19 =	simm.s32 $0xE00;
	[sflag:s24] =	ssyncadd.s32 $0xFFFFF000  }
0x9d: {  	[tilespmem:s16], [sflag:$0x1] =	stream.indirect.gather [hbm4b:s4+s14], $0x20, s19, s14, $0xb8;
	[tilespmem:$0x1EE00] =	vst v63  }
0x9e: {  	_ =	swait.ge [sflag:s26], $0x1000  }
0x9f: {  	[sflag:s26] =	ssyncset.done $0x0  }
0xa0: {  	s21 =	simm.s32 $0x1480;
	[sflag:s26] =	ssyncadd.s32 $0xFFFFF000  }
0xa1: {  	[spmem:s1] =	stream.indirect.scatter.add.f32 [tilespmem:s18], [sflag:$0x6], $0x20, s21, s14, $0xb8;
	[tilespmem:$0x1EE00] =	vst v63  }
0xa2: {  	_ =	swait.ge [sflag:s29], $0x1000  }
0xa3: {  	[sflag:s29] =	ssyncset.done $0x0  }
0xa4: {  	s19 =	simm.s32 $0xE80;
	[sflag:s29] =	ssyncadd.s32 $0xFFFFF000  }
0xa5: {  	[tilespmem:s18], [sflag:$0x2] =	stream.indirect.gather [hbm4b:s4+s14], $0x20, s19, s14, $0xb8;
	[tilespmem:$0x1EE00] =	vst v63  }
0xa6: {  	_ =	swait.ge [sflag:s31], $0x1000  }
0xa7: {  	[sflag:s31] =	ssyncset.done $0x0  }
0xa8: {  	s21 =	simm.s32 $0x1500;
	[sflag:s31] =	ssyncadd.s32 $0xFFFFF000  }
0xa9: {  	[spmem:s1] =	stream.indirect.scatter.add.f32 [tilespmem:s20], [sflag:$0x7], $0x20, s21, s14, $0xb8;
	[tilespmem:$0x1EE00] =	vst v63  }
0xaa: {  	_ =	swait.ge [sflag:s2], $0x1000  }
0xab: {  	[sflag:s2] =	ssyncset.done $0x0  }
0xac: {  	s19 =	simm.s32 $0xF00;
	[sflag:s2] =	ssyncadd.s32 $0xFFFFF000  }
0xad: {  	[tilespmem:s20], [sflag:$0x3] =	stream.indirect.gather [hbm4b:s4+s14], $0x20, s19, s14, $0xb8;
	[tilespmem:$0x1EE00] =	vst v63  }
0xae: {  	_ =	swait.ge [sflag:s3], $0x1000  }
0xaf: {  	[sflag:s3] =	ssyncset.done $0x0  }
0xb0: {  	s21 =	simm.s32 $0x1580;
	[sflag:s3] =	ssyncadd.s32 $0xFFFFF000  }
0xb1: {  	[spmem:s1] =	stream.indirect.scatter.add.f32 [tilespmem:s22], [sflag:$0x8], $0x20, s21, s14, $0xb8;
	[tilespmem:$0x1EE00] =	vst v63  }
0xb2: {  	_ =	swait.ge [sflag:s17], $0x1000  }
0xb3: {  	[sflag:s17] =	ssyncset.done $0x0  }
0xb4: {  	s19 =	simm.s32 $0xF80;
	[sflag:s17] =	ssyncadd.s32 $0xFFFFF000  }
0xb5: {  	[tilespmem:s22], [sflag:$0x4] =	stream.indirect.gather [hbm4b:s4+s14], $0x20, s19, s14, $0xb8;
	[tilespmem:$0x1EE00] =	vst v63  }
0xb6: {  	_ =	swait.ge [sflag:s23], $0x1000  }
0xb7: {  	[sflag:s23] =	ssyncset.done $0x0  }
0xb8: {  	s21 =	simm.s32 $0x1600;
	[sflag:s23] =	ssyncadd.s32 $0xFFFFF000  }
0xb9: {  	[spmem:s1] =	stream.indirect.scatter.add.f32 [tilespmem:s16], [sflag:$0x5], $0x20, s21, s14, $0xb8;
	[tilespmem:$0x1EE00] =	vst v63  }
0xba: {  	_ =	swait.ge [sflag:s26], $0x1000  }
0xbb: {  	[sflag:s26] =	ssyncset.done $0x0  }
0xbc: {  	[sflag:s26] =	ssyncadd.s32 $0xFFFFF000  }
0xbd: {  	[spmem:s1] =	stream.indirect.scatter.add.f32 [tilespmem:s18], [sflag:$0x6], $0x20, s25, s14, $0xb8;
	[tilespmem:$0x1EE00] =	vst v63  }
0xbe: {  	_ =	swait.ge [sflag:s31], $0x1000  }
0xbf: {  	[sflag:s31] =	ssyncset.done $0x0  }
0xc0: {  	[sflag:s31] =	ssyncadd.s32 $0xFFFFF000  }
0xc1: {  	[spmem:s1] =	stream.indirect.scatter.add.f32 [tilespmem:s20], [sflag:$0x7], $0x20, s28, s14, $0xb8;
	[tilespmem:$0x1EE00] =	vst v63  }
0xc2: {  	_ =	swait.ge [sflag:s3], $0x1000  }
0xc3: {  	[sflag:s3] =	ssyncset.done $0x0  }
0xc4: {  	[sflag:s3] =	ssyncadd.s32 $0xFFFFF000  }
0xc5: {  	[spmem:s1] =	stream.indirect.scatter.add.f32 [tilespmem:s22], [sflag:$0x8], $0x20, s30, s14, $0xb8;
	[tilespmem:$0x1EE00] =	vst v63  }
0xc6: {  	_ =	swait.ge [sflag:s24], $0x1000  }
0xc7: {  	[sflag:s24] =	ssyncset.done $0x0  }
0xc8: {  	[sflag:s24] =	ssyncadd.s32 $0xFFFFF000  }
0xc9: {  	_ =	swait.ge [sflag:s29], $0x1000  }
0xca: {  	[sflag:s29] =	ssyncset.done $0x0  }
0xcb: {  	s8 =	sadd.s32 $0x1, s8;
	[sflag:s29] =	ssyncadd.s32 $0xFFFFF000  }
0xcc: {  	p0 =	sne.s32 s8, $0x19;
	_ =	swait.ge [sflag:s2], $0x1000  }
.Ltmp3:
0xcd: {  	[sflag:s2] =	ssyncset.done $0x0;
	(pc) =	sbr.rel @p0 .LBB2_6-.Ltmp3, $4  }
0xce: {  	[sflag:s2] =	ssyncadd.s32 $0xFFFFF000  }
0xcf: {  	_ =	swait.ge [sflag:s17], $0x1000  }
0xd0: {  	[sflag:s17] =	ssyncset.done $0x0  }
0xd1: {  	[sflag:s17] =	ssyncadd.s32 $0xFFFFF000  }
0xd2: {  	s0 =	stileid.u32  }
0xd3: {  	[bflag:$0x0] =	sbarrier.arrive $0xFFFF;
	s0 =	sshll.u32 s0, $0x6  }
0xd4: {  	s8 =	sadd.s32 $0x0, s10;
	s15 =	sshrl.u32 s9, $0x3;
	s0 =	sor.u32 $0x1C09, s0  }
0xd5: {  	[hbm:s8@s17], [sflag:s0] =	dma.strided [spmem:s15@s3], $0x1C0, s23, $0x4   }
0xd6: {  	s8 =	simm.s32 $0x380;
	s15 =	sadd.s32 $0xE00, s9;
	_ =	swait.ge [sflag:s12], $0x1C0  }
.LBB2_10:
0xd7: {  	s19 =	sadd.s32 s8, s10;
	[sflag:s12] =	ssyncset.done $0x0;
	p0 =	sne.s32 s8, $0x5E80  }
.Ltmp4:
0xd8: {  	s21 =	sshrl.u32 s15, $0x3;
	[sflag:s12] =	ssyncadd.s32 $0xFFFFFE40;
	(pc) =	sbr.rel @p0 .LBB2_10-.Ltmp4, $3  }
0xd9: {  	[hbm:s19@s17], [sflag:s0] =	dma.strided [spmem:s21@s3], $0x1C0, s23, $0x4   }
0xda: {  	s8 =	sadd.s32 $0x380, s8;
	_ =	sdelay $0x1  }
0xdb: {  	s15 =	sadd.s32 $0xE00, s15;
	_ =	swait.ge [sflag:s12], $0x1C0  }
0xdc: {  	s15 =	rddreg [dreg:$0x3]  }
0xdd: {  	s0 =	rddreg [dreg:$0x4];
	s15 =	sadd.s32 $0x1, s15  }
0xde: {  	p0 =	sne.s32 s15, s0  }
.Ltmp5:
0xdf: {  	_ = 	snop;
	(pc) =	sbr.rel @p0 .LBB2_1-.Ltmp5, $3  }
0xe0: {  	_ =	sdelay $0x1  }
0xe1: {  	[sflag:s12] =	ssyncset.done $0x0  }
0xe2: {  	[sflag:s12] =	ssyncadd.s32 $0xFFFFFE40  }
0xe3: {  	_ =	sfence.sel $0x180000  }
0xe4: {  	[bflag:$0x0] =	sbarrier.arrive $0xFFFF  }
0xe5: {  	_ =	strace $0x90000047  }
0xe6: {  	s0 =	stileid.u32;
	[bflag:$0x2] =	sbarrier.arrive $0xFFFF  }
0xe7: {  	p0 =	sne.s32 s0, $0x0;
	s0 =	rddreg [dreg:$0x2]  }
0xe8: {  	s0 =	sadd.s32 @!p0 $0x100000, s0  }
0xe9: {  	[sflag:s0] =	ssyncadd.tile.s32 @!p0 $0x1;
	_ =	shalt  }
.Lfunc_end2:
_tile_overlayer_lowered:
.L_overlay_start_2:
0xea: {  	(tag) =	ssettag $0x2  }
0xeb: {  	s0 =	rddreg [dreg:$0x0];
	s2 =	stileid.u32  }
0xec: {  	s1 =	rddreg [dreg:$0x1];
	p0 =	sne.s32 s2, $0x0  }
0xed: {  	s3 =	rddreg [dreg:$0x2];
	[bflag:$0x3] =	sbarrier.arrive $0xFFFF;
	s2 =	simm.s32 @!p0 $0x1C09  }
0xee: {  	[timem:s3], [sflag:s2] =	dma.local @!p0 [hbm:s0], s1  }
0xef: {  	s0 =	simm.s32 @!p0 $0x9  }
0xf0: {  	_ =	swait.ge @!p0 [sflag:s0], s1  }
0xf1: {  	s1 =	ssub.s32 @!p0 $0x0, s1;
	[sflag:s0] =	ssyncset.done @!p0 $0x0  }
0xf2: {  	[sflag:s0] =	ssyncadd.s32 @!p0 s1  }
0xf3: {  	[bflag:$0x3] =	sbarrier.arrive $0xFFFF  }
0xf4: {  	_ =	shalt  }

</sc_bundles>
